<compile_context>
chip_gen: v7x
topology: tpu7x:2x2x1
jax: 0.10.2.dev20260603
libtpu: 0.0.44.dev20260713+nightly
codegen_flags: <defaults>
</compile_context>

<pallas_src>
import functools

import jax
import jax.numpy as jnp
from jax import lax
from jax.experimental import pallas as pl
from jax.experimental.pallas import tpu as pltpu
from jax.experimental.pallas import tpu_sc as plsc

B, C, H, W = 2, 96, 512, 512
HW = H * W
NC, NS, L = 2, 16, 16
SLICE = HW // NS
WIN = 1024
NWIN = SLICE // WIN
G = 4
NGRP = C // G
ZCHUNK = 2048
ROWS_PER_BLK = 64


def _precompute_body(flow_ref, metric_ref, idx_ref, w_ref):
    r = pl.program_id(1) * ROWS_PER_BLK
    u = flow_ref[0, 0]
    v = flow_ref[0, 1]
    e = jnp.exp(metric_ref[0, 0])
    xi = lax.broadcasted_iota(jnp.int32, (ROWS_PER_BLK, W), 1)
    yi = lax.broadcasted_iota(jnp.int32, (ROWS_PER_BLK, W), 0) + r
    x = xi.astype(jnp.float32)
    y = yi.astype(jnp.float32)
    flt_x = x + u
    flt_y = y + v
    ix0f = jnp.floor(flt_x)
    iy0f = jnp.floor(flt_y)
    fx = flt_x - ix0f
    fy = flt_y - iy0f
    ix0 = ix0f.astype(jnp.int32)
    iy0 = iy0f.astype(jnp.int32)
    p_self = yi * W + xi
    for k, (ix, iy, wk) in enumerate((
            (ix0, iy0, (1.0 - fx) * (1.0 - fy)),
            (ix0 + 1, iy0, fx * (1.0 - fy)),
            (ix0, iy0 + 1, (1.0 - fx) * fy),
            (ix0 + 1, iy0 + 1, fx * fy),
    )):
        valid = (ix >= 0) & (ix < W) & (iy >= 0) & (iy < H)
        idx_ref[0, k] = jnp.where(valid, iy * W + ix, p_self)
        w_ref[0, k] = jnp.where(valid, wk * e, 0.0)


def _precompute(tenFlow, tenMetric):
    grid = (B, H // ROWS_PER_BLK)
    return pl.pallas_call(
        _precompute_body,
        grid=grid,
        in_specs=[
            pl.BlockSpec((1, 2, ROWS_PER_BLK, W), lambda b, i: (b, 0, i, 0)),
            pl.BlockSpec((1, 1, ROWS_PER_BLK, W), lambda b, i: (b, 0, i, 0)),
        ],
        out_specs=[
            pl.BlockSpec((1, 4, ROWS_PER_BLK, W), lambda b, i: (b, 0, i, 0)),
            pl.BlockSpec((1, 4, ROWS_PER_BLK, W), lambda b, i: (b, 0, i, 0)),
        ],
        out_shape=[
            jax.ShapeDtypeStruct((B, 4, H, W), jnp.int32),
            jax.ShapeDtypeStruct((B, 4, H, W), jnp.float32),
        ],
    )(tenFlow, tenMetric)


_SC_SCRATCH = dict(
    zbuf=pltpu.VMEM((ZCHUNK,), jnp.float32),
    fbuf=pltpu.VMEM((WIN,), jnp.float32),
    rnorm_v=pltpu.VMEM((SLICE,), jnp.float32),
    sem_inA=pltpu.SemaphoreType.DMA,
    sem_inB=pltpu.SemaphoreType.DMA,
    sem_sc=pltpu.SemaphoreType.DMA,
    sem_z=pltpu.SemaphoreType.DMA,
    sem_out=pltpu.SemaphoreType.DMA,
)
for _p in ("A", "B"):
    _SC_SCRATCH[f"val{_p}"] = pltpu.VMEM((G * WIN,), jnp.float32)
    _SC_SCRATCH.update({f"idx{k}{_p}": pltpu.VMEM((WIN,), jnp.int32)
                        for k in range(4)})
    _SC_SCRATCH.update({f"wgt{k}{_p}": pltpu.VMEM((WIN,), jnp.float32)
                        for k in range(4)})
_SC_SCRATCH.update({f"upd{k}_{c}": pltpu.VMEM((WIN,), jnp.float32)
                    for k in range(4) for c in range(G)})
_SC_SCRATCH.update({f"plane{g}": pltpu.VMEM_SHARED((HW,), jnp.float32)
                    for g in range(G)})
_SC_SCRATCH.update({f"obuf{c}": pltpu.VMEM((WIN,), jnp.float32)
                    for c in range(G)})


@functools.partial(
    pl.kernel,
    out_type=jax.ShapeDtypeStruct((B, C, HW), jnp.float32),
    mesh=plsc.VectorSubcoreMesh(core_axis_name="c", subcore_axis_name="s",
                                num_cores=NC, num_subcores=NS),
    scratch_types=_SC_SCRATCH,
)
def _splat(in_hbm, idx_hbm, w_hbm, out_hbm, zbuf, fbuf, rnorm_v,
           sem_inA, sem_inB, sem_sc, sem_z, sem_out, **refs):
    sets = {}
    for p, sem in (("A", sem_inA), ("B", sem_inB)):
        sets[p] = (tuple(refs[f"idx{k}{p}"] for k in range(4)),
                   tuple(refs[f"wgt{k}{p}"] for k in range(4)),
                   refs[f"val{p}"], sem)
    upds = tuple(tuple(refs[f"upd{k}_{c}"] for c in range(G)) for k in range(4))
    planes = tuple(refs[f"plane{g}"] for g in range(G))
    obufs = tuple(refs[f"obuf{c}"] for c in range(G))
    cid = lax.axis_index("c")
    sid = lax.axis_index("s")

    def zfill(i):
        zbuf[pl.ds(i * L, L)] = jnp.zeros((L,), jnp.float32)
    pl.loop(0, ZCHUNK // L)(zfill)

    def zero_planes(ps):
        def zf(j):
            for p in ps:
                pltpu.async_copy(
                    zbuf, p.at[pl.ds(sid * SLICE + j * ZCHUNK, ZCHUNK)], sem_z)
        pl.loop(0, SLICE // ZCHUNK)(zf)

        def zw(j):
            for p in ps:
                pltpu.make_async_copy(
                    zbuf, p.at[pl.ds(sid * SLICE + j * ZCHUNK, ZCHUNK)],
                    sem_z).wait()
        pl.loop(0, SLICE // ZCHUNK)(zw)

    def stage_fire(w, nval, g, p):
        idxs, wgts, val_v, sem = sets[p]
        base = sid * SLICE + w * WIN
        for k in range(4):
            pltpu.async_copy(idx_hbm.at[cid, k, pl.ds(base, WIN)], idxs[k],
                             sem)
            pltpu.async_copy(w_hbm.at[cid, k, pl.ds(base, WIN)], wgts[k],
                             sem)
        for c in range(nval):
            pltpu.async_copy(in_hbm.at[cid, g * G + c, pl.ds(base, WIN)],
                             val_v.at[pl.ds(c * WIN, WIN)], sem)

    def stage_wait(w, nval, g, p):
        idxs, wgts, val_v, sem = sets[p]
        base = sid * SLICE + w * WIN
        for k in range(4):
            pltpu.make_async_copy(idx_hbm.at[cid, k, pl.ds(base, WIN)],
                                  idxs[k], sem).wait()
            pltpu.make_async_copy(w_hbm.at[cid, k, pl.ds(base, WIN)],
                                  wgts[k], sem).wait()
        for c in range(nval):
            pltpu.make_async_copy(in_hbm.at[cid, g * G + c, pl.ds(base, WIN)],
                                  val_v.at[pl.ds(c * WIN, WIN)], sem).wait()

    def paired_windows(nval, g, process):
        stage_fire(0, nval, g, "A")

        def pair(q):
            wa = 2 * q
            wb = 2 * q + 1
            wnext = jnp.minimum(wb + 1, NWIN - 1)
            stage_fire(wb, nval, g, "B")
            stage_wait(wa, nval, g, "A")
            process("A")
            stage_fire(wnext, nval, g, "A")
            stage_wait(wb, nval, g, "B")
            process("B")
        pl.loop(0, NWIN // 2)(pair)
        stage_wait(NWIN - 1, nval, g, "A")

    zero_planes(planes[:1])
    plsc.subcore_barrier()

    def nproc(p):
        idxs, wgts, _, _ = sets[p]
        for k in range(4):
            pltpu.async_copy(wgts[k], planes[0].at[idxs[k]], sem_sc, add=True)
        for k in range(4):
            pltpu.make_async_copy(wgts[k], planes[0].at[idxs[k]],
                                  sem_sc).wait()
    paired_windows(0, 0, nproc)
    plsc.subcore_barrier()

    def rext(j):
        base = sid * SLICE + j * WIN
        pltpu.sync_copy(planes[0].at[pl.ds(base, WIN)], fbuf)

        @plsc.parallel_loop(0, WIN // L, unroll=4)
        def rb(i):
            v16 = fbuf[pl.ds(i * L, L)]
            rnorm_v[pl.ds(j * WIN + i * L, L)] = 1.0 / jnp.where(
                v16 == 0.0, 1.0, v16)
    pl.loop(0, NWIN)(rext)

    def group(g):
        zero_planes(planes)
        plsc.subcore_barrier()

        def gproc(p):
            idxs, wgts, val_v, _ = sets[p]
            for ks in ((0, 1), (2, 3)):
                @plsc.parallel_loop(0, WIN // L, unroll=4)
                def build(i, ks=ks):
                    s = pl.ds(i * L, L)
                    for k in ks:
                        w16 = wgts[k][s]
                        for c in range(G):
                            upds[k][c][s] = w16 * val_v[
                                pl.ds(c * WIN + i * L, L)]
                for k in ks:
                    for c in range(G):
                        pltpu.async_copy(upds[k][c], planes[c].at[idxs[k]],
                                         sem_sc, add=True)
            for k in range(4):
                for c in range(G):
                    pltpu.make_async_copy(upds[k][c], planes[c].at[idxs[k]],
                                          sem_sc).wait()
        paired_windows(G, g, gproc)
        plsc.subcore_barrier()

        def flush(j):
            base = sid * SLICE + j * WIN
            for c in range(G):
                pltpu.async_copy(planes[c].at[pl.ds(base, WIN)], obufs[c],
                                 sem_z)
            for c in range(G):
                pltpu.make_async_copy(planes[c].at[pl.ds(base, WIN)],
                                      obufs[c], sem_z).wait()

            @plsc.parallel_loop(0, WIN // L, unroll=4)
            def fb(i):
                s = pl.ds(i * L, L)
                r16 = rnorm_v[pl.ds(j * WIN + i * L, L)]
                for c in range(G):
                    obufs[c][s] = obufs[c][s] * r16
            for c in range(G):
                pltpu.async_copy(obufs[c], out_hbm.at[cid, g * G + c,
                                                      pl.ds(base, WIN)],
                                 sem_out)
            for c in range(G):
                pltpu.make_async_copy(obufs[c],
                                      out_hbm.at[cid, g * G + c,
                                                 pl.ds(base, WIN)],
                                      sem_out).wait()
        pl.loop(0, NWIN)(flush)
    pl.loop(0, NGRP)(group)


def kernel(tenInput, tenFlow, tenMetric):
    idx4, w4 = _precompute(tenFlow, tenMetric)
    out = _splat(tenInput.reshape(B, C, HW),
                 idx4.reshape(B, 4, HW),
                 w4.reshape(B, 4, HW))
    return out.reshape(B, C, H, W)

# --- scband reference (transcript-rebuilt; emitter-appended) ---
"""Pipeline reference for scband-module-softsplat-45071386804302 (READ-ONLY COPY).

The authoritative reference and input builder live on the scoring server;
editing this copy changes nothing except your own understanding.
"""

import jax, jax.numpy as jnp
import numpy as np

def _softsplat(tenIn, tenFlow):
    B, C, H, W = tenIn.shape
    gx = jnp.arange(W, dtype=jnp.float32)
    gy = jnp.arange(H, dtype=jnp.float32)
    fltX = gx[None, None, :] + tenFlow[:, 0]
    fltY = gy[None, :, None] + tenFlow[:, 1]
    ix0 = jnp.floor(fltX).astype(jnp.int32)
    iy0 = jnp.floor(fltY).astype(jnp.int32)
    ix1 = ix0 + 1
    iy1 = iy0 + 1
    wNW = (ix1.astype(jnp.float32) - fltX) * (iy1.astype(jnp.float32) - fltY)
    wNE = (fltX - ix0.astype(jnp.float32)) * (iy1.astype(jnp.float32) - fltY)
    wSW = (ix1.astype(jnp.float32) - fltX) * (fltY - iy0.astype(jnp.float32))
    wSE = (fltX - ix0.astype(jnp.float32)) * (fltY - iy0.astype(jnp.float32))
    HW = H * W
    vals = tenIn.reshape(B, C, HW).transpose(0, 2, 1)
    b_idx = jnp.broadcast_to(jnp.arange(B)[:, None], (B, HW))
    out = jnp.zeros((B, HW, C), dtype=tenIn.dtype)
    for ix, iy, w in ((ix0, iy0, wNW), (ix1, iy0, wNE), (ix0, iy1, wSW), (ix1, iy1, wSE)):
        valid = (ix >= 0) & (ix < W) & (iy >= 0) & (iy < H)
        idx = jnp.where(valid, iy * W + ix, 0).reshape(B, HW)
        ww = jnp.where(valid, w, 0.0).reshape(B, HW)
        out = out.at[b_idx, idx].add(vals * ww[:, :, None])
    return out.transpose(0, 2, 1).reshape(B, C, H, W)

def setup_inputs(seed: int = 0):
    key = jax.random.key(seed)
    k1, k2, k3 = jax.random.split(key, 3)
    B, C, H, W = 2, 96, 512, 512
    tenInput = jax.random.normal(k1, (B, C, H, W), dtype=jnp.float32)
    tenFlow = jax.random.normal(k2, (B, 2, H, W), dtype=jnp.float32)
    tenMetric = jax.random.normal(k3, (B, 1, H, W), dtype=jnp.float32)
    return {"tenInput": tenInput, "tenFlow": tenFlow, "tenMetric": tenMetric}

def reference(tenInput, tenFlow, tenMetric):
    # softmax splatting: weight input by exp(metric), forward-warp via bilinear
    # scatter-add, then normalize by the splatted weight channel.
    tenExp = jnp.exp(tenMetric)
    tenIn = jnp.concatenate([tenInput * tenExp, tenExp], axis=1)
    tenOut = _softsplat(tenIn, tenFlow)
    tenNorm = tenOut[:, -1:, :, :]
    tenNorm = jnp.where(tenNorm == 0.0, 1.0, tenNorm)
    return tenOut[:, :-1, :, :] / tenNorm

if __name__ == "__main__":
    import jax
    _d = setup_inputs()
    print(jax.jit(kernel)(*tuple(_d.values())))

</pallas_src>

<mosaic_0001>
#map = affine_map<(d0, d1) -> (0, 0, 0)>
module attributes {stable_mosaic.version = 14 : i64} {
  func.func @_splat(%arg0: i32, %arg1: i32, %arg2: memref<2x96x262144xf32, #tpu.memory_space<hbm>>, %arg3: memref<2x4x262144xi32, #tpu.memory_space<hbm>>, %arg4: memref<2x4x262144xf32, #tpu.memory_space<hbm>>, %arg5: memref<2x96x262144xf32, #tpu.memory_space<hbm>>, %arg6: memref<1024xf32, #tpu.memory_space<vmem>>, %arg7: memref<1024xi32, #tpu.memory_space<vmem>>, %arg8: memref<1024xi32, #tpu.memory_space<vmem>>, %arg9: memref<1024xi32, #tpu.memory_space<vmem>>, %arg10: memref<1024xi32, #tpu.memory_space<vmem>>, %arg11: memref<1024xi32, #tpu.memory_space<vmem>>, %arg12: memref<1024xi32, #tpu.memory_space<vmem>>, %arg13: memref<1024xi32, #tpu.memory_space<vmem>>, %arg14: memref<1024xi32, #tpu.memory_space<vmem>>, %arg15: memref<1024xf32, #tpu.memory_space<vmem>>, %arg16: memref<1024xf32, #tpu.memory_space<vmem>>, %arg17: memref<1024xf32, #tpu.memory_space<vmem>>, %arg18: memref<1024xf32, #tpu.memory_space<vmem>>, %arg19: memref<262144xf32, #tpu.memory_space<vmem_shared>>, %arg20: memref<262144xf32, #tpu.memory_space<vmem_shared>>, %arg21: memref<262144xf32, #tpu.memory_space<vmem_shared>>, %arg22: memref<262144xf32, #tpu.memory_space<vmem_shared>>, %arg23: memref<16384xf32, #tpu.memory_space<vmem>>, %arg24: memref<!tpu.dma_semaphore, #tpu.memory_space<semaphore_mem>>, %arg25: memref<!tpu.dma_semaphore, #tpu.memory_space<semaphore_mem>>, %arg26: memref<!tpu.dma_semaphore, #tpu.memory_space<semaphore_mem>>, %arg27: memref<!tpu.dma_semaphore, #tpu.memory_space<semaphore_mem>>, %arg28: memref<!tpu.dma_semaphore, #tpu.memory_space<semaphore_mem>>, %arg29: memref<1024xf32, #tpu.memory_space<vmem>>, %arg30: memref<1024xf32, #tpu.memory_space<vmem>>, %arg31: memref<1024xf32, #tpu.memory_space<vmem>>, %arg32: memref<1024xf32, #tpu.memory_space<vmem>>, %arg33: memref<1024xf32, #tpu.memory_space<vmem>>, %arg34: memref<1024xf32, #tpu.memory_space<vmem>>, %arg35: memref<1024xf32, #tpu.memory_space<vmem>>, %arg36: memref<1024xf32, #tpu.memory_space<vmem>>, %arg37: memref<1024xf32, #tpu.memory_space<vmem>>, %arg38: memref<1024xf32, #tpu.memory_space<vmem>>, %arg39: memref<1024xf32, #tpu.memory_space<vmem>>, %arg40: memref<1024xf32, #tpu.memory_space<vmem>>, %arg41: memref<1024xf32, #tpu.memory_space<vmem>>, %arg42: memref<1024xf32, #tpu.memory_space<vmem>>, %arg43: memref<1024xf32, #tpu.memory_space<vmem>>, %arg44: memref<1024xf32, #tpu.memory_space<vmem>>, %arg45: memref<4096xf32, #tpu.memory_space<vmem>>, %arg46: memref<4096xf32, #tpu.memory_space<vmem>>, %arg47: memref<1024xf32, #tpu.memory_space<vmem>>, %arg48: memref<1024xf32, #tpu.memory_space<vmem>>, %arg49: memref<1024xf32, #tpu.memory_space<vmem>>, %arg50: memref<1024xf32, #tpu.memory_space<vmem>>, %arg51: memref<1024xf32, #tpu.memory_space<vmem>>, %arg52: memref<1024xf32, #tpu.memory_space<vmem>>, %arg53: memref<1024xf32, #tpu.memory_space<vmem>>, %arg54: memref<1024xf32, #tpu.memory_space<vmem>>, %arg55: memref<2048xf32, #tpu.memory_space<vmem>>) attributes {dimension_semantics = [#tpu.dimension_semantics<core_parallel>, #tpu.dimension_semantics<subcore_parallel>], iteration_bounds = array<i64: 2, 16>, scalar_prefetch = 0 : i64, scratch_operands = 50 : i64, tpu.core_type = #tpu.core_type<sc_vector_subcore>, window_params = [{transform_indices = #map}, {transform_indices = #map}, {transform_indices = #map}, {transform_indices = #map}]} {
    %scan3A = arith.constant 0 : i32
    %scan3A_0 = arith.constant 128 : i32
    %scan3A_1 = arith.addi %scan3A, %scan3A_0 : i32
    %scan3A_2 = arith.constant 1 : i32
    scf.for %scan3A_114 = %scan3A to %scan3A_1 step %scan3A_2  : i32 {
      %mul3A_115 = arith.constant 1 : i32
      %mul3A_116 = arith.muli %scan3A_114, %mul3A_115 : i32
      %add3A_117 = arith.constant 0 : i32
      %add3A_118 = arith.addi %add3A_117, %mul3A_116 : i32
      %broadcast_in_dim3A = arith.constant 0.000000e+00 : f32
      %broadcast_in_dim3A_119 = vector.broadcast %broadcast_in_dim3A : f32 to vector<16xf32>
      %mul3A_120 = arith.constant 16 : i32
      %mul3A_121 = arith.muli %add3A_118, %mul3A_120 : i32
      %swap3A = arith.index_cast %mul3A_121 : i32 to index
      %swap3A_122 = tpu.vector_load %arg55[%swap3A] {strides = array<i32>} : memref<2048xf32, #tpu.memory_space<vmem>>, vector<16xf32>,
      %swap3A_123 = vector.shape_cast %swap3A_122 : vector<16xf32> to vector<16xf32>
      %swap3A_124 = vector.shape_cast %broadcast_in_dim3A_119 : vector<16xf32> to vector<16xf32>
      tpu.vector_store %arg55[%swap3A], %swap3A_124 {strides = array<i32>} : memref<2048xf32, #tpu.memory_space<vmem>>, vector<16xf32>,
    }
    %scan3A_3 = arith.constant 128 : i32
    %scan3A_4 = arith.constant 0 : i32
    %scan3A_5 = arith.constant 8 : i32
    %scan3A_6 = arith.addi %scan3A_4, %scan3A_5 : i32
    %scan3A_7 = arith.constant 1 : i32
    scf.for %scan3A_114 = %scan3A_4 to %scan3A_6 step %scan3A_7  : i32 {
      %mul3A_115 = arith.constant 1 : i32
      %mul3A_116 = arith.muli %scan3A_114, %mul3A_115 : i32
      %add3A_117 = arith.constant 0 : i32
      %add3A_118 = arith.addi %add3A_117, %mul3A_116 : i32
      %mul3A_119 = arith.constant 16384 : i32
      %mul3A_120 = arith.muli %arg1, %mul3A_119 : i32
      %mul3A_121 = arith.constant 2048 : i32
      %mul3A_122 = arith.muli %add3A_118, %mul3A_121 : i32
      %add3A_123 = arith.addi %mul3A_120, %mul3A_122 : i32
      %dma_start3A_124 = tpu.memref_slice %arg19[%add3A_123] : memref<262144xf32, #tpu.memory_space<vmem_shared>> -> memref<2048xf32, #tpu.memory_space<vmem_shared>>
      %dma_start3A_125 = tpu.memref_slice %arg19[%add3A_123] : memref<262144xf32, #tpu.memory_space<vmem_shared>> -> memref<2048xf32, #tpu.memory_space<vmem_shared>>
      tpu.enqueue_dma source(%arg55 : memref<2048xf32, #tpu.memory_space<vmem>>) target(%dma_start3A_125 : memref<2048xf32, #tpu.memory_space<vmem_shared>>) target_semaphore(%arg28 : memref<!tpu.dma_semaphore, #tpu.memory_space<semaphore_mem>>)
    }
    %scan3A_8 = arith.constant 8 : i32
    %scan3A_9 = arith.constant 0 : i32
    %scan3A_10 = arith.constant 8 : i32
    %scan3A_11 = arith.addi %scan3A_9, %scan3A_10 : i32
    %scan3A_12 = arith.constant 1 : i32
    scf.for %scan3A_114 = %scan3A_9 to %scan3A_11 step %scan3A_12  : i32 {
      %mul3A_115 = arith.constant 1 : i32
      %mul3A_116 = arith.muli %scan3A_114, %mul3A_115 : i32
      %add3A_117 = arith.constant 0 : i32
      %add3A_118 = arith.addi %add3A_117, %mul3A_116 : i32
      %mul3A_119 = arith.constant 16384 : i32
      %mul3A_120 = arith.muli %arg1, %mul3A_119 : i32
      %mul3A_121 = arith.constant 2048 : i32
      %mul3A_122 = arith.muli %add3A_118, %mul3A_121 : i32
      %add3A_123 = arith.addi %mul3A_120, %mul3A_122 : i32
      %dma_wait3A_124 = tpu.memref_slice %arg19[%add3A_123] : memref<262144xf32, #tpu.memory_space<vmem_shared>> -> memref<2048xf32, #tpu.memory_space<vmem_shared>>
      %dma_wait3A_125 = tpu.memref_slice %arg19[%add3A_123] : memref<262144xf32, #tpu.memory_space<vmem_shared>> -> memref<2048xf32, #tpu.memory_space<vmem_shared>>
      tpu.wait_dma2 semaphore(%arg28 : memref<!tpu.dma_semaphore, #tpu.memory_space<semaphore_mem>>) src(%arg55 : memref<2048xf32, #tpu.memory_space<vmem>>) dst(%dma_wait3A_125 : memref<2048xf32, #tpu.memory_space<vmem_shared>>)
    }
    %scan3A_13 = arith.constant 8 : i32
    %barrier3A = arith.constant 0 : index
    tpu.barrier barrier_id(%barrier3A)
    %mul3A = arith.constant 16384 : i32
    %mul3A_14 = arith.muli %arg1, %mul3A : i32
    %add3A = arith.constant 0 : i32
    %add3A_15 = arith.addi %mul3A_14, %add3A : i32
    %dma_start3A = arith.constant 0 : i32
    %dma_start3A_16 = tpu.memref_slice %arg3[%arg0, %dma_start3A, %add3A_15] : memref<2x4x262144xi32, #tpu.memory_space<hbm>> -> memref<1x1x1024xi32, #tpu.memory_space<hbm>>
    %dma_start3A_17 = tpu.memref_squeeze %dma_start3A_16 : memref<1x1x1024xi32, #tpu.memory_space<hbm>> -> memref<1024xi32, #tpu.memory_space<hbm>>
    %dma_start3A_18 = tpu.memref_slice %arg3[%arg0, %dma_start3A, %add3A_15] : memref<2x4x262144xi32, #tpu.memory_space<hbm>> -> memref<1x1x1024xi32, #tpu.memory_space<hbm>>
    %dma_start3A_19 = tpu.memref_squeeze %dma_start3A_18 : memref<1x1x1024xi32, #tpu.memory_space<hbm>> -> memref<1024xi32, #tpu.memory_space<hbm>>
    tpu.enqueue_dma source(%dma_start3A_19 : memref<1024xi32, #tpu.memory_space<hbm>>) target(%arg7 : memref<1024xi32, #tpu.memory_space<vmem>>) target_semaphore(%arg24 : memref<!tpu.dma_semaphore, #tpu.memory_space<semaphore_mem>>)
    %dma_start3A_20 = arith.constant 0 : i32
    %dma_start3A_21 = tpu.memref_slice %arg4[%arg0, %dma_start3A_20, %add3A_15] : memref<2x4x262144xf32, #tpu.memory_space<hbm>> -> memref<1x1x1024xf32, #tpu.memory_space<hbm>>
    %dma_start3A_22 = tpu.memref_squeeze %dma_start3A_21 : memref<1x1x1024xf32, #tpu.memory_space<hbm>> -> memref<1024xf32, #tpu.memory_space<hbm>>
    %dma_start3A_23 = tpu.memref_slice %arg4[%arg0, %dma_start3A_20, %add3A_15] : memref<2x4x262144xf32, #tpu.memory_space<hbm>> -> memref<1x1x1024xf32, #tpu.memory_space<hbm>>
    %dma_start3A_24 = tpu.memref_squeeze %dma_start3A_23 : memref<1x1x1024xf32, #tpu.memory_space<hbm>> -> memref<1024xf32, #tpu.memory_space<hbm>>
    tpu.enqueue_dma source(%dma_start3A_24 : memref<1024xf32, #tpu.memory_space<hbm>>) target(%arg47 : memref<1024xf32, #tpu.memory_space<vmem>>) target_semaphore(%arg24 : memref<!tpu.dma_semaphore, #tpu.memory_space<semaphore_mem>>)
    %dma_start3A_25 = arith.constant 1 : i32
    %dma_start3A_26 = tpu.memref_slice %arg3[%arg0, %dma_start3A_25, %add3A_15] : memref<2x4x262144xi32, #tpu.memory_space<hbm>> -> memref<1x1x1024xi32, #tpu.memory_space<hbm>>
    %dma_start3A_27 = tpu.memref_squeeze %dma_start3A_26 : memref<1x1x1024xi32, #tpu.memory_space<hbm>> -> memref<1024xi32, #tpu.memory_space<hbm>>
    %dma_start3A_28 = tpu.memref_slice %arg3[%arg0, %dma_start3A_25, %add3A_15] : memref<2x4x262144xi32, #tpu.memory_space<hbm>> -> memref<1x1x1024xi32, #tpu.memory_space<hbm>>
    %dma_start3A_29 = tpu.memref_squeeze %dma_start3A_28 : memref<1x1x1024xi32, #tpu.memory_space<hbm>> -> memref<1024xi32, #tpu.memory_space<hbm>>
    tpu.enqueue_dma source(%dma_start3A_29 : memref<1024xi32, #tpu.memory_space<hbm>>) target(%arg9 : memref<1024xi32, #tpu.memory_space<vmem>>) target_semaphore(%arg24 : memref<!tpu.dma_semaphore, #tpu.memory_space<semaphore_mem>>)
    %dma_start3A_30 = arith.constant 1 : i32
    %dma_start3A_31 = tpu.memref_slice %arg4[%arg0, %dma_start3A_30, %add3A_15] : memref<2x4x262144xf32, #tpu.memory_space<hbm>> -> memref<1x1x1024xf32, #tpu.memory_space<hbm>>
    %dma_start3A_32 = tpu.memref_squeeze %dma_start3A_31 : memref<1x1x1024xf32, #tpu.memory_space<hbm>> -> memref<1024xf32, #tpu.memory_space<hbm>>
    %dma_start3A_33 = tpu.memref_slice %arg4[%arg0, %dma_start3A_30, %add3A_15] : memref<2x4x262144xf32, #tpu.memory_space<hbm>> -> memref<1x1x1024xf32, #tpu.memory_space<hbm>>
    %dma_start3A_34 = tpu.memref_squeeze %dma_start3A_33 : memref<1x1x1024xf32, #tpu.memory_space<hbm>> -> memref<1024xf32, #tpu.memory_space<hbm>>
    tpu.enqueue_dma source(%dma_start3A_34 : memref<1024xf32, #tpu.memory_space<hbm>>) target(%arg49 : memref<1024xf32, #tpu.memory_space<vmem>>) target_semaphore(%arg24 : memref<!tpu.dma_semaphore, #tpu.memory_space<semaphore_mem>>)
    %dma_start3A_35 = arith.constant 2 : i32
    %dma_start3A_36 = tpu.memref_slice %arg3[%arg0, %dma_start3A_35, %add3A_15] : memref<2x4x262144xi32, #tpu.memory_space<hbm>> -> memref<1x1x1024xi32, #tpu.memory_space<hbm>>
    %dma_start3A_37 = tpu.memref_squeeze %dma_start3A_36 : memref<1x1x1024xi32, #tpu.memory_space<hbm>> -> memref<1024xi32, #tpu.memory_space<hbm>>
    %dma_start3A_38 = tpu.memref_slice %arg3[%arg0, %dma_start3A_35, %add3A_15] : memref<2x4x262144xi32, #tpu.memory_space<hbm>> -> memref<1x1x1024xi32, #tpu.memory_space<hbm>>
    %dma_start3A_39 = tpu.memref_squeeze %dma_start3A_38 : memref<1x1x1024xi32, #tpu.memory_space<hbm>> -> memref<1024xi32, #tpu.memory_space<hbm>>
    tpu.enqueue_dma source(%dma_start3A_39 : memref<1024xi32, #tpu.memory_space<hbm>>) target(%arg11 : memref<1024xi32, #tpu.memory_space<vmem>>) target_semaphore(%arg24 : memref<!tpu.dma_semaphore, #tpu.memory_space<semaphore_mem>>)
    %dma_start3A_40 = arith.constant 2 : i32
    %dma_start3A_41 = tpu.memref_slice %arg4[%arg0, %dma_start3A_40, %add3A_15] : memref<2x4x262144xf32, #tpu.memory_space<hbm>> -> memref<1x1x1024xf32, #tpu.memory_space<hbm>>
    %dma_start3A_42 = tpu.memref_squeeze %dma_start3A_41 : memref<1x1x1024xf32, #tpu.memory_space<hbm>> -> memref<1024xf32, #tpu.memory_space<hbm>>
    %dma_start3A_43 = tpu.memref_slice %arg4[%arg0, %dma_start3A_40, %add3A_15] : memref<2x4x262144xf32, #tpu.memory_space<hbm>> -> memref<1x1x1024xf32, #tpu.memory_space<hbm>>
    %dma_start3A_44 = tpu.memref_squeeze %dma_start3A_43 : memref<1x1x1024xf32, #tpu.memory_space<hbm>> -> memref<1024xf32, #tpu.memory_space<hbm>>
    tpu.enqueue_dma source(%dma_start3A_44 : memref<1024xf32, #tpu.memory_space<hbm>>) target(%arg51 : memref<1024xf32, #tpu.memory_space<vmem>>) target_semaphore(%arg24 : memref<!tpu.dma_semaphore, #tpu.memory_space<semaphore_mem>>)
    %dma_start3A_45 = arith.constant 3 : i32
    %dma_start3A_46 = tpu.memref_slice %arg3[%arg0, %dma_start3A_45, %add3A_15] : memref<2x4x262144xi32, #tpu.memory_space<hbm>> -> memref<1x1x1024xi32, #tpu.memory_space<hbm>>
    %dma_start3A_47 = tpu.memref_squeeze %dma_start3A_46 : memref<1x1x1024xi32, #tpu.memory_space<hbm>> -> memref<1024xi32, #tpu.memory_space<hbm>>
    %dma_start3A_48 = tpu.memref_slice %arg3[%arg0, %dma_start3A_45, %add3A_15] : memref<2x4x262144xi32, #tpu.memory_space<hbm>> -> memref<1x1x1024xi32, #tpu.memory_space<hbm>>
    %dma_start3A_49 = tpu.memref_squeeze %dma_start3A_48 : memref<1x1x1024xi32, #tpu.memory_space<hbm>> -> memref<1024xi32, #tpu.memory_space<hbm>>
    tpu.enqueue_dma source(%dma_start3A_49 : memref<1024xi32, #tpu.memory_space<hbm>>) target(%arg13 : memref<1024xi32, #tpu.memory_space<vmem>>) target_semaphore(%arg24 : memref<!tpu.dma_semaphore, #tpu.memory_space<semaphore_mem>>)
    %dma_start3A_50 = arith.constant 3 : i32
    %dma_start3A_51 = tpu.memref_slice %arg4[%arg0, %dma_start3A_50, %add3A_15] : memref<2x4x262144xf32, #tpu.memory_space<hbm>> -> memref<1x1x1024xf32, #tpu.memory_space<hbm>>
    %dma_start3A_52 = tpu.memref_squeeze %dma_start3A_51 : memref<1x1x1024xf32, #tpu.memory_space<hbm>> -> memref<1024xf32, #tpu.memory_space<hbm>>
    %dma_start3A_53 = tpu.memref_slice %arg4[%arg0, %dma_start3A_50, %add3A_15] : memref<2x4x262144xf32, #tpu.memory_space<hbm>> -> memref<1x1x1024xf32, #tpu.memory_space<hbm>>
    %dma_start3A_54 = tpu.memref_squeeze %dma_start3A_53 : memref<1x1x1024xf32, #tpu.memory_space<hbm>> -> memref<1024xf32, #tpu.memory_space<hbm>>
    tpu.enqueue_dma source(%dma_start3A_54 : memref<1024xf32, #tpu.memory_space<hbm>>) target(%arg53 : memref<1024xf32, #tpu.memory_space<vmem>>) target_semaphore(%arg24 : memref<!tpu.dma_semaphore, #tpu.memory_space<semaphore_mem>>)
    %scan3A_55 = arith.constant 0 : i32
    %scan3A_56 = arith.constant 8 : i32
    %scan3A_57 = arith.addi %scan3A_55, %scan3A_56 : i32
    %scan3A_58 = arith.constant 1 : i32
    scf.for %scan3A_114 = %scan3A_55 to %scan3A_57 step %scan3A_58  : i32 {
      %mul3A_115 = arith.constant 1 : i32
      %mul3A_116 = arith.muli %scan3A_114, %mul3A_115 : i32
      %add3A_117 = arith.constant 0 : i32
      %add3A_118 = arith.addi %add3A_117, %mul3A_116 : i32
      %mul3A_119 = arith.constant 2 : i32
      %mul3A_120 = arith.muli %mul3A_119, %add3A_118 : i32
      %mul3A_121 = arith.constant 2 : i32
      %mul3A_122 = arith.muli %mul3A_121, %add3A_118 : i32
      %add3A_123 = arith.constant 1 : i32
      %add3A_124 = arith.addi %mul3A_122, %add3A_123 : i32
      %add3A_125 = arith.constant 1 : i32
      %add3A_126 = arith.addi %add3A_124, %add3A_125 : i32
      %min3A = arith.constant 15 : i32
      %min3A_127 = arith.minsi %add3A_126, %min3A : i32
      %mul3A_128 = arith.constant 16384 : i32
      %mul3A_129 = arith.muli %arg1, %mul3A_128 : i32
      %mul3A_130 = arith.constant 1024 : i32
      %mul3A_131 = arith.muli %add3A_124, %mul3A_130 : i32
      %add3A_132 = arith.addi %mul3A_129, %mul3A_131 : i32
      %dma_start3A_133 = arith.constant 0 : i32
      %dma_start3A_134 = tpu.memref_slice %arg3[%arg0, %dma_start3A_133, %add3A_132] : memref<2x4x262144xi32, #tpu.memory_space<hbm>> -> memref<1x1x1024xi32, #tpu.memory_space<hbm>>
      %dma_start3A_135 = tpu.memref_squeeze %dma_start3A_134 : memref<1x1x1024xi32, #tpu.memory_space<hbm>> -> memref<1024xi32, #tpu.memory_space<hbm>>
      %dma_start3A_136 = tpu.memref_slice %arg3[%arg0, %dma_start3A_133, %add3A_132] : memref<2x4x262144xi32, #tpu.memory_space<hbm>> -> memref<1x1x1024xi32, #tpu.memory_space<hbm>>
      %dma_start3A_137 = tpu.memref_squeeze %dma_start3A_136 : memref<1x1x1024xi32, #tpu.memory_space<hbm>> -> memref<1024xi32, #tpu.memory_space<hbm>>
      tpu.enqueue_dma source(%dma_start3A_137 : memref<1024xi32, #tpu.memory_space<hbm>>) target(%arg8 : memref<1024xi32, #tpu.memory_space<vmem>>) target_semaphore(%arg25 : memref<!tpu.dma_semaphore, #tpu.memory_space<semaphore_mem>>)
      %dma_start3A_138 = arith.constant 0 : i32
      %dma_start3A_139 = tpu.memref_slice %arg4[%arg0, %dma_start3A_138, %add3A_132] : memref<2x4x262144xf32, #tpu.memory_space<hbm>> -> memref<1x1x1024xf32, #tpu.memory_space<hbm>>
      %dma_start3A_140 = tpu.memref_squeeze %dma_start3A_139 : memref<1x1x1024xf32, #tpu.memory_space<hbm>> -> memref<1024xf32, #tpu.memory_space<hbm>>
      %dma_start3A_141 = tpu.memref_slice %arg4[%arg0, %dma_start3A_138, %add3A_132] : memref<2x4x262144xf32, #tpu.memory_space<hbm>> -> memref<1x1x1024xf32, #tpu.memory_space<hbm>>
      %dma_start3A_142 = tpu.memref_squeeze %dma_start3A_141 : memref<1x1x1024xf32, #tpu.memory_space<hbm>> -> memref<1024xf32, #tpu.memory_space<hbm>>
      tpu.enqueue_dma source(%dma_start3A_142 : memref<1024xf32, #tpu.memory_space<hbm>>) target(%arg48 : memref<1024xf32, #tpu.memory_space<vmem>>) target_semaphore(%arg25 : memref<!tpu.dma_semaphore, #tpu.memory_space<semaphore_mem>>)
      %dma_start3A_143 = arith.constant 1 : i32
      %dma_start3A_144 = tpu.memref_slice %arg3[%arg0, %dma_start3A_143, %add3A_132] : memref<2x4x262144xi32, #tpu.memory_space<hbm>> -> memref<1x1x1024xi32, #tpu.memory_space<hbm>>
      %dma_start3A_145 = tpu.memref_squeeze %dma_start3A_144 : memref<1x1x1024xi32, #tpu.memory_space<hbm>> -> memref<1024xi32, #tpu.memory_space<hbm>>
      %dma_start3A_146 = tpu.memref_slice %arg3[%arg0, %dma_start3A_143, %add3A_132] : memref<2x4x262144xi32, #tpu.memory_space<hbm>> -> memref<1x1x1024xi32, #tpu.memory_space<hbm>>
      %dma_start3A_147 = tpu.memref_squeeze %dma_start3A_146 : memref<1x1x1024xi32, #tpu.memory_space<hbm>> -> memref<1024xi32, #tpu.memory_space<hbm>>
      tpu.enqueue_dma source(%dma_start3A_147 : memref<1024xi32, #tpu.memory_space<hbm>>) target(%arg10 : memref<1024xi32, #tpu.memory_space<vmem>>) target_semaphore(%arg25 : memref<!tpu.dma_semaphore, #tpu.memory_space<semaphore_mem>>)
      %dma_start3A_148 = arith.constant 1 : i32
      %dma_start3A_149 = tpu.memref_slice %arg4[%arg0, %dma_start3A_148, %add3A_132] : memref<2x4x262144xf32, #tpu.memory_space<hbm>> -> memref<1x1x1024xf32, #tpu.memory_space<hbm>>
      %dma_start3A_150 = tpu.memref_squeeze %dma_start3A_149 : memref<1x1x1024xf32, #tpu.memory_space<hbm>> -> memref<1024xf32, #tpu.memory_space<hbm>>
      %dma_start3A_151 = tpu.memref_slice %arg4[%arg0, %dma_start3A_148, %add3A_132] : memref<2x4x262144xf32, #tpu.memory_space<hbm>> -> memref<1x1x1024xf32, #tpu.memory_space<hbm>>
      %dma_start3A_152 = tpu.memref_squeeze %dma_start3A_151 : memref<1x1x1024xf32, #tpu.memory_space<hbm>> -> memref<1024xf32, #tpu.memory_space<hbm>>
      tpu.enqueue_dma source(%dma_start3A_152 : memref<1024xf32, #tpu.memory_space<hbm>>) target(%arg50 : memref<1024xf32, #tpu.memory_space<vmem>>) target_semaphore(%arg25 : memref<!tpu.dma_semaphore, #tpu.memory_space<semaphore_mem>>)
      %dma_start3A_153 = arith.constant 2 : i32
      %dma_start3A_154 = tpu.memref_slice %arg3[%arg0, %dma_start3A_153, %add3A_132] : memref<2x4x262144xi32, #tpu.memory_space<hbm>> -> memref<1x1x1024xi32, #tpu.memory_space<hbm>>
      %dma_start3A_155 = tpu.memref_squeeze %dma_start3A_154 : memref<1x1x1024xi32, #tpu.memory_space<hbm>> -> memref<1024xi32, #tpu.memory_space<hbm>>
      %dma_start3A_156 = tpu.memref_slice %arg3[%arg0, %dma_start3A_153, %add3A_132] : memref<2x4x262144xi32, #tpu.memory_space<hbm>> -> memref<1x1x1024xi32, #tpu.memory_space<hbm>>
      %dma_start3A_157 = tpu.memref_squeeze %dma_start3A_156 : memref<1x1x1024xi32, #tpu.memory_space<hbm>> -> memref<1024xi32, #tpu.memory_space<hbm>>
      tpu.enqueue_dma source(%dma_start3A_157 : memref<1024xi32, #tpu.memory_space<hbm>>) target(%arg12 : memref<1024xi32, #tpu.memory_space<vmem>>) target_semaphore(%arg25 : memref<!tpu.dma_semaphore, #tpu.memory_space<semaphore_mem>>)
      %dma_start3A_158 = arith.constant 2 : i32
      %dma_start3A_159 = tpu.memref_slice %arg4[%arg0, %dma_start3A_158, %add3A_132] : memref<2x4x262144xf32, #tpu.memory_space<hbm>> -> memref<1x1x1024xf32, #tpu.memory_space<hbm>>
      %dma_start3A_160 = tpu.memref_squeeze %dma_start3A_159 : memref<1x1x1024xf32, #tpu.memory_space<hbm>> -> memref<1024xf32, #tpu.memory_space<hbm>>
      %dma_start3A_161 = tpu.memref_slice %arg4[%arg0, %dma_start3A_158, %add3A_132] : memref<2x4x262144xf32, #tpu.memory_space<hbm>> -> memref<1x1x1024xf32, #tpu.memory_space<hbm>>
      %dma_start3A_162 = tpu.memref_squeeze %dma_start3A_161 : memref<1x1x1024xf32, #tpu.memory_space<hbm>> -> memref<1024xf32, #tpu.memory_space<hbm>>
      tpu.enqueue_dma source(%dma_start3A_162 : memref<1024xf32, #tpu.memory_space<hbm>>) target(%arg52 : memref<1024xf32, #tpu.memory_space<vmem>>) target_semaphore(%arg25 : memref<!tpu.dma_semaphore, #tpu.memory_space<semaphore_mem>>)
      %dma_start3A_163 = arith.constant 3 : i32
      %dma_start3A_164 = tpu.memref_slice %arg3[%arg0, %dma_start3A_163, %add3A_132] : memref<2x4x262144xi32, #tpu.memory_space<hbm>> -> memref<1x1x1024xi32, #tpu.memory_space<hbm>>
      %dma_start3A_165 = tpu.memref_squeeze %dma_start3A_164 : memref<1x1x1024xi32, #tpu.memory_space<hbm>> -> memref<1024xi32, #tpu.memory_space<hbm>>
      %dma_start3A_166 = tpu.memref_slice %arg3[%arg0, %dma_start3A_163, %add3A_132] : memref<2x4x262144xi32, #tpu.memory_space<hbm>> -> memref<1x1x1024xi32, #tpu.memory_space<hbm>>
      %dma_start3A_167 = tpu.memref_squeeze %dma_start3A_166 : memref<1x1x1024xi32, #tpu.memory_space<hbm>> -> memref<1024xi32, #tpu.memory_space<hbm>>
      tpu.enqueue_dma source(%dma_start3A_167 : memref<1024xi32, #tpu.memory_space<hbm>>) target(%arg14 : memref<1024xi32, #tpu.memory_space<vmem>>) target_semaphore(%arg25 : memref<!tpu.dma_semaphore, #tpu.memory_space<semaphore_mem>>)
      %dma_start3A_168 = arith.constant 3 : i32
      %dma_start3A_169 = tpu.memref_slice %arg4[%arg0, %dma_start3A_168, %add3A_132] : memref<2x4x262144xf32, #tpu.memory_space<hbm>> -> memref<1x1x1024xf32, #tpu.memory_space<hbm>>
      %dma_start3A_170 = tpu.memref_squeeze %dma_start3A_169 : memref<1x1x1024xf32, #tpu.memory_space<hbm>> -> memref<1024xf32, #tpu.memory_space<hbm>>
      %dma_start3A_171 = tpu.memref_slice %arg4[%arg0, %dma_start3A_168, %add3A_132] : memref<2x4x262144xf32, #tpu.memory_space<hbm>> -> memref<1x1x1024xf32, #tpu.memory_space<hbm>>
      %dma_start3A_172 = tpu.memref_squeeze %dma_start3A_171 : memref<1x1x1024xf32, #tpu.memory_space<hbm>> -> memref<1024xf32, #tpu.memory_space<hbm>>
      tpu.enqueue_dma source(%dma_start3A_172 : memref<1024xf32, #tpu.memory_space<hbm>>) target(%arg54 : memref<1024xf32, #tpu.memory_space<vmem>>) target_semaphore(%arg25 : memref<!tpu.dma_semaphore, #tpu.memory_space<semaphore_mem>>)
      %mul3A_173 = arith.constant 16384 : i32
      %mul3A_174 = arith.muli %arg1, %mul3A_173 : i32
      %mul3A_175 = arith.constant 1024 : i32
      %mul3A_176 = arith.muli %mul3A_120, %mul3A_175 : i32
      %add3A_177 = arith.addi %mul3A_174, %mul3A_176 : i32
      %dma_wait3A_178 = arith.constant 0 : i32
      %dma_wait3A_179 = tpu.memref_slice %arg3[%arg0, %dma_wait3A_178, %add3A_177] : memref<2x4x262144xi32, #tpu.memory_space<hbm>> -> memref<1x1x1024xi32, #tpu.memory_space<hbm>>
      %dma_wait3A_180 = tpu.memref_squeeze %dma_wait3A_179 : memref<1x1x1024xi32, #tpu.memory_space<hbm>> -> memref<1024xi32, #tpu.memory_space<hbm>>
      %dma_wait3A_181 = tpu.memref_slice %arg3[%arg0, %dma_wait3A_178, %add3A_177] : memref<2x4x262144xi32, #tpu.memory_space<hbm>> -> memref<1x1x1024xi32, #tpu.memory_space<hbm>>
      %dma_wait3A_182 = tpu.memref_squeeze %dma_wait3A_181 : memref<1x1x1024xi32, #tpu.memory_space<hbm>> -> memref<1024xi32, #tpu.memory_space<hbm>>
      tpu.wait_dma2 semaphore(%arg24 : memref<!tpu.dma_semaphore, #tpu.memory_space<semaphore_mem>>) src(%dma_wait3A_182 : memref<1024xi32, #tpu.memory_space<hbm>>) dst(%arg7 : memref<1024xi32, #tpu.memory_space<vmem>>)
      %dma_wait3A_183 = arith.constant 0 : i32
      %dma_wait3A_184 = tpu.memref_slice %arg4[%arg0, %dma_wait3A_183, %add3A_177] : memref<2x4x262144xf32, #tpu.memory_space<hbm>> -> memref<1x1x1024xf32, #tpu.memory_space<hbm>>
      %dma_wait3A_185 = tpu.memref_squeeze %dma_wait3A_184 : memref<1x1x1024xf32, #tpu.memory_space<hbm>> -> memref<1024xf32, #tpu.memory_space<hbm>>
      %dma_wait3A_186 = tpu.memref_slice %arg4[%arg0, %dma_wait3A_183, %add3A_177] : memref<2x4x262144xf32, #tpu.memory_space<hbm>> -> memref<1x1x1024xf32, #tpu.memory_space<hbm>>
      %dma_wait3A_187 = tpu.memref_squeeze %dma_wait3A_186 : memref<1x1x1024xf32, #tpu.memory_space<hbm>> -> memref<1024xf32, #tpu.memory_space<hbm>>
      tpu.wait_dma2 semaphore(%arg24 : memref<!tpu.dma_semaphore, #tpu.memory_space<semaphore_mem>>) src(%dma_wait3A_187 : memref<1024xf32, #tpu.memory_space<hbm>>) dst(%arg47 : memref<1024xf32, #tpu.memory_space<vmem>>)
      %dma_wait3A_188 = arith.constant 1 : i32
      %dma_wait3A_189 = tpu.memref_slice %arg3[%arg0, %dma_wait3A_188, %add3A_177] : memref<2x4x262144xi32, #tpu.memory_space<hbm>> -> memref<1x1x1024xi32, #tpu.memory_space<hbm>>
      %dma_wait3A_190 = tpu.memref_squeeze %dma_wait3A_189 : memref<1x1x1024xi32, #tpu.memory_space<hbm>> -> memref<1024xi32, #tpu.memory_space<hbm>>
      %dma_wait3A_191 = tpu.memref_slice %arg3[%arg0, %dma_wait3A_188, %add3A_177] : memref<2x4x262144xi32, #tpu.memory_space<hbm>> -> memref<1x1x1024xi32, #tpu.memory_space<hbm>>
      %dma_wait3A_192 = tpu.memref_squeeze %dma_wait3A_191 : memref<1x1x1024xi32, #tpu.memory_space<hbm>> -> memref<1024xi32, #tpu.memory_space<hbm>>
      tpu.wait_dma2 semaphore(%arg24 : memref<!tpu.dma_semaphore, #tpu.memory_space<semaphore_mem>>) src(%dma_wait3A_192 : memref<1024xi32, #tpu.memory_space<hbm>>) dst(%arg9 : memref<1024xi32, #tpu.memory_space<vmem>>)
      %dma_wait3A_193 = arith.constant 1 : i32
      %dma_wait3A_194 = tpu.memref_slice %arg4[%arg0, %dma_wait3A_193, %add3A_177] : memref<2x4x262144xf32, #tpu.memory_space<hbm>> -> memref<1x1x1024xf32, #tpu.memory_space<hbm>>
      %dma_wait3A_195 = tpu.memref_squeeze %dma_wait3A_194 : memref<1x1x1024xf32, #tpu.memory_space<hbm>> -> memref<1024xf32, #tpu.memory_space<hbm>>
      %dma_wait3A_196 = tpu.memref_slice %arg4[%arg0, %dma_wait3A_193, %add3A_177] : memref<2x4x262144xf32, #tpu.memory_space<hbm>> -> memref<1x1x1024xf32, #tpu.memory_space<hbm>>
      %dma_wait3A_197 = tpu.memref_squeeze %dma_wait3A_196 : memref<1x1x1024xf32, #tpu.memory_space<hbm>> -> memref<1024xf32, #tpu.memory_space<hbm>>
      tpu.wait_dma2 semaphore(%arg24 : memref<!tpu.dma_semaphore, #tpu.memory_space<semaphore_mem>>) src(%dma_wait3A_197 : memref<1024xf32, #tpu.memory_space<hbm>>) dst(%arg49 : memref<1024xf32, #tpu.memory_space<vmem>>)
      %dma_wait3A_198 = arith.constant 2 : i32
      %dma_wait3A_199 = tpu.memref_slice %arg3[%arg0, %dma_wait3A_198, %add3A_177] : memref<2x4x262144xi32, #tpu.memory_space<hbm>> -> memref<1x1x1024xi32, #tpu.memory_space<hbm>>
      %dma_wait3A_200 = tpu.memref_squeeze %dma_wait3A_199 : memref<1x1x1024xi32, #tpu.memory_space<hbm>> -> memref<1024xi32, #tpu.memory_space<hbm>>
      %dma_wait3A_201 = tpu.memref_slice %arg3[%arg0, %dma_wait3A_198, %add3A_177] : memref<2x4x262144xi32, #tpu.memory_space<hbm>> -> memref<1x1x1024xi32, #tpu.memory_space<hbm>>
      %dma_wait3A_202 = tpu.memref_squeeze %dma_wait3A_201 : memref<1x1x1024xi32, #tpu.memory_space<hbm>> -> memref<1024xi32, #tpu.memory_space<hbm>>
      tpu.wait_dma2 semaphore(%arg24 : memref<!tpu.dma_semaphore, #tpu.memory_space<semaphore_mem>>) src(%dma_wait3A_202 : memref<1024xi32, #tpu.memory_space<hbm>>) dst(%arg11 : memref<1024xi32, #tpu.memory_space<vmem>>)
      %dma_wait3A_203 = arith.constant 2 : i32
      %dma_wait3A_204 = tpu.memref_slice %arg4[%arg0, %dma_wait3A_203, %add3A_177] : memref<2x4x262144xf32, #tpu.memory_space<hbm>> -> memref<1x1x1024xf32, #tpu.memory_space<hbm>>
      %dma_wait3A_205 = tpu.memref_squeeze %dma_wait3A_204 : memref<1x1x1024xf32, #tpu.memory_space<hbm>> -> memref<1024xf32, #tpu.memory_space<hbm>>
      %dma_wait3A_206 = tpu.memref_slice %arg4[%arg0, %dma_wait3A_203, %add3A_177] : memref<2x4x262144xf32, #tpu.memory_space<hbm>> -> memref<1x1x1024xf32, #tpu.memory_space<hbm>>
      %dma_wait3A_207 = tpu.memref_squeeze %dma_wait3A_206 : memref<1x1x1024xf32, #tpu.memory_space<hbm>> -> memref<1024xf32, #tpu.memory_space<hbm>>
      tpu.wait_dma2 semaphore(%arg24 : memref<!tpu.dma_semaphore, #tpu.memory_space<semaphore_mem>>) src(%dma_wait3A_207 : memref<1024xf32, #tpu.memory_space<hbm>>) dst(%arg51 : memref<1024xf32, #tpu.memory_space<vmem>>)
      %dma_wait3A_208 = arith.constant 3 : i32
      %dma_wait3A_209 = tpu.memref_slice %arg3[%arg0, %dma_wait3A_208, %add3A_177] : memref<2x4x262144xi32, #tpu.memory_space<hbm>> -> memref<1x1x1024xi32, #tpu.memory_space<hbm>>
      %dma_wait3A_210 = tpu.memref_squeeze %dma_wait3A_209 : memref<1x1x1024xi32, #tpu.memory_space<hbm>> -> memref<1024xi32, #tpu.memory_space<hbm>>
      %dma_wait3A_211 = tpu.memref_slice %arg3[%arg0, %dma_wait3A_208, %add3A_177] : memref<2x4x262144xi32, #tpu.memory_space<hbm>> -> memref<1x1x1024xi32, #tpu.memory_space<hbm>>
      %dma_wait3A_212 = tpu.memref_squeeze %dma_wait3A_211 : memref<1x1x1024xi32, #tpu.memory_space<hbm>> -> memref<1024xi32, #tpu.memory_space<hbm>>
      tpu.wait_dma2 semaphore(%arg24 : memref<!tpu.dma_semaphore, #tpu.memory_space<semaphore_mem>>) src(%dma_wait3A_212 : memref<1024xi32, #tpu.memory_space<hbm>>) dst(%arg13 : memref<1024xi32, #tpu.memory_space<vmem>>)
      %dma_wait3A_213 = arith.constant 3 : i32
      %dma_wait3A_214 = tpu.memref_slice %arg4[%arg0, %dma_wait3A_213, %add3A_177] : memref<2x4x262144xf32, #tpu.memory_space<hbm>> -> memref<1x1x1024xf32, #tpu.memory_space<hbm>>
      %dma_wait3A_215 = tpu.memref_squeeze %dma_wait3A_214 : memref<1x1x1024xf32, #tpu.memory_space<hbm>> -> memref<1024xf32, #tpu.memory_space<hbm>>
      %dma_wait3A_216 = tpu.memref_slice %arg4[%arg0, %dma_wait3A_213, %add3A_177] : memref<2x4x262144xf32, #tpu.memory_space<hbm>> -> memref<1x1x1024xf32, #tpu.memory_space<hbm>>
      %dma_wait3A_217 = tpu.memref_squeeze %dma_wait3A_216 : memref<1x1x1024xf32, #tpu.memory_space<hbm>> -> memref<1024xf32, #tpu.memory_space<hbm>>
      tpu.wait_dma2 semaphore(%arg24 : memref<!tpu.dma_semaphore, #tpu.memory_space<semaphore_mem>>) src(%dma_wait3A_217 : memref<1024xf32, #tpu.memory_space<hbm>>) dst(%arg53 : memref<1024xf32, #tpu.memory_space<vmem>>)
      %dma_start3A_218 = arith.constant 0 : i32
      %dma_start3A_219 = tpu.memref_slice %arg19[%dma_start3A_218] : memref<262144xf32, #tpu.memory_space<vmem_shared>> -> memref<262144xf32, #tpu.memory_space<vmem_shared>>
      tpu.enqueue_indirect_dma source(%arg47 : memref<1024xf32, #tpu.memory_space<vmem>>) target(%dma_start3A_219 : memref<262144xf32, #tpu.memory_space<vmem_shared>>) offsets(%arg7 : memref<1024xi32, #tpu.memory_space<vmem>>) semaphore(%arg27 : memref<!tpu.dma_semaphore, #tpu.memory_space<semaphore_mem>>) {add = true}
      %dma_start3A_220 = arith.constant 0 : i32
      %dma_start3A_221 = tpu.memref_slice %arg19[%dma_start3A_220] : memref<262144xf32, #tpu.memory_space<vmem_shared>> -> memref<262144xf32, #tpu.memory_space<vmem_shared>>
      tpu.enqueue_indirect_dma source(%arg49 : memref<1024xf32, #tpu.memory_space<vmem>>) target(%dma_start3A_221 : memref<262144xf32, #tpu.memory_space<vmem_shared>>) offsets(%arg9 : memref<1024xi32, #tpu.memory_space<vmem>>) semaphore(%arg27 : memref<!tpu.dma_semaphore, #tpu.memory_space<semaphore_mem>>) {add = true}
      %dma_start3A_222 = arith.constant 0 : i32
      %dma_start3A_223 = tpu.memref_slice %arg19[%dma_start3A_222] : memref<262144xf32, #tpu.memory_space<vmem_shared>> -> memref<262144xf32, #tpu.memory_space<vmem_shared>>
      tpu.enqueue_indirect_dma source(%arg51 : memref<1024xf32, #tpu.memory_space<vmem>>) target(%dma_start3A_223 : memref<262144xf32, #tpu.memory_space<vmem_shared>>) offsets(%arg11 : memref<1024xi32, #tpu.memory_space<vmem>>) semaphore(%arg27 : memref<!tpu.dma_semaphore, #tpu.memory_space<semaphore_mem>>) {add = true}
      %dma_start3A_224 = arith.constant 0 : i32
      %dma_start3A_225 = tpu.memref_slice %arg19[%dma_start3A_224] : memref<262144xf32, #tpu.memory_space<vmem_shared>> -> memref<262144xf32, #tpu.memory_space<vmem_shared>>
      tpu.enqueue_indirect_dma source(%arg53 : memref<1024xf32, #tpu.memory_space<vmem>>) target(%dma_start3A_225 : memref<262144xf32, #tpu.memory_space<vmem_shared>>) offsets(%arg13 : memref<1024xi32, #tpu.memory_space<vmem>>) semaphore(%arg27 : memref<!tpu.dma_semaphore, #tpu.memory_space<semaphore_mem>>) {add = true}
      %dma_wait3A_226 = arith.constant 0 : i32
      %dma_wait3A_227 = tpu.memref_slice %arg19[%dma_wait3A_226] : memref<262144xf32, #tpu.memory_space<vmem_shared>> -> memref<262144xf32, #tpu.memory_space<vmem_shared>>
      tpu.wait_indirect_dma semaphore(%arg27 : memref<!tpu.dma_semaphore, #tpu.memory_space<semaphore_mem>>) src(%arg47 : memref<1024xf32, #tpu.memory_space<vmem>>) dst(%dma_wait3A_227 : memref<262144xf32, #tpu.memory_space<vmem_shared>>)
      %dma_wait3A_228 = arith.constant 0 : i32
      %dma_wait3A_229 = tpu.memref_slice %arg19[%dma_wait3A_228] : memref<262144xf32, #tpu.memory_space<vmem_shared>> -> memref<262144xf32, #tpu.memory_space<vmem_shared>>
      tpu.wait_indirect_dma semaphore(%arg27 : memref<!tpu.dma_semaphore, #tpu.memory_space<semaphore_mem>>) src(%arg49 : memref<1024xf32, #tpu.memory_space<vmem>>) dst(%dma_wait3A_229 : memref<262144xf32, #tpu.memory_space<vmem_shared>>)
      %dma_wait3A_230 = arith.constant 0 : i32
      %dma_wait3A_231 = tpu.memref_slice %arg19[%dma_wait3A_230] : memref<262144xf32, #tpu.memory_space<vmem_shared>> -> memref<262144xf32, #tpu.memory_space<vmem_shared>>
      tpu.wait_indirect_dma semaphore(%arg27 : memref<!tpu.dma_semaphore, #tpu.memory_space<semaphore_mem>>) src(%arg51 : memref<1024xf32, #tpu.memory_space<vmem>>) dst(%dma_wait3A_231 : memref<262144xf32, #tpu.memory_space<vmem_shared>>)
      %dma_wait3A_232 = arith.constant 0 : i32
      %dma_wait3A_233 = tpu.memref_slice %arg19[%dma_wait3A_232] : memref<262144xf32, #tpu.memory_space<vmem_shared>> -> memref<262144xf32, #tpu.memory_space<vmem_shared>>
      tpu.wait_indirect_dma semaphore(%arg27 : memref<!tpu.dma_semaphore, #tpu.memory_space<semaphore_mem>>) src(%arg53 : memref<1024xf32, #tpu.memory_space<vmem>>) dst(%dma_wait3A_233 : memref<262144xf32, #tpu.memory_space<vmem_shared>>)
      %mul3A_234 = arith.constant 16384 : i32
      %mul3A_235 = arith.muli %arg1, %mul3A_234 : i32
      %mul3A_236 = arith.constant 1024 : i32
      %mul3A_237 = arith.muli %min3A_127, %mul3A_236 : i32
      %add3A_238 = arith.addi %mul3A_235, %mul3A_237 : i32
      %dma_start3A_239 = arith.constant 0 : i32
      %dma_start3A_240 = tpu.memref_slice %arg3[%arg0, %dma_start3A_239, %add3A_238] : memref<2x4x262144xi32, #tpu.memory_space<hbm>> -> memref<1x1x1024xi32, #tpu.memory_space<hbm>>
      %dma_start3A_241 = tpu.memref_squeeze %dma_start3A_240 : memref<1x1x1024xi32, #tpu.memory_space<hbm>> -> memref<1024xi32, #tpu.memory_space<hbm>>
      %dma_start3A_242 = tpu.memref_slice %arg3[%arg0, %dma_start3A_239, %add3A_238] : memref<2x4x262144xi32, #tpu.memory_space<hbm>> -> memref<1x1x1024xi32, #tpu.memory_space<hbm>>
      %dma_start3A_243 = tpu.memref_squeeze %dma_start3A_242 : memref<1x1x1024xi32, #tpu.memory_space<hbm>> -> memref<1024xi32, #tpu.memory_space<hbm>>
      tpu.enqueue_dma source(%dma_start3A_243 : memref<1024xi32, #tpu.memory_space<hbm>>) target(%arg7 : memref<1024xi32, #tpu.memory_space<vmem>>) target_semaphore(%arg24 : memref<!tpu.dma_semaphore, #tpu.memory_space<semaphore_mem>>)
      %dma_start3A_244 = arith.constant 0 : i32
      %dma_start3A_245 = tpu.memref_slice %arg4[%arg0, %dma_start3A_244, %add3A_238] : memref<2x4x262144xf32, #tpu.memory_space<hbm>> -> memref<1x1x1024xf32, #tpu.memory_space<hbm>>
      %dma_start3A_246 = tpu.memref_squeeze %dma_start3A_245 : memref<1x1x1024xf32, #tpu.memory_space<hbm>> -> memref<1024xf32, #tpu.memory_space<hbm>>
      %dma_start3A_247 = tpu.memref_slice %arg4[%arg0, %dma_start3A_244, %add3A_238] : memref<2x4x262144xf32, #tpu.memory_space<hbm>> -> memref<1x1x1024xf32, #tpu.memory_space<hbm>>
      %dma_start3A_248 = tpu.memref_squeeze %dma_start3A_247 : memref<1x1x1024xf32, #tpu.memory_space<hbm>> -> memref<1024xf32, #tpu.memory_space<hbm>>
      tpu.enqueue_dma source(%dma_start3A_248 : memref<1024xf32, #tpu.memory_space<hbm>>) target(%arg47 : memref<1024xf32, #tpu.memory_space<vmem>>) target_semaphore(%arg24 : memref<!tpu.dma_semaphore, #tpu.memory_space<semaphore_mem>>)
      %dma_start3A_249 = arith.constant 1 : i32
      %dma_start3A_250 = tpu.memref_slice %arg3[%arg0, %dma_start3A_249, %add3A_238] : memref<2x4x262144xi32, #tpu.memory_space<hbm>> -> memref<1x1x1024xi32, #tpu.memory_space<hbm>>
      %dma_start3A_251 = tpu.memref_squeeze %dma_start3A_250 : memref<1x1x1024xi32, #tpu.memory_space<hbm>> -> memref<1024xi32, #tpu.memory_space<hbm>>
      %dma_start3A_252 = tpu.memref_slice %arg3[%arg0, %dma_start3A_249, %add3A_238] : memref<2x4x262144xi32, #tpu.memory_space<hbm>> -> memref<1x1x1024xi32, #tpu.memory_space<hbm>>
      %dma_start3A_253 = tpu.memref_squeeze %dma_start3A_252 : memref<1x1x1024xi32, #tpu.memory_space<hbm>> -> memref<1024xi32, #tpu.memory_space<hbm>>
      tpu.enqueue_dma source(%dma_start3A_253 : memref<1024xi32, #tpu.memory_space<hbm>>) target(%arg9 : memref<1024xi32, #tpu.memory_space<vmem>>) target_semaphore(%arg24 : memref<!tpu.dma_semaphore, #tpu.memory_space<semaphore_mem>>)
      %dma_start3A_254 = arith.constant 1 : i32
      %dma_start3A_255 = tpu.memref_slice %arg4[%arg0, %dma_start3A_254, %add3A_238] : memref<2x4x262144xf32, #tpu.memory_space<hbm>> -> memref<1x1x1024xf32, #tpu.memory_space<hbm>>
      %dma_start3A_256 = tpu.memref_squeeze %dma_start3A_255 : memref<1x1x1024xf32, #tpu.memory_space<hbm>> -> memref<1024xf32, #tpu.memory_space<hbm>>
      %dma_start3A_257 = tpu.memref_slice %arg4[%arg0, %dma_start3A_254, %add3A_238] : memref<2x4x262144xf32, #tpu.memory_space<hbm>> -> memref<1x1x1024xf32, #tpu.memory_space<hbm>>
      %dma_start3A_258 = tpu.memref_squeeze %dma_start3A_257 : memref<1x1x1024xf32, #tpu.memory_space<hbm>> -> memref<1024xf32, #tpu.memory_space<hbm>>
      tpu.enqueue_dma source(%dma_start3A_258 : memref<1024xf32, #tpu.memory_space<hbm>>) target(%arg49 : memref<1024xf32, #tpu.memory_space<vmem>>) target_semaphore(%arg24 : memref<!tpu.dma_semaphore, #tpu.memory_space<semaphore_mem>>)
      %dma_start3A_259 = arith.constant 2 : i32
      %dma_start3A_260 = tpu.memref_slice %arg3[%arg0, %dma_start3A_259, %add3A_238] : memref<2x4x262144xi32, #tpu.memory_space<hbm>> -> memref<1x1x1024xi32, #tpu.memory_space<hbm>>
      %dma_start3A_261 = tpu.memref_squeeze %dma_start3A_260 : memref<1x1x1024xi32, #tpu.memory_space<hbm>> -> memref<1024xi32, #tpu.memory_space<hbm>>
      %dma_start3A_262 = tpu.memref_slice %arg3[%arg0, %dma_start3A_259, %add3A_238] : memref<2x4x262144xi32, #tpu.memory_space<hbm>> -> memref<1x1x1024xi32, #tpu.memory_space<hbm>>
      %dma_start3A_263 = tpu.memref_squeeze %dma_start3A_262 : memref<1x1x1024xi32, #tpu.memory_space<hbm>> -> memref<1024xi32, #tpu.memory_space<hbm>>
      tpu.enqueue_dma source(%dma_start3A_263 : memref<1024xi32, #tpu.memory_space<hbm>>) target(%arg11 : memref<1024xi32, #tpu.memory_space<vmem>>) target_semaphore(%arg24 : memref<!tpu.dma_semaphore, #tpu.memory_space<semaphore_mem>>)
      %dma_start3A_264 = arith.constant 2 : i32
      %dma_start3A_265 = tpu.memref_slice %arg4[%arg0, %dma_start3A_264, %add3A_238] : memref<2x4x262144xf32, #tpu.memory_space<hbm>> -> memref<1x1x1024xf32, #tpu.memory_space<hbm>>
      %dma_start3A_266 = tpu.memref_squeeze %dma_start3A_265 : memref<1x1x1024xf32, #tpu.memory_space<hbm>> -> memref<1024xf32, #tpu.memory_space<hbm>>
      %dma_start3A_267 = tpu.memref_slice %arg4[%arg0, %dma_start3A_264, %add3A_238] : memref<2x4x262144xf32, #tpu.memory_space<hbm>> -> memref<1x1x1024xf32, #tpu.memory_space<hbm>>
      %dma_start3A_268 = tpu.memref_squeeze %dma_start3A_267 : memref<1x1x1024xf32, #tpu.memory_space<hbm>> -> memref<1024xf32, #tpu.memory_space<hbm>>
      tpu.enqueue_dma source(%dma_start3A_268 : memref<1024xf32, #tpu.memory_space<hbm>>) target(%arg51 : memref<1024xf32, #tpu.memory_space<vmem>>) target_semaphore(%arg24 : memref<!tpu.dma_semaphore, #tpu.memory_space<semaphore_mem>>)
      %dma_start3A_269 = arith.constant 3 : i32
      %dma_start3A_270 = tpu.memref_slice %arg3[%arg0, %dma_start3A_269, %add3A_238] : memref<2x4x262144xi32, #tpu.memory_space<hbm>> -> memref<1x1x1024xi32, #tpu.memory_space<hbm>>
      %dma_start3A_271 = tpu.memref_squeeze %dma_start3A_270 : memref<1x1x1024xi32, #tpu.memory_space<hbm>> -> memref<1024xi32, #tpu.memory_space<hbm>>
      %dma_start3A_272 = tpu.memref_slice %arg3[%arg0, %dma_start3A_269, %add3A_238] : memref<2x4x262144xi32, #tpu.memory_space<hbm>> -> memref<1x1x1024xi32, #tpu.memory_space<hbm>>
      %dma_start3A_273 = tpu.memref_squeeze %dma_start3A_272 : memref<1x1x1024xi32, #tpu.memory_space<hbm>> -> memref<1024xi32, #tpu.memory_space<hbm>>
      tpu.enqueue_dma source(%dma_start3A_273 : memref<1024xi32, #tpu.memory_space<hbm>>) target(%arg13 : memref<1024xi32, #tpu.memory_space<vmem>>) target_semaphore(%arg24 : memref<!tpu.dma_semaphore, #tpu.memory_space<semaphore_mem>>)
      %dma_start3A_274 = arith.constant 3 : i32
      %dma_start3A_275 = tpu.memref_slice %arg4[%arg0, %dma_start3A_274, %add3A_238] : memref<2x4x262144xf32, #tpu.memory_space<hbm>> -> memref<1x1x1024xf32, #tpu.memory_space<hbm>>
      %dma_start3A_276 = tpu.memref_squeeze %dma_start3A_275 : memref<1x1x1024xf32, #tpu.memory_space<hbm>> -> memref<1024xf32, #tpu.memory_space<hbm>>
      %dma_start3A_277 = tpu.memref_slice %arg4[%arg0, %dma_start3A_274, %add3A_238] : memref<2x4x262144xf32, #tpu.memory_space<hbm>> -> memref<1x1x1024xf32, #tpu.memory_space<hbm>>
      %dma_start3A_278 = tpu.memref_squeeze %dma_start3A_277 : memref<1x1x1024xf32, #tpu.memory_space<hbm>> -> memref<1024xf32, #tpu.memory_space<hbm>>
      tpu.enqueue_dma source(%dma_start3A_278 : memref<1024xf32, #tpu.memory_space<hbm>>) target(%arg53 : memref<1024xf32, #tpu.memory_space<vmem>>) target_semaphore(%arg24 : memref<!tpu.dma_semaphore, #tpu.memory_space<semaphore_mem>>)
      %mul3A_279 = arith.constant 16384 : i32
      %mul3A_280 = arith.muli %arg1, %mul3A_279 : i32
      %mul3A_281 = arith.constant 1024 : i32
      %mul3A_282 = arith.muli %add3A_124, %mul3A_281 : i32
      %add3A_283 = arith.addi %mul3A_280, %mul3A_282 : i32
      %dma_wait3A_284 = arith.constant 0 : i32
      %dma_wait3A_285 = tpu.memref_slice %arg3[%arg0, %dma_wait3A_284, %add3A_283] : memref<2x4x262144xi32, #tpu.memory_space<hbm>> -> memref<1x1x1024xi32, #tpu.memory_space<hbm>>
      %dma_wait3A_286 = tpu.memref_squeeze %dma_wait3A_285 : memref<1x1x1024xi32, #tpu.memory_space<hbm>> -> memref<1024xi32, #tpu.memory_space<hbm>>
      %dma_wait3A_287 = tpu.memref_slice %arg3[%arg0, %dma_wait3A_284, %add3A_283] : memref<2x4x262144xi32, #tpu.memory_space<hbm>> -> memref<1x1x1024xi32, #tpu.memory_space<hbm>>
      %dma_wait3A_288 = tpu.memref_squeeze %dma_wait3A_287 : memref<1x1x1024xi32, #tpu.memory_space<hbm>> -> memref<1024xi32, #tpu.memory_space<hbm>>
      tpu.wait_dma2 semaphore(%arg25 : memref<!tpu.dma_semaphore, #tpu.memory_space<semaphore_mem>>) src(%dma_wait3A_288 : memref<1024xi32, #tpu.memory_space<hbm>>) dst(%arg8 : memref<1024xi32, #tpu.memory_space<vmem>>)
      %dma_wait3A_289 = arith.constant 0 : i32
      %dma_wait3A_290 = tpu.memref_slice %arg4[%arg0, %dma_wait3A_289, %add3A_283] : memref<2x4x262144xf32, #tpu.memory_space<hbm>> -> memref<1x1x1024xf32, #tpu.memory_space<hbm>>
      %dma_wait3A_291 = tpu.memref_squeeze %dma_wait3A_290 : memref<1x1x1024xf32, #tpu.memory_space<hbm>> -> memref<1024xf32, #tpu.memory_space<hbm>>
      %dma_wait3A_292 = tpu.memref_slice %arg4[%arg0, %dma_wait3A_289, %add3A_283] : memref<2x4x262144xf32, #tpu.memory_space<hbm>> -> memref<1x1x1024xf32, #tpu.memory_space<hbm>>
      %dma_wait3A_293 = tpu.memref_squeeze %dma_wait3A_292 : memref<1x1x1024xf32, #tpu.memory_space<hbm>> -> memref<1024xf32, #tpu.memory_space<hbm>>
      tpu.wait_dma2 semaphore(%arg25 : memref<!tpu.dma_semaphore, #tpu.memory_space<semaphore_mem>>) src(%dma_wait3A_293 : memref<1024xf32, #tpu.memory_space<hbm>>) dst(%arg48 : memref<1024xf32, #tpu.memory_space<vmem>>)
      %dma_wait3A_294 = arith.constant 1 : i32
      %dma_wait3A_295 = tpu.memref_slice %arg3[%arg0, %dma_wait3A_294, %add3A_283] : memref<2x4x262144xi32, #tpu.memory_space<hbm>> -> memref<1x1x1024xi32, #tpu.memory_space<hbm>>
      %dma_wait3A_296 = tpu.memref_squeeze %dma_wait3A_295 : memref<1x1x1024xi32, #tpu.memory_space<hbm>> -> memref<1024xi32, #tpu.memory_space<hbm>>
      %dma_wait3A_297 = tpu.memref_slice %arg3[%arg0, %dma_wait3A_294, %add3A_283] : memref<2x4x262144xi32, #tpu.memory_space<hbm>> -> memref<1x1x1024xi32, #tpu.memory_space<hbm>>
      %dma_wait3A_298 = tpu.memref_squeeze %dma_wait3A_297 : memref<1x1x1024xi32, #tpu.memory_space<hbm>> -> memref<1024xi32, #tpu.memory_space<hbm>>
      tpu.wait_dma2 semaphore(%arg25 : memref<!tpu.dma_semaphore, #tpu.memory_space<semaphore_mem>>) src(%dma_wait3A_298 : memref<1024xi32, #tpu.memory_space<hbm>>) dst(%arg10 : memref<1024xi32, #tpu.memory_space<vmem>>)
      %dma_wait3A_299 = arith.constant 1 : i32
      %dma_wait3A_300 = tpu.memref_slice %arg4[%arg0, %dma_wait3A_299, %add3A_283] : memref<2x4x262144xf32, #tpu.memory_space<hbm>> -> memref<1x1x1024xf32, #tpu.memory_space<hbm>>
      %dma_wait3A_301 = tpu.memref_squeeze %dma_wait3A_300 : memref<1x1x1024xf32, #tpu.memory_space<hbm>> -> memref<1024xf32, #tpu.memory_space<hbm>>
      %dma_wait3A_302 = tpu.memref_slice %arg4[%arg0, %dma_wait3A_299, %add3A_283] : memref<2x4x262144xf32, #tpu.memory_space<hbm>> -> memref<1x1x1024xf32, #tpu.memory_space<hbm>>
      %dma_wait3A_303 = tpu.memref_squeeze %dma_wait3A_302 : memref<1x1x1024xf32, #tpu.memory_space<hbm>> -> memref<1024xf32, #tpu.memory_space<hbm>>
      tpu.wait_dma2 semaphore(%arg25 : memref<!tpu.dma_semaphore, #tpu.memory_space<semaphore_mem>>) src(%dma_wait3A_303 : memref<1024xf32, #tpu.memory_space<hbm>>) dst(%arg50 : memref<1024xf32, #tpu.memory_space<vmem>>)
      %dma_wait3A_304 = arith.constant 2 : i32
      %dma_wait3A_305 = tpu.memref_slice %arg3[%arg0, %dma_wait3A_304, %add3A_283] : memref<2x4x262144xi32, #tpu.memory_space<hbm>> -> memref<1x1x1024xi32, #tpu.memory_space<hbm>>
      %dma_wait3A_306 = tpu.memref_squeeze %dma_wait3A_305 : memref<1x1x1024xi32, #tpu.memory_space<hbm>> -> memref<1024xi32, #tpu.memory_space<hbm>>
      %dma_wait3A_307 = tpu.memref_slice %arg3[%arg0, %dma_wait3A_304, %add3A_283] : memref<2x4x262144xi32, #tpu.memory_space<hbm>> -> memref<1x1x1024xi32, #tpu.memory_space<hbm>>
      %dma_wait3A_308 = tpu.memref_squeeze %dma_wait3A_307 : memref<1x1x1024xi32, #tpu.memory_space<hbm>> -> memref<1024xi32, #tpu.memory_space<hbm>>
      tpu.wait_dma2 semaphore(%arg25 : memref<!tpu.dma_semaphore, #tpu.memory_space<semaphore_mem>>) src(%dma_wait3A_308 : memref<1024xi32, #tpu.memory_space<hbm>>) dst(%arg12 : memref<1024xi32, #tpu.memory_space<vmem>>)
      %dma_wait3A_309 = arith.constant 2 : i32
      %dma_wait3A_310 = tpu.memref_slice %arg4[%arg0, %dma_wait3A_309, %add3A_283] : memref<2x4x262144xf32, #tpu.memory_space<hbm>> -> memref<1x1x1024xf32, #tpu.memory_space<hbm>>
      %dma_wait3A_311 = tpu.memref_squeeze %dma_wait3A_310 : memref<1x1x1024xf32, #tpu.memory_space<hbm>> -> memref<1024xf32, #tpu.memory_space<hbm>>
      %dma_wait3A_312 = tpu.memref_slice %arg4[%arg0, %dma_wait3A_309, %add3A_283] : memref<2x4x262144xf32, #tpu.memory_space<hbm>> -> memref<1x1x1024xf32, #tpu.memory_space<hbm>>
      %dma_wait3A_313 = tpu.memref_squeeze %dma_wait3A_312 : memref<1x1x1024xf32, #tpu.memory_space<hbm>> -> memref<1024xf32, #tpu.memory_space<hbm>>
      tpu.wait_dma2 semaphore(%arg25 : memref<!tpu.dma_semaphore, #tpu.memory_space<semaphore_mem>>) src(%dma_wait3A_313 : memref<1024xf32, #tpu.memory_space<hbm>>) dst(%arg52 : memref<1024xf32, #tpu.memory_space<vmem>>)
      %dma_wait3A_314 = arith.constant 3 : i32
      %dma_wait3A_315 = tpu.memref_slice %arg3[%arg0, %dma_wait3A_314, %add3A_283] : memref<2x4x262144xi32, #tpu.memory_space<hbm>> -> memref<1x1x1024xi32, #tpu.memory_space<hbm>>
      %dma_wait3A_316 = tpu.memref_squeeze %dma_wait3A_315 : memref<1x1x1024xi32, #tpu.memory_space<hbm>> -> memref<1024xi32, #tpu.memory_space<hbm>>
      %dma_wait3A_317 = tpu.memref_slice %arg3[%arg0, %dma_wait3A_314, %add3A_283] : memref<2x4x262144xi32, #tpu.memory_space<hbm>> -> memref<1x1x1024xi32, #tpu.memory_space<hbm>>
      %dma_wait3A_318 = tpu.memref_squeeze %dma_wait3A_317 : memref<1x1x1024xi32, #tpu.memory_space<hbm>> -> memref<1024xi32, #tpu.memory_space<hbm>>
      tpu.wait_dma2 semaphore(%arg25 : memref<!tpu.dma_semaphore, #tpu.memory_space<semaphore_mem>>) src(%dma_wait3A_318 : memref<1024xi32, #tpu.memory_space<hbm>>) dst(%arg14 : memref<1024xi32, #tpu.memory_space<vmem>>)
      %dma_wait3A_319 = arith.constant 3 : i32
      %dma_wait3A_320 = tpu.memref_slice %arg4[%arg0, %dma_wait3A_319, %add3A_283] : memref<2x4x262144xf32, #tpu.memory_space<hbm>> -> memref<1x1x1024xf32, #tpu.memory_space<hbm>>
      %dma_wait3A_321 = tpu.memref_squeeze %dma_wait3A_320 : memref<1x1x1024xf32, #tpu.memory_space<hbm>> -> memref<1024xf32, #tpu.memory_space<hbm>>
      %dma_wait3A_322 = tpu.memref_slice %arg4[%arg0, %dma_wait3A_319, %add3A_283] : memref<2x4x262144xf32, #tpu.memory_space<hbm>> -> memref<1x1x1024xf32, #tpu.memory_space<hbm>>
      %dma_wait3A_323 = tpu.memref_squeeze %dma_wait3A_322 : memref<1x1x1024xf32, #tpu.memory_space<hbm>> -> memref<1024xf32, #tpu.memory_space<hbm>>
      tpu.wait_dma2 semaphore(%arg25 : memref<!tpu.dma_semaphore, #tpu.memory_space<semaphore_mem>>) src(%dma_wait3A_323 : memref<1024xf32, #tpu.memory_space<hbm>>) dst(%arg54 : memref<1024xf32, #tpu.memory_space<vmem>>)
      %dma_start3A_324 = arith.constant 0 : i32
      %dma_start3A_325 = tpu.memref_slice %arg19[%dma_start3A_324] : memref<262144xf32, #tpu.memory_space<vmem_shared>> -> memref<262144xf32, #tpu.memory_space<vmem_shared>>
      tpu.enqueue_indirect_dma source(%arg48 : memref<1024xf32, #tpu.memory_space<vmem>>) target(%dma_start3A_325 : memref<262144xf32, #tpu.memory_space<vmem_shared>>) offsets(%arg8 : memref<1024xi32, #tpu.memory_space<vmem>>) semaphore(%arg27 : memref<!tpu.dma_semaphore, #tpu.memory_space<semaphore_mem>>) {add = true}
      %dma_start3A_326 = arith.constant 0 : i32
      %dma_start3A_327 = tpu.memref_slice %arg19[%dma_start3A_326] : memref<262144xf32, #tpu.memory_space<vmem_shared>> -> memref<262144xf32, #tpu.memory_space<vmem_shared>>
      tpu.enqueue_indirect_dma source(%arg50 : memref<1024xf32, #tpu.memory_space<vmem>>) target(%dma_start3A_327 : memref<262144xf32, #tpu.memory_space<vmem_shared>>) offsets(%arg10 : memref<1024xi32, #tpu.memory_space<vmem>>) semaphore(%arg27 : memref<!tpu.dma_semaphore, #tpu.memory_space<semaphore_mem>>) {add = true}
      %dma_start3A_328 = arith.constant 0 : i32
      %dma_start3A_329 = tpu.memref_slice %arg19[%dma_start3A_328] : memref<262144xf32, #tpu.memory_space<vmem_shared>> -> memref<262144xf32, #tpu.memory_space<vmem_shared>>
      tpu.enqueue_indirect_dma source(%arg52 : memref<1024xf32, #tpu.memory_space<vmem>>) target(%dma_start3A_329 : memref<262144xf32, #tpu.memory_space<vmem_shared>>) offsets(%arg12 : memref<1024xi32, #tpu.memory_space<vmem>>) semaphore(%arg27 : memref<!tpu.dma_semaphore, #tpu.memory_space<semaphore_mem>>) {add = true}
      %dma_start3A_330 = arith.constant 0 : i32
      %dma_start3A_331 = tpu.memref_slice %arg19[%dma_start3A_330] : memref<262144xf32, #tpu.memory_space<vmem_shared>> -> memref<262144xf32, #tpu.memory_space<vmem_shared>>
      tpu.enqueue_indirect_dma source(%arg54 : memref<1024xf32, #tpu.memory_space<vmem>>) target(%dma_start3A_331 : memref<262144xf32, #tpu.memory_space<vmem_shared>>) offsets(%arg14 : memref<1024xi32, #tpu.memory_space<vmem>>) semaphore(%arg27 : memref<!tpu.dma_semaphore, #tpu.memory_space<semaphore_mem>>) {add = true}
      %dma_wait3A_332 = arith.constant 0 : i32
      %dma_wait3A_333 = tpu.memref_slice %arg19[%dma_wait3A_332] : memref<262144xf32, #tpu.memory_space<vmem_shared>> -> memref<262144xf32, #tpu.memory_space<vmem_shared>>
      tpu.wait_indirect_dma semaphore(%arg27 : memref<!tpu.dma_semaphore, #tpu.memory_space<semaphore_mem>>) src(%arg48 : memref<1024xf32, #tpu.memory_space<vmem>>) dst(%dma_wait3A_333 : memref<262144xf32, #tpu.memory_space<vmem_shared>>)
      %dma_wait3A_334 = arith.constant 0 : i32
      %dma_wait3A_335 = tpu.memref_slice %arg19[%dma_wait3A_334] : memref<262144xf32, #tpu.memory_space<vmem_shared>> -> memref<262144xf32, #tpu.memory_space<vmem_shared>>
      tpu.wait_indirect_dma semaphore(%arg27 : memref<!tpu.dma_semaphore, #tpu.memory_space<semaphore_mem>>) src(%arg50 : memref<1024xf32, #tpu.memory_space<vmem>>) dst(%dma_wait3A_335 : memref<262144xf32, #tpu.memory_space<vmem_shared>>)
      %dma_wait3A_336 = arith.constant 0 : i32
      %dma_wait3A_337 = tpu.memref_slice %arg19[%dma_wait3A_336] : memref<262144xf32, #tpu.memory_space<vmem_shared>> -> memref<262144xf32, #tpu.memory_space<vmem_shared>>
      tpu.wait_indirect_dma semaphore(%arg27 : memref<!tpu.dma_semaphore, #tpu.memory_space<semaphore_mem>>) src(%arg52 : memref<1024xf32, #tpu.memory_space<vmem>>) dst(%dma_wait3A_337 : memref<262144xf32, #tpu.memory_space<vmem_shared>>)
      %dma_wait3A_338 = arith.constant 0 : i32
      %dma_wait3A_339 = tpu.memref_slice %arg19[%dma_wait3A_338] : memref<262144xf32, #tpu.memory_space<vmem_shared>> -> memref<262144xf32, #tpu.memory_space<vmem_shared>>
      tpu.wait_indirect_dma semaphore(%arg27 : memref<!tpu.dma_semaphore, #tpu.memory_space<semaphore_mem>>) src(%arg54 : memref<1024xf32, #tpu.memory_space<vmem>>) dst(%dma_wait3A_339 : memref<262144xf32, #tpu.memory_space<vmem_shared>>)
    }
    %scan3A_59 = arith.constant 8 : i32
    %mul3A_60 = arith.constant 16384 : i32
    %mul3A_61 = arith.muli %arg1, %mul3A_60 : i32
    %add3A_62 = arith.constant 15360 : i32
    %add3A_63 = arith.addi %mul3A_61, %add3A_62 : i32
    %dma_wait3A = arith.constant 0 : i32
    %dma_wait3A_64 = tpu.memref_slice %arg3[%arg0, %dma_wait3A, %add3A_63] : memref<2x4x262144xi32, #tpu.memory_space<hbm>> -> memref<1x1x1024xi32, #tpu.memory_space<hbm>>
    %dma_wait3A_65 = tpu.memref_squeeze %dma_wait3A_64 : memref<1x1x1024xi32, #tpu.memory_space<hbm>> -> memref<1024xi32, #tpu.memory_space<hbm>>
    %dma_wait3A_66 = tpu.memref_slice %arg3[%arg0, %dma_wait3A, %add3A_63] : memref<2x4x262144xi32, #tpu.memory_space<hbm>> -> memref<1x1x1024xi32, #tpu.memory_space<hbm>>
    %dma_wait3A_67 = tpu.memref_squeeze %dma_wait3A_66 : memref<1x1x1024xi32, #tpu.memory_space<hbm>> -> memref<1024xi32, #tpu.memory_space<hbm>>
    tpu.wait_dma2 semaphore(%arg24 : memref<!tpu.dma_semaphore, #tpu.memory_space<semaphore_mem>>) src(%dma_wait3A_67 : memref<1024xi32, #tpu.memory_space<hbm>>) dst(%arg7 : memref<1024xi32, #tpu.memory_space<vmem>>)
    %dma_wait3A_68 = arith.constant 0 : i32
    %dma_wait3A_69 = tpu.memref_slice %arg4[%arg0, %dma_wait3A_68, %add3A_63] : memref<2x4x262144xf32, #tpu.memory_space<hbm>> -> memref<1x1x1024xf32, #tpu.memory_space<hbm>>
    %dma_wait3A_70 = tpu.memref_squeeze %dma_wait3A_69 : memref<1x1x1024xf32, #tpu.memory_space<hbm>> -> memref<1024xf32, #tpu.memory_space<hbm>>
    %dma_wait3A_71 = tpu.memref_slice %arg4[%arg0, %dma_wait3A_68, %add3A_63] : memref<2x4x262144xf32, #tpu.memory_space<hbm>> -> memref<1x1x1024xf32, #tpu.memory_space<hbm>>
    %dma_wait3A_72 = tpu.memref_squeeze %dma_wait3A_71 : memref<1x1x1024xf32, #tpu.memory_space<hbm>> -> memref<1024xf32, #tpu.memory_space<hbm>>
    tpu.wait_dma2 semaphore(%arg24 : memref<!tpu.dma_semaphore, #tpu.memory_space<semaphore_mem>>) src(%dma_wait3A_72 : memref<1024xf32, #tpu.memory_space<hbm>>) dst(%arg47 : memref<1024xf32, #tpu.memory_space<vmem>>)
    %dma_wait3A_73 = arith.constant 1 : i32
    %dma_wait3A_74 = tpu.memref_slice %arg3[%arg0, %dma_wait3A_73, %add3A_63] : memref<2x4x262144xi32, #tpu.memory_space<hbm>> -> memref<1x1x1024xi32, #tpu.memory_space<hbm>>
    %dma_wait3A_75 = tpu.memref_squeeze %dma_wait3A_74 : memref<1x1x1024xi32, #tpu.memory_space<hbm>> -> memref<1024xi32, #tpu.memory_space<hbm>>
    %dma_wait3A_76 = tpu.memref_slice %arg3[%arg0, %dma_wait3A_73, %add3A_63] : memref<2x4x262144xi32, #tpu.memory_space<hbm>> -> memref<1x1x1024xi32, #tpu.memory_space<hbm>>
    %dma_wait3A_77 = tpu.memref_squeeze %dma_wait3A_76 : memref<1x1x1024xi32, #tpu.memory_space<hbm>> -> memref<1024xi32, #tpu.memory_space<hbm>>
    tpu.wait_dma2 semaphore(%arg24 : memref<!tpu.dma_semaphore, #tpu.memory_space<semaphore_mem>>) src(%dma_wait3A_77 : memref<1024xi32, #tpu.memory_space<hbm>>) dst(%arg9 : memref<1024xi32, #tpu.memory_space<vmem>>)
    %dma_wait3A_78 = arith.constant 1 : i32
    %dma_wait3A_79 = tpu.memref_slice %arg4[%arg0, %dma_wait3A_78, %add3A_63] : memref<2x4x262144xf32, #tpu.memory_space<hbm>> -> memref<1x1x1024xf32, #tpu.memory_space<hbm>>
    %dma_wait3A_80 = tpu.memref_squeeze %dma_wait3A_79 : memref<1x1x1024xf32, #tpu.memory_space<hbm>> -> memref<1024xf32, #tpu.memory_space<hbm>>
    %dma_wait3A_81 = tpu.memref_slice %arg4[%arg0, %dma_wait3A_78, %add3A_63] : memref<2x4x262144xf32, #tpu.memory_space<hbm>> -> memref<1x1x1024xf32, #tpu.memory_space<hbm>>
    %dma_wait3A_82 = tpu.memref_squeeze %dma_wait3A_81 : memref<1x1x1024xf32, #tpu.memory_space<hbm>> -> memref<1024xf32, #tpu.memory_space<hbm>>
    tpu.wait_dma2 semaphore(%arg24 : memref<!tpu.dma_semaphore, #tpu.memory_space<semaphore_mem>>) src(%dma_wait3A_82 : memref<1024xf32, #tpu.memory_space<hbm>>) dst(%arg49 : memref<1024xf32, #tpu.memory_space<vmem>>)
    %dma_wait3A_83 = arith.constant 2 : i32
    %dma_wait3A_84 = tpu.memref_slice %arg3[%arg0, %dma_wait3A_83, %add3A_63] : memref<2x4x262144xi32, #tpu.memory_space<hbm>> -> memref<1x1x1024xi32, #tpu.memory_space<hbm>>
    %dma_wait3A_85 = tpu.memref_squeeze %dma_wait3A_84 : memref<1x1x1024xi32, #tpu.memory_space<hbm>> -> memref<1024xi32, #tpu.memory_space<hbm>>
    %dma_wait3A_86 = tpu.memref_slice %arg3[%arg0, %dma_wait3A_83, %add3A_63] : memref<2x4x262144xi32, #tpu.memory_space<hbm>> -> memref<1x1x1024xi32, #tpu.memory_space<hbm>>
    %dma_wait3A_87 = tpu.memref_squeeze %dma_wait3A_86 : memref<1x1x1024xi32, #tpu.memory_space<hbm>> -> memref<1024xi32, #tpu.memory_space<hbm>>
    tpu.wait_dma2 semaphore(%arg24 : memref<!tpu.dma_semaphore, #tpu.memory_space<semaphore_mem>>) src(%dma_wait3A_87 : memref<1024xi32, #tpu.memory_space<hbm>>) dst(%arg11 : memref<1024xi32, #tpu.memory_space<vmem>>)
    %dma_wait3A_88 = arith.constant 2 : i32
    %dma_wait3A_89 = tpu.memref_slice %arg4[%arg0, %dma_wait3A_88, %add3A_63] : memref<2x4x262144xf32, #tpu.memory_space<hbm>> -> memref<1x1x1024xf32, #tpu.memory_space<hbm>>
    %dma_wait3A_90 = tpu.memref_squeeze %dma_wait3A_89 : memref<1x1x1024xf32, #tpu.memory_space<hbm>> -> memref<1024xf32, #tpu.memory_space<hbm>>
    %dma_wait3A_91 = tpu.memref_slice %arg4[%arg0, %dma_wait3A_88, %add3A_63] : memref<2x4x262144xf32, #tpu.memory_space<hbm>> -> memref<1x1x1024xf32, #tpu.memory_space<hbm>>
    %dma_wait3A_92 = tpu.memref_squeeze %dma_wait3A_91 : memref<1x1x1024xf32, #tpu.memory_space<hbm>> -> memref<1024xf32, #tpu.memory_space<hbm>>
    tpu.wait_dma2 semaphore(%arg24 : memref<!tpu.dma_semaphore, #tpu.memory_space<semaphore_mem>>) src(%dma_wait3A_92 : memref<1024xf32, #tpu.memory_space<hbm>>) dst(%arg51 : memref<1024xf32, #tpu.memory_space<vmem>>)
    %dma_wait3A_93 = arith.constant 3 : i32
    %dma_wait3A_94 = tpu.memref_slice %arg3[%arg0, %dma_wait3A_93, %add3A_63] : memref<2x4x262144xi32, #tpu.memory_space<hbm>> -> memref<1x1x1024xi32, #tpu.memory_space<hbm>>
    %dma_wait3A_95 = tpu.memref_squeeze %dma_wait3A_94 : memref<1x1x1024xi32, #tpu.memory_space<hbm>> -> memref<1024xi32, #tpu.memory_space<hbm>>
    %dma_wait3A_96 = tpu.memref_slice %arg3[%arg0, %dma_wait3A_93, %add3A_63] : memref<2x4x262144xi32, #tpu.memory_space<hbm>> -> memref<1x1x1024xi32, #tpu.memory_space<hbm>>
    %dma_wait3A_97 = tpu.memref_squeeze %dma_wait3A_96 : memref<1x1x1024xi32, #tpu.memory_space<hbm>> -> memref<1024xi32, #tpu.memory_space<hbm>>
    tpu.wait_dma2 semaphore(%arg24 : memref<!tpu.dma_semaphore, #tpu.memory_space<semaphore_mem>>) src(%dma_wait3A_97 : memref<1024xi32, #tpu.memory_space<hbm>>) dst(%arg13 : memref<1024xi32, #tpu.memory_space<vmem>>)
    %dma_wait3A_98 = arith.constant 3 : i32
    %dma_wait3A_99 = tpu.memref_slice %arg4[%arg0, %dma_wait3A_98, %add3A_63] : memref<2x4x262144xf32, #tpu.memory_space<hbm>> -> memref<1x1x1024xf32, #tpu.memory_space<hbm>>
    %dma_wait3A_100 = tpu.memref_squeeze %dma_wait3A_99 : memref<1x1x1024xf32, #tpu.memory_space<hbm>> -> memref<1024xf32, #tpu.memory_space<hbm>>
    %dma_wait3A_101 = tpu.memref_slice %arg4[%arg0, %dma_wait3A_98, %add3A_63] : memref<2x4x262144xf32, #tpu.memory_space<hbm>> -> memref<1x1x1024xf32, #tpu.memory_space<hbm>>
    %dma_wait3A_102 = tpu.memref_squeeze %dma_wait3A_101 : memref<1x1x1024xf32, #tpu.memory_space<hbm>> -> memref<1024xf32, #tpu.memory_space<hbm>>
    tpu.wait_dma2 semaphore(%arg24 : memref<!tpu.dma_semaphore, #tpu.memory_space<semaphore_mem>>) src(%dma_wait3A_102 : memref<1024xf32, #tpu.memory_space<hbm>>) dst(%arg53 : memref<1024xf32, #tpu.memory_space<vmem>>)
    %barrier3A_103 = arith.constant 0 : index
    tpu.barrier barrier_id(%barrier3A_103)
    %scan3A_104 = arith.constant 0 : i32
    %scan3A_105 = arith.constant 16 : i32
    %scan3A_106 = arith.addi %scan3A_104, %scan3A_105 : i32
    %scan3A_107 = arith.constant 1 : i32
    scf.for %scan3A_114 = %scan3A_104 to %scan3A_106 step %scan3A_107  : i32 {
      %mul3A_115 = arith.constant 1 : i32
      %mul3A_116 = arith.muli %scan3A_114, %mul3A_115 : i32
      %add3A_117 = arith.constant 0 : i32
      %add3A_118 = arith.addi %add3A_117, %mul3A_116 : i32
      %mul3A_119 = arith.constant 16384 : i32
      %mul3A_120 = arith.muli %arg1, %mul3A_119 : i32
      %mul3A_121 = arith.constant 1024 : i32
      %mul3A_122 = arith.muli %add3A_118, %mul3A_121 : i32
      %add3A_123 = arith.addi %mul3A_120, %mul3A_122 : i32
      "tpu.region"() ({
        %run_scoped3A = tpu.sem_alloc : memref<!tpu.dma_semaphore, #tpu.memory_space<semaphore_mem>>
        %dma_start3A_126 = tpu.memref_slice %arg19[%add3A_123] : memref<262144xf32, #tpu.memory_space<vmem_shared>> -> memref<1024xf32, #tpu.memory_space<vmem_shared>>
        %dma_start3A_127 = tpu.memref_slice %arg19[%add3A_123] : memref<262144xf32, #tpu.memory_space<vmem_shared>> -> memref<1024xf32, #tpu.memory_space<vmem_shared>>
        tpu.enqueue_dma source(%dma_start3A_127 : memref<1024xf32, #tpu.memory_space<vmem_shared>>) target(%arg6 : memref<1024xf32, #tpu.memory_space<vmem>>) target_semaphore(%run_scoped3A : memref<!tpu.dma_semaphore, #tpu.memory_space<semaphore_mem>>)
        %dma_wait3A_128 = tpu.memref_slice %arg19[%add3A_123] : memref<262144xf32, #tpu.memory_space<vmem_shared>> -> memref<1024xf32, #tpu.memory_space<vmem_shared>>
        %dma_wait3A_129 = tpu.memref_slice %arg19[%add3A_123] : memref<262144xf32, #tpu.memory_space<vmem_shared>> -> memref<1024xf32, #tpu.memory_space<vmem_shared>>
        tpu.wait_dma2 semaphore(%run_scoped3A : memref<!tpu.dma_semaphore, #tpu.memory_space<semaphore_mem>>) src(%dma_wait3A_129 : memref<1024xf32, #tpu.memory_space<vmem_shared>>) dst(%arg6 : memref<1024xf32, #tpu.memory_space<vmem>>)
        tpu.yield
      }) : () -> ()
      %parallel_loop3A = arith.constant 0 : i32
      %parallel_loop3A_124 = arith.constant 64 : i32
      %parallel_loop3A_125 = arith.constant 1 : i32
      scf.for %parallel_loop3A_126 = %parallel_loop3A to %parallel_loop3A_124 step %parallel_loop3A_125  : i32 {
        %parallel_loop3A_127 = arith.constant 16 : i32
        %parallel_loop3A_128 = arith.muli %parallel_loop3A_126, %parallel_loop3A_127 : i32
        %parallel_loop3A_129 = arith.index_cast %parallel_loop3A_128 : i32 to index
        %parallel_loop3A_130 = tpu.vector_load %arg6[%parallel_loop3A_129] {strides = array<i32>} : memref<1024xf32, #tpu.memory_space<vmem>>, vector<16xf32>,
        %parallel_loop3A_131 = vector.shape_cast %parallel_loop3A_130 : vector<16xf32> to vector<16xf32>
        %parallel_loop3A_132 = arith.constant 0.000000e+00 : f32
        %parallel_loop3A_133 = vector.broadcast %parallel_loop3A_132 : f32 to vector<16xf32>
        %parallel_loop3A_134 = arith.cmpf oeq, %parallel_loop3A_131, %parallel_loop3A_133 : vector<16xf32>
        %parallel_loop3A_135 = arith.constant 1.000000e+00 : f32
        %parallel_loop3A_136 = vector.broadcast %parallel_loop3A_135 : f32 to vector<16xf32>
        %parallel_loop3A_137 = arith.select %parallel_loop3A_134, %parallel_loop3A_136, %parallel_loop3A_131 : vector<16xi1>, vector<16xf32>
        %parallel_loop3A_138 = arith.constant 1.000000e+00 : f32
        %parallel_loop3A_139 = vector.broadcast %parallel_loop3A_138 : f32 to vector<16xf32>
        %parallel_loop3A_140 = arith.divf %parallel_loop3A_139, %parallel_loop3A_137 : vector<16xf32>
        %parallel_loop3A_141 = arith.constant 1024 : i32
        %parallel_loop3A_142 = arith.muli %add3A_118, %parallel_loop3A_141 : i32
        %parallel_loop3A_143 = arith.constant 16 : i32
        %parallel_loop3A_144 = arith.muli %parallel_loop3A_126, %parallel_loop3A_143 : i32
        %parallel_loop3A_145 = arith.addi %parallel_loop3A_142, %parallel_loop3A_144 : i32
        %parallel_loop3A_146 = arith.index_cast %parallel_loop3A_145 : i32 to index
        %parallel_loop3A_147 = tpu.vector_load %arg23[%parallel_loop3A_146] {strides = array<i32>} : memref<16384xf32, #tpu.memory_space<vmem>>, vector<16xf32>,
        %parallel_loop3A_148 = vector.shape_cast %parallel_loop3A_147 : vector<16xf32> to vector<16xf32>
        %parallel_loop3A_149 = vector.shape_cast %parallel_loop3A_140 : vector<16xf32> to vector<16xf32>
        tpu.vector_store %arg23[%parallel_loop3A_146], %parallel_loop3A_149 {strides = array<i32>} : memref<16384xf32, #tpu.memory_space<vmem>>, vector<16xf32>,
      } {sc.loop_unroll_factor = 4 : i64, sc.parallel_access}
    }
    %scan3A_108 = arith.constant 16 : i32
    %scan3A_109 = arith.constant 0 : i32
    %scan3A_110 = arith.constant 24 : i32
    %scan3A_111 = arith.addi %scan3A_109, %scan3A_110 : i32
    %scan3A_112 = arith.constant 1 : i32
    scf.for %scan3A_114 = %scan3A_109 to %scan3A_111 step %scan3A_112  : i32 {
      %mul3A_115 = arith.constant 1 : i32
      %mul3A_116 = arith.muli %scan3A_114, %mul3A_115 : i32
      %add3A_117 = arith.constant 0 : i32
      %add3A_118 = arith.addi %add3A_117, %mul3A_116 : i32
      %scan3A_119 = arith.constant 0 : i32
      %scan3A_120 = arith.constant 8 : i32
      %scan3A_121 = arith.addi %scan3A_119, %scan3A_120 : i32
      %scan3A_122 = arith.constant 1 : i32
      scf.for %scan3A_325 = %scan3A_119 to %scan3A_121 step %scan3A_122  : i32 {
        %mul3A_326 = arith.constant 1 : i32
        %mul3A_327 = arith.muli %scan3A_325, %mul3A_326 : i32
        %add3A_328 = arith.constant 0 : i32
        %add3A_329 = arith.addi %add3A_328, %mul3A_327 : i32
        %mul3A_330 = arith.constant 16384 : i32
        %mul3A_331 = arith.muli %arg1, %mul3A_330 : i32
        %mul3A_332 = arith.constant 2048 : i32
        %mul3A_333 = arith.muli %add3A_329, %mul3A_332 : i32
        %add3A_334 = arith.addi %mul3A_331, %mul3A_333 : i32
        %dma_start3A_335 = tpu.memref_slice %arg19[%add3A_334] : memref<262144xf32, #tpu.memory_space<vmem_shared>> -> memref<2048xf32, #tpu.memory_space<vmem_shared>>
        %dma_start3A_336 = tpu.memref_slice %arg19[%add3A_334] : memref<262144xf32, #tpu.memory_space<vmem_shared>> -> memref<2048xf32, #tpu.memory_space<vmem_shared>>
        tpu.enqueue_dma source(%arg55 : memref<2048xf32, #tpu.memory_space<vmem>>) target(%dma_start3A_336 : memref<2048xf32, #tpu.memory_space<vmem_shared>>) target_semaphore(%arg28 : memref<!tpu.dma_semaphore, #tpu.memory_space<semaphore_mem>>)
        %mul3A_337 = arith.constant 16384 : i32
        %mul3A_338 = arith.muli %arg1, %mul3A_337 : i32
        %mul3A_339 = arith.constant 2048 : i32
        %mul3A_340 = arith.muli %add3A_329, %mul3A_339 : i32
        %add3A_341 = arith.addi %mul3A_338, %mul3A_340 : i32
        %dma_start3A_342 = tpu.memref_slice %arg20[%add3A_341] : memref<262144xf32, #tpu.memory_space<vmem_shared>> -> memref<2048xf32, #tpu.memory_space<vmem_shared>>
        %dma_start3A_343 = tpu.memref_slice %arg20[%add3A_341] : memref<262144xf32, #tpu.memory_space<vmem_shared>> -> memref<2048xf32, #tpu.memory_space<vmem_shared>>
        tpu.enqueue_dma source(%arg55 : memref<2048xf32, #tpu.memory_space<vmem>>) target(%dma_start3A_343 : memref<2048xf32, #tpu.memory_space<vmem_shared>>) target_semaphore(%arg28 : memref<!tpu.dma_semaphore, #tpu.memory_space<semaphore_mem>>)
        %mul3A_344 = arith.constant 16384 : i32
        %mul3A_345 = arith.muli %arg1, %mul3A_344 : i32
        %mul3A_346 = arith.constant 2048 : i32
        %mul3A_347 = arith.muli %add3A_329, %mul3A_346 : i32
        %add3A_348 = arith.addi %mul3A_345, %mul3A_347 : i32
        %dma_start3A_349 = tpu.memref_slice %arg21[%add3A_348] : memref<262144xf32, #tpu.memory_space<vmem_shared>> -> memref<2048xf32, #tpu.memory_space<vmem_shared>>
        %dma_start3A_350 = tpu.memref_slice %arg21[%add3A_348] : memref<262144xf32, #tpu.memory_space<vmem_shared>> -> memref<2048xf32, #tpu.memory_space<vmem_shared>>
        tpu.enqueue_dma source(%arg55 : memref<2048xf32, #tpu.memory_space<vmem>>) target(%dma_start3A_350 : memref<2048xf32, #tpu.memory_space<vmem_shared>>) target_semaphore(%arg28 : memref<!tpu.dma_semaphore, #tpu.memory_space<semaphore_mem>>)
        %mul3A_351 = arith.constant 16384 : i32
        %mul3A_352 = arith.muli %arg1, %mul3A_351 : i32
        %mul3A_353 = arith.constant 2048 : i32
        %mul3A_354 = arith.muli %add3A_329, %mul3A_353 : i32
        %add3A_355 = arith.addi %mul3A_352, %mul3A_354 : i32
        %dma_start3A_356 = tpu.memref_slice %arg22[%add3A_355] : memref<262144xf32, #tpu.memory_space<vmem_shared>> -> memref<2048xf32, #tpu.memory_space<vmem_shared>>
        %dma_start3A_357 = tpu.memref_slice %arg22[%add3A_355] : memref<262144xf32, #tpu.memory_space<vmem_shared>> -> memref<2048xf32, #tpu.memory_space<vmem_shared>>
        tpu.enqueue_dma source(%arg55 : memref<2048xf32, #tpu.memory_space<vmem>>) target(%dma_start3A_357 : memref<2048xf32, #tpu.memory_space<vmem_shared>>) target_semaphore(%arg28 : memref<!tpu.dma_semaphore, #tpu.memory_space<semaphore_mem>>)
      }
      %scan3A_123 = arith.constant 8 : i32
      %scan3A_124 = arith.constant 0 : i32
      %scan3A_125 = arith.constant 8 : i32
      %scan3A_126 = arith.addi %scan3A_124, %scan3A_125 : i32
      %scan3A_127 = arith.constant 1 : i32
      scf.for %scan3A_325 = %scan3A_124 to %scan3A_126 step %scan3A_127  : i32 {
        %mul3A_326 = arith.constant 1 : i32
        %mul3A_327 = arith.muli %scan3A_325, %mul3A_326 : i32
        %add3A_328 = arith.constant 0 : i32
        %add3A_329 = arith.addi %add3A_328, %mul3A_327 : i32
        %mul3A_330 = arith.constant 16384 : i32
        %mul3A_331 = arith.muli %arg1, %mul3A_330 : i32
        %mul3A_332 = arith.constant 2048 : i32
        %mul3A_333 = arith.muli %add3A_329, %mul3A_332 : i32
        %add3A_334 = arith.addi %mul3A_331, %mul3A_333 : i32
        %dma_wait3A_335 = tpu.memref_slice %arg19[%add3A_334] : memref<262144xf32, #tpu.memory_space<vmem_shared>> -> memref<2048xf32, #tpu.memory_space<vmem_shared>>
        %dma_wait3A_336 = tpu.memref_slice %arg19[%add3A_334] : memref<262144xf32, #tpu.memory_space<vmem_shared>> -> memref<2048xf32, #tpu.memory_space<vmem_shared>>
        tpu.wait_dma2 semaphore(%arg28 : memref<!tpu.dma_semaphore, #tpu.memory_space<semaphore_mem>>) src(%arg55 : memref<2048xf32, #tpu.memory_space<vmem>>) dst(%dma_wait3A_336 : memref<2048xf32, #tpu.memory_space<vmem_shared>>)
        %mul3A_337 = arith.constant 16384 : i32
        %mul3A_338 = arith.muli %arg1, %mul3A_337 : i32
        %mul3A_339 = arith.constant 2048 : i32
        %mul3A_340 = arith.muli %add3A_329, %mul3A_339 : i32
        %add3A_341 = arith.addi %mul3A_338, %mul3A_340 : i32
        %dma_wait3A_342 = tpu.memref_slice %arg20[%add3A_341] : memref<262144xf32, #tpu.memory_space<vmem_shared>> -> memref<2048xf32, #tpu.memory_space<vmem_shared>>
        %dma_wait3A_343 = tpu.memref_slice %arg20[%add3A_341] : memref<262144xf32, #tpu.memory_space<vmem_shared>> -> memref<2048xf32, #tpu.memory_space<vmem_shared>>
        tpu.wait_dma2 semaphore(%arg28 : memref<!tpu.dma_semaphore, #tpu.memory_space<semaphore_mem>>) src(%arg55 : memref<2048xf32, #tpu.memory_space<vmem>>) dst(%dma_wait3A_343 : memref<2048xf32, #tpu.memory_space<vmem_shared>>)
        %mul3A_344 = arith.constant 16384 : i32
        %mul3A_345 = arith.muli %arg1, %mul3A_344 : i32
        %mul3A_346 = arith.constant 2048 : i32
        %mul3A_347 = arith.muli %add3A_329, %mul3A_346 : i32
        %add3A_348 = arith.addi %mul3A_345, %mul3A_347 : i32
        %dma_wait3A_349 = tpu.memref_slice %arg21[%add3A_348] : memref<262144xf32, #tpu.memory_space<vmem_shared>> -> memref<2048xf32, #tpu.memory_space<vmem_shared>>
        %dma_wait3A_350 = tpu.memref_slice %arg21[%add3A_348] : memref<262144xf32, #tpu.memory_space<vmem_shared>> -> memref<2048xf32, #tpu.memory_space<vmem_shared>>
        tpu.wait_dma2 semaphore(%arg28 : memref<!tpu.dma_semaphore, #tpu.memory_space<semaphore_mem>>) src(%arg55 : memref<2048xf32, #tpu.memory_space<vmem>>) dst(%dma_wait3A_350 : memref<2048xf32, #tpu.memory_space<vmem_shared>>)
        %mul3A_351 = arith.constant 16384 : i32
        %mul3A_352 = arith.muli %arg1, %mul3A_351 : i32
        %mul3A_353 = arith.constant 2048 : i32
        %mul3A_354 = arith.muli %add3A_329, %mul3A_353 : i32
        %add3A_355 = arith.addi %mul3A_352, %mul3A_354 : i32
        %dma_wait3A_356 = tpu.memref_slice %arg22[%add3A_355] : memref<262144xf32, #tpu.memory_space<vmem_shared>> -> memref<2048xf32, #tpu.memory_space<vmem_shared>>
        %dma_wait3A_357 = tpu.memref_slice %arg22[%add3A_355] : memref<262144xf32, #tpu.memory_space<vmem_shared>> -> memref<2048xf32, #tpu.memory_space<vmem_shared>>
        tpu.wait_dma2 semaphore(%arg28 : memref<!tpu.dma_semaphore, #tpu.memory_space<semaphore_mem>>) src(%arg55 : memref<2048xf32, #tpu.memory_space<vmem>>) dst(%dma_wait3A_357 : memref<2048xf32, #tpu.memory_space<vmem_shared>>)
      }
      %scan3A_128 = arith.constant 8 : i32
      %barrier3A_129 = arith.constant 0 : index
      tpu.barrier barrier_id(%barrier3A_129)
      %mul3A_130 = arith.constant 16384 : i32
      %mul3A_131 = arith.muli %arg1, %mul3A_130 : i32
      %add3A_132 = arith.constant 0 : i32
      %add3A_133 = arith.addi %mul3A_131, %add3A_132 : i32
      %dma_start3A_134 = arith.constant 0 : i32
      %dma_start3A_135 = tpu.memref_slice %arg3[%arg0, %dma_start3A_134, %add3A_133] : memref<2x4x262144xi32, #tpu.memory_space<hbm>> -> memref<1x1x1024xi32, #tpu.memory_space<hbm>>
      %dma_start3A_136 = tpu.memref_squeeze %dma_start3A_135 : memref<1x1x1024xi32, #tpu.memory_space<hbm>> -> memref<1024xi32, #tpu.memory_space<hbm>>
      %dma_start3A_137 = tpu.memref_slice %arg3[%arg0, %dma_start3A_134, %add3A_133] : memref<2x4x262144xi32, #tpu.memory_space<hbm>> -> memref<1x1x1024xi32, #tpu.memory_space<hbm>>
      %dma_start3A_138 = tpu.memref_squeeze %dma_start3A_137 : memref<1x1x1024xi32, #tpu.memory_space<hbm>> -> memref<1024xi32, #tpu.memory_space<hbm>>
      tpu.enqueue_dma source(%dma_start3A_138 : memref<1024xi32, #tpu.memory_space<hbm>>) target(%arg7 : memref<1024xi32, #tpu.memory_space<vmem>>) target_semaphore(%arg24 : memref<!tpu.dma_semaphore, #tpu.memory_space<semaphore_mem>>)
      %dma_start3A_139 = arith.constant 0 : i32
      %dma_start3A_140 = tpu.memref_slice %arg4[%arg0, %dma_start3A_139, %add3A_133] : memref<2x4x262144xf32, #tpu.memory_space<hbm>> -> memref<1x1x1024xf32, #tpu.memory_space<hbm>>
      %dma_start3A_141 = tpu.memref_squeeze %dma_start3A_140 : memref<1x1x1024xf32, #tpu.memory_space<hbm>> -> memref<1024xf32, #tpu.memory_space<hbm>>
      %dma_start3A_142 = tpu.memref_slice %arg4[%arg0, %dma_start3A_139, %add3A_133] : memref<2x4x262144xf32, #tpu.memory_space<hbm>> -> memref<1x1x1024xf32, #tpu.memory_space<hbm>>
      %dma_start3A_143 = tpu.memref_squeeze %dma_start3A_142 : memref<1x1x1024xf32, #tpu.memory_space<hbm>> -> memref<1024xf32, #tpu.memory_space<hbm>>
      tpu.enqueue_dma source(%dma_start3A_143 : memref<1024xf32, #tpu.memory_space<hbm>>) target(%arg47 : memref<1024xf32, #tpu.memory_space<vmem>>) target_semaphore(%arg24 : memref<!tpu.dma_semaphore, #tpu.memory_space<semaphore_mem>>)
      %dma_start3A_144 = arith.constant 1 : i32
      %dma_start3A_145 = tpu.memref_slice %arg3[%arg0, %dma_start3A_144, %add3A_133] : memref<2x4x262144xi32, #tpu.memory_space<hbm>> -> memref<1x1x1024xi32, #tpu.memory_space<hbm>>
      %dma_start3A_146 = tpu.memref_squeeze %dma_start3A_145 : memref<1x1x1024xi32, #tpu.memory_space<hbm>> -> memref<1024xi32, #tpu.memory_space<hbm>>
      %dma_start3A_147 = tpu.memref_slice %arg3[%arg0, %dma_start3A_144, %add3A_133] : memref<2x4x262144xi32, #tpu.memory_space<hbm>> -> memref<1x1x1024xi32, #tpu.memory_space<hbm>>
      %dma_start3A_148 = tpu.memref_squeeze %dma_start3A_147 : memref<1x1x1024xi32, #tpu.memory_space<hbm>> -> memref<1024xi32, #tpu.memory_space<hbm>>
      tpu.enqueue_dma source(%dma_start3A_148 : memref<1024xi32, #tpu.memory_space<hbm>>) target(%arg9 : memref<1024xi32, #tpu.memory_space<vmem>>) target_semaphore(%arg24 : memref<!tpu.dma_semaphore, #tpu.memory_space<semaphore_mem>>)
      %dma_start3A_149 = arith.constant 1 : i32
      %dma_start3A_150 = tpu.memref_slice %arg4[%arg0, %dma_start3A_149, %add3A_133] : memref<2x4x262144xf32, #tpu.memory_space<hbm>> -> memref<1x1x1024xf32, #tpu.memory_space<hbm>>
      %dma_start3A_151 = tpu.memref_squeeze %dma_start3A_150 : memref<1x1x1024xf32, #tpu.memory_space<hbm>> -> memref<1024xf32, #tpu.memory_space<hbm>>
      %dma_start3A_152 = tpu.memref_slice %arg4[%arg0, %dma_start3A_149, %add3A_133] : memref<2x4x262144xf32, #tpu.memory_space<hbm>> -> memref<1x1x1024xf32, #tpu.memory_space<hbm>>
      %dma_start3A_153 = tpu.memref_squeeze %dma_start3A_152 : memref<1x1x1024xf32, #tpu.memory_space<hbm>> -> memref<1024xf32, #tpu.memory_space<hbm>>
      tpu.enqueue_dma source(%dma_start3A_153 : memref<1024xf32, #tpu.memory_space<hbm>>) target(%arg49 : memref<1024xf32, #tpu.memory_space<vmem>>) target_semaphore(%arg24 : memref<!tpu.dma_semaphore, #tpu.memory_space<semaphore_mem>>)
      %dma_start3A_154 = arith.constant 2 : i32
      %dma_start3A_155 = tpu.memref_slice %arg3[%arg0, %dma_start3A_154, %add3A_133] : memref<2x4x262144xi32, #tpu.memory_space<hbm>> -> memref<1x1x1024xi32, #tpu.memory_space<hbm>>
      %dma_start3A_156 = tpu.memref_squeeze %dma_start3A_155 : memref<1x1x1024xi32, #tpu.memory_space<hbm>> -> memref<1024xi32, #tpu.memory_space<hbm>>
      %dma_start3A_157 = tpu.memref_slice %arg3[%arg0, %dma_start3A_154, %add3A_133] : memref<2x4x262144xi32, #tpu.memory_space<hbm>> -> memref<1x1x1024xi32, #tpu.memory_space<hbm>>
      %dma_start3A_158 = tpu.memref_squeeze %dma_start3A_157 : memref<1x1x1024xi32, #tpu.memory_space<hbm>> -> memref<1024xi32, #tpu.memory_space<hbm>>
      tpu.enqueue_dma source(%dma_start3A_158 : memref<1024xi32, #tpu.memory_space<hbm>>) target(%arg11 : memref<1024xi32, #tpu.memory_space<vmem>>) target_semaphore(%arg24 : memref<!tpu.dma_semaphore, #tpu.memory_space<semaphore_mem>>)
      %dma_start3A_159 = arith.constant 2 : i32
      %dma_start3A_160 = tpu.memref_slice %arg4[%arg0, %dma_start3A_159, %add3A_133] : memref<2x4x262144xf32, #tpu.memory_space<hbm>> -> memref<1x1x1024xf32, #tpu.memory_space<hbm>>
      %dma_start3A_161 = tpu.memref_squeeze %dma_start3A_160 : memref<1x1x1024xf32, #tpu.memory_space<hbm>> -> memref<1024xf32, #tpu.memory_space<hbm>>
      %dma_start3A_162 = tpu.memref_slice %arg4[%arg0, %dma_start3A_159, %add3A_133] : memref<2x4x262144xf32, #tpu.memory_space<hbm>> -> memref<1x1x1024xf32, #tpu.memory_space<hbm>>
      %dma_start3A_163 = tpu.memref_squeeze %dma_start3A_162 : memref<1x1x1024xf32, #tpu.memory_space<hbm>> -> memref<1024xf32, #tpu.memory_space<hbm>>
      tpu.enqueue_dma source(%dma_start3A_163 : memref<1024xf32, #tpu.memory_space<hbm>>) target(%arg51 : memref<1024xf32, #tpu.memory_space<vmem>>) target_semaphore(%arg24 : memref<!tpu.dma_semaphore, #tpu.memory_space<semaphore_mem>>)
      %dma_start3A_164 = arith.constant 3 : i32
      %dma_start3A_165 = tpu.memref_slice %arg3[%arg0, %dma_start3A_164, %add3A_133] : memref<2x4x262144xi32, #tpu.memory_space<hbm>> -> memref<1x1x1024xi32, #tpu.memory_space<hbm>>
      %dma_start3A_166 = tpu.memref_squeeze %dma_start3A_165 : memref<1x1x1024xi32, #tpu.memory_space<hbm>> -> memref<1024xi32, #tpu.memory_space<hbm>>
      %dma_start3A_167 = tpu.memref_slice %arg3[%arg0, %dma_start3A_164, %add3A_133] : memref<2x4x262144xi32, #tpu.memory_space<hbm>> -> memref<1x1x1024xi32, #tpu.memory_space<hbm>>
      %dma_start3A_168 = tpu.memref_squeeze %dma_start3A_167 : memref<1x1x1024xi32, #tpu.memory_space<hbm>> -> memref<1024xi32, #tpu.memory_space<hbm>>
      tpu.enqueue_dma source(%dma_start3A_168 : memref<1024xi32, #tpu.memory_space<hbm>>) target(%arg13 : memref<1024xi32, #tpu.memory_space<vmem>>) target_semaphore(%arg24 : memref<!tpu.dma_semaphore, #tpu.memory_space<semaphore_mem>>)
      %dma_start3A_169 = arith.constant 3 : i32
      %dma_start3A_170 = tpu.memref_slice %arg4[%arg0, %dma_start3A_169, %add3A_133] : memref<2x4x262144xf32, #tpu.memory_space<hbm>> -> memref<1x1x1024xf32, #tpu.memory_space<hbm>>
      %dma_start3A_171 = tpu.memref_squeeze %dma_start3A_170 : memref<1x1x1024xf32, #tpu.memory_space<hbm>> -> memref<1024xf32, #tpu.memory_space<hbm>>
      %dma_start3A_172 = tpu.memref_slice %arg4[%arg0, %dma_start3A_169, %add3A_133] : memref<2x4x262144xf32, #tpu.memory_space<hbm>> -> memref<1x1x1024xf32, #tpu.memory_space<hbm>>
      %dma_start3A_173 = tpu.memref_squeeze %dma_start3A_172 : memref<1x1x1024xf32, #tpu.memory_space<hbm>> -> memref<1024xf32, #tpu.memory_space<hbm>>
      tpu.enqueue_dma source(%dma_start3A_173 : memref<1024xf32, #tpu.memory_space<hbm>>) target(%arg53 : memref<1024xf32, #tpu.memory_space<vmem>>) target_semaphore(%arg24 : memref<!tpu.dma_semaphore, #tpu.memory_space<semaphore_mem>>)
      %mul3A_174 = arith.constant 4 : i32
      %mul3A_175 = arith.muli %add3A_118, %mul3A_174 : i32
      %add3A_176 = arith.constant 0 : i32
      %add3A_177 = arith.addi %mul3A_175, %add3A_176 : i32
      %dma_start3A_178 = arith.constant 0 : i32
      %dma_start3A_179 = tpu.memref_slice %arg45[%dma_start3A_178] : memref<4096xf32, #tpu.memory_space<vmem>> -> memref<1024xf32, #tpu.memory_space<vmem>>
      %dma_start3A_180 = tpu.memref_slice %arg2[%arg0, %add3A_177, %add3A_133] : memref<2x96x262144xf32, #tpu.memory_space<hbm>> -> memref<1x1x1024xf32, #tpu.memory_space<hbm>>
      %dma_start3A_181 = tpu.memref_squeeze %dma_start3A_180 : memref<1x1x1024xf32, #tpu.memory_space<hbm>> -> memref<1024xf32, #tpu.memory_space<hbm>>
      %dma_start3A_182 = arith.constant 0 : i32
      %dma_start3A_183 = tpu.memref_slice %arg45[%dma_start3A_182] : memref<4096xf32, #tpu.memory_space<vmem>> -> memref<1024xf32, #tpu.memory_space<vmem>>
      %dma_start3A_184 = tpu.memref_slice %arg2[%arg0, %add3A_177, %add3A_133] : memref<2x96x262144xf32, #tpu.memory_space<hbm>> -> memref<1x1x1024xf32, #tpu.memory_space<hbm>>
      %dma_start3A_185 = tpu.memref_squeeze %dma_start3A_184 : memref<1x1x1024xf32, #tpu.memory_space<hbm>> -> memref<1024xf32, #tpu.memory_space<hbm>>
      tpu.enqueue_dma source(%dma_start3A_185 : memref<1024xf32, #tpu.memory_space<hbm>>) target(%dma_start3A_183 : memref<1024xf32, #tpu.memory_space<vmem>>) target_semaphore(%arg24 : memref<!tpu.dma_semaphore, #tpu.memory_space<semaphore_mem>>)
      %mul3A_186 = arith.constant 4 : i32
      %mul3A_187 = arith.muli %add3A_118, %mul3A_186 : i32
      %add3A_188 = arith.constant 1 : i32
      %add3A_189 = arith.addi %mul3A_187, %add3A_188 : i32
      %dma_start3A_190 = arith.constant 1024 : i32
      %dma_start3A_191 = tpu.memref_slice %arg45[%dma_start3A_190] : memref<4096xf32, #tpu.memory_space<vmem>> -> memref<1024xf32, #tpu.memory_space<vmem>>
      %dma_start3A_192 = tpu.memref_slice %arg2[%arg0, %add3A_189, %add3A_133] : memref<2x96x262144xf32, #tpu.memory_space<hbm>> -> memref<1x1x1024xf32, #tpu.memory_space<hbm>>
      %dma_start3A_193 = tpu.memref_squeeze %dma_start3A_192 : memref<1x1x1024xf32, #tpu.memory_space<hbm>> -> memref<1024xf32, #tpu.memory_space<hbm>>
      %dma_start3A_194 = arith.constant 1024 : i32
      %dma_start3A_195 = tpu.memref_slice %arg45[%dma_start3A_194] : memref<4096xf32, #tpu.memory_space<vmem>> -> memref<1024xf32, #tpu.memory_space<vmem>>
      %dma_start3A_196 = tpu.memref_slice %arg2[%arg0, %add3A_189, %add3A_133] : memref<2x96x262144xf32, #tpu.memory_space<hbm>> -> memref<1x1x1024xf32, #tpu.memory_space<hbm>>
      %dma_start3A_197 = tpu.memref_squeeze %dma_start3A_196 : memref<1x1x1024xf32, #tpu.memory_space<hbm>> -> memref<1024xf32, #tpu.memory_space<hbm>>
      tpu.enqueue_dma source(%dma_start3A_197 : memref<1024xf32, #tpu.memory_space<hbm>>) target(%dma_start3A_195 : memref<1024xf32, #tpu.memory_space<vmem>>) target_semaphore(%arg24 : memref<!tpu.dma_semaphore, #tpu.memory_space<semaphore_mem>>)
      %mul3A_198 = arith.constant 4 : i32
      %mul3A_199 = arith.muli %add3A_118, %mul3A_198 : i32
      %add3A_200 = arith.constant 2 : i32
      %add3A_201 = arith.addi %mul3A_199, %add3A_200 : i32
      %dma_start3A_202 = arith.constant 2048 : i32
      %dma_start3A_203 = tpu.memref_slice %arg45[%dma_start3A_202] : memref<4096xf32, #tpu.memory_space<vmem>> -> memref<1024xf32, #tpu.memory_space<vmem>>
      %dma_start3A_204 = tpu.memref_slice %arg2[%arg0, %add3A_201, %add3A_133] : memref<2x96x262144xf32, #tpu.memory_space<hbm>> -> memref<1x1x1024xf32, #tpu.memory_space<hbm>>
      %dma_start3A_205 = tpu.memref_squeeze %dma_start3A_204 : memref<1x1x1024xf32, #tpu.memory_space<hbm>> -> memref<1024xf32, #tpu.memory_space<hbm>>
      %dma_start3A_206 = arith.constant 2048 : i32
      %dma_start3A_207 = tpu.memref_slice %arg45[%dma_start3A_206] : memref<4096xf32, #tpu.memory_space<vmem>> -> memref<1024xf32, #tpu.memory_space<vmem>>
      %dma_start3A_208 = tpu.memref_slice %arg2[%arg0, %add3A_201, %add3A_133] : memref<2x96x262144xf32, #tpu.memory_space<hbm>> -> memref<1x1x1024xf32, #tpu.memory_space<hbm>>
      %dma_start3A_209 = tpu.memref_squeeze %dma_start3A_208 : memref<1x1x1024xf32, #tpu.memory_space<hbm>> -> memref<1024xf32, #tpu.memory_space<hbm>>
      tpu.enqueue_dma source(%dma_start3A_209 : memref<1024xf32, #tpu.memory_space<hbm>>) target(%dma_start3A_207 : memref<1024xf32, #tpu.memory_space<vmem>>) target_semaphore(%arg24 : memref<!tpu.dma_semaphore, #tpu.memory_space<semaphore_mem>>)
      %mul3A_210 = arith.constant 4 : i32
      %mul3A_211 = arith.muli %add3A_118, %mul3A_210 : i32
      %add3A_212 = arith.constant 3 : i32
      %add3A_213 = arith.addi %mul3A_211, %add3A_212 : i32
      %dma_start3A_214 = arith.constant 3072 : i32
      %dma_start3A_215 = tpu.memref_slice %arg45[%dma_start3A_214] : memref<4096xf32, #tpu.memory_space<vmem>> -> memref<1024xf32, #tpu.memory_space<vmem>>
      %dma_start3A_216 = tpu.memref_slice %arg2[%arg0, %add3A_213, %add3A_133] : memref<2x96x262144xf32, #tpu.memory_space<hbm>> -> memref<1x1x1024xf32, #tpu.memory_space<hbm>>
      %dma_start3A_217 = tpu.memref_squeeze %dma_start3A_216 : memref<1x1x1024xf32, #tpu.memory_space<hbm>> -> memref<1024xf32, #tpu.memory_space<hbm>>
      %dma_start3A_218 = arith.constant 3072 : i32
      %dma_start3A_219 = tpu.memref_slice %arg45[%dma_start3A_218] : memref<4096xf32, #tpu.memory_space<vmem>> -> memref<1024xf32, #tpu.memory_space<vmem>>
      %dma_start3A_220 = tpu.memref_slice %arg2[%arg0, %add3A_213, %add3A_133] : memref<2x96x262144xf32, #tpu.memory_space<hbm>> -> memref<1x1x1024xf32, #tpu.memory_space<hbm>>
      %dma_start3A_221 = tpu.memref_squeeze %dma_start3A_220 : memref<1x1x1024xf32, #tpu.memory_space<hbm>> -> memref<1024xf32, #tpu.memory_space<hbm>>
      tpu.enqueue_dma source(%dma_start3A_221 : memref<1024xf32, #tpu.memory_space<hbm>>) target(%dma_start3A_219 : memref<1024xf32, #tpu.memory_space<vmem>>) target_semaphore(%arg24 : memref<!tpu.dma_semaphore, #tpu.memory_space<semaphore_mem>>)
      %scan3A_222 = arith.constant 0 : i32
      %scan3A_223 = arith.constant 8 : i32
      %scan3A_224 = arith.addi %scan3A_222, %scan3A_223 : i32
      %scan3A_225 = arith.constant 1 : i32
      scf.for %scan3A_325 = %scan3A_222 to %scan3A_224 step %scan3A_225  : i32 {
        %mul3A_326 = arith.constant 1 : i32
        %mul3A_327 = arith.muli %scan3A_325, %mul3A_326 : i32
        %add3A_328 = arith.constant 0 : i32
        %add3A_329 = arith.addi %add3A_328, %mul3A_327 : i32
        %mul3A_330 = arith.constant 2 : i32
        %mul3A_331 = arith.muli %mul3A_330, %add3A_329 : i32
        %mul3A_332 = arith.constant 2 : i32
        %mul3A_333 = arith.muli %mul3A_332, %add3A_329 : i32
        %add3A_334 = arith.constant 1 : i32
        %add3A_335 = arith.addi %mul3A_333, %add3A_334 : i32
        %add3A_336 = arith.constant 1 : i32
        %add3A_337 = arith.addi %add3A_335, %add3A_336 : i32
        %min3A = arith.constant 15 : i32
        %min3A_338 = arith.minsi %add3A_337, %min3A : i32
        %mul3A_339 = arith.constant 16384 : i32
        %mul3A_340 = arith.muli %arg1, %mul3A_339 : i32
        %mul3A_341 = arith.constant 1024 : i32
        %mul3A_342 = arith.muli %add3A_335, %mul3A_341 : i32
        %add3A_343 = arith.addi %mul3A_340, %mul3A_342 : i32
        %dma_start3A_344 = arith.constant 0 : i32
        %dma_start3A_345 = tpu.memref_slice %arg3[%arg0, %dma_start3A_344, %add3A_343] : memref<2x4x262144xi32, #tpu.memory_space<hbm>> -> memref<1x1x1024xi32, #tpu.memory_space<hbm>>
        %dma_start3A_346 = tpu.memref_squeeze %dma_start3A_345 : memref<1x1x1024xi32, #tpu.memory_space<hbm>> -> memref<1024xi32, #tpu.memory_space<hbm>>
        %dma_start3A_347 = tpu.memref_slice %arg3[%arg0, %dma_start3A_344, %add3A_343] : memref<2x4x262144xi32, #tpu.memory_space<hbm>> -> memref<1x1x1024xi32, #tpu.memory_space<hbm>>
        %dma_start3A_348 = tpu.memref_squeeze %dma_start3A_347 : memref<1x1x1024xi32, #tpu.memory_space<hbm>> -> memref<1024xi32, #tpu.memory_space<hbm>>
        tpu.enqueue_dma source(%dma_start3A_348 : memref<1024xi32, #tpu.memory_space<hbm>>) target(%arg8 : memref<1024xi32, #tpu.memory_space<vmem>>) target_semaphore(%arg25 : memref<!tpu.dma_semaphore, #tpu.memory_space<semaphore_mem>>)
        %dma_start3A_349 = arith.constant 0 : i32
        %dma_start3A_350 = tpu.memref_slice %arg4[%arg0, %dma_start3A_349, %add3A_343] : memref<2x4x262144xf32, #tpu.memory_space<hbm>> -> memref<1x1x1024xf32, #tpu.memory_space<hbm>>
        %dma_start3A_351 = tpu.memref_squeeze %dma_start3A_350 : memref<1x1x1024xf32, #tpu.memory_space<hbm>> -> memref<1024xf32, #tpu.memory_space<hbm>>
        %dma_start3A_352 = tpu.memref_slice %arg4[%arg0, %dma_start3A_349, %add3A_343] : memref<2x4x262144xf32, #tpu.memory_space<hbm>> -> memref<1x1x1024xf32, #tpu.memory_space<hbm>>
        %dma_start3A_353 = tpu.memref_squeeze %dma_start3A_352 : memref<1x1x1024xf32, #tpu.memory_space<hbm>> -> memref<1024xf32, #tpu.memory_space<hbm>>
        tpu.enqueue_dma source(%dma_start3A_353 : memref<1024xf32, #tpu.memory_space<hbm>>) target(%arg48 : memref<1024xf32, #tpu.memory_space<vmem>>) target_semaphore(%arg25 : memref<!tpu.dma_semaphore, #tpu.memory_space<semaphore_mem>>)
        %dma_start3A_354 = arith.constant 1 : i32
        %dma_start3A_355 = tpu.memref_slice %arg3[%arg0, %dma_start3A_354, %add3A_343] : memref<2x4x262144xi32, #tpu.memory_space<hbm>> -> memref<1x1x1024xi32, #tpu.memory_space<hbm>>
        %dma_start3A_356 = tpu.memref_squeeze %dma_start3A_355 : memref<1x1x1024xi32, #tpu.memory_space<hbm>> -> memref<1024xi32, #tpu.memory_space<hbm>>
        %dma_start3A_357 = tpu.memref_slice %arg3[%arg0, %dma_start3A_354, %add3A_343] : memref<2x4x262144xi32, #tpu.memory_space<hbm>> -> memref<1x1x1024xi32, #tpu.memory_space<hbm>>
        %dma_start3A_358 = tpu.memref_squeeze %dma_start3A_357 : memref<1x1x1024xi32, #tpu.memory_space<hbm>> -> memref<1024xi32, #tpu.memory_space<hbm>>
        tpu.enqueue_dma source(%dma_start3A_358 : memref<1024xi32, #tpu.memory_space<hbm>>) target(%arg10 : memref<1024xi32, #tpu.memory_space<vmem>>) target_semaphore(%arg25 : memref<!tpu.dma_semaphore, #tpu.memory_space<semaphore_mem>>)
        %dma_start3A_359 = arith.constant 1 : i32
        %dma_start3A_360 = tpu.memref_slice %arg4[%arg0, %dma_start3A_359, %add3A_343] : memref<2x4x262144xf32, #tpu.memory_space<hbm>> -> memref<1x1x1024xf32, #tpu.memory_space<hbm>>
        %dma_start3A_361 = tpu.memref_squeeze %dma_start3A_360 : memref<1x1x1024xf32, #tpu.memory_space<hbm>> -> memref<1024xf32, #tpu.memory_space<hbm>>
        %dma_start3A_362 = tpu.memref_slice %arg4[%arg0, %dma_start3A_359, %add3A_343] : memref<2x4x262144xf32, #tpu.memory_space<hbm>> -> memref<1x1x1024xf32, #tpu.memory_space<hbm>>
        %dma_start3A_363 = tpu.memref_squeeze %dma_start3A_362 : memref<1x1x1024xf32, #tpu.memory_space<hbm>> -> memref<1024xf32, #tpu.memory_space<hbm>>
        tpu.enqueue_dma source(%dma_start3A_363 : memref<1024xf32, #tpu.memory_space<hbm>>) target(%arg50 : memref<1024xf32, #tpu.memory_space<vmem>>) target_semaphore(%arg25 : memref<!tpu.dma_semaphore, #tpu.memory_space<semaphore_mem>>)
        %dma_start3A_364 = arith.constant 2 : i32
        %dma_start3A_365 = tpu.memref_slice %arg3[%arg0, %dma_start3A_364, %add3A_343] : memref<2x4x262144xi32, #tpu.memory_space<hbm>> -> memref<1x1x1024xi32, #tpu.memory_space<hbm>>
        %dma_start3A_366 = tpu.memref_squeeze %dma_start3A_365 : memref<1x1x1024xi32, #tpu.memory_space<hbm>> -> memref<1024xi32, #tpu.memory_space<hbm>>
        %dma_start3A_367 = tpu.memref_slice %arg3[%arg0, %dma_start3A_364, %add3A_343] : memref<2x4x262144xi32, #tpu.memory_space<hbm>> -> memref<1x1x1024xi32, #tpu.memory_space<hbm>>
        %dma_start3A_368 = tpu.memref_squeeze %dma_start3A_367 : memref<1x1x1024xi32, #tpu.memory_space<hbm>> -> memref<1024xi32, #tpu.memory_space<hbm>>
        tpu.enqueue_dma source(%dma_start3A_368 : memref<1024xi32, #tpu.memory_space<hbm>>) target(%arg12 : memref<1024xi32, #tpu.memory_space<vmem>>) target_semaphore(%arg25 : memref<!tpu.dma_semaphore, #tpu.memory_space<semaphore_mem>>)
        %dma_start3A_369 = arith.constant 2 : i32
        %dma_start3A_370 = tpu.memref_slice %arg4[%arg0, %dma_start3A_369, %add3A_343] : memref<2x4x262144xf32, #tpu.memory_space<hbm>> -> memref<1x1x1024xf32, #tpu.memory_space<hbm>>
        %dma_start3A_371 = tpu.memref_squeeze %dma_start3A_370 : memref<1x1x1024xf32, #tpu.memory_space<hbm>> -> memref<1024xf32, #tpu.memory_space<hbm>>
        %dma_start3A_372 = tpu.memref_slice %arg4[%arg0, %dma_start3A_369, %add3A_343] : memref<2x4x262144xf32, #tpu.memory_space<hbm>> -> memref<1x1x1024xf32, #tpu.memory_space<hbm>>
        %dma_start3A_373 = tpu.memref_squeeze %dma_start3A_372 : memref<1x1x1024xf32, #tpu.memory_space<hbm>> -> memref<1024xf32, #tpu.memory_space<hbm>>
        tpu.enqueue_dma source(%dma_start3A_373 : memref<1024xf32, #tpu.memory_space<hbm>>) target(%arg52 : memref<1024xf32, #tpu.memory_space<vmem>>) target_semaphore(%arg25 : memref<!tpu.dma_semaphore, #tpu.memory_space<semaphore_mem>>)
        %dma_start3A_374 = arith.constant 3 : i32
        %dma_start3A_375 = tpu.memref_slice %arg3[%arg0, %dma_start3A_374, %add3A_343] : memref<2x4x262144xi32, #tpu.memory_space<hbm>> -> memref<1x1x1024xi32, #tpu.memory_space<hbm>>
        %dma_start3A_376 = tpu.memref_squeeze %dma_start3A_375 : memref<1x1x1024xi32, #tpu.memory_space<hbm>> -> memref<1024xi32, #tpu.memory_space<hbm>>
        %dma_start3A_377 = tpu.memref_slice %arg3[%arg0, %dma_start3A_374, %add3A_343] : memref<2x4x262144xi32, #tpu.memory_space<hbm>> -> memref<1x1x1024xi32, #tpu.memory_space<hbm>>
        %dma_start3A_378 = tpu.memref_squeeze %dma_start3A_377 : memref<1x1x1024xi32, #tpu.memory_space<hbm>> -> memref<1024xi32, #tpu.memory_space<hbm>>
        tpu.enqueue_dma source(%dma_start3A_378 : memref<1024xi32, #tpu.memory_space<hbm>>) target(%arg14 : memref<1024xi32, #tpu.memory_space<vmem>>) target_semaphore(%arg25 : memref<!tpu.dma_semaphore, #tpu.memory_space<semaphore_mem>>)
        %dma_start3A_379 = arith.constant 3 : i32
        %dma_start3A_380 = tpu.memref_slice %arg4[%arg0, %dma_start3A_379, %add3A_343] : memref<2x4x262144xf32, #tpu.memory_space<hbm>> -> memref<1x1x1024xf32, #tpu.memory_space<hbm>>
        %dma_start3A_381 = tpu.memref_squeeze %dma_start3A_380 : memref<1x1x1024xf32, #tpu.memory_space<hbm>> -> memref<1024xf32, #tpu.memory_space<hbm>>
        %dma_start3A_382 = tpu.memref_slice %arg4[%arg0, %dma_start3A_379, %add3A_343] : memref<2x4x262144xf32, #tpu.memory_space<hbm>> -> memref<1x1x1024xf32, #tpu.memory_space<hbm>>
        %dma_start3A_383 = tpu.memref_squeeze %dma_start3A_382 : memref<1x1x1024xf32, #tpu.memory_space<hbm>> -> memref<1024xf32, #tpu.memory_space<hbm>>
        tpu.enqueue_dma source(%dma_start3A_383 : memref<1024xf32, #tpu.memory_space<hbm>>) target(%arg54 : memref<1024xf32, #tpu.memory_space<vmem>>) target_semaphore(%arg25 : memref<!tpu.dma_semaphore, #tpu.memory_space<semaphore_mem>>)
        %mul3A_384 = arith.constant 4 : i32
        %mul3A_385 = arith.muli %add3A_118, %mul3A_384 : i32
        %add3A_386 = arith.constant 0 : i32
        %add3A_387 = arith.addi %mul3A_385, %add3A_386 : i32
        %dma_start3A_388 = arith.constant 0 : i32
        %dma_start3A_389 = tpu.memref_slice %arg46[%dma_start3A_388] : memref<4096xf32, #tpu.memory_space<vmem>> -> memref<1024xf32, #tpu.memory_space<vmem>>
        %dma_start3A_390 = tpu.memref_slice %arg2[%arg0, %add3A_387, %add3A_343] : memref<2x96x262144xf32, #tpu.memory_space<hbm>> -> memref<1x1x1024xf32, #tpu.memory_space<hbm>>
        %dma_start3A_391 = tpu.memref_squeeze %dma_start3A_390 : memref<1x1x1024xf32, #tpu.memory_space<hbm>> -> memref<1024xf32, #tpu.memory_space<hbm>>
        %dma_start3A_392 = arith.constant 0 : i32
        %dma_start3A_393 = tpu.memref_slice %arg46[%dma_start3A_392] : memref<4096xf32, #tpu.memory_space<vmem>> -> memref<1024xf32, #tpu.memory_space<vmem>>
        %dma_start3A_394 = tpu.memref_slice %arg2[%arg0, %add3A_387, %add3A_343] : memref<2x96x262144xf32, #tpu.memory_space<hbm>> -> memref<1x1x1024xf32, #tpu.memory_space<hbm>>
        %dma_start3A_395 = tpu.memref_squeeze %dma_start3A_394 : memref<1x1x1024xf32, #tpu.memory_space<hbm>> -> memref<1024xf32, #tpu.memory_space<hbm>>
        tpu.enqueue_dma source(%dma_start3A_395 : memref<1024xf32, #tpu.memory_space<hbm>>) target(%dma_start3A_393 : memref<1024xf32, #tpu.memory_space<vmem>>) target_semaphore(%arg25 : memref<!tpu.dma_semaphore, #tpu.memory_space<semaphore_mem>>)
        %mul3A_396 = arith.constant 4 : i32
        %mul3A_397 = arith.muli %add3A_118, %mul3A_396 : i32
        %add3A_398 = arith.constant 1 : i32
        %add3A_399 = arith.addi %mul3A_397, %add3A_398 : i32
        %dma_start3A_400 = arith.constant 1024 : i32
        %dma_start3A_401 = tpu.memref_slice %arg46[%dma_start3A_400] : memref<4096xf32, #tpu.memory_space<vmem>> -> memref<1024xf32, #tpu.memory_space<vmem>>
        %dma_start3A_402 = tpu.memref_slice %arg2[%arg0, %add3A_399, %add3A_343] : memref<2x96x262144xf32, #tpu.memory_space<hbm>> -> memref<1x1x1024xf32, #tpu.memory_space<hbm>>
        %dma_start3A_403 = tpu.memref_squeeze %dma_start3A_402 : memref<1x1x1024xf32, #tpu.memory_space<hbm>> -> memref<1024xf32, #tpu.memory_space<hbm>>
        %dma_start3A_404 = arith.constant 1024 : i32
        %dma_start3A_405 = tpu.memref_slice %arg46[%dma_start3A_404] : memref<4096xf32, #tpu.memory_space<vmem>> -> memref<1024xf32, #tpu.memory_space<vmem>>
        %dma_start3A_406 = tpu.memref_slice %arg2[%arg0, %add3A_399, %add3A_343] : memref<2x96x262144xf32, #tpu.memory_space<hbm>> -> memref<1x1x1024xf32, #tpu.memory_space<hbm>>
        %dma_start3A_407 = tpu.memref_squeeze %dma_start3A_406 : memref<1x1x1024xf32, #tpu.memory_space<hbm>> -> memref<1024xf32, #tpu.memory_space<hbm>>
        tpu.enqueue_dma source(%dma_start3A_407 : memref<1024xf32, #tpu.memory_space<hbm>>) target(%dma_start3A_405 : memref<1024xf32, #tpu.memory_space<vmem>>) target_semaphore(%arg25 : memref<!tpu.dma_semaphore, #tpu.memory_space<semaphore_mem>>)
        %mul3A_408 = arith.constant 4 : i32
        %mul3A_409 = arith.muli %add3A_118, %mul3A_408 : i32
        %add3A_410 = arith.constant 2 : i32
        %add3A_411 = arith.addi %mul3A_409, %add3A_410 : i32
        %dma_start3A_412 = arith.constant 2048 : i32
        %dma_start3A_413 = tpu.memref_slice %arg46[%dma_start3A_412] : memref<4096xf32, #tpu.memory_space<vmem>> -> memref<1024xf32, #tpu.memory_space<vmem>>
        %dma_start3A_414 = tpu.memref_slice %arg2[%arg0, %add3A_411, %add3A_343] : memref<2x96x262144xf32, #tpu.memory_space<hbm>> -> memref<1x1x1024xf32, #tpu.memory_space<hbm>>
        %dma_start3A_415 = tpu.memref_squeeze %dma_start3A_414 : memref<1x1x1024xf32, #tpu.memory_space<hbm>> -> memref<1024xf32, #tpu.memory_space<hbm>>
        %dma_start3A_416 = arith.constant 2048 : i32
        %dma_start3A_417 = tpu.memref_slice %arg46[%dma_start3A_416] : memref<4096xf32, #tpu.memory_space<vmem>> -> memref<1024xf32, #tpu.memory_space<vmem>>
        %dma_start3A_418 = tpu.memref_slice %arg2[%arg0, %add3A_411, %add3A_343] : memref<2x96x262144xf32, #tpu.memory_space<hbm>> -> memref<1x1x1024xf32, #tpu.memory_space<hbm>>
        %dma_start3A_419 = tpu.memref_squeeze %dma_start3A_418 : memref<1x1x1024xf32, #tpu.memory_space<hbm>> -> memref<1024xf32, #tpu.memory_space<hbm>>
        tpu.enqueue_dma source(%dma_start3A_419 : memref<1024xf32, #tpu.memory_space<hbm>>) target(%dma_start3A_417 : memref<1024xf32, #tpu.memory_space<vmem>>) target_semaphore(%arg25 : memref<!tpu.dma_semaphore, #tpu.memory_space<semaphore_mem>>)
        %mul3A_420 = arith.constant 4 : i32
        %mul3A_421 = arith.muli %add3A_118, %mul3A_420 : i32
        %add3A_422 = arith.constant 3 : i32
        %add3A_423 = arith.addi %mul3A_421, %add3A_422 : i32
        %dma_start3A_424 = arith.constant 3072 : i32
        %dma_start3A_425 = tpu.memref_slice %arg46[%dma_start3A_424] : memref<4096xf32, #tpu.memory_space<vmem>> -> memref<1024xf32, #tpu.memory_space<vmem>>
        %dma_start3A_426 = tpu.memref_slice %arg2[%arg0, %add3A_423, %add3A_343] : memref<2x96x262144xf32, #tpu.memory_space<hbm>> -> memref<1x1x1024xf32, #tpu.memory_space<hbm>>
        %dma_start3A_427 = tpu.memref_squeeze %dma_start3A_426 : memref<1x1x1024xf32, #tpu.memory_space<hbm>> -> memref<1024xf32, #tpu.memory_space<hbm>>
        %dma_start3A_428 = arith.constant 3072 : i32
        %dma_start3A_429 = tpu.memref_slice %arg46[%dma_start3A_428] : memref<4096xf32, #tpu.memory_space<vmem>> -> memref<1024xf32, #tpu.memory_space<vmem>>
        %dma_start3A_430 = tpu.memref_slice %arg2[%arg0, %add3A_423, %add3A_343] : memref<2x96x262144xf32, #tpu.memory_space<hbm>> -> memref<1x1x1024xf32, #tpu.memory_space<hbm>>
        %dma_start3A_431 = tpu.memref_squeeze %dma_start3A_430 : memref<1x1x1024xf32, #tpu.memory_space<hbm>> -> memref<1024xf32, #tpu.memory_space<hbm>>
        tpu.enqueue_dma source(%dma_start3A_431 : memref<1024xf32, #tpu.memory_space<hbm>>) target(%dma_start3A_429 : memref<1024xf32, #tpu.memory_space<vmem>>) target_semaphore(%arg25 : memref<!tpu.dma_semaphore, #tpu.memory_space<semaphore_mem>>)
        %mul3A_432 = arith.constant 16384 : i32
        %mul3A_433 = arith.muli %arg1, %mul3A_432 : i32
        %mul3A_434 = arith.constant 1024 : i32
        %mul3A_435 = arith.muli %mul3A_331, %mul3A_434 : i32
        %add3A_436 = arith.addi %mul3A_433, %mul3A_435 : i32
        %dma_wait3A_437 = arith.constant 0 : i32
        %dma_wait3A_438 = tpu.memref_slice %arg3[%arg0, %dma_wait3A_437, %add3A_436] : memref<2x4x262144xi32, #tpu.memory_space<hbm>> -> memref<1x1x1024xi32, #tpu.memory_space<hbm>>
        %dma_wait3A_439 = tpu.memref_squeeze %dma_wait3A_438 : memref<1x1x1024xi32, #tpu.memory_space<hbm>> -> memref<1024xi32, #tpu.memory_space<hbm>>
        %dma_wait3A_440 = tpu.memref_slice %arg3[%arg0, %dma_wait3A_437, %add3A_436] : memref<2x4x262144xi32, #tpu.memory_space<hbm>> -> memref<1x1x1024xi32, #tpu.memory_space<hbm>>
        %dma_wait3A_441 = tpu.memref_squeeze %dma_wait3A_440 : memref<1x1x1024xi32, #tpu.memory_space<hbm>> -> memref<1024xi32, #tpu.memory_space<hbm>>
        tpu.wait_dma2 semaphore(%arg24 : memref<!tpu.dma_semaphore, #tpu.memory_space<semaphore_mem>>) src(%dma_wait3A_441 : memref<1024xi32, #tpu.memory_space<hbm>>) dst(%arg7 : memref<1024xi32, #tpu.memory_space<vmem>>)
        %dma_wait3A_442 = arith.constant 0 : i32
        %dma_wait3A_443 = tpu.memref_slice %arg4[%arg0, %dma_wait3A_442, %add3A_436] : memref<2x4x262144xf32, #tpu.memory_space<hbm>> -> memref<1x1x1024xf32, #tpu.memory_space<hbm>>
        %dma_wait3A_444 = tpu.memref_squeeze %dma_wait3A_443 : memref<1x1x1024xf32, #tpu.memory_space<hbm>> -> memref<1024xf32, #tpu.memory_space<hbm>>
        %dma_wait3A_445 = tpu.memref_slice %arg4[%arg0, %dma_wait3A_442, %add3A_436] : memref<2x4x262144xf32, #tpu.memory_space<hbm>> -> memref<1x1x1024xf32, #tpu.memory_space<hbm>>
        %dma_wait3A_446 = tpu.memref_squeeze %dma_wait3A_445 : memref<1x1x1024xf32, #tpu.memory_space<hbm>> -> memref<1024xf32, #tpu.memory_space<hbm>>
        tpu.wait_dma2 semaphore(%arg24 : memref<!tpu.dma_semaphore, #tpu.memory_space<semaphore_mem>>) src(%dma_wait3A_446 : memref<1024xf32, #tpu.memory_space<hbm>>) dst(%arg47 : memref<1024xf32, #tpu.memory_space<vmem>>)
        %dma_wait3A_447 = arith.constant 1 : i32
        %dma_wait3A_448 = tpu.memref_slice %arg3[%arg0, %dma_wait3A_447, %add3A_436] : memref<2x4x262144xi32, #tpu.memory_space<hbm>> -> memref<1x1x1024xi32, #tpu.memory_space<hbm>>
        %dma_wait3A_449 = tpu.memref_squeeze %dma_wait3A_448 : memref<1x1x1024xi32, #tpu.memory_space<hbm>> -> memref<1024xi32, #tpu.memory_space<hbm>>
        %dma_wait3A_450 = tpu.memref_slice %arg3[%arg0, %dma_wait3A_447, %add3A_436] : memref<2x4x262144xi32, #tpu.memory_space<hbm>> -> memref<1x1x1024xi32, #tpu.memory_space<hbm>>
        %dma_wait3A_451 = tpu.memref_squeeze %dma_wait3A_450 : memref<1x1x1024xi32, #tpu.memory_space<hbm>> -> memref<1024xi32, #tpu.memory_space<hbm>>
        tpu.wait_dma2 semaphore(%arg24 : memref<!tpu.dma_semaphore, #tpu.memory_space<semaphore_mem>>) src(%dma_wait3A_451 : memref<1024xi32, #tpu.memory_space<hbm>>) dst(%arg9 : memref<1024xi32, #tpu.memory_space<vmem>>)
        %dma_wait3A_452 = arith.constant 1 : i32
        %dma_wait3A_453 = tpu.memref_slice %arg4[%arg0, %dma_wait3A_452, %add3A_436] : memref<2x4x262144xf32, #tpu.memory_space<hbm>> -> memref<1x1x1024xf32, #tpu.memory_space<hbm>>
        %dma_wait3A_454 = tpu.memref_squeeze %dma_wait3A_453 : memref<1x1x1024xf32, #tpu.memory_space<hbm>> -> memref<1024xf32, #tpu.memory_space<hbm>>
        %dma_wait3A_455 = tpu.memref_slice %arg4[%arg0, %dma_wait3A_452, %add3A_436] : memref<2x4x262144xf32, #tpu.memory_space<hbm>> -> memref<1x1x1024xf32, #tpu.memory_space<hbm>>
        %dma_wait3A_456 = tpu.memref_squeeze %dma_wait3A_455 : memref<1x1x1024xf32, #tpu.memory_space<hbm>> -> memref<1024xf32, #tpu.memory_space<hbm>>
        tpu.wait_dma2 semaphore(%arg24 : memref<!tpu.dma_semaphore, #tpu.memory_space<semaphore_mem>>) src(%dma_wait3A_456 : memref<1024xf32, #tpu.memory_space<hbm>>) dst(%arg49 : memref<1024xf32, #tpu.memory_space<vmem>>)
        %dma_wait3A_457 = arith.constant 2 : i32
        %dma_wait3A_458 = tpu.memref_slice %arg3[%arg0, %dma_wait3A_457, %add3A_436] : memref<2x4x262144xi32, #tpu.memory_space<hbm>> -> memref<1x1x1024xi32, #tpu.memory_space<hbm>>
        %dma_wait3A_459 = tpu.memref_squeeze %dma_wait3A_458 : memref<1x1x1024xi32, #tpu.memory_space<hbm>> -> memref<1024xi32, #tpu.memory_space<hbm>>
        %dma_wait3A_460 = tpu.memref_slice %arg3[%arg0, %dma_wait3A_457, %add3A_436] : memref<2x4x262144xi32, #tpu.memory_space<hbm>> -> memref<1x1x1024xi32, #tpu.memory_space<hbm>>
        %dma_wait3A_461 = tpu.memref_squeeze %dma_wait3A_460 : memref<1x1x1024xi32, #tpu.memory_space<hbm>> -> memref<1024xi32, #tpu.memory_space<hbm>>
        tpu.wait_dma2 semaphore(%arg24 : memref<!tpu.dma_semaphore, #tpu.memory_space<semaphore_mem>>) src(%dma_wait3A_461 : memref<1024xi32, #tpu.memory_space<hbm>>) dst(%arg11 : memref<1024xi32, #tpu.memory_space<vmem>>)
        %dma_wait3A_462 = arith.constant 2 : i32
        %dma_wait3A_463 = tpu.memref_slice %arg4[%arg0, %dma_wait3A_462, %add3A_436] : memref<2x4x262144xf32, #tpu.memory_space<hbm>> -> memref<1x1x1024xf32, #tpu.memory_space<hbm>>
        %dma_wait3A_464 = tpu.memref_squeeze %dma_wait3A_463 : memref<1x1x1024xf32, #tpu.memory_space<hbm>> -> memref<1024xf32, #tpu.memory_space<hbm>>
        %dma_wait3A_465 = tpu.memref_slice %arg4[%arg0, %dma_wait3A_462, %add3A_436] : memref<2x4x262144xf32, #tpu.memory_space<hbm>> -> memref<1x1x1024xf32, #tpu.memory_space<hbm>>
        %dma_wait3A_466 = tpu.memref_squeeze %dma_wait3A_465 : memref<1x1x1024xf32, #tpu.memory_space<hbm>> -> memref<1024xf32, #tpu.memory_space<hbm>>
        tpu.wait_dma2 semaphore(%arg24 : memref<!tpu.dma_semaphore, #tpu.memory_space<semaphore_mem>>) src(%dma_wait3A_466 : memref<1024xf32, #tpu.memory_space<hbm>>) dst(%arg51 : memref<1024xf32, #tpu.memory_space<vmem>>)
        %dma_wait3A_467 = arith.constant 3 : i32
        %dma_wait3A_468 = tpu.memref_slice %arg3[%arg0, %dma_wait3A_467, %add3A_436] : memref<2x4x262144xi32, #tpu.memory_space<hbm>> -> memref<1x1x1024xi32, #tpu.memory_space<hbm>>
        %dma_wait3A_469 = tpu.memref_squeeze %dma_wait3A_468 : memref<1x1x1024xi32, #tpu.memory_space<hbm>> -> memref<1024xi32, #tpu.memory_space<hbm>>
        %dma_wait3A_470 = tpu.memref_slice %arg3[%arg0, %dma_wait3A_467, %add3A_436] : memref<2x4x262144xi32, #tpu.memory_space<hbm>> -> memref<1x1x1024xi32, #tpu.memory_space<hbm>>
        %dma_wait3A_471 = tpu.memref_squeeze %dma_wait3A_470 : memref<1x1x1024xi32, #tpu.memory_space<hbm>> -> memref<1024xi32, #tpu.memory_space<hbm>>
        tpu.wait_dma2 semaphore(%arg24 : memref<!tpu.dma_semaphore, #tpu.memory_space<semaphore_mem>>) src(%dma_wait3A_471 : memref<1024xi32, #tpu.memory_space<hbm>>) dst(%arg13 : memref<1024xi32, #tpu.memory_space<vmem>>)
        %dma_wait3A_472 = arith.constant 3 : i32
        %dma_wait3A_473 = tpu.memref_slice %arg4[%arg0, %dma_wait3A_472, %add3A_436] : memref<2x4x262144xf32, #tpu.memory_space<hbm>> -> memref<1x1x1024xf32, #tpu.memory_space<hbm>>
        %dma_wait3A_474 = tpu.memref_squeeze %dma_wait3A_473 : memref<1x1x1024xf32, #tpu.memory_space<hbm>> -> memref<1024xf32, #tpu.memory_space<hbm>>
        %dma_wait3A_475 = tpu.memref_slice %arg4[%arg0, %dma_wait3A_472, %add3A_436] : memref<2x4x262144xf32, #tpu.memory_space<hbm>> -> memref<1x1x1024xf32, #tpu.memory_space<hbm>>
        %dma_wait3A_476 = tpu.memref_squeeze %dma_wait3A_475 : memref<1x1x1024xf32, #tpu.memory_space<hbm>> -> memref<1024xf32, #tpu.memory_space<hbm>>
        tpu.wait_dma2 semaphore(%arg24 : memref<!tpu.dma_semaphore, #tpu.memory_space<semaphore_mem>>) src(%dma_wait3A_476 : memref<1024xf32, #tpu.memory_space<hbm>>) dst(%arg53 : memref<1024xf32, #tpu.memory_space<vmem>>)
        %mul3A_477 = arith.constant 4 : i32
        %mul3A_478 = arith.muli %add3A_118, %mul3A_477 : i32
        %add3A_479 = arith.constant 0 : i32
        %add3A_480 = arith.addi %mul3A_478, %add3A_479 : i32
        %dma_wait3A_481 = arith.constant 0 : i32
        %dma_wait3A_482 = tpu.memref_slice %arg45[%dma_wait3A_481] : memref<4096xf32, #tpu.memory_space<vmem>> -> memref<1024xf32, #tpu.memory_space<vmem>>
        %dma_wait3A_483 = tpu.memref_slice %arg2[%arg0, %add3A_480, %add3A_436] : memref<2x96x262144xf32, #tpu.memory_space<hbm>> -> memref<1x1x1024xf32, #tpu.memory_space<hbm>>
        %dma_wait3A_484 = tpu.memref_squeeze %dma_wait3A_483 : memref<1x1x1024xf32, #tpu.memory_space<hbm>> -> memref<1024xf32, #tpu.memory_space<hbm>>
        %dma_wait3A_485 = arith.constant 0 : i32
        %dma_wait3A_486 = tpu.memref_slice %arg45[%dma_wait3A_485] : memref<4096xf32, #tpu.memory_space<vmem>> -> memref<1024xf32, #tpu.memory_space<vmem>>
        %dma_wait3A_487 = tpu.memref_slice %arg2[%arg0, %add3A_480, %add3A_436] : memref<2x96x262144xf32, #tpu.memory_space<hbm>> -> memref<1x1x1024xf32, #tpu.memory_space<hbm>>
        %dma_wait3A_488 = tpu.memref_squeeze %dma_wait3A_487 : memref<1x1x1024xf32, #tpu.memory_space<hbm>> -> memref<1024xf32, #tpu.memory_space<hbm>>
        tpu.wait_dma2 semaphore(%arg24 : memref<!tpu.dma_semaphore, #tpu.memory_space<semaphore_mem>>) src(%dma_wait3A_488 : memref<1024xf32, #tpu.memory_space<hbm>>) dst(%dma_wait3A_486 : memref<1024xf32, #tpu.memory_space<vmem>>)
        %mul3A_489 = arith.constant 4 : i32
        %mul3A_490 = arith.muli %add3A_118, %mul3A_489 : i32
        %add3A_491 = arith.constant 1 : i32
        %add3A_492 = arith.addi %mul3A_490, %add3A_491 : i32
        %dma_wait3A_493 = arith.constant 1024 : i32
        %dma_wait3A_494 = tpu.memref_slice %arg45[%dma_wait3A_493] : memref<4096xf32, #tpu.memory_space<vmem>> -> memref<1024xf32, #tpu.memory_space<vmem>>
        %dma_wait3A_495 = tpu.memref_slice %arg2[%arg0, %add3A_492, %add3A_436] : memref<2x96x262144xf32, #tpu.memory_space<hbm>> -> memref<1x1x1024xf32, #tpu.memory_space<hbm>>
        %dma_wait3A_496 = tpu.memref_squeeze %dma_wait3A_495 : memref<1x1x1024xf32, #tpu.memory_space<hbm>> -> memref<1024xf32, #tpu.memory_space<hbm>>
        %dma_wait3A_497 = arith.constant 1024 : i32
        %dma_wait3A_498 = tpu.memref_slice %arg45[%dma_wait3A_497] : memref<4096xf32, #tpu.memory_space<vmem>> -> memref<1024xf32, #tpu.memory_space<vmem>>
        %dma_wait3A_499 = tpu.memref_slice %arg2[%arg0, %add3A_492, %add3A_436] : memref<2x96x262144xf32, #tpu.memory_space<hbm>> -> memref<1x1x1024xf32, #tpu.memory_space<hbm>>
        %dma_wait3A_500 = tpu.memref_squeeze %dma_wait3A_499 : memref<1x1x1024xf32, #tpu.memory_space<hbm>> -> memref<1024xf32, #tpu.memory_space<hbm>>
        tpu.wait_dma2 semaphore(%arg24 : memref<!tpu.dma_semaphore, #tpu.memory_space<semaphore_mem>>) src(%dma_wait3A_500 : memref<1024xf32, #tpu.memory_space<hbm>>) dst(%dma_wait3A_498 : memref<1024xf32, #tpu.memory_space<vmem>>)
        %mul3A_501 = arith.constant 4 : i32
        %mul3A_502 = arith.muli %add3A_118, %mul3A_501 : i32
        %add3A_503 = arith.constant 2 : i32
        %add3A_504 = arith.addi %mul3A_502, %add3A_503 : i32
        %dma_wait3A_505 = arith.constant 2048 : i32
        %dma_wait3A_506 = tpu.memref_slice %arg45[%dma_wait3A_505] : memref<4096xf32, #tpu.memory_space<vmem>> -> memref<1024xf32, #tpu.memory_space<vmem>>
        %dma_wait3A_507 = tpu.memref_slice %arg2[%arg0, %add3A_504, %add3A_436] : memref<2x96x262144xf32, #tpu.memory_space<hbm>> -> memref<1x1x1024xf32, #tpu.memory_space<hbm>>
        %dma_wait3A_508 = tpu.memref_squeeze %dma_wait3A_507 : memref<1x1x1024xf32, #tpu.memory_space<hbm>> -> memref<1024xf32, #tpu.memory_space<hbm>>
        %dma_wait3A_509 = arith.constant 2048 : i32
        %dma_wait3A_510 = tpu.memref_slice %arg45[%dma_wait3A_509] : memref<4096xf32, #tpu.memory_space<vmem>> -> memref<1024xf32, #tpu.memory_space<vmem>>
        %dma_wait3A_511 = tpu.memref_slice %arg2[%arg0, %add3A_504, %add3A_436] : memref<2x96x262144xf32, #tpu.memory_space<hbm>> -> memref<1x1x1024xf32, #tpu.memory_space<hbm>>
        %dma_wait3A_512 = tpu.memref_squeeze %dma_wait3A_511 : memref<1x1x1024xf32, #tpu.memory_space<hbm>> -> memref<1024xf32, #tpu.memory_space<hbm>>
        tpu.wait_dma2 semaphore(%arg24 : memref<!tpu.dma_semaphore, #tpu.memory_space<semaphore_mem>>) src(%dma_wait3A_512 : memref<1024xf32, #tpu.memory_space<hbm>>) dst(%dma_wait3A_510 : memref<1024xf32, #tpu.memory_space<vmem>>)
        %mul3A_513 = arith.constant 4 : i32
        %mul3A_514 = arith.muli %add3A_118, %mul3A_513 : i32
        %add3A_515 = arith.constant 3 : i32
        %add3A_516 = arith.addi %mul3A_514, %add3A_515 : i32
        %dma_wait3A_517 = arith.constant 3072 : i32
        %dma_wait3A_518 = tpu.memref_slice %arg45[%dma_wait3A_517] : memref<4096xf32, #tpu.memory_space<vmem>> -> memref<1024xf32, #tpu.memory_space<vmem>>
        %dma_wait3A_519 = tpu.memref_slice %arg2[%arg0, %add3A_516, %add3A_436] : memref<2x96x262144xf32, #tpu.memory_space<hbm>> -> memref<1x1x1024xf32, #tpu.memory_space<hbm>>
        %dma_wait3A_520 = tpu.memref_squeeze %dma_wait3A_519 : memref<1x1x1024xf32, #tpu.memory_space<hbm>> -> memref<1024xf32, #tpu.memory_space<hbm>>
        %dma_wait3A_521 = arith.constant 3072 : i32
        %dma_wait3A_522 = tpu.memref_slice %arg45[%dma_wait3A_521] : memref<4096xf32, #tpu.memory_space<vmem>> -> memref<1024xf32, #tpu.memory_space<vmem>>
        %dma_wait3A_523 = tpu.memref_slice %arg2[%arg0, %add3A_516, %add3A_436] : memref<2x96x262144xf32, #tpu.memory_space<hbm>> -> memref<1x1x1024xf32, #tpu.memory_space<hbm>>
        %dma_wait3A_524 = tpu.memref_squeeze %dma_wait3A_523 : memref<1x1x1024xf32, #tpu.memory_space<hbm>> -> memref<1024xf32, #tpu.memory_space<hbm>>
        tpu.wait_dma2 semaphore(%arg24 : memref<!tpu.dma_semaphore, #tpu.memory_space<semaphore_mem>>) src(%dma_wait3A_524 : memref<1024xf32, #tpu.memory_space<hbm>>) dst(%dma_wait3A_522 : memref<1024xf32, #tpu.memory_space<vmem>>)
        %parallel_loop3A = arith.constant 0 : i32
        %parallel_loop3A_525 = arith.constant 64 : i32
        %parallel_loop3A_526 = arith.constant 1 : i32
        scf.for %parallel_loop3A_850 = %parallel_loop3A to %parallel_loop3A_525 step %parallel_loop3A_526  : i32 {
          %parallel_loop3A_851 = arith.constant 16 : i32
          %parallel_loop3A_852 = arith.muli %parallel_loop3A_850, %parallel_loop3A_851 : i32
          %parallel_loop3A_853 = arith.index_cast %parallel_loop3A_852 : i32 to index
          %parallel_loop3A_854 = tpu.vector_load %arg47[%parallel_loop3A_853] {strides = array<i32>} : memref<1024xf32, #tpu.memory_space<vmem>>, vector<16xf32>,
          %parallel_loop3A_855 = vector.shape_cast %parallel_loop3A_854 : vector<16xf32> to vector<16xf32>
          %parallel_loop3A_856 = arith.constant 16 : i32
          %parallel_loop3A_857 = arith.muli %parallel_loop3A_850, %parallel_loop3A_856 : i32
          %parallel_loop3A_858 = arith.constant 0 : i32
          %parallel_loop3A_859 = arith.addi %parallel_loop3A_858, %parallel_loop3A_857 : i32
          %parallel_loop3A_860 = arith.index_cast %parallel_loop3A_859 : i32 to index
          %parallel_loop3A_861 = tpu.vector_load %arg45[%parallel_loop3A_860] {strides = array<i32>} : memref<4096xf32, #tpu.memory_space<vmem>>, vector<16xf32>,
          %parallel_loop3A_862 = vector.shape_cast %parallel_loop3A_861 : vector<16xf32> to vector<16xf32>
          %parallel_loop3A_863 = arith.mulf %parallel_loop3A_855, %parallel_loop3A_862 : vector<16xf32>
          %parallel_loop3A_864 = arith.index_cast %parallel_loop3A_852 : i32 to index
          %parallel_loop3A_865 = tpu.vector_load %arg29[%parallel_loop3A_864] {strides = array<i32>} : memref<1024xf32, #tpu.memory_space<vmem>>, vector<16xf32>,
          %parallel_loop3A_866 = vector.shape_cast %parallel_loop3A_865 : vector<16xf32> to vector<16xf32>
          %parallel_loop3A_867 = vector.shape_cast %parallel_loop3A_863 : vector<16xf32> to vector<16xf32>
          tpu.vector_store %arg29[%parallel_loop3A_864], %parallel_loop3A_867 {strides = array<i32>} : memref<1024xf32, #tpu.memory_space<vmem>>, vector<16xf32>,
          %parallel_loop3A_868 = arith.constant 16 : i32
          %parallel_loop3A_869 = arith.muli %parallel_loop3A_850, %parallel_loop3A_868 : i32
          %parallel_loop3A_870 = arith.constant 1024 : i32
          %parallel_loop3A_871 = arith.addi %parallel_loop3A_870, %parallel_loop3A_869 : i32
          %parallel_loop3A_872 = arith.index_cast %parallel_loop3A_871 : i32 to index
          %parallel_loop3A_873 = tpu.vector_load %arg45[%parallel_loop3A_872] {strides = array<i32>} : memref<4096xf32, #tpu.memory_space<vmem>>, vector<16xf32>,
          %parallel_loop3A_874 = vector.shape_cast %parallel_loop3A_873 : vector<16xf32> to vector<16xf32>
          %parallel_loop3A_875 = arith.mulf %parallel_loop3A_855, %parallel_loop3A_874 : vector<16xf32>
          %parallel_loop3A_876 = arith.index_cast %parallel_loop3A_852 : i32 to index
          %parallel_loop3A_877 = tpu.vector_load %arg30[%parallel_loop3A_876] {strides = array<i32>} : memref<1024xf32, #tpu.memory_space<vmem>>, vector<16xf32>,
          %parallel_loop3A_878 = vector.shape_cast %parallel_loop3A_877 : vector<16xf32> to vector<16xf32>
          %parallel_loop3A_879 = vector.shape_cast %parallel_loop3A_875 : vector<16xf32> to vector<16xf32>
          tpu.vector_store %arg30[%parallel_loop3A_876], %parallel_loop3A_879 {strides = array<i32>} : memref<1024xf32, #tpu.memory_space<vmem>>, vector<16xf32>,
          %parallel_loop3A_880 = arith.constant 16 : i32
          %parallel_loop3A_881 = arith.muli %parallel_loop3A_850, %parallel_loop3A_880 : i32
          %parallel_loop3A_882 = arith.constant 2048 : i32
          %parallel_loop3A_883 = arith.addi %parallel_loop3A_882, %parallel_loop3A_881 : i32
          %parallel_loop3A_884 = arith.index_cast %parallel_loop3A_883 : i32 to index
          %parallel_loop3A_885 = tpu.vector_load %arg45[%parallel_loop3A_884] {strides = array<i32>} : memref<4096xf32, #tpu.memory_space<vmem>>, vector<16xf32>,
          %parallel_loop3A_886 = vector.shape_cast %parallel_loop3A_885 : vector<16xf32> to vector<16xf32>
          %parallel_loop3A_887 = arith.mulf %parallel_loop3A_855, %parallel_loop3A_886 : vector<16xf32>
          %parallel_loop3A_888 = arith.index_cast %parallel_loop3A_852 : i32 to index
          %parallel_loop3A_889 = tpu.vector_load %arg31[%parallel_loop3A_888] {strides = array<i32>} : memref<1024xf32, #tpu.memory_space<vmem>>, vector<16xf32>,
          %parallel_loop3A_890 = vector.shape_cast %parallel_loop3A_889 : vector<16xf32> to vector<16xf32>
          %parallel_loop3A_891 = vector.shape_cast %parallel_loop3A_887 : vector<16xf32> to vector<16xf32>
          tpu.vector_store %arg31[%parallel_loop3A_888], %parallel_loop3A_891 {strides = array<i32>} : memref<1024xf32, #tpu.memory_space<vmem>>, vector<16xf32>,
          %parallel_loop3A_892 = arith.constant 16 : i32
          %parallel_loop3A_893 = arith.muli %parallel_loop3A_850, %parallel_loop3A_892 : i32
          %parallel_loop3A_894 = arith.constant 3072 : i32
          %parallel_loop3A_895 = arith.addi %parallel_loop3A_894, %parallel_loop3A_893 : i32
          %parallel_loop3A_896 = arith.index_cast %parallel_loop3A_895 : i32 to index
          %parallel_loop3A_897 = tpu.vector_load %arg45[%parallel_loop3A_896] {strides = array<i32>} : memref<4096xf32, #tpu.memory_space<vmem>>, vector<16xf32>,
          %parallel_loop3A_898 = vector.shape_cast %parallel_loop3A_897 : vector<16xf32> to vector<16xf32>
          %parallel_loop3A_899 = arith.mulf %parallel_loop3A_855, %parallel_loop3A_898 : vector<16xf32>
          %parallel_loop3A_900 = arith.index_cast %parallel_loop3A_852 : i32 to index
          %parallel_loop3A_901 = tpu.vector_load %arg32[%parallel_loop3A_900] {strides = array<i32>} : memref<1024xf32, #tpu.memory_space<vmem>>, vector<16xf32>,
          %parallel_loop3A_902 = vector.shape_cast %parallel_loop3A_901 : vector<16xf32> to vector<16xf32>
          %parallel_loop3A_903 = vector.shape_cast %parallel_loop3A_899 : vector<16xf32> to vector<16xf32>
          tpu.vector_store %arg32[%parallel_loop3A_900], %parallel_loop3A_903 {strides = array<i32>} : memref<1024xf32, #tpu.memory_space<vmem>>, vector<16xf32>,
          %parallel_loop3A_904 = arith.index_cast %parallel_loop3A_852 : i32 to index
          %parallel_loop3A_905 = tpu.vector_load %arg49[%parallel_loop3A_904] {strides = array<i32>} : memref<1024xf32, #tpu.memory_space<vmem>>, vector<16xf32>,
          %parallel_loop3A_906 = vector.shape_cast %parallel_loop3A_905 : vector<16xf32> to vector<16xf32>
          %parallel_loop3A_907 = arith.constant 16 : i32
          %parallel_loop3A_908 = arith.muli %parallel_loop3A_850, %parallel_loop3A_907 : i32
          %parallel_loop3A_909 = arith.constant 0 : i32
          %parallel_loop3A_910 = arith.addi %parallel_loop3A_909, %parallel_loop3A_908 : i32
          %parallel_loop3A_911 = arith.index_cast %parallel_loop3A_910 : i32 to index
          %parallel_loop3A_912 = tpu.vector_load %arg45[%parallel_loop3A_911] {strides = array<i32>} : memref<4096xf32, #tpu.memory_space<vmem>>, vector<16xf32>,
          %parallel_loop3A_913 = vector.shape_cast %parallel_loop3A_912 : vector<16xf32> to vector<16xf32>
          %parallel_loop3A_914 = arith.mulf %parallel_loop3A_906, %parallel_loop3A_913 : vector<16xf32>
          %parallel_loop3A_915 = arith.index_cast %parallel_loop3A_852 : i32 to index
          %parallel_loop3A_916 = tpu.vector_load %arg33[%parallel_loop3A_915] {strides = array<i32>} : memref<1024xf32, #tpu.memory_space<vmem>>, vector<16xf32>,
          %parallel_loop3A_917 = vector.shape_cast %parallel_loop3A_916 : vector<16xf32> to vector<16xf32>
          %parallel_loop3A_918 = vector.shape_cast %parallel_loop3A_914 : vector<16xf32> to vector<16xf32>
          tpu.vector_store %arg33[%parallel_loop3A_915], %parallel_loop3A_918 {strides = array<i32>} : memref<1024xf32, #tpu.memory_space<vmem>>, vector<16xf32>,
          %parallel_loop3A_919 = arith.constant 16 : i32
          %parallel_loop3A_920 = arith.muli %parallel_loop3A_850, %parallel_loop3A_919 : i32
          %parallel_loop3A_921 = arith.constant 1024 : i32
          %parallel_loop3A_922 = arith.addi %parallel_loop3A_921, %parallel_loop3A_920 : i32
          %parallel_loop3A_923 = arith.index_cast %parallel_loop3A_922 : i32 to index
          %parallel_loop3A_924 = tpu.vector_load %arg45[%parallel_loop3A_923] {strides = array<i32>} : memref<4096xf32, #tpu.memory_space<vmem>>, vector<16xf32>,
          %parallel_loop3A_925 = vector.shape_cast %parallel_loop3A_924 : vector<16xf32> to vector<16xf32>
          %parallel_loop3A_926 = arith.mulf %parallel_loop3A_906, %parallel_loop3A_925 : vector<16xf32>
          %parallel_loop3A_927 = arith.index_cast %parallel_loop3A_852 : i32 to index
          %parallel_loop3A_928 = tpu.vector_load %arg34[%parallel_loop3A_927] {strides = array<i32>} : memref<1024xf32, #tpu.memory_space<vmem>>, vector<16xf32>,
          %parallel_loop3A_929 = vector.shape_cast %parallel_loop3A_928 : vector<16xf32> to vector<16xf32>
          %parallel_loop3A_930 = vector.shape_cast %parallel_loop3A_926 : vector<16xf32> to vector<16xf32>
          tpu.vector_store %arg34[%parallel_loop3A_927], %parallel_loop3A_930 {strides = array<i32>} : memref<1024xf32, #tpu.memory_space<vmem>>, vector<16xf32>,
          %parallel_loop3A_931 = arith.constant 16 : i32
          %parallel_loop3A_932 = arith.muli %parallel_loop3A_850, %parallel_loop3A_931 : i32
          %parallel_loop3A_933 = arith.constant 2048 : i32
          %parallel_loop3A_934 = arith.addi %parallel_loop3A_933, %parallel_loop3A_932 : i32
          %parallel_loop3A_935 = arith.index_cast %parallel_loop3A_934 : i32 to index
          %parallel_loop3A_936 = tpu.vector_load %arg45[%parallel_loop3A_935] {strides = array<i32>} : memref<4096xf32, #tpu.memory_space<vmem>>, vector<16xf32>,
          %parallel_loop3A_937 = vector.shape_cast %parallel_loop3A_936 : vector<16xf32> to vector<16xf32>
          %parallel_loop3A_938 = arith.mulf %parallel_loop3A_906, %parallel_loop3A_937 : vector<16xf32>
          %parallel_loop3A_939 = arith.index_cast %parallel_loop3A_852 : i32 to index
          %parallel_loop3A_940 = tpu.vector_load %arg35[%parallel_loop3A_939] {strides = array<i32>} : memref<1024xf32, #tpu.memory_space<vmem>>, vector<16xf32>,
          %parallel_loop3A_941 = vector.shape_cast %parallel_loop3A_940 : vector<16xf32> to vector<16xf32>
          %parallel_loop3A_942 = vector.shape_cast %parallel_loop3A_938 : vector<16xf32> to vector<16xf32>
          tpu.vector_store %arg35[%parallel_loop3A_939], %parallel_loop3A_942 {strides = array<i32>} : memref<1024xf32, #tpu.memory_space<vmem>>, vector<16xf32>,
          %parallel_loop3A_943 = arith.constant 16 : i32
          %parallel_loop3A_944 = arith.muli %parallel_loop3A_850, %parallel_loop3A_943 : i32
          %parallel_loop3A_945 = arith.constant 3072 : i32
          %parallel_loop3A_946 = arith.addi %parallel_loop3A_945, %parallel_loop3A_944 : i32
          %parallel_loop3A_947 = arith.index_cast %parallel_loop3A_946 : i32 to index
          %parallel_loop3A_948 = tpu.vector_load %arg45[%parallel_loop3A_947] {strides = array<i32>} : memref<4096xf32, #tpu.memory_space<vmem>>, vector<16xf32>,
          %parallel_loop3A_949 = vector.shape_cast %parallel_loop3A_948 : vector<16xf32> to vector<16xf32>
          %parallel_loop3A_950 = arith.mulf %parallel_loop3A_906, %parallel_loop3A_949 : vector<16xf32>
          %parallel_loop3A_951 = arith.index_cast %parallel_loop3A_852 : i32 to index
          %parallel_loop3A_952 = tpu.vector_load %arg36[%parallel_loop3A_951] {strides = array<i32>} : memref<1024xf32, #tpu.memory_space<vmem>>, vector<16xf32>,
          %parallel_loop3A_953 = vector.shape_cast %parallel_loop3A_952 : vector<16xf32> to vector<16xf32>
          %parallel_loop3A_954 = vector.shape_cast %parallel_loop3A_950 : vector<16xf32> to vector<16xf32>
          tpu.vector_store %arg36[%parallel_loop3A_951], %parallel_loop3A_954 {strides = array<i32>} : memref<1024xf32, #tpu.memory_space<vmem>>, vector<16xf32>,
        } {sc.loop_unroll_factor = 4 : i64, sc.parallel_access}
        %dma_start3A_527 = arith.constant 0 : i32
        %dma_start3A_528 = tpu.memref_slice %arg19[%dma_start3A_527] : memref<262144xf32, #tpu.memory_space<vmem_shared>> -> memref<262144xf32, #tpu.memory_space<vmem_shared>>
        tpu.enqueue_indirect_dma source(%arg29 : memref<1024xf32, #tpu.memory_space<vmem>>) target(%dma_start3A_528 : memref<262144xf32, #tpu.memory_space<vmem_shared>>) offsets(%arg7 : memref<1024xi32, #tpu.memory_space<vmem>>) semaphore(%arg27 : memref<!tpu.dma_semaphore, #tpu.memory_space<semaphore_mem>>) {add = true}
        %dma_start3A_529 = arith.constant 0 : i32
        %dma_start3A_530 = tpu.memref_slice %arg20[%dma_start3A_529] : memref<262144xf32, #tpu.memory_space<vmem_shared>> -> memref<262144xf32, #tpu.memory_space<vmem_shared>>
        tpu.enqueue_indirect_dma source(%arg30 : memref<1024xf32, #tpu.memory_space<vmem>>) target(%dma_start3A_530 : memref<262144xf32, #tpu.memory_space<vmem_shared>>) offsets(%arg7 : memref<1024xi32, #tpu.memory_space<vmem>>) semaphore(%arg27 : memref<!tpu.dma_semaphore, #tpu.memory_space<semaphore_mem>>) {add = true}
        %dma_start3A_531 = arith.constant 0 : i32
        %dma_start3A_532 = tpu.memref_slice %arg21[%dma_start3A_531] : memref<262144xf32, #tpu.memory_space<vmem_shared>> -> memref<262144xf32, #tpu.memory_space<vmem_shared>>
        tpu.enqueue_indirect_dma source(%arg31 : memref<1024xf32, #tpu.memory_space<vmem>>) target(%dma_start3A_532 : memref<262144xf32, #tpu.memory_space<vmem_shared>>) offsets(%arg7 : memref<1024xi32, #tpu.memory_space<vmem>>) semaphore(%arg27 : memref<!tpu.dma_semaphore, #tpu.memory_space<semaphore_mem>>) {add = true}
        %dma_start3A_533 = arith.constant 0 : i32
        %dma_start3A_534 = tpu.memref_slice %arg22[%dma_start3A_533] : memref<262144xf32, #tpu.memory_space<vmem_shared>> -> memref<262144xf32, #tpu.memory_space<vmem_shared>>
        tpu.enqueue_indirect_dma source(%arg32 : memref<1024xf32, #tpu.memory_space<vmem>>) target(%dma_start3A_534 : memref<262144xf32, #tpu.memory_space<vmem_shared>>) offsets(%arg7 : memref<1024xi32, #tpu.memory_space<vmem>>) semaphore(%arg27 : memref<!tpu.dma_semaphore, #tpu.memory_space<semaphore_mem>>) {add = true}
        %dma_start3A_535 = arith.constant 0 : i32
        %dma_start3A_536 = tpu.memref_slice %arg19[%dma_start3A_535] : memref<262144xf32, #tpu.memory_space<vmem_shared>> -> memref<262144xf32, #tpu.memory_space<vmem_shared>>
        tpu.enqueue_indirect_dma source(%arg33 : memref<1024xf32, #tpu.memory_space<vmem>>) target(%dma_start3A_536 : memref<262144xf32, #tpu.memory_space<vmem_shared>>) offsets(%arg9 : memref<1024xi32, #tpu.memory_space<vmem>>) semaphore(%arg27 : memref<!tpu.dma_semaphore, #tpu.memory_space<semaphore_mem>>) {add = true}
        %dma_start3A_537 = arith.constant 0 : i32
        %dma_start3A_538 = tpu.memref_slice %arg20[%dma_start3A_537] : memref<262144xf32, #tpu.memory_space<vmem_shared>> -> memref<262144xf32, #tpu.memory_space<vmem_shared>>
        tpu.enqueue_indirect_dma source(%arg34 : memref<1024xf32, #tpu.memory_space<vmem>>) target(%dma_start3A_538 : memref<262144xf32, #tpu.memory_space<vmem_shared>>) offsets(%arg9 : memref<1024xi32, #tpu.memory_space<vmem>>) semaphore(%arg27 : memref<!tpu.dma_semaphore, #tpu.memory_space<semaphore_mem>>) {add = true}
        %dma_start3A_539 = arith.constant 0 : i32
        %dma_start3A_540 = tpu.memref_slice %arg21[%dma_start3A_539] : memref<262144xf32, #tpu.memory_space<vmem_shared>> -> memref<262144xf32, #tpu.memory_space<vmem_shared>>
        tpu.enqueue_indirect_dma source(%arg35 : memref<1024xf32, #tpu.memory_space<vmem>>) target(%dma_start3A_540 : memref<262144xf32, #tpu.memory_space<vmem_shared>>) offsets(%arg9 : memref<1024xi32, #tpu.memory_space<vmem>>) semaphore(%arg27 : memref<!tpu.dma_semaphore, #tpu.memory_space<semaphore_mem>>) {add = true}
        %dma_start3A_541 = arith.constant 0 : i32
        %dma_start3A_542 = tpu.memref_slice %arg22[%dma_start3A_541] : memref<262144xf32, #tpu.memory_space<vmem_shared>> -> memref<262144xf32, #tpu.memory_space<vmem_shared>>
        tpu.enqueue_indirect_dma source(%arg36 : memref<1024xf32, #tpu.memory_space<vmem>>) target(%dma_start3A_542 : memref<262144xf32, #tpu.memory_space<vmem_shared>>) offsets(%arg9 : memref<1024xi32, #tpu.memory_space<vmem>>) semaphore(%arg27 : memref<!tpu.dma_semaphore, #tpu.memory_space<semaphore_mem>>) {add = true}
        %parallel_loop3A_543 = arith.constant 0 : i32
        %parallel_loop3A_544 = arith.constant 64 : i32
        %parallel_loop3A_545 = arith.constant 1 : i32
        scf.for %parallel_loop3A_850 = %parallel_loop3A_543 to %parallel_loop3A_544 step %parallel_loop3A_545  : i32 {
          %parallel_loop3A_851 = arith.constant 16 : i32
          %parallel_loop3A_852 = arith.muli %parallel_loop3A_850, %parallel_loop3A_851 : i32
          %parallel_loop3A_853 = arith.index_cast %parallel_loop3A_852 : i32 to index
          %parallel_loop3A_854 = tpu.vector_load %arg51[%parallel_loop3A_853] {strides = array<i32>} : memref<1024xf32, #tpu.memory_space<vmem>>, vector<16xf32>,
          %parallel_loop3A_855 = vector.shape_cast %parallel_loop3A_854 : vector<16xf32> to vector<16xf32>
          %parallel_loop3A_856 = arith.constant 16 : i32
          %parallel_loop3A_857 = arith.muli %parallel_loop3A_850, %parallel_loop3A_856 : i32
          %parallel_loop3A_858 = arith.constant 0 : i32
          %parallel_loop3A_859 = arith.addi %parallel_loop3A_858, %parallel_loop3A_857 : i32
          %parallel_loop3A_860 = arith.index_cast %parallel_loop3A_859 : i32 to index
          %parallel_loop3A_861 = tpu.vector_load %arg45[%parallel_loop3A_860] {strides = array<i32>} : memref<4096xf32, #tpu.memory_space<vmem>>, vector<16xf32>,
          %parallel_loop3A_862 = vector.shape_cast %parallel_loop3A_861 : vector<16xf32> to vector<16xf32>
          %parallel_loop3A_863 = arith.mulf %parallel_loop3A_855, %parallel_loop3A_862 : vector<16xf32>
          %parallel_loop3A_864 = arith.index_cast %parallel_loop3A_852 : i32 to index
          %parallel_loop3A_865 = tpu.vector_load %arg37[%parallel_loop3A_864] {strides = array<i32>} : memref<1024xf32, #tpu.memory_space<vmem>>, vector<16xf32>,
          %parallel_loop3A_866 = vector.shape_cast %parallel_loop3A_865 : vector<16xf32> to vector<16xf32>
          %parallel_loop3A_867 = vector.shape_cast %parallel_loop3A_863 : vector<16xf32> to vector<16xf32>
          tpu.vector_store %arg37[%parallel_loop3A_864], %parallel_loop3A_867 {strides = array<i32>} : memref<1024xf32, #tpu.memory_space<vmem>>, vector<16xf32>,
          %parallel_loop3A_868 = arith.constant 16 : i32
          %parallel_loop3A_869 = arith.muli %parallel_loop3A_850, %parallel_loop3A_868 : i32
          %parallel_loop3A_870 = arith.constant 1024 : i32
          %parallel_loop3A_871 = arith.addi %parallel_loop3A_870, %parallel_loop3A_869 : i32
          %parallel_loop3A_872 = arith.index_cast %parallel_loop3A_871 : i32 to index
          %parallel_loop3A_873 = tpu.vector_load %arg45[%parallel_loop3A_872] {strides = array<i32>} : memref<4096xf32, #tpu.memory_space<vmem>>, vector<16xf32>,
          %parallel_loop3A_874 = vector.shape_cast %parallel_loop3A_873 : vector<16xf32> to vector<16xf32>
          %parallel_loop3A_875 = arith.mulf %parallel_loop3A_855, %parallel_loop3A_874 : vector<16xf32>
          %parallel_loop3A_876 = arith.index_cast %parallel_loop3A_852 : i32 to index
          %parallel_loop3A_877 = tpu.vector_load %arg38[%parallel_loop3A_876] {strides = array<i32>} : memref<1024xf32, #tpu.memory_space<vmem>>, vector<16xf32>,
          %parallel_loop3A_878 = vector.shape_cast %parallel_loop3A_877 : vector<16xf32> to vector<16xf32>
          %parallel_loop3A_879 = vector.shape_cast %parallel_loop3A_875 : vector<16xf32> to vector<16xf32>
          tpu.vector_store %arg38[%parallel_loop3A_876], %parallel_loop3A_879 {strides = array<i32>} : memref<1024xf32, #tpu.memory_space<vmem>>, vector<16xf32>,
          %parallel_loop3A_880 = arith.constant 16 : i32
          %parallel_loop3A_881 = arith.muli %parallel_loop3A_850, %parallel_loop3A_880 : i32
          %parallel_loop3A_882 = arith.constant 2048 : i32
          %parallel_loop3A_883 = arith.addi %parallel_loop3A_882, %parallel_loop3A_881 : i32
          %parallel_loop3A_884 = arith.index_cast %parallel_loop3A_883 : i32 to index
          %parallel_loop3A_885 = tpu.vector_load %arg45[%parallel_loop3A_884] {strides = array<i32>} : memref<4096xf32, #tpu.memory_space<vmem>>, vector<16xf32>,
          %parallel_loop3A_886 = vector.shape_cast %parallel_loop3A_885 : vector<16xf32> to vector<16xf32>
          %parallel_loop3A_887 = arith.mulf %parallel_loop3A_855, %parallel_loop3A_886 : vector<16xf32>
          %parallel_loop3A_888 = arith.index_cast %parallel_loop3A_852 : i32 to index
          %parallel_loop3A_889 = tpu.vector_load %arg39[%parallel_loop3A_888] {strides = array<i32>} : memref<1024xf32, #tpu.memory_space<vmem>>, vector<16xf32>,
          %parallel_loop3A_890 = vector.shape_cast %parallel_loop3A_889 : vector<16xf32> to vector<16xf32>
          %parallel_loop3A_891 = vector.shape_cast %parallel_loop3A_887 : vector<16xf32> to vector<16xf32>
          tpu.vector_store %arg39[%parallel_loop3A_888], %parallel_loop3A_891 {strides = array<i32>} : memref<1024xf32, #tpu.memory_space<vmem>>, vector<16xf32>,
          %parallel_loop3A_892 = arith.constant 16 : i32
          %parallel_loop3A_893 = arith.muli %parallel_loop3A_850, %parallel_loop3A_892 : i32
          %parallel_loop3A_894 = arith.constant 3072 : i32
          %parallel_loop3A_895 = arith.addi %parallel_loop3A_894, %parallel_loop3A_893 : i32
          %parallel_loop3A_896 = arith.index_cast %parallel_loop3A_895 : i32 to index
          %parallel_loop3A_897 = tpu.vector_load %arg45[%parallel_loop3A_896] {strides = array<i32>} : memref<4096xf32, #tpu.memory_space<vmem>>, vector<16xf32>,
          %parallel_loop3A_898 = vector.shape_cast %parallel_loop3A_897 : vector<16xf32> to vector<16xf32>
          %parallel_loop3A_899 = arith.mulf %parallel_loop3A_855, %parallel_loop3A_898 : vector<16xf32>
          %parallel_loop3A_900 = arith.index_cast %parallel_loop3A_852 : i32 to index
          %parallel_loop3A_901 = tpu.vector_load %arg40[%parallel_loop3A_900] {strides = array<i32>} : memref<1024xf32, #tpu.memory_space<vmem>>, vector<16xf32>,
          %parallel_loop3A_902 = vector.shape_cast %parallel_loop3A_901 : vector<16xf32> to vector<16xf32>
          %parallel_loop3A_903 = vector.shape_cast %parallel_loop3A_899 : vector<16xf32> to vector<16xf32>
          tpu.vector_store %arg40[%parallel_loop3A_900], %parallel_loop3A_903 {strides = array<i32>} : memref<1024xf32, #tpu.memory_space<vmem>>, vector<16xf32>,
          %parallel_loop3A_904 = arith.index_cast %parallel_loop3A_852 : i32 to index
          %parallel_loop3A_905 = tpu.vector_load %arg53[%parallel_loop3A_904] {strides = array<i32>} : memref<1024xf32, #tpu.memory_space<vmem>>, vector<16xf32>,
          %parallel_loop3A_906 = vector.shape_cast %parallel_loop3A_905 : vector<16xf32> to vector<16xf32>
          %parallel_loop3A_907 = arith.constant 16 : i32
          %parallel_loop3A_908 = arith.muli %parallel_loop3A_850, %parallel_loop3A_907 : i32
          %parallel_loop3A_909 = arith.constant 0 : i32
          %parallel_loop3A_910 = arith.addi %parallel_loop3A_909, %parallel_loop3A_908 : i32
          %parallel_loop3A_911 = arith.index_cast %parallel_loop3A_910 : i32 to index
          %parallel_loop3A_912 = tpu.vector_load %arg45[%parallel_loop3A_911] {strides = array<i32>} : memref<4096xf32, #tpu.memory_space<vmem>>, vector<16xf32>,
          %parallel_loop3A_913 = vector.shape_cast %parallel_loop3A_912 : vector<16xf32> to vector<16xf32>
          %parallel_loop3A_914 = arith.mulf %parallel_loop3A_906, %parallel_loop3A_913 : vector<16xf32>
          %parallel_loop3A_915 = arith.index_cast %parallel_loop3A_852 : i32 to index
          %parallel_loop3A_916 = tpu.vector_load %arg41[%parallel_loop3A_915] {strides = array<i32>} : memref<1024xf32, #tpu.memory_space<vmem>>, vector<16xf32>,
          %parallel_loop3A_917 = vector.shape_cast %parallel_loop3A_916 : vector<16xf32> to vector<16xf32>
          %parallel_loop3A_918 = vector.shape_cast %parallel_loop3A_914 : vector<16xf32> to vector<16xf32>
          tpu.vector_store %arg41[%parallel_loop3A_915], %parallel_loop3A_918 {strides = array<i32>} : memref<1024xf32, #tpu.memory_space<vmem>>, vector<16xf32>,
          %parallel_loop3A_919 = arith.constant 16 : i32
          %parallel_loop3A_920 = arith.muli %parallel_loop3A_850, %parallel_loop3A_919 : i32
          %parallel_loop3A_921 = arith.constant 1024 : i32
          %parallel_loop3A_922 = arith.addi %parallel_loop3A_921, %parallel_loop3A_920 : i32
          %parallel_loop3A_923 = arith.index_cast %parallel_loop3A_922 : i32 to index
          %parallel_loop3A_924 = tpu.vector_load %arg45[%parallel_loop3A_923] {strides = array<i32>} : memref<4096xf32, #tpu.memory_space<vmem>>, vector<16xf32>,
          %parallel_loop3A_925 = vector.shape_cast %parallel_loop3A_924 : vector<16xf32> to vector<16xf32>
          %parallel_loop3A_926 = arith.mulf %parallel_loop3A_906, %parallel_loop3A_925 : vector<16xf32>
          %parallel_loop3A_927 = arith.index_cast %parallel_loop3A_852 : i32 to index
          %parallel_loop3A_928 = tpu.vector_load %arg42[%parallel_loop3A_927] {strides = array<i32>} : memref<1024xf32, #tpu.memory_space<vmem>>, vector<16xf32>,
          %parallel_loop3A_929 = vector.shape_cast %parallel_loop3A_928 : vector<16xf32> to vector<16xf32>
          %parallel_loop3A_930 = vector.shape_cast %parallel_loop3A_926 : vector<16xf32> to vector<16xf32>
          tpu.vector_store %arg42[%parallel_loop3A_927], %parallel_loop3A_930 {strides = array<i32>} : memref<1024xf32, #tpu.memory_space<vmem>>, vector<16xf32>,
          %parallel_loop3A_931 = arith.constant 16 : i32
          %parallel_loop3A_932 = arith.muli %parallel_loop3A_850, %parallel_loop3A_931 : i32
          %parallel_loop3A_933 = arith.constant 2048 : i32
          %parallel_loop3A_934 = arith.addi %parallel_loop3A_933, %parallel_loop3A_932 : i32
          %parallel_loop3A_935 = arith.index_cast %parallel_loop3A_934 : i32 to index
          %parallel_loop3A_936 = tpu.vector_load %arg45[%parallel_loop3A_935] {strides = array<i32>} : memref<4096xf32, #tpu.memory_space<vmem>>, vector<16xf32>,
          %parallel_loop3A_937 = vector.shape_cast %parallel_loop3A_936 : vector<16xf32> to vector<16xf32>
          %parallel_loop3A_938 = arith.mulf %parallel_loop3A_906, %parallel_loop3A_937 : vector<16xf32>
          %parallel_loop3A_939 = arith.index_cast %parallel_loop3A_852 : i32 to index
          %parallel_loop3A_940 = tpu.vector_load %arg43[%parallel_loop3A_939] {strides = array<i32>} : memref<1024xf32, #tpu.memory_space<vmem>>, vector<16xf32>,
          %parallel_loop3A_941 = vector.shape_cast %parallel_loop3A_940 : vector<16xf32> to vector<16xf32>
          %parallel_loop3A_942 = vector.shape_cast %parallel_loop3A_938 : vector<16xf32> to vector<16xf32>
          tpu.vector_store %arg43[%parallel_loop3A_939], %parallel_loop3A_942 {strides = array<i32>} : memref<1024xf32, #tpu.memory_space<vmem>>, vector<16xf32>,
          %parallel_loop3A_943 = arith.constant 16 : i32
          %parallel_loop3A_944 = arith.muli %parallel_loop3A_850, %parallel_loop3A_943 : i32
          %parallel_loop3A_945 = arith.constant 3072 : i32
          %parallel_loop3A_946 = arith.addi %parallel_loop3A_945, %parallel_loop3A_944 : i32
          %parallel_loop3A_947 = arith.index_cast %parallel_loop3A_946 : i32 to index
          %parallel_loop3A_948 = tpu.vector_load %arg45[%parallel_loop3A_947] {strides = array<i32>} : memref<4096xf32, #tpu.memory_space<vmem>>, vector<16xf32>,
          %parallel_loop3A_949 = vector.shape_cast %parallel_loop3A_948 : vector<16xf32> to vector<16xf32>
          %parallel_loop3A_950 = arith.mulf %parallel_loop3A_906, %parallel_loop3A_949 : vector<16xf32>
          %parallel_loop3A_951 = arith.index_cast %parallel_loop3A_852 : i32 to index
          %parallel_loop3A_952 = tpu.vector_load %arg44[%parallel_loop3A_951] {strides = array<i32>} : memref<1024xf32, #tpu.memory_space<vmem>>, vector<16xf32>,
          %parallel_loop3A_953 = vector.shape_cast %parallel_loop3A_952 : vector<16xf32> to vector<16xf32>
          %parallel_loop3A_954 = vector.shape_cast %parallel_loop3A_950 : vector<16xf32> to vector<16xf32>
          tpu.vector_store %arg44[%parallel_loop3A_951], %parallel_loop3A_954 {strides = array<i32>} : memref<1024xf32, #tpu.memory_space<vmem>>, vector<16xf32>,
        } {sc.loop_unroll_factor = 4 : i64, sc.parallel_access}
        %dma_start3A_546 = arith.constant 0 : i32
        %dma_start3A_547 = tpu.memref_slice %arg19[%dma_start3A_546] : memref<262144xf32, #tpu.memory_space<vmem_shared>> -> memref<262144xf32, #tpu.memory_space<vmem_shared>>
        tpu.enqueue_indirect_dma source(%arg37 : memref<1024xf32, #tpu.memory_space<vmem>>) target(%dma_start3A_547 : memref<262144xf32, #tpu.memory_space<vmem_shared>>) offsets(%arg11 : memref<1024xi32, #tpu.memory_space<vmem>>) semaphore(%arg27 : memref<!tpu.dma_semaphore, #tpu.memory_space<semaphore_mem>>) {add = true}
        %dma_start3A_548 = arith.constant 0 : i32
        %dma_start3A_549 = tpu.memref_slice %arg20[%dma_start3A_548] : memref<262144xf32, #tpu.memory_space<vmem_shared>> -> memref<262144xf32, #tpu.memory_space<vmem_shared>>
        tpu.enqueue_indirect_dma source(%arg38 : memref<1024xf32, #tpu.memory_space<vmem>>) target(%dma_start3A_549 : memref<262144xf32, #tpu.memory_space<vmem_shared>>) offsets(%arg11 : memref<1024xi32, #tpu.memory_space<vmem>>) semaphore(%arg27 : memref<!tpu.dma_semaphore, #tpu.memory_space<semaphore_mem>>) {add = true}
        %dma_start3A_550 = arith.constant 0 : i32
        %dma_start3A_551 = tpu.memref_slice %arg21[%dma_start3A_550] : memref<262144xf32, #tpu.memory_space<vmem_shared>> -> memref<262144xf32, #tpu.memory_space<vmem_shared>>
        tpu.enqueue_indirect_dma source(%arg39 : memref<1024xf32, #tpu.memory_space<vmem>>) target(%dma_start3A_551 : memref<262144xf32, #tpu.memory_space<vmem_shared>>) offsets(%arg11 : memref<1024xi32, #tpu.memory_space<vmem>>) semaphore(%arg27 : memref<!tpu.dma_semaphore, #tpu.memory_space<semaphore_mem>>) {add = true}
        %dma_start3A_552 = arith.constant 0 : i32
        %dma_start3A_553 = tpu.memref_slice %arg22[%dma_start3A_552] : memref<262144xf32, #tpu.memory_space<vmem_shared>> -> memref<262144xf32, #tpu.memory_space<vmem_shared>>
        tpu.enqueue_indirect_dma source(%arg40 : memref<1024xf32, #tpu.memory_space<vmem>>) target(%dma_start3A_553 : memref<262144xf32, #tpu.memory_space<vmem_shared>>) offsets(%arg11 : memref<1024xi32, #tpu.memory_space<vmem>>) semaphore(%arg27 : memref<!tpu.dma_semaphore, #tpu.memory_space<semaphore_mem>>) {add = true}
        %dma_start3A_554 = arith.constant 0 : i32
        %dma_start3A_555 = tpu.memref_slice %arg19[%dma_start3A_554] : memref<262144xf32, #tpu.memory_space<vmem_shared>> -> memref<262144xf32, #tpu.memory_space<vmem_shared>>
        tpu.enqueue_indirect_dma source(%arg41 : memref<1024xf32, #tpu.memory_space<vmem>>) target(%dma_start3A_555 : memref<262144xf32, #tpu.memory_space<vmem_shared>>) offsets(%arg13 : memref<1024xi32, #tpu.memory_space<vmem>>) semaphore(%arg27 : memref<!tpu.dma_semaphore, #tpu.memory_space<semaphore_mem>>) {add = true}
        %dma_start3A_556 = arith.constant 0 : i32
        %dma_start3A_557 = tpu.memref_slice %arg20[%dma_start3A_556] : memref<262144xf32, #tpu.memory_space<vmem_shared>> -> memref<262144xf32, #tpu.memory_space<vmem_shared>>
        tpu.enqueue_indirect_dma source(%arg42 : memref<1024xf32, #tpu.memory_space<vmem>>) target(%dma_start3A_557 : memref<262144xf32, #tpu.memory_space<vmem_shared>>) offsets(%arg13 : memref<1024xi32, #tpu.memory_space<vmem>>) semaphore(%arg27 : memref<!tpu.dma_semaphore, #tpu.memory_space<semaphore_mem>>) {add = true}
        %dma_start3A_558 = arith.constant 0 : i32
        %dma_start3A_559 = tpu.memref_slice %arg21[%dma_start3A_558] : memref<262144xf32, #tpu.memory_space<vmem_shared>> -> memref<262144xf32, #tpu.memory_space<vmem_shared>>
        tpu.enqueue_indirect_dma source(%arg43 : memref<1024xf32, #tpu.memory_space<vmem>>) target(%dma_start3A_559 : memref<262144xf32, #tpu.memory_space<vmem_shared>>) offsets(%arg13 : memref<1024xi32, #tpu.memory_space<vmem>>) semaphore(%arg27 : memref<!tpu.dma_semaphore, #tpu.memory_space<semaphore_mem>>) {add = true}
        %dma_start3A_560 = arith.constant 0 : i32
        %dma_start3A_561 = tpu.memref_slice %arg22[%dma_start3A_560] : memref<262144xf32, #tpu.memory_space<vmem_shared>> -> memref<262144xf32, #tpu.memory_space<vmem_shared>>
        tpu.enqueue_indirect_dma source(%arg44 : memref<1024xf32, #tpu.memory_space<vmem>>) target(%dma_start3A_561 : memref<262144xf32, #tpu.memory_space<vmem_shared>>) offsets(%arg13 : memref<1024xi32, #tpu.memory_space<vmem>>) semaphore(%arg27 : memref<!tpu.dma_semaphore, #tpu.memory_space<semaphore_mem>>) {add = true}
        %dma_wait3A_562 = arith.constant 0 : i32
        %dma_wait3A_563 = tpu.memref_slice %arg19[%dma_wait3A_562] : memref<262144xf32, #tpu.memory_space<vmem_shared>> -> memref<262144xf32, #tpu.memory_space<vmem_shared>>
        tpu.wait_indirect_dma semaphore(%arg27 : memref<!tpu.dma_semaphore, #tpu.memory_space<semaphore_mem>>) src(%arg29 : memref<1024xf32, #tpu.memory_space<vmem>>) dst(%dma_wait3A_563 : memref<262144xf32, #tpu.memory_space<vmem_shared>>)
        %dma_wait3A_564 = arith.constant 0 : i32
        %dma_wait3A_565 = tpu.memref_slice %arg20[%dma_wait3A_564] : memref<262144xf32, #tpu.memory_space<vmem_shared>> -> memref<262144xf32, #tpu.memory_space<vmem_shared>>
        tpu.wait_indirect_dma semaphore(%arg27 : memref<!tpu.dma_semaphore, #tpu.memory_space<semaphore_mem>>) src(%arg30 : memref<1024xf32, #tpu.memory_space<vmem>>) dst(%dma_wait3A_565 : memref<262144xf32, #tpu.memory_space<vmem_shared>>)
        %dma_wait3A_566 = arith.constant 0 : i32
        %dma_wait3A_567 = tpu.memref_slice %arg21[%dma_wait3A_566] : memref<262144xf32, #tpu.memory_space<vmem_shared>> -> memref<262144xf32, #tpu.memory_space<vmem_shared>>
        tpu.wait_indirect_dma semaphore(%arg27 : memref<!tpu.dma_semaphore, #tpu.memory_space<semaphore_mem>>) src(%arg31 : memref<1024xf32, #tpu.memory_space<vmem>>) dst(%dma_wait3A_567 : memref<262144xf32, #tpu.memory_space<vmem_shared>>)
        %dma_wait3A_568 = arith.constant 0 : i32
        %dma_wait3A_569 = tpu.memref_slice %arg22[%dma_wait3A_568] : memref<262144xf32, #tpu.memory_space<vmem_shared>> -> memref<262144xf32, #tpu.memory_space<vmem_shared>>
        tpu.wait_indirect_dma semaphore(%arg27 : memref<!tpu.dma_semaphore, #tpu.memory_space<semaphore_mem>>) src(%arg32 : memref<1024xf32, #tpu.memory_space<vmem>>) dst(%dma_wait3A_569 : memref<262144xf32, #tpu.memory_space<vmem_shared>>)
        %dma_wait3A_570 = arith.constant 0 : i32
        %dma_wait3A_571 = tpu.memref_slice %arg19[%dma_wait3A_570] : memref<262144xf32, #tpu.memory_space<vmem_shared>> -> memref<262144xf32, #tpu.memory_space<vmem_shared>>
        tpu.wait_indirect_dma semaphore(%arg27 : memref<!tpu.dma_semaphore, #tpu.memory_space<semaphore_mem>>) src(%arg33 : memref<1024xf32, #tpu.memory_space<vmem>>) dst(%dma_wait3A_571 : memref<262144xf32, #tpu.memory_space<vmem_shared>>)
        %dma_wait3A_572 = arith.constant 0 : i32
        %dma_wait3A_573 = tpu.memref_slice %arg20[%dma_wait3A_572] : memref<262144xf32, #tpu.memory_space<vmem_shared>> -> memref<262144xf32, #tpu.memory_space<vmem_shared>>
        tpu.wait_indirect_dma semaphore(%arg27 : memref<!tpu.dma_semaphore, #tpu.memory_space<semaphore_mem>>) src(%arg34 : memref<1024xf32, #tpu.memory_space<vmem>>) dst(%dma_wait3A_573 : memref<262144xf32, #tpu.memory_space<vmem_shared>>)
        %dma_wait3A_574 = arith.constant 0 : i32
        %dma_wait3A_575 = tpu.memref_slice %arg21[%dma_wait3A_574] : memref<262144xf32, #tpu.memory_space<vmem_shared>> -> memref<262144xf32, #tpu.memory_space<vmem_shared>>
        tpu.wait_indirect_dma semaphore(%arg27 : memref<!tpu.dma_semaphore, #tpu.memory_space<semaphore_mem>>) src(%arg35 : memref<1024xf32, #tpu.memory_space<vmem>>) dst(%dma_wait3A_575 : memref<262144xf32, #tpu.memory_space<vmem_shared>>)
        %dma_wait3A_576 = arith.constant 0 : i32
        %dma_wait3A_577 = tpu.memref_slice %arg22[%dma_wait3A_576] : memref<262144xf32, #tpu.memory_space<vmem_shared>> -> memref<262144xf32, #tpu.memory_space<vmem_shared>>
        tpu.wait_indirect_dma semaphore(%arg27 : memref<!tpu.dma_semaphore, #tpu.memory_space<semaphore_mem>>) src(%arg36 : memref<1024xf32, #tpu.memory_space<vmem>>) dst(%dma_wait3A_577 : memref<262144xf32, #tpu.memory_space<vmem_shared>>)
        %dma_wait3A_578 = arith.constant 0 : i32
        %dma_wait3A_579 = tpu.memref_slice %arg19[%dma_wait3A_578] : memref<262144xf32, #tpu.memory_space<vmem_shared>> -> memref<262144xf32, #tpu.memory_space<vmem_shared>>
        tpu.wait_indirect_dma semaphore(%arg27 : memref<!tpu.dma_semaphore, #tpu.memory_space<semaphore_mem>>) src(%arg37 : memref<1024xf32, #tpu.memory_space<vmem>>) dst(%dma_wait3A_579 : memref<262144xf32, #tpu.memory_space<vmem_shared>>)
        %dma_wait3A_580 = arith.constant 0 : i32
        %dma_wait3A_581 = tpu.memref_slice %arg20[%dma_wait3A_580] : memref<262144xf32, #tpu.memory_space<vmem_shared>> -> memref<262144xf32, #tpu.memory_space<vmem_shared>>
        tpu.wait_indirect_dma semaphore(%arg27 : memref<!tpu.dma_semaphore, #tpu.memory_space<semaphore_mem>>) src(%arg38 : memref<1024xf32, #tpu.memory_space<vmem>>) dst(%dma_wait3A_581 : memref<262144xf32, #tpu.memory_space<vmem_shared>>)
        %dma_wait3A_582 = arith.constant 0 : i32
        %dma_wait3A_583 = tpu.memref_slice %arg21[%dma_wait3A_582] : memref<262144xf32, #tpu.memory_space<vmem_shared>> -> memref<262144xf32, #tpu.memory_space<vmem_shared>>
        tpu.wait_indirect_dma semaphore(%arg27 : memref<!tpu.dma_semaphore, #tpu.memory_space<semaphore_mem>>) src(%arg39 : memref<1024xf32, #tpu.memory_space<vmem>>) dst(%dma_wait3A_583 : memref<262144xf32, #tpu.memory_space<vmem_shared>>)
        %dma_wait3A_584 = arith.constant 0 : i32
        %dma_wait3A_585 = tpu.memref_slice %arg22[%dma_wait3A_584] : memref<262144xf32, #tpu.memory_space<vmem_shared>> -> memref<262144xf32, #tpu.memory_space<vmem_shared>>
        tpu.wait_indirect_dma semaphore(%arg27 : memref<!tpu.dma_semaphore, #tpu.memory_space<semaphore_mem>>) src(%arg40 : memref<1024xf32, #tpu.memory_space<vmem>>) dst(%dma_wait3A_585 : memref<262144xf32, #tpu.memory_space<vmem_shared>>)
        %dma_wait3A_586 = arith.constant 0 : i32
        %dma_wait3A_587 = tpu.memref_slice %arg19[%dma_wait3A_586] : memref<262144xf32, #tpu.memory_space<vmem_shared>> -> memref<262144xf32, #tpu.memory_space<vmem_shared>>
        tpu.wait_indirect_dma semaphore(%arg27 : memref<!tpu.dma_semaphore, #tpu.memory_space<semaphore_mem>>) src(%arg41 : memref<1024xf32, #tpu.memory_space<vmem>>) dst(%dma_wait3A_587 : memref<262144xf32, #tpu.memory_space<vmem_shared>>)
        %dma_wait3A_588 = arith.constant 0 : i32
        %dma_wait3A_589 = tpu.memref_slice %arg20[%dma_wait3A_588] : memref<262144xf32, #tpu.memory_space<vmem_shared>> -> memref<262144xf32, #tpu.memory_space<vmem_shared>>
        tpu.wait_indirect_dma semaphore(%arg27 : memref<!tpu.dma_semaphore, #tpu.memory_space<semaphore_mem>>) src(%arg42 : memref<1024xf32, #tpu.memory_space<vmem>>) dst(%dma_wait3A_589 : memref<262144xf32, #tpu.memory_space<vmem_shared>>)
        %dma_wait3A_590 = arith.constant 0 : i32
        %dma_wait3A_591 = tpu.memref_slice %arg21[%dma_wait3A_590] : memref<262144xf32, #tpu.memory_space<vmem_shared>> -> memref<262144xf32, #tpu.memory_space<vmem_shared>>
        tpu.wait_indirect_dma semaphore(%arg27 : memref<!tpu.dma_semaphore, #tpu.memory_space<semaphore_mem>>) src(%arg43 : memref<1024xf32, #tpu.memory_space<vmem>>) dst(%dma_wait3A_591 : memref<262144xf32, #tpu.memory_space<vmem_shared>>)
        %dma_wait3A_592 = arith.constant 0 : i32
        %dma_wait3A_593 = tpu.memref_slice %arg22[%dma_wait3A_592] : memref<262144xf32, #tpu.memory_space<vmem_shared>> -> memref<262144xf32, #tpu.memory_space<vmem_shared>>
        tpu.wait_indirect_dma semaphore(%arg27 : memref<!tpu.dma_semaphore, #tpu.memory_space<semaphore_mem>>) src(%arg44 : memref<1024xf32, #tpu.memory_space<vmem>>) dst(%dma_wait3A_593 : memref<262144xf32, #tpu.memory_space<vmem_shared>>)
        %mul3A_594 = arith.constant 16384 : i32
        %mul3A_595 = arith.muli %arg1, %mul3A_594 : i32
        %mul3A_596 = arith.constant 1024 : i32
        %mul3A_597 = arith.muli %min3A_338, %mul3A_596 : i32
        %add3A_598 = arith.addi %mul3A_595, %mul3A_597 : i32
        %dma_start3A_599 = arith.constant 0 : i32
        %dma_start3A_600 = tpu.memref_slice %arg3[%arg0, %dma_start3A_599, %add3A_598] : memref<2x4x262144xi32, #tpu.memory_space<hbm>> -> memref<1x1x1024xi32, #tpu.memory_space<hbm>>
        %dma_start3A_601 = tpu.memref_squeeze %dma_start3A_600 : memref<1x1x1024xi32, #tpu.memory_space<hbm>> -> memref<1024xi32, #tpu.memory_space<hbm>>
        %dma_start3A_602 = tpu.memref_slice %arg3[%arg0, %dma_start3A_599, %add3A_598] : memref<2x4x262144xi32, #tpu.memory_space<hbm>> -> memref<1x1x1024xi32, #tpu.memory_space<hbm>>
        %dma_start3A_603 = tpu.memref_squeeze %dma_start3A_602 : memref<1x1x1024xi32, #tpu.memory_space<hbm>> -> memref<1024xi32, #tpu.memory_space<hbm>>
        tpu.enqueue_dma source(%dma_start3A_603 : memref<1024xi32, #tpu.memory_space<hbm>>) target(%arg7 : memref<1024xi32, #tpu.memory_space<vmem>>) target_semaphore(%arg24 : memref<!tpu.dma_semaphore, #tpu.memory_space<semaphore_mem>>)
        %dma_start3A_604 = arith.constant 0 : i32
        %dma_start3A_605 = tpu.memref_slice %arg4[%arg0, %dma_start3A_604, %add3A_598] : memref<2x4x262144xf32, #tpu.memory_space<hbm>> -> memref<1x1x1024xf32, #tpu.memory_space<hbm>>
        %dma_start3A_606 = tpu.memref_squeeze %dma_start3A_605 : memref<1x1x1024xf32, #tpu.memory_space<hbm>> -> memref<1024xf32, #tpu.memory_space<hbm>>
        %dma_start3A_607 = tpu.memref_slice %arg4[%arg0, %dma_start3A_604, %add3A_598] : memref<2x4x262144xf32, #tpu.memory_space<hbm>> -> memref<1x1x1024xf32, #tpu.memory_space<hbm>>
        %dma_start3A_608 = tpu.memref_squeeze %dma_start3A_607 : memref<1x1x1024xf32, #tpu.memory_space<hbm>> -> memref<1024xf32, #tpu.memory_space<hbm>>
        tpu.enqueue_dma source(%dma_start3A_608 : memref<1024xf32, #tpu.memory_space<hbm>>) target(%arg47 : memref<1024xf32, #tpu.memory_space<vmem>>) target_semaphore(%arg24 : memref<!tpu.dma_semaphore, #tpu.memory_space<semaphore_mem>>)
        %dma_start3A_609 = arith.constant 1 : i32
        %dma_start3A_610 = tpu.memref_slice %arg3[%arg0, %dma_start3A_609, %add3A_598] : memref<2x4x262144xi32, #tpu.memory_space<hbm>> -> memref<1x1x1024xi32, #tpu.memory_space<hbm>>
        %dma_start3A_611 = tpu.memref_squeeze %dma_start3A_610 : memref<1x1x1024xi32, #tpu.memory_space<hbm>> -> memref<1024xi32, #tpu.memory_space<hbm>>
        %dma_start3A_612 = tpu.memref_slice %arg3[%arg0, %dma_start3A_609, %add3A_598] : memref<2x4x262144xi32, #tpu.memory_space<hbm>> -> memref<1x1x1024xi32, #tpu.memory_space<hbm>>
        %dma_start3A_613 = tpu.memref_squeeze %dma_start3A_612 : memref<1x1x1024xi32, #tpu.memory_space<hbm>> -> memref<1024xi32, #tpu.memory_space<hbm>>
        tpu.enqueue_dma source(%dma_start3A_613 : memref<1024xi32, #tpu.memory_space<hbm>>) target(%arg9 : memref<1024xi32, #tpu.memory_space<vmem>>) target_semaphore(%arg24 : memref<!tpu.dma_semaphore, #tpu.memory_space<semaphore_mem>>)
        %dma_start3A_614 = arith.constant 1 : i32
        %dma_start3A_615 = tpu.memref_slice %arg4[%arg0, %dma_start3A_614, %add3A_598] : memref<2x4x262144xf32, #tpu.memory_space<hbm>> -> memref<1x1x1024xf32, #tpu.memory_space<hbm>>
        %dma_start3A_616 = tpu.memref_squeeze %dma_start3A_615 : memref<1x1x1024xf32, #tpu.memory_space<hbm>> -> memref<1024xf32, #tpu.memory_space<hbm>>
        %dma_start3A_617 = tpu.memref_slice %arg4[%arg0, %dma_start3A_614, %add3A_598] : memref<2x4x262144xf32, #tpu.memory_space<hbm>> -> memref<1x1x1024xf32, #tpu.memory_space<hbm>>
        %dma_start3A_618 = tpu.memref_squeeze %dma_start3A_617 : memref<1x1x1024xf32, #tpu.memory_space<hbm>> -> memref<1024xf32, #tpu.memory_space<hbm>>
        tpu.enqueue_dma source(%dma_start3A_618 : memref<1024xf32, #tpu.memory_space<hbm>>) target(%arg49 : memref<1024xf32, #tpu.memory_space<vmem>>) target_semaphore(%arg24 : memref<!tpu.dma_semaphore, #tpu.memory_space<semaphore_mem>>)
        %dma_start3A_619 = arith.constant 2 : i32
        %dma_start3A_620 = tpu.memref_slice %arg3[%arg0, %dma_start3A_619, %add3A_598] : memref<2x4x262144xi32, #tpu.memory_space<hbm>> -> memref<1x1x1024xi32, #tpu.memory_space<hbm>>
        %dma_start3A_621 = tpu.memref_squeeze %dma_start3A_620 : memref<1x1x1024xi32, #tpu.memory_space<hbm>> -> memref<1024xi32, #tpu.memory_space<hbm>>
        %dma_start3A_622 = tpu.memref_slice %arg3[%arg0, %dma_start3A_619, %add3A_598] : memref<2x4x262144xi32, #tpu.memory_space<hbm>> -> memref<1x1x1024xi32, #tpu.memory_space<hbm>>
        %dma_start3A_623 = tpu.memref_squeeze %dma_start3A_622 : memref<1x1x1024xi32, #tpu.memory_space<hbm>> -> memref<1024xi32, #tpu.memory_space<hbm>>
        tpu.enqueue_dma source(%dma_start3A_623 : memref<1024xi32, #tpu.memory_space<hbm>>) target(%arg11 : memref<1024xi32, #tpu.memory_space<vmem>>) target_semaphore(%arg24 : memref<!tpu.dma_semaphore, #tpu.memory_space<semaphore_mem>>)
        %dma_start3A_624 = arith.constant 2 : i32
        %dma_start3A_625 = tpu.memref_slice %arg4[%arg0, %dma_start3A_624, %add3A_598] : memref<2x4x262144xf32, #tpu.memory_space<hbm>> -> memref<1x1x1024xf32, #tpu.memory_space<hbm>>
        %dma_start3A_626 = tpu.memref_squeeze %dma_start3A_625 : memref<1x1x1024xf32, #tpu.memory_space<hbm>> -> memref<1024xf32, #tpu.memory_space<hbm>>
        %dma_start3A_627 = tpu.memref_slice %arg4[%arg0, %dma_start3A_624, %add3A_598] : memref<2x4x262144xf32, #tpu.memory_space<hbm>> -> memref<1x1x1024xf32, #tpu.memory_space<hbm>>
        %dma_start3A_628 = tpu.memref_squeeze %dma_start3A_627 : memref<1x1x1024xf32, #tpu.memory_space<hbm>> -> memref<1024xf32, #tpu.memory_space<hbm>>
        tpu.enqueue_dma source(%dma_start3A_628 : memref<1024xf32, #tpu.memory_space<hbm>>) target(%arg51 : memref<1024xf32, #tpu.memory_space<vmem>>) target_semaphore(%arg24 : memref<!tpu.dma_semaphore, #tpu.memory_space<semaphore_mem>>)
        %dma_start3A_629 = arith.constant 3 : i32
        %dma_start3A_630 = tpu.memref_slice %arg3[%arg0, %dma_start3A_629, %add3A_598] : memref<2x4x262144xi32, #tpu.memory_space<hbm>> -> memref<1x1x1024xi32, #tpu.memory_space<hbm>>
        %dma_start3A_631 = tpu.memref_squeeze %dma_start3A_630 : memref<1x1x1024xi32, #tpu.memory_space<hbm>> -> memref<1024xi32, #tpu.memory_space<hbm>>
        %dma_start3A_632 = tpu.memref_slice %arg3[%arg0, %dma_start3A_629, %add3A_598] : memref<2x4x262144xi32, #tpu.memory_space<hbm>> -> memref<1x1x1024xi32, #tpu.memory_space<hbm>>
        %dma_start3A_633 = tpu.memref_squeeze %dma_start3A_632 : memref<1x1x1024xi32, #tpu.memory_space<hbm>> -> memref<1024xi32, #tpu.memory_space<hbm>>
        tpu.enqueue_dma source(%dma_start3A_633 : memref<1024xi32, #tpu.memory_space<hbm>>) target(%arg13 : memref<1024xi32, #tpu.memory_space<vmem>>) target_semaphore(%arg24 : memref<!tpu.dma_semaphore, #tpu.memory_space<semaphore_mem>>)
        %dma_start3A_634 = arith.constant 3 : i32
        %dma_start3A_635 = tpu.memref_slice %arg4[%arg0, %dma_start3A_634, %add3A_598] : memref<2x4x262144xf32, #tpu.memory_space<hbm>> -> memref<1x1x1024xf32, #tpu.memory_space<hbm>>
        %dma_start3A_636 = tpu.memref_squeeze %dma_start3A_635 : memref<1x1x1024xf32, #tpu.memory_space<hbm>> -> memref<1024xf32, #tpu.memory_space<hbm>>
        %dma_start3A_637 = tpu.memref_slice %arg4[%arg0, %dma_start3A_634, %add3A_598] : memref<2x4x262144xf32, #tpu.memory_space<hbm>> -> memref<1x1x1024xf32, #tpu.memory_space<hbm>>
        %dma_start3A_638 = tpu.memref_squeeze %dma_start3A_637 : memref<1x1x1024xf32, #tpu.memory_space<hbm>> -> memref<1024xf32, #tpu.memory_space<hbm>>
        tpu.enqueue_dma source(%dma_start3A_638 : memref<1024xf32, #tpu.memory_space<hbm>>) target(%arg53 : memref<1024xf32, #tpu.memory_space<vmem>>) target_semaphore(%arg24 : memref<!tpu.dma_semaphore, #tpu.memory_space<semaphore_mem>>)
        %mul3A_639 = arith.constant 4 : i32
        %mul3A_640 = arith.muli %add3A_118, %mul3A_639 : i32
        %add3A_641 = arith.constant 0 : i32
        %add3A_642 = arith.addi %mul3A_640, %add3A_641 : i32
        %dma_start3A_643 = arith.constant 0 : i32
        %dma_start3A_644 = tpu.memref_slice %arg45[%dma_start3A_643] : memref<4096xf32, #tpu.memory_space<vmem>> -> memref<1024xf32, #tpu.memory_space<vmem>>
        %dma_start3A_645 = tpu.memref_slice %arg2[%arg0, %add3A_642, %add3A_598] : memref<2x96x262144xf32, #tpu.memory_space<hbm>> -> memref<1x1x1024xf32, #tpu.memory_space<hbm>>
        %dma_start3A_646 = tpu.memref_squeeze %dma_start3A_645 : memref<1x1x1024xf32, #tpu.memory_space<hbm>> -> memref<1024xf32, #tpu.memory_space<hbm>>
        %dma_start3A_647 = arith.constant 0 : i32
        %dma_start3A_648 = tpu.memref_slice %arg45[%dma_start3A_647] : memref<4096xf32, #tpu.memory_space<vmem>> -> memref<1024xf32, #tpu.memory_space<vmem>>
        %dma_start3A_649 = tpu.memref_slice %arg2[%arg0, %add3A_642, %add3A_598] : memref<2x96x262144xf32, #tpu.memory_space<hbm>> -> memref<1x1x1024xf32, #tpu.memory_space<hbm>>
        %dma_start3A_650 = tpu.memref_squeeze %dma_start3A_649 : memref<1x1x1024xf32, #tpu.memory_space<hbm>> -> memref<1024xf32, #tpu.memory_space<hbm>>
        tpu.enqueue_dma source(%dma_start3A_650 : memref<1024xf32, #tpu.memory_space<hbm>>) target(%dma_start3A_648 : memref<1024xf32, #tpu.memory_space<vmem>>) target_semaphore(%arg24 : memref<!tpu.dma_semaphore, #tpu.memory_space<semaphore_mem>>)
        %mul3A_651 = arith.constant 4 : i32
        %mul3A_652 = arith.muli %add3A_118, %mul3A_651 : i32
        %add3A_653 = arith.constant 1 : i32
        %add3A_654 = arith.addi %mul3A_652, %add3A_653 : i32
        %dma_start3A_655 = arith.constant 1024 : i32
        %dma_start3A_656 = tpu.memref_slice %arg45[%dma_start3A_655] : memref<4096xf32, #tpu.memory_space<vmem>> -> memref<1024xf32, #tpu.memory_space<vmem>>
        %dma_start3A_657 = tpu.memref_slice %arg2[%arg0, %add3A_654, %add3A_598] : memref<2x96x262144xf32, #tpu.memory_space<hbm>> -> memref<1x1x1024xf32, #tpu.memory_space<hbm>>
        %dma_start3A_658 = tpu.memref_squeeze %dma_start3A_657 : memref<1x1x1024xf32, #tpu.memory_space<hbm>> -> memref<1024xf32, #tpu.memory_space<hbm>>
        %dma_start3A_659 = arith.constant 1024 : i32
        %dma_start3A_660 = tpu.memref_slice %arg45[%dma_start3A_659] : memref<4096xf32, #tpu.memory_space<vmem>> -> memref<1024xf32, #tpu.memory_space<vmem>>
        %dma_start3A_661 = tpu.memref_slice %arg2[%arg0, %add3A_654, %add3A_598] : memref<2x96x262144xf32, #tpu.memory_space<hbm>> -> memref<1x1x1024xf32, #tpu.memory_space<hbm>>
        %dma_start3A_662 = tpu.memref_squeeze %dma_start3A_661 : memref<1x1x1024xf32, #tpu.memory_space<hbm>> -> memref<1024xf32, #tpu.memory_space<hbm>>
        tpu.enqueue_dma source(%dma_start3A_662 : memref<1024xf32, #tpu.memory_space<hbm>>) target(%dma_start3A_660 : memref<1024xf32, #tpu.memory_space<vmem>>) target_semaphore(%arg24 : memref<!tpu.dma_semaphore, #tpu.memory_space<semaphore_mem>>)
        %mul3A_663 = arith.constant 4 : i32
        %mul3A_664 = arith.muli %add3A_118, %mul3A_663 : i32
        %add3A_665 = arith.constant 2 : i32
        %add3A_666 = arith.addi %mul3A_664, %add3A_665 : i32
        %dma_start3A_667 = arith.constant 2048 : i32
        %dma_start3A_668 = tpu.memref_slice %arg45[%dma_start3A_667] : memref<4096xf32, #tpu.memory_space<vmem>> -> memref<1024xf32, #tpu.memory_space<vmem>>
        %dma_start3A_669 = tpu.memref_slice %arg2[%arg0, %add3A_666, %add3A_598] : memref<2x96x262144xf32, #tpu.memory_space<hbm>> -> memref<1x1x1024xf32, #tpu.memory_space<hbm>>
        %dma_start3A_670 = tpu.memref_squeeze %dma_start3A_669 : memref<1x1x1024xf32, #tpu.memory_space<hbm>> -> memref<1024xf32, #tpu.memory_space<hbm>>
        %dma_start3A_671 = arith.constant 2048 : i32
        %dma_start3A_672 = tpu.memref_slice %arg45[%dma_start3A_671] : memref<4096xf32, #tpu.memory_space<vmem>> -> memref<1024xf32, #tpu.memory_space<vmem>>
        %dma_start3A_673 = tpu.memref_slice %arg2[%arg0, %add3A_666, %add3A_598] : memref<2x96x262144xf32, #tpu.memory_space<hbm>> -> memref<1x1x1024xf32, #tpu.memory_space<hbm>>
        %dma_start3A_674 = tpu.memref_squeeze %dma_start3A_673 : memref<1x1x1024xf32, #tpu.memory_space<hbm>> -> memref<1024xf32, #tpu.memory_space<hbm>>
        tpu.enqueue_dma source(%dma_start3A_674 : memref<1024xf32, #tpu.memory_space<hbm>>) target(%dma_start3A_672 : memref<1024xf32, #tpu.memory_space<vmem>>) target_semaphore(%arg24 : memref<!tpu.dma_semaphore, #tpu.memory_space<semaphore_mem>>)
        %mul3A_675 = arith.constant 4 : i32
        %mul3A_676 = arith.muli %add3A_118, %mul3A_675 : i32
        %add3A_677 = arith.constant 3 : i32
        %add3A_678 = arith.addi %mul3A_676, %add3A_677 : i32
        %dma_start3A_679 = arith.constant 3072 : i32
        %dma_start3A_680 = tpu.memref_slice %arg45[%dma_start3A_679] : memref<4096xf32, #tpu.memory_space<vmem>> -> memref<1024xf32, #tpu.memory_space<vmem>>
        %dma_start3A_681 = tpu.memref_slice %arg2[%arg0, %add3A_678, %add3A_598] : memref<2x96x262144xf32, #tpu.memory_space<hbm>> -> memref<1x1x1024xf32, #tpu.memory_space<hbm>>
        %dma_start3A_682 = tpu.memref_squeeze %dma_start3A_681 : memref<1x1x1024xf32, #tpu.memory_space<hbm>> -> memref<1024xf32, #tpu.memory_space<hbm>>
        %dma_start3A_683 = arith.constant 3072 : i32
        %dma_start3A_684 = tpu.memref_slice %arg45[%dma_start3A_683] : memref<4096xf32, #tpu.memory_space<vmem>> -> memref<1024xf32, #tpu.memory_space<vmem>>
        %dma_start3A_685 = tpu.memref_slice %arg2[%arg0, %add3A_678, %add3A_598] : memref<2x96x262144xf32, #tpu.memory_space<hbm>> -> memref<1x1x1024xf32, #tpu.memory_space<hbm>>
        %dma_start3A_686 = tpu.memref_squeeze %dma_start3A_685 : memref<1x1x1024xf32, #tpu.memory_space<hbm>> -> memref<1024xf32, #tpu.memory_space<hbm>>
        tpu.enqueue_dma source(%dma_start3A_686 : memref<1024xf32, #tpu.memory_space<hbm>>) target(%dma_start3A_684 : memref<1024xf32, #tpu.memory_space<vmem>>) target_semaphore(%arg24 : memref<!tpu.dma_semaphore, #tpu.memory_space<semaphore_mem>>)
        %mul3A_687 = arith.constant 16384 : i32
        %mul3A_688 = arith.muli %arg1, %mul3A_687 : i32
        %mul3A_689 = arith.constant 1024 : i32
        %mul3A_690 = arith.muli %add3A_335, %mul3A_689 : i32
        %add3A_691 = arith.addi %mul3A_688, %mul3A_690 : i32
        %dma_wait3A_692 = arith.constant 0 : i32
        %dma_wait3A_693 = tpu.memref_slice %arg3[%arg0, %dma_wait3A_692, %add3A_691] : memref<2x4x262144xi32, #tpu.memory_space<hbm>> -> memref<1x1x1024xi32, #tpu.memory_space<hbm>>
        %dma_wait3A_694 = tpu.memref_squeeze %dma_wait3A_693 : memref<1x1x1024xi32, #tpu.memory_space<hbm>> -> memref<1024xi32, #tpu.memory_space<hbm>>
        %dma_wait3A_695 = tpu.memref_slice %arg3[%arg0, %dma_wait3A_692, %add3A_691] : memref<2x4x262144xi32, #tpu.memory_space<hbm>> -> memref<1x1x1024xi32, #tpu.memory_space<hbm>>
        %dma_wait3A_696 = tpu.memref_squeeze %dma_wait3A_695 : memref<1x1x1024xi32, #tpu.memory_space<hbm>> -> memref<1024xi32, #tpu.memory_space<hbm>>
        tpu.wait_dma2 semaphore(%arg25 : memref<!tpu.dma_semaphore, #tpu.memory_space<semaphore_mem>>) src(%dma_wait3A_696 : memref<1024xi32, #tpu.memory_space<hbm>>) dst(%arg8 : memref<1024xi32, #tpu.memory_space<vmem>>)
        %dma_wait3A_697 = arith.constant 0 : i32
        %dma_wait3A_698 = tpu.memref_slice %arg4[%arg0, %dma_wait3A_697, %add3A_691] : memref<2x4x262144xf32, #tpu.memory_space<hbm>> -> memref<1x1x1024xf32, #tpu.memory_space<hbm>>
        %dma_wait3A_699 = tpu.memref_squeeze %dma_wait3A_698 : memref<1x1x1024xf32, #tpu.memory_space<hbm>> -> memref<1024xf32, #tpu.memory_space<hbm>>
        %dma_wait3A_700 = tpu.memref_slice %arg4[%arg0, %dma_wait3A_697, %add3A_691] : memref<2x4x262144xf32, #tpu.memory_space<hbm>> -> memref<1x1x1024xf32, #tpu.memory_space<hbm>>
        %dma_wait3A_701 = tpu.memref_squeeze %dma_wait3A_700 : memref<1x1x1024xf32, #tpu.memory_space<hbm>> -> memref<1024xf32, #tpu.memory_space<hbm>>
        tpu.wait_dma2 semaphore(%arg25 : memref<!tpu.dma_semaphore, #tpu.memory_space<semaphore_mem>>) src(%dma_wait3A_701 : memref<1024xf32, #tpu.memory_space<hbm>>) dst(%arg48 : memref<1024xf32, #tpu.memory_space<vmem>>)
        %dma_wait3A_702 = arith.constant 1 : i32
        %dma_wait3A_703 = tpu.memref_slice %arg3[%arg0, %dma_wait3A_702, %add3A_691] : memref<2x4x262144xi32, #tpu.memory_space<hbm>> -> memref<1x1x1024xi32, #tpu.memory_space<hbm>>
        %dma_wait3A_704 = tpu.memref_squeeze %dma_wait3A_703 : memref<1x1x1024xi32, #tpu.memory_space<hbm>> -> memref<1024xi32, #tpu.memory_space<hbm>>
        %dma_wait3A_705 = tpu.memref_slice %arg3[%arg0, %dma_wait3A_702, %add3A_691] : memref<2x4x262144xi32, #tpu.memory_space<hbm>> -> memref<1x1x1024xi32, #tpu.memory_space<hbm>>
        %dma_wait3A_706 = tpu.memref_squeeze %dma_wait3A_705 : memref<1x1x1024xi32, #tpu.memory_space<hbm>> -> memref<1024xi32, #tpu.memory_space<hbm>>
        tpu.wait_dma2 semaphore(%arg25 : memref<!tpu.dma_semaphore, #tpu.memory_space<semaphore_mem>>) src(%dma_wait3A_706 : memref<1024xi32, #tpu.memory_space<hbm>>) dst(%arg10 : memref<1024xi32, #tpu.memory_space<vmem>>)
        %dma_wait3A_707 = arith.constant 1 : i32
        %dma_wait3A_708 = tpu.memref_slice %arg4[%arg0, %dma_wait3A_707, %add3A_691] : memref<2x4x262144xf32, #tpu.memory_space<hbm>> -> memref<1x1x1024xf32, #tpu.memory_space<hbm>>
        %dma_wait3A_709 = tpu.memref_squeeze %dma_wait3A_708 : memref<1x1x1024xf32, #tpu.memory_space<hbm>> -> memref<1024xf32, #tpu.memory_space<hbm>>
        %dma_wait3A_710 = tpu.memref_slice %arg4[%arg0, %dma_wait3A_707, %add3A_691] : memref<2x4x262144xf32, #tpu.memory_space<hbm>> -> memref<1x1x1024xf32, #tpu.memory_space<hbm>>
        %dma_wait3A_711 = tpu.memref_squeeze %dma_wait3A_710 : memref<1x1x1024xf32, #tpu.memory_space<hbm>> -> memref<1024xf32, #tpu.memory_space<hbm>>
        tpu.wait_dma2 semaphore(%arg25 : memref<!tpu.dma_semaphore, #tpu.memory_space<semaphore_mem>>) src(%dma_wait3A_711 : memref<1024xf32, #tpu.memory_space<hbm>>) dst(%arg50 : memref<1024xf32, #tpu.memory_space<vmem>>)
        %dma_wait3A_712 = arith.constant 2 : i32
        %dma_wait3A_713 = tpu.memref_slice %arg3[%arg0, %dma_wait3A_712, %add3A_691] : memref<2x4x262144xi32, #tpu.memory_space<hbm>> -> memref<1x1x1024xi32, #tpu.memory_space<hbm>>
        %dma_wait3A_714 = tpu.memref_squeeze %dma_wait3A_713 : memref<1x1x1024xi32, #tpu.memory_space<hbm>> -> memref<1024xi32, #tpu.memory_space<hbm>>
        %dma_wait3A_715 = tpu.memref_slice %arg3[%arg0, %dma_wait3A_712, %add3A_691] : memref<2x4x262144xi32, #tpu.memory_space<hbm>> -> memref<1x1x1024xi32, #tpu.memory_space<hbm>>
        %dma_wait3A_716 = tpu.memref_squeeze %dma_wait3A_715 : memref<1x1x1024xi32, #tpu.memory_space<hbm>> -> memref<1024xi32, #tpu.memory_space<hbm>>
        tpu.wait_dma2 semaphore(%arg25 : memref<!tpu.dma_semaphore, #tpu.memory_space<semaphore_mem>>) src(%dma_wait3A_716 : memref<1024xi32, #tpu.memory_space<hbm>>) dst(%arg12 : memref<1024xi32, #tpu.memory_space<vmem>>)
        %dma_wait3A_717 = arith.constant 2 : i32
        %dma_wait3A_718 = tpu.memref_slice %arg4[%arg0, %dma_wait3A_717, %add3A_691] : memref<2x4x262144xf32, #tpu.memory_space<hbm>> -> memref<1x1x1024xf32, #tpu.memory_space<hbm>>
        %dma_wait3A_719 = tpu.memref_squeeze %dma_wait3A_718 : memref<1x1x1024xf32, #tpu.memory_space<hbm>> -> memref<1024xf32, #tpu.memory_space<hbm>>
        %dma_wait3A_720 = tpu.memref_slice %arg4[%arg0, %dma_wait3A_717, %add3A_691] : memref<2x4x262144xf32, #tpu.memory_space<hbm>> -> memref<1x1x1024xf32, #tpu.memory_space<hbm>>
        %dma_wait3A_721 = tpu.memref_squeeze %dma_wait3A_720 : memref<1x1x1024xf32, #tpu.memory_space<hbm>> -> memref<1024xf32, #tpu.memory_space<hbm>>
        tpu.wait_dma2 semaphore(%arg25 : memref<!tpu.dma_semaphore, #tpu.memory_space<semaphore_mem>>) src(%dma_wait3A_721 : memref<1024xf32, #tpu.memory_space<hbm>>) dst(%arg52 : memref<1024xf32, #tpu.memory_space<vmem>>)
        %dma_wait3A_722 = arith.constant 3 : i32
        %dma_wait3A_723 = tpu.memref_slice %arg3[%arg0, %dma_wait3A_722, %add3A_691] : memref<2x4x262144xi32, #tpu.memory_space<hbm>> -> memref<1x1x1024xi32, #tpu.memory_space<hbm>>
        %dma_wait3A_724 = tpu.memref_squeeze %dma_wait3A_723 : memref<1x1x1024xi32, #tpu.memory_space<hbm>> -> memref<1024xi32, #tpu.memory_space<hbm>>
        %dma_wait3A_725 = tpu.memref_slice %arg3[%arg0, %dma_wait3A_722, %add3A_691] : memref<2x4x262144xi32, #tpu.memory_space<hbm>> -> memref<1x1x1024xi32, #tpu.memory_space<hbm>>
        %dma_wait3A_726 = tpu.memref_squeeze %dma_wait3A_725 : memref<1x1x1024xi32, #tpu.memory_space<hbm>> -> memref<1024xi32, #tpu.memory_space<hbm>>
        tpu.wait_dma2 semaphore(%arg25 : memref<!tpu.dma_semaphore, #tpu.memory_space<semaphore_mem>>) src(%dma_wait3A_726 : memref<1024xi32, #tpu.memory_space<hbm>>) dst(%arg14 : memref<1024xi32, #tpu.memory_space<vmem>>)
        %dma_wait3A_727 = arith.constant 3 : i32
        %dma_wait3A_728 = tpu.memref_slice %arg4[%arg0, %dma_wait3A_727, %add3A_691] : memref<2x4x262144xf32, #tpu.memory_space<hbm>> -> memref<1x1x1024xf32, #tpu.memory_space<hbm>>
        %dma_wait3A_729 = tpu.memref_squeeze %dma_wait3A_728 : memref<1x1x1024xf32, #tpu.memory_space<hbm>> -> memref<1024xf32, #tpu.memory_space<hbm>>
        %dma_wait3A_730 = tpu.memref_slice %arg4[%arg0, %dma_wait3A_727, %add3A_691] : memref<2x4x262144xf32, #tpu.memory_space<hbm>> -> memref<1x1x1024xf32, #tpu.memory_space<hbm>>
        %dma_wait3A_731 = tpu.memref_squeeze %dma_wait3A_730 : memref<1x1x1024xf32, #tpu.memory_space<hbm>> -> memref<1024xf32, #tpu.memory_space<hbm>>
        tpu.wait_dma2 semaphore(%arg25 : memref<!tpu.dma_semaphore, #tpu.memory_space<semaphore_mem>>) src(%dma_wait3A_731 : memref<1024xf32, #tpu.memory_space<hbm>>) dst(%arg54 : memref<1024xf32, #tpu.memory_space<vmem>>)
        %mul3A_732 = arith.constant 4 : i32
        %mul3A_733 = arith.muli %add3A_118, %mul3A_732 : i32
        %add3A_734 = arith.constant 0 : i32
        %add3A_735 = arith.addi %mul3A_733, %add3A_734 : i32
        %dma_wait3A_736 = arith.constant 0 : i32
        %dma_wait3A_737 = tpu.memref_slice %arg46[%dma_wait3A_736] : memref<4096xf32, #tpu.memory_space<vmem>> -> memref<1024xf32, #tpu.memory_space<vmem>>
        %dma_wait3A_738 = tpu.memref_slice %arg2[%arg0, %add3A_735, %add3A_691] : memref<2x96x262144xf32, #tpu.memory_space<hbm>> -> memref<1x1x1024xf32, #tpu.memory_space<hbm>>
        %dma_wait3A_739 = tpu.memref_squeeze %dma_wait3A_738 : memref<1x1x1024xf32, #tpu.memory_space<hbm>> -> memref<1024xf32, #tpu.memory_space<hbm>>
        %dma_wait3A_740 = arith.constant 0 : i32
        %dma_wait3A_741 = tpu.memref_slice %arg46[%dma_wait3A_740] : memref<4096xf32, #tpu.memory_space<vmem>> -> memref<1024xf32, #tpu.memory_space<vmem>>
        %dma_wait3A_742 = tpu.memref_slice %arg2[%arg0, %add3A_735, %add3A_691] : memref<2x96x262144xf32, #tpu.memory_space<hbm>> -> memref<1x1x1024xf32, #tpu.memory_space<hbm>>
        %dma_wait3A_743 = tpu.memref_squeeze %dma_wait3A_742 : memref<1x1x1024xf32, #tpu.memory_space<hbm>> -> memref<1024xf32, #tpu.memory_space<hbm>>
        tpu.wait_dma2 semaphore(%arg25 : memref<!tpu.dma_semaphore, #tpu.memory_space<semaphore_mem>>) src(%dma_wait3A_743 : memref<1024xf32, #tpu.memory_space<hbm>>) dst(%dma_wait3A_741 : memref<1024xf32, #tpu.memory_space<vmem>>)
        %mul3A_744 = arith.constant 4 : i32
        %mul3A_745 = arith.muli %add3A_118, %mul3A_744 : i32
        %add3A_746 = arith.constant 1 : i32
        %add3A_747 = arith.addi %mul3A_745, %add3A_746 : i32
        %dma_wait3A_748 = arith.constant 1024 : i32
        %dma_wait3A_749 = tpu.memref_slice %arg46[%dma_wait3A_748] : memref<4096xf32, #tpu.memory_space<vmem>> -> memref<1024xf32, #tpu.memory_space<vmem>>
        %dma_wait3A_750 = tpu.memref_slice %arg2[%arg0, %add3A_747, %add3A_691] : memref<2x96x262144xf32, #tpu.memory_space<hbm>> -> memref<1x1x1024xf32, #tpu.memory_space<hbm>>
        %dma_wait3A_751 = tpu.memref_squeeze %dma_wait3A_750 : memref<1x1x1024xf32, #tpu.memory_space<hbm>> -> memref<1024xf32, #tpu.memory_space<hbm>>
        %dma_wait3A_752 = arith.constant 1024 : i32
        %dma_wait3A_753 = tpu.memref_slice %arg46[%dma_wait3A_752] : memref<4096xf32, #tpu.memory_space<vmem>> -> memref<1024xf32, #tpu.memory_space<vmem>>
        %dma_wait3A_754 = tpu.memref_slice %arg2[%arg0, %add3A_747, %add3A_691] : memref<2x96x262144xf32, #tpu.memory_space<hbm>> -> memref<1x1x1024xf32, #tpu.memory_space<hbm>>
        %dma_wait3A_755 = tpu.memref_squeeze %dma_wait3A_754 : memref<1x1x1024xf32, #tpu.memory_space<hbm>> -> memref<1024xf32, #tpu.memory_space<hbm>>
        tpu.wait_dma2 semaphore(%arg25 : memref<!tpu.dma_semaphore, #tpu.memory_space<semaphore_mem>>) src(%dma_wait3A_755 : memref<1024xf32, #tpu.memory_space<hbm>>) dst(%dma_wait3A_753 : memref<1024xf32, #tpu.memory_space<vmem>>)
        %mul3A_756 = arith.constant 4 : i32
        %mul3A_757 = arith.muli %add3A_118, %mul3A_756 : i32
        %add3A_758 = arith.constant 2 : i32
        %add3A_759 = arith.addi %mul3A_757, %add3A_758 : i32
        %dma_wait3A_760 = arith.constant 2048 : i32
        %dma_wait3A_761 = tpu.memref_slice %arg46[%dma_wait3A_760] : memref<4096xf32, #tpu.memory_space<vmem>> -> memref<1024xf32, #tpu.memory_space<vmem>>
        %dma_wait3A_762 = tpu.memref_slice %arg2[%arg0, %add3A_759, %add3A_691] : memref<2x96x262144xf32, #tpu.memory_space<hbm>> -> memref<1x1x1024xf32, #tpu.memory_space<hbm>>
        %dma_wait3A_763 = tpu.memref_squeeze %dma_wait3A_762 : memref<1x1x1024xf32, #tpu.memory_space<hbm>> -> memref<1024xf32, #tpu.memory_space<hbm>>
        %dma_wait3A_764 = arith.constant 2048 : i32
        %dma_wait3A_765 = tpu.memref_slice %arg46[%dma_wait3A_764] : memref<4096xf32, #tpu.memory_space<vmem>> -> memref<1024xf32, #tpu.memory_space<vmem>>
        %dma_wait3A_766 = tpu.memref_slice %arg2[%arg0, %add3A_759, %add3A_691] : memref<2x96x262144xf32, #tpu.memory_space<hbm>> -> memref<1x1x1024xf32, #tpu.memory_space<hbm>>
        %dma_wait3A_767 = tpu.memref_squeeze %dma_wait3A_766 : memref<1x1x1024xf32, #tpu.memory_space<hbm>> -> memref<1024xf32, #tpu.memory_space<hbm>>
        tpu.wait_dma2 semaphore(%arg25 : memref<!tpu.dma_semaphore, #tpu.memory_space<semaphore_mem>>) src(%dma_wait3A_767 : memref<1024xf32, #tpu.memory_space<hbm>>) dst(%dma_wait3A_765 : memref<1024xf32, #tpu.memory_space<vmem>>)
        %mul3A_768 = arith.constant 4 : i32
        %mul3A_769 = arith.muli %add3A_118, %mul3A_768 : i32
        %add3A_770 = arith.constant 3 : i32
        %add3A_771 = arith.addi %mul3A_769, %add3A_770 : i32
        %dma_wait3A_772 = arith.constant 3072 : i32
        %dma_wait3A_773 = tpu.memref_slice %arg46[%dma_wait3A_772] : memref<4096xf32, #tpu.memory_space<vmem>> -> memref<1024xf32, #tpu.memory_space<vmem>>
        %dma_wait3A_774 = tpu.memref_slice %arg2[%arg0, %add3A_771, %add3A_691] : memref<2x96x262144xf32, #tpu.memory_space<hbm>> -> memref<1x1x1024xf32, #tpu.memory_space<hbm>>
        %dma_wait3A_775 = tpu.memref_squeeze %dma_wait3A_774 : memref<1x1x1024xf32, #tpu.memory_space<hbm>> -> memref<1024xf32, #tpu.memory_space<hbm>>
        %dma_wait3A_776 = arith.constant 3072 : i32
        %dma_wait3A_777 = tpu.memref_slice %arg46[%dma_wait3A_776] : memref<4096xf32, #tpu.memory_space<vmem>> -> memref<1024xf32, #tpu.memory_space<vmem>>
        %dma_wait3A_778 = tpu.memref_slice %arg2[%arg0, %add3A_771, %add3A_691] : memref<2x96x262144xf32, #tpu.memory_space<hbm>> -> memref<1x1x1024xf32, #tpu.memory_space<hbm>>
        %dma_wait3A_779 = tpu.memref_squeeze %dma_wait3A_778 : memref<1x1x1024xf32, #tpu.memory_space<hbm>> -> memref<1024xf32, #tpu.memory_space<hbm>>
        tpu.wait_dma2 semaphore(%arg25 : memref<!tpu.dma_semaphore, #tpu.memory_space<semaphore_mem>>) src(%dma_wait3A_779 : memref<1024xf32, #tpu.memory_space<hbm>>) dst(%dma_wait3A_777 : memref<1024xf32, #tpu.memory_space<vmem>>)
        %parallel_loop3A_780 = arith.constant 0 : i32
        %parallel_loop3A_781 = arith.constant 64 : i32
        %parallel_loop3A_782 = arith.constant 1 : i32
        scf.for %parallel_loop3A_850 = %parallel_loop3A_780 to %parallel_loop3A_781 step %parallel_loop3A_782  : i32 {
          %parallel_loop3A_851 = arith.constant 16 : i32
          %parallel_loop3A_852 = arith.muli %parallel_loop3A_850, %parallel_loop3A_851 : i32
          %parallel_loop3A_853 = arith.index_cast %parallel_loop3A_852 : i32 to index
          %parallel_loop3A_854 = tpu.vector_load %arg48[%parallel_loop3A_853] {strides = array<i32>} : memref<1024xf32, #tpu.memory_space<vmem>>, vector<16xf32>,
          %parallel_loop3A_855 = vector.shape_cast %parallel_loop3A_854 : vector<16xf32> to vector<16xf32>
          %parallel_loop3A_856 = arith.constant 16 : i32
          %parallel_loop3A_857 = arith.muli %parallel_loop3A_850, %parallel_loop3A_856 : i32
          %parallel_loop3A_858 = arith.constant 0 : i32
          %parallel_loop3A_859 = arith.addi %parallel_loop3A_858, %parallel_loop3A_857 : i32
          %parallel_loop3A_860 = arith.index_cast %parallel_loop3A_859 : i32 to index
          %parallel_loop3A_861 = tpu.vector_load %arg46[%parallel_loop3A_860] {strides = array<i32>} : memref<4096xf32, #tpu.memory_space<vmem>>, vector<16xf32>,
          %parallel_loop3A_862 = vector.shape_cast %parallel_loop3A_861 : vector<16xf32> to vector<16xf32>
          %parallel_loop3A_863 = arith.mulf %parallel_loop3A_855, %parallel_loop3A_862 : vector<16xf32>
          %parallel_loop3A_864 = arith.index_cast %parallel_loop3A_852 : i32 to index
          %parallel_loop3A_865 = tpu.vector_load %arg29[%parallel_loop3A_864] {strides = array<i32>} : memref<1024xf32, #tpu.memory_space<vmem>>, vector<16xf32>,
          %parallel_loop3A_866 = vector.shape_cast %parallel_loop3A_865 : vector<16xf32> to vector<16xf32>
          %parallel_loop3A_867 = vector.shape_cast %parallel_loop3A_863 : vector<16xf32> to vector<16xf32>
          tpu.vector_store %arg29[%parallel_loop3A_864], %parallel_loop3A_867 {strides = array<i32>} : memref<1024xf32, #tpu.memory_space<vmem>>, vector<16xf32>,
          %parallel_loop3A_868 = arith.constant 16 : i32
          %parallel_loop3A_869 = arith.muli %parallel_loop3A_850, %parallel_loop3A_868 : i32
          %parallel_loop3A_870 = arith.constant 1024 : i32
          %parallel_loop3A_871 = arith.addi %parallel_loop3A_870, %parallel_loop3A_869 : i32
          %parallel_loop3A_872 = arith.index_cast %parallel_loop3A_871 : i32 to index
          %parallel_loop3A_873 = tpu.vector_load %arg46[%parallel_loop3A_872] {strides = array<i32>} : memref<4096xf32, #tpu.memory_space<vmem>>, vector<16xf32>,
          %parallel_loop3A_874 = vector.shape_cast %parallel_loop3A_873 : vector<16xf32> to vector<16xf32>
          %parallel_loop3A_875 = arith.mulf %parallel_loop3A_855, %parallel_loop3A_874 : vector<16xf32>
          %parallel_loop3A_876 = arith.index_cast %parallel_loop3A_852 : i32 to index
          %parallel_loop3A_877 = tpu.vector_load %arg30[%parallel_loop3A_876] {strides = array<i32>} : memref<1024xf32, #tpu.memory_space<vmem>>, vector<16xf32>,
          %parallel_loop3A_878 = vector.shape_cast %parallel_loop3A_877 : vector<16xf32> to vector<16xf32>
          %parallel_loop3A_879 = vector.shape_cast %parallel_loop3A_875 : vector<16xf32> to vector<16xf32>
          tpu.vector_store %arg30[%parallel_loop3A_876], %parallel_loop3A_879 {strides = array<i32>} : memref<1024xf32, #tpu.memory_space<vmem>>, vector<16xf32>,
          %parallel_loop3A_880 = arith.constant 16 : i32
          %parallel_loop3A_881 = arith.muli %parallel_loop3A_850, %parallel_loop3A_880 : i32
          %parallel_loop3A_882 = arith.constant 2048 : i32
          %parallel_loop3A_883 = arith.addi %parallel_loop3A_882, %parallel_loop3A_881 : i32
          %parallel_loop3A_884 = arith.index_cast %parallel_loop3A_883 : i32 to index
          %parallel_loop3A_885 = tpu.vector_load %arg46[%parallel_loop3A_884] {strides = array<i32>} : memref<4096xf32, #tpu.memory_space<vmem>>, vector<16xf32>,
          %parallel_loop3A_886 = vector.shape_cast %parallel_loop3A_885 : vector<16xf32> to vector<16xf32>
          %parallel_loop3A_887 = arith.mulf %parallel_loop3A_855, %parallel_loop3A_886 : vector<16xf32>
          %parallel_loop3A_888 = arith.index_cast %parallel_loop3A_852 : i32 to index
          %parallel_loop3A_889 = tpu.vector_load %arg31[%parallel_loop3A_888] {strides = array<i32>} : memref<1024xf32, #tpu.memory_space<vmem>>, vector<16xf32>,
          %parallel_loop3A_890 = vector.shape_cast %parallel_loop3A_889 : vector<16xf32> to vector<16xf32>
          %parallel_loop3A_891 = vector.shape_cast %parallel_loop3A_887 : vector<16xf32> to vector<16xf32>
          tpu.vector_store %arg31[%parallel_loop3A_888], %parallel_loop3A_891 {strides = array<i32>} : memref<1024xf32, #tpu.memory_space<vmem>>, vector<16xf32>,
          %parallel_loop3A_892 = arith.constant 16 : i32
          %parallel_loop3A_893 = arith.muli %parallel_loop3A_850, %parallel_loop3A_892 : i32
          %parallel_loop3A_894 = arith.constant 3072 : i32
          %parallel_loop3A_895 = arith.addi %parallel_loop3A_894, %parallel_loop3A_893 : i32
          %parallel_loop3A_896 = arith.index_cast %parallel_loop3A_895 : i32 to index
          %parallel_loop3A_897 = tpu.vector_load %arg46[%parallel_loop3A_896] {strides = array<i32>} : memref<4096xf32, #tpu.memory_space<vmem>>, vector<16xf32>,
          %parallel_loop3A_898 = vector.shape_cast %parallel_loop3A_897 : vector<16xf32> to vector<16xf32>
          %parallel_loop3A_899 = arith.mulf %parallel_loop3A_855, %parallel_loop3A_898 : vector<16xf32>
          %parallel_loop3A_900 = arith.index_cast %parallel_loop3A_852 : i32 to index
          %parallel_loop3A_901 = tpu.vector_load %arg32[%parallel_loop3A_900] {strides = array<i32>} : memref<1024xf32, #tpu.memory_space<vmem>>, vector<16xf32>,
          %parallel_loop3A_902 = vector.shape_cast %parallel_loop3A_901 : vector<16xf32> to vector<16xf32>
          %parallel_loop3A_903 = vector.shape_cast %parallel_loop3A_899 : vector<16xf32> to vector<16xf32>
          tpu.vector_store %arg32[%parallel_loop3A_900], %parallel_loop3A_903 {strides = array<i32>} : memref<1024xf32, #tpu.memory_space<vmem>>, vector<16xf32>,
          %parallel_loop3A_904 = arith.index_cast %parallel_loop3A_852 : i32 to index
          %parallel_loop3A_905 = tpu.vector_load %arg50[%parallel_loop3A_904] {strides = array<i32>} : memref<1024xf32, #tpu.memory_space<vmem>>, vector<16xf32>,
          %parallel_loop3A_906 = vector.shape_cast %parallel_loop3A_905 : vector<16xf32> to vector<16xf32>
          %parallel_loop3A_907 = arith.constant 16 : i32
          %parallel_loop3A_908 = arith.muli %parallel_loop3A_850, %parallel_loop3A_907 : i32
          %parallel_loop3A_909 = arith.constant 0 : i32
          %parallel_loop3A_910 = arith.addi %parallel_loop3A_909, %parallel_loop3A_908 : i32
          %parallel_loop3A_911 = arith.index_cast %parallel_loop3A_910 : i32 to index
          %parallel_loop3A_912 = tpu.vector_load %arg46[%parallel_loop3A_911] {strides = array<i32>} : memref<4096xf32, #tpu.memory_space<vmem>>, vector<16xf32>,
          %parallel_loop3A_913 = vector.shape_cast %parallel_loop3A_912 : vector<16xf32> to vector<16xf32>
          %parallel_loop3A_914 = arith.mulf %parallel_loop3A_906, %parallel_loop3A_913 : vector<16xf32>
          %parallel_loop3A_915 = arith.index_cast %parallel_loop3A_852 : i32 to index
          %parallel_loop3A_916 = tpu.vector_load %arg33[%parallel_loop3A_915] {strides = array<i32>} : memref<1024xf32, #tpu.memory_space<vmem>>, vector<16xf32>,
          %parallel_loop3A_917 = vector.shape_cast %parallel_loop3A_916 : vector<16xf32> to vector<16xf32>
          %parallel_loop3A_918 = vector.shape_cast %parallel_loop3A_914 : vector<16xf32> to vector<16xf32>
          tpu.vector_store %arg33[%parallel_loop3A_915], %parallel_loop3A_918 {strides = array<i32>} : memref<1024xf32, #tpu.memory_space<vmem>>, vector<16xf32>,
          %parallel_loop3A_919 = arith.constant 16 : i32
          %parallel_loop3A_920 = arith.muli %parallel_loop3A_850, %parallel_loop3A_919 : i32
          %parallel_loop3A_921 = arith.constant 1024 : i32
          %parallel_loop3A_922 = arith.addi %parallel_loop3A_921, %parallel_loop3A_920 : i32
          %parallel_loop3A_923 = arith.index_cast %parallel_loop3A_922 : i32 to index
          %parallel_loop3A_924 = tpu.vector_load %arg46[%parallel_loop3A_923] {strides = array<i32>} : memref<4096xf32, #tpu.memory_space<vmem>>, vector<16xf32>,
          %parallel_loop3A_925 = vector.shape_cast %parallel_loop3A_924 : vector<16xf32> to vector<16xf32>
          %parallel_loop3A_926 = arith.mulf %parallel_loop3A_906, %parallel_loop3A_925 : vector<16xf32>
          %parallel_loop3A_927 = arith.index_cast %parallel_loop3A_852 : i32 to index
          %parallel_loop3A_928 = tpu.vector_load %arg34[%parallel_loop3A_927] {strides = array<i32>} : memref<1024xf32, #tpu.memory_space<vmem>>, vector<16xf32>,
          %parallel_loop3A_929 = vector.shape_cast %parallel_loop3A_928 : vector<16xf32> to vector<16xf32>
          %parallel_loop3A_930 = vector.shape_cast %parallel_loop3A_926 : vector<16xf32> to vector<16xf32>
          tpu.vector_store %arg34[%parallel_loop3A_927], %parallel_loop3A_930 {strides = array<i32>} : memref<1024xf32, #tpu.memory_space<vmem>>, vector<16xf32>,
          %parallel_loop3A_931 = arith.constant 16 : i32
          %parallel_loop3A_932 = arith.muli %parallel_loop3A_850, %parallel_loop3A_931 : i32
          %parallel_loop3A_933 = arith.constant 2048 : i32
          %parallel_loop3A_934 = arith.addi %parallel_loop3A_933, %parallel_loop3A_932 : i32
          %parallel_loop3A_935 = arith.index_cast %parallel_loop3A_934 : i32 to index
          %parallel_loop3A_936 = tpu.vector_load %arg46[%parallel_loop3A_935] {strides = array<i32>} : memref<4096xf32, #tpu.memory_space<vmem>>, vector<16xf32>,
          %parallel_loop3A_937 = vector.shape_cast %parallel_loop3A_936 : vector<16xf32> to vector<16xf32>
          %parallel_loop3A_938 = arith.mulf %parallel_loop3A_906, %parallel_loop3A_937 : vector<16xf32>
          %parallel_loop3A_939 = arith.index_cast %parallel_loop3A_852 : i32 to index
          %parallel_loop3A_940 = tpu.vector_load %arg35[%parallel_loop3A_939] {strides = array<i32>} : memref<1024xf32, #tpu.memory_space<vmem>>, vector<16xf32>,
          %parallel_loop3A_941 = vector.shape_cast %parallel_loop3A_940 : vector<16xf32> to vector<16xf32>
          %parallel_loop3A_942 = vector.shape_cast %parallel_loop3A_938 : vector<16xf32> to vector<16xf32>
          tpu.vector_store %arg35[%parallel_loop3A_939], %parallel_loop3A_942 {strides = array<i32>} : memref<1024xf32, #tpu.memory_space<vmem>>, vector<16xf32>,
          %parallel_loop3A_943 = arith.constant 16 : i32
          %parallel_loop3A_944 = arith.muli %parallel_loop3A_850, %parallel_loop3A_943 : i32
          %parallel_loop3A_945 = arith.constant 3072 : i32
          %parallel_loop3A_946 = arith.addi %parallel_loop3A_945, %parallel_loop3A_944 : i32
          %parallel_loop3A_947 = arith.index_cast %parallel_loop3A_946 : i32 to index
          %parallel_loop3A_948 = tpu.vector_load %arg46[%parallel_loop3A_947] {strides = array<i32>} : memref<4096xf32, #tpu.memory_space<vmem>>, vector<16xf32>,
          %parallel_loop3A_949 = vector.shape_cast %parallel_loop3A_948 : vector<16xf32> to vector<16xf32>
          %parallel_loop3A_950 = arith.mulf %parallel_loop3A_906, %parallel_loop3A_949 : vector<16xf32>
          %parallel_loop3A_951 = arith.index_cast %parallel_loop3A_852 : i32 to index
          %parallel_loop3A_952 = tpu.vector_load %arg36[%parallel_loop3A_951] {strides = array<i32>} : memref<1024xf32, #tpu.memory_space<vmem>>, vector<16xf32>,
          %parallel_loop3A_953 = vector.shape_cast %parallel_loop3A_952 : vector<16xf32> to vector<16xf32>
          %parallel_loop3A_954 = vector.shape_cast %parallel_loop3A_950 : vector<16xf32> to vector<16xf32>
          tpu.vector_store %arg36[%parallel_loop3A_951], %parallel_loop3A_954 {strides = array<i32>} : memref<1024xf32, #tpu.memory_space<vmem>>, vector<16xf32>,
        } {sc.loop_unroll_factor = 4 : i64, sc.parallel_access}
        %dma_start3A_783 = arith.constant 0 : i32
        %dma_start3A_784 = tpu.memref_slice %arg19[%dma_start3A_783] : memref<262144xf32, #tpu.memory_space<vmem_shared>> -> memref<262144xf32, #tpu.memory_space<vmem_shared>>
        tpu.enqueue_indirect_dma source(%arg29 : memref<1024xf32, #tpu.memory_space<vmem>>) target(%dma_start3A_784 : memref<262144xf32, #tpu.memory_space<vmem_shared>>) offsets(%arg8 : memref<1024xi32, #tpu.memory_space<vmem>>) semaphore(%arg27 : memref<!tpu.dma_semaphore, #tpu.memory_space<semaphore_mem>>) {add = true}
        %dma_start3A_785 = arith.constant 0 : i32
        %dma_start3A_786 = tpu.memref_slice %arg20[%dma_start3A_785] : memref<262144xf32, #tpu.memory_space<vmem_shared>> -> memref<262144xf32, #tpu.memory_space<vmem_shared>>
        tpu.enqueue_indirect_dma source(%arg30 : memref<1024xf32, #tpu.memory_space<vmem>>) target(%dma_start3A_786 : memref<262144xf32, #tpu.memory_space<vmem_shared>>) offsets(%arg8 : memref<1024xi32, #tpu.memory_space<vmem>>) semaphore(%arg27 : memref<!tpu.dma_semaphore, #tpu.memory_space<semaphore_mem>>) {add = true}
        %dma_start3A_787 = arith.constant 0 : i32
        %dma_start3A_788 = tpu.memref_slice %arg21[%dma_start3A_787] : memref<262144xf32, #tpu.memory_space<vmem_shared>> -> memref<262144xf32, #tpu.memory_space<vmem_shared>>
        tpu.enqueue_indirect_dma source(%arg31 : memref<1024xf32, #tpu.memory_space<vmem>>) target(%dma_start3A_788 : memref<262144xf32, #tpu.memory_space<vmem_shared>>) offsets(%arg8 : memref<1024xi32, #tpu.memory_space<vmem>>) semaphore(%arg27 : memref<!tpu.dma_semaphore, #tpu.memory_space<semaphore_mem>>) {add = true}
        %dma_start3A_789 = arith.constant 0 : i32
        %dma_start3A_790 = tpu.memref_slice %arg22[%dma_start3A_789] : memref<262144xf32, #tpu.memory_space<vmem_shared>> -> memref<262144xf32, #tpu.memory_space<vmem_shared>>
        tpu.enqueue_indirect_dma source(%arg32 : memref<1024xf32, #tpu.memory_space<vmem>>) target(%dma_start3A_790 : memref<262144xf32, #tpu.memory_space<vmem_shared>>) offsets(%arg8 : memref<1024xi32, #tpu.memory_space<vmem>>) semaphore(%arg27 : memref<!tpu.dma_semaphore, #tpu.memory_space<semaphore_mem>>) {add = true}
        %dma_start3A_791 = arith.constant 0 : i32
        %dma_start3A_792 = tpu.memref_slice %arg19[%dma_start3A_791] : memref<262144xf32, #tpu.memory_space<vmem_shared>> -> memref<262144xf32, #tpu.memory_space<vmem_shared>>
        tpu.enqueue_indirect_dma source(%arg33 : memref<1024xf32, #tpu.memory_space<vmem>>) target(%dma_start3A_792 : memref<262144xf32, #tpu.memory_space<vmem_shared>>) offsets(%arg10 : memref<1024xi32, #tpu.memory_space<vmem>>) semaphore(%arg27 : memref<!tpu.dma_semaphore, #tpu.memory_space<semaphore_mem>>) {add = true}
        %dma_start3A_793 = arith.constant 0 : i32
        %dma_start3A_794 = tpu.memref_slice %arg20[%dma_start3A_793] : memref<262144xf32, #tpu.memory_space<vmem_shared>> -> memref<262144xf32, #tpu.memory_space<vmem_shared>>
        tpu.enqueue_indirect_dma source(%arg34 : memref<1024xf32, #tpu.memory_space<vmem>>) target(%dma_start3A_794 : memref<262144xf32, #tpu.memory_space<vmem_shared>>) offsets(%arg10 : memref<1024xi32, #tpu.memory_space<vmem>>) semaphore(%arg27 : memref<!tpu.dma_semaphore, #tpu.memory_space<semaphore_mem>>) {add = true}
        %dma_start3A_795 = arith.constant 0 : i32
        %dma_start3A_796 = tpu.memref_slice %arg21[%dma_start3A_795] : memref<262144xf32, #tpu.memory_space<vmem_shared>> -> memref<262144xf32, #tpu.memory_space<vmem_shared>>
        tpu.enqueue_indirect_dma source(%arg35 : memref<1024xf32, #tpu.memory_space<vmem>>) target(%dma_start3A_796 : memref<262144xf32, #tpu.memory_space<vmem_shared>>) offsets(%arg10 : memref<1024xi32, #tpu.memory_space<vmem>>) semaphore(%arg27 : memref<!tpu.dma_semaphore, #tpu.memory_space<semaphore_mem>>) {add = true}
        %dma_start3A_797 = arith.constant 0 : i32
        %dma_start3A_798 = tpu.memref_slice %arg22[%dma_start3A_797] : memref<262144xf32, #tpu.memory_space<vmem_shared>> -> memref<262144xf32, #tpu.memory_space<vmem_shared>>
        tpu.enqueue_indirect_dma source(%arg36 : memref<1024xf32, #tpu.memory_space<vmem>>) target(%dma_start3A_798 : memref<262144xf32, #tpu.memory_space<vmem_shared>>) offsets(%arg10 : memref<1024xi32, #tpu.memory_space<vmem>>) semaphore(%arg27 : memref<!tpu.dma_semaphore, #tpu.memory_space<semaphore_mem>>) {add = true}
        %parallel_loop3A_799 = arith.constant 0 : i32
        %parallel_loop3A_800 = arith.constant 64 : i32
        %parallel_loop3A_801 = arith.constant 1 : i32
        scf.for %parallel_loop3A_850 = %parallel_loop3A_799 to %parallel_loop3A_800 step %parallel_loop3A_801  : i32 {
          %parallel_loop3A_851 = arith.constant 16 : i32
          %parallel_loop3A_852 = arith.muli %parallel_loop3A_850, %parallel_loop3A_851 : i32
          %parallel_loop3A_853 = arith.index_cast %parallel_loop3A_852 : i32 to index
          %parallel_loop3A_854 = tpu.vector_load %arg52[%parallel_loop3A_853] {strides = array<i32>} : memref<1024xf32, #tpu.memory_space<vmem>>, vector<16xf32>,
          %parallel_loop3A_855 = vector.shape_cast %parallel_loop3A_854 : vector<16xf32> to vector<16xf32>
          %parallel_loop3A_856 = arith.constant 16 : i32
          %parallel_loop3A_857 = arith.muli %parallel_loop3A_850, %parallel_loop3A_856 : i32
          %parallel_loop3A_858 = arith.constant 0 : i32
          %parallel_loop3A_859 = arith.addi %parallel_loop3A_858, %parallel_loop3A_857 : i32
          %parallel_loop3A_860 = arith.index_cast %parallel_loop3A_859 : i32 to index
          %parallel_loop3A_861 = tpu.vector_load %arg46[%parallel_loop3A_860] {strides = array<i32>} : memref<4096xf32, #tpu.memory_space<vmem>>, vector<16xf32>,
          %parallel_loop3A_862 = vector.shape_cast %parallel_loop3A_861 : vector<16xf32> to vector<16xf32>
          %parallel_loop3A_863 = arith.mulf %parallel_loop3A_855, %parallel_loop3A_862 : vector<16xf32>
          %parallel_loop3A_864 = arith.index_cast %parallel_loop3A_852 : i32 to index
          %parallel_loop3A_865 = tpu.vector_load %arg37[%parallel_loop3A_864] {strides = array<i32>} : memref<1024xf32, #tpu.memory_space<vmem>>, vector<16xf32>,
          %parallel_loop3A_866 = vector.shape_cast %parallel_loop3A_865 : vector<16xf32> to vector<16xf32>
          %parallel_loop3A_867 = vector.shape_cast %parallel_loop3A_863 : vector<16xf32> to vector<16xf32>
          tpu.vector_store %arg37[%parallel_loop3A_864], %parallel_loop3A_867 {strides = array<i32>} : memref<1024xf32, #tpu.memory_space<vmem>>, vector<16xf32>,
          %parallel_loop3A_868 = arith.constant 16 : i32
          %parallel_loop3A_869 = arith.muli %parallel_loop3A_850, %parallel_loop3A_868 : i32
          %parallel_loop3A_870 = arith.constant 1024 : i32
          %parallel_loop3A_871 = arith.addi %parallel_loop3A_870, %parallel_loop3A_869 : i32
          %parallel_loop3A_872 = arith.index_cast %parallel_loop3A_871 : i32 to index
          %parallel_loop3A_873 = tpu.vector_load %arg46[%parallel_loop3A_872] {strides = array<i32>} : memref<4096xf32, #tpu.memory_space<vmem>>, vector<16xf32>,
          %parallel_loop3A_874 = vector.shape_cast %parallel_loop3A_873 : vector<16xf32> to vector<16xf32>
          %parallel_loop3A_875 = arith.mulf %parallel_loop3A_855, %parallel_loop3A_874 : vector<16xf32>
          %parallel_loop3A_876 = arith.index_cast %parallel_loop3A_852 : i32 to index
          %parallel_loop3A_877 = tpu.vector_load %arg38[%parallel_loop3A_876] {strides = array<i32>} : memref<1024xf32, #tpu.memory_space<vmem>>, vector<16xf32>,
          %parallel_loop3A_878 = vector.shape_cast %parallel_loop3A_877 : vector<16xf32> to vector<16xf32>
          %parallel_loop3A_879 = vector.shape_cast %parallel_loop3A_875 : vector<16xf32> to vector<16xf32>
          tpu.vector_store %arg38[%parallel_loop3A_876], %parallel_loop3A_879 {strides = array<i32>} : memref<1024xf32, #tpu.memory_space<vmem>>, vector<16xf32>,
          %parallel_loop3A_880 = arith.constant 16 : i32
          %parallel_loop3A_881 = arith.muli %parallel_loop3A_850, %parallel_loop3A_880 : i32
          %parallel_loop3A_882 = arith.constant 2048 : i32
          %parallel_loop3A_883 = arith.addi %parallel_loop3A_882, %parallel_loop3A_881 : i32
          %parallel_loop3A_884 = arith.index_cast %parallel_loop3A_883 : i32 to index
          %parallel_loop3A_885 = tpu.vector_load %arg46[%parallel_loop3A_884] {strides = array<i32>} : memref<4096xf32, #tpu.memory_space<vmem>>, vector<16xf32>,
          %parallel_loop3A_886 = vector.shape_cast %parallel_loop3A_885 : vector<16xf32> to vector<16xf32>
          %parallel_loop3A_887 = arith.mulf %parallel_loop3A_855, %parallel_loop3A_886 : vector<16xf32>
          %parallel_loop3A_888 = arith.index_cast %parallel_loop3A_852 : i32 to index
          %parallel_loop3A_889 = tpu.vector_load %arg39[%parallel_loop3A_888] {strides = array<i32>} : memref<1024xf32, #tpu.memory_space<vmem>>, vector<16xf32>,
          %parallel_loop3A_890 = vector.shape_cast %parallel_loop3A_889 : vector<16xf32> to vector<16xf32>
          %parallel_loop3A_891 = vector.shape_cast %parallel_loop3A_887 : vector<16xf32> to vector<16xf32>
          tpu.vector_store %arg39[%parallel_loop3A_888], %parallel_loop3A_891 {strides = array<i32>} : memref<1024xf32, #tpu.memory_space<vmem>>, vector<16xf32>,
          %parallel_loop3A_892 = arith.constant 16 : i32
          %parallel_loop3A_893 = arith.muli %parallel_loop3A_850, %parallel_loop3A_892 : i32
          %parallel_loop3A_894 = arith.constant 3072 : i32
          %parallel_loop3A_895 = arith.addi %parallel_loop3A_894, %parallel_loop3A_893 : i32
          %parallel_loop3A_896 = arith.index_cast %parallel_loop3A_895 : i32 to index
          %parallel_loop3A_897 = tpu.vector_load %arg46[%parallel_loop3A_896] {strides = array<i32>} : memref<4096xf32, #tpu.memory_space<vmem>>, vector<16xf32>,
          %parallel_loop3A_898 = vector.shape_cast %parallel_loop3A_897 : vector<16xf32> to vector<16xf32>
          %parallel_loop3A_899 = arith.mulf %parallel_loop3A_855, %parallel_loop3A_898 : vector<16xf32>
          %parallel_loop3A_900 = arith.index_cast %parallel_loop3A_852 : i32 to index
          %parallel_loop3A_901 = tpu.vector_load %arg40[%parallel_loop3A_900] {strides = array<i32>} : memref<1024xf32, #tpu.memory_space<vmem>>, vector<16xf32>,
          %parallel_loop3A_902 = vector.shape_cast %parallel_loop3A_901 : vector<16xf32> to vector<16xf32>
          %parallel_loop3A_903 = vector.shape_cast %parallel_loop3A_899 : vector<16xf32> to vector<16xf32>
          tpu.vector_store %arg40[%parallel_loop3A_900], %parallel_loop3A_903 {strides = array<i32>} : memref<1024xf32, #tpu.memory_space<vmem>>, vector<16xf32>,
          %parallel_loop3A_904 = arith.index_cast %parallel_loop3A_852 : i32 to index
          %parallel_loop3A_905 = tpu.vector_load %arg54[%parallel_loop3A_904] {strides = array<i32>} : memref<1024xf32, #tpu.memory_space<vmem>>, vector<16xf32>,
          %parallel_loop3A_906 = vector.shape_cast %parallel_loop3A_905 : vector<16xf32> to vector<16xf32>
          %parallel_loop3A_907 = arith.constant 16 : i32
          %parallel_loop3A_908 = arith.muli %parallel_loop3A_850, %parallel_loop3A_907 : i32
          %parallel_loop3A_909 = arith.constant 0 : i32
          %parallel_loop3A_910 = arith.addi %parallel_loop3A_909, %parallel_loop3A_908 : i32
          %parallel_loop3A_911 = arith.index_cast %parallel_loop3A_910 : i32 to index
          %parallel_loop3A_912 = tpu.vector_load %arg46[%parallel_loop3A_911] {strides = array<i32>} : memref<4096xf32, #tpu.memory_space<vmem>>, vector<16xf32>,
          %parallel_loop3A_913 = vector.shape_cast %parallel_loop3A_912 : vector<16xf32> to vector<16xf32>
          %parallel_loop3A_914 = arith.mulf %parallel_loop3A_906, %parallel_loop3A_913 : vector<16xf32>
          %parallel_loop3A_915 = arith.index_cast %parallel_loop3A_852 : i32 to index
          %parallel_loop3A_916 = tpu.vector_load %arg41[%parallel_loop3A_915] {strides = array<i32>} : memref<1024xf32, #tpu.memory_space<vmem>>, vector<16xf32>,
          %parallel_loop3A_917 = vector.shape_cast %parallel_loop3A_916 : vector<16xf32> to vector<16xf32>
          %parallel_loop3A_918 = vector.shape_cast %parallel_loop3A_914 : vector<16xf32> to vector<16xf32>
          tpu.vector_store %arg41[%parallel_loop3A_915], %parallel_loop3A_918 {strides = array<i32>} : memref<1024xf32, #tpu.memory_space<vmem>>, vector<16xf32>,
          %parallel_loop3A_919 = arith.constant 16 : i32
          %parallel_loop3A_920 = arith.muli %parallel_loop3A_850, %parallel_loop3A_919 : i32
          %parallel_loop3A_921 = arith.constant 1024 : i32
          %parallel_loop3A_922 = arith.addi %parallel_loop3A_921, %parallel_loop3A_920 : i32
          %parallel_loop3A_923 = arith.index_cast %parallel_loop3A_922 : i32 to index
          %parallel_loop3A_924 = tpu.vector_load %arg46[%parallel_loop3A_923] {strides = array<i32>} : memref<4096xf32, #tpu.memory_space<vmem>>, vector<16xf32>,
          %parallel_loop3A_925 = vector.shape_cast %parallel_loop3A_924 : vector<16xf32> to vector<16xf32>
          %parallel_loop3A_926 = arith.mulf %parallel_loop3A_906, %parallel_loop3A_925 : vector<16xf32>
          %parallel_loop3A_927 = arith.index_cast %parallel_loop3A_852 : i32 to index
          %parallel_loop3A_928 = tpu.vector_load %arg42[%parallel_loop3A_927] {strides = array<i32>} : memref<1024xf32, #tpu.memory_space<vmem>>, vector<16xf32>,
          %parallel_loop3A_929 = vector.shape_cast %parallel_loop3A_928 : vector<16xf32> to vector<16xf32>
          %parallel_loop3A_930 = vector.shape_cast %parallel_loop3A_926 : vector<16xf32> to vector<16xf32>
          tpu.vector_store %arg42[%parallel_loop3A_927], %parallel_loop3A_930 {strides = array<i32>} : memref<1024xf32, #tpu.memory_space<vmem>>, vector<16xf32>,
          %parallel_loop3A_931 = arith.constant 16 : i32
          %parallel_loop3A_932 = arith.muli %parallel_loop3A_850, %parallel_loop3A_931 : i32
          %parallel_loop3A_933 = arith.constant 2048 : i32
          %parallel_loop3A_934 = arith.addi %parallel_loop3A_933, %parallel_loop3A_932 : i32
          %parallel_loop3A_935 = arith.index_cast %parallel_loop3A_934 : i32 to index
          %parallel_loop3A_936 = tpu.vector_load %arg46[%parallel_loop3A_935] {strides = array<i32>} : memref<4096xf32, #tpu.memory_space<vmem>>, vector<16xf32>,
          %parallel_loop3A_937 = vector.shape_cast %parallel_loop3A_936 : vector<16xf32> to vector<16xf32>
          %parallel_loop3A_938 = arith.mulf %parallel_loop3A_906, %parallel_loop3A_937 : vector<16xf32>
          %parallel_loop3A_939 = arith.index_cast %parallel_loop3A_852 : i32 to index
          %parallel_loop3A_940 = tpu.vector_load %arg43[%parallel_loop3A_939] {strides = array<i32>} : memref<1024xf32, #tpu.memory_space<vmem>>, vector<16xf32>,
          %parallel_loop3A_941 = vector.shape_cast %parallel_loop3A_940 : vector<16xf32> to vector<16xf32>
          %parallel_loop3A_942 = vector.shape_cast %parallel_loop3A_938 : vector<16xf32> to vector<16xf32>
          tpu.vector_store %arg43[%parallel_loop3A_939], %parallel_loop3A_942 {strides = array<i32>} : memref<1024xf32, #tpu.memory_space<vmem>>, vector<16xf32>,
          %parallel_loop3A_943 = arith.constant 16 : i32
          %parallel_loop3A_944 = arith.muli %parallel_loop3A_850, %parallel_loop3A_943 : i32
          %parallel_loop3A_945 = arith.constant 3072 : i32
          %parallel_loop3A_946 = arith.addi %parallel_loop3A_945, %parallel_loop3A_944 : i32
          %parallel_loop3A_947 = arith.index_cast %parallel_loop3A_946 : i32 to index
          %parallel_loop3A_948 = tpu.vector_load %arg46[%parallel_loop3A_947] {strides = array<i32>} : memref<4096xf32, #tpu.memory_space<vmem>>, vector<16xf32>,
          %parallel_loop3A_949 = vector.shape_cast %parallel_loop3A_948 : vector<16xf32> to vector<16xf32>
          %parallel_loop3A_950 = arith.mulf %parallel_loop3A_906, %parallel_loop3A_949 : vector<16xf32>
          %parallel_loop3A_951 = arith.index_cast %parallel_loop3A_852 : i32 to index
          %parallel_loop3A_952 = tpu.vector_load %arg44[%parallel_loop3A_951] {strides = array<i32>} : memref<1024xf32, #tpu.memory_space<vmem>>, vector<16xf32>,
          %parallel_loop3A_953 = vector.shape_cast %parallel_loop3A_952 : vector<16xf32> to vector<16xf32>
          %parallel_loop3A_954 = vector.shape_cast %parallel_loop3A_950 : vector<16xf32> to vector<16xf32>
          tpu.vector_store %arg44[%parallel_loop3A_951], %parallel_loop3A_954 {strides = array<i32>} : memref<1024xf32, #tpu.memory_space<vmem>>, vector<16xf32>,
        } {sc.loop_unroll_factor = 4 : i64, sc.parallel_access}
        %dma_start3A_802 = arith.constant 0 : i32
        %dma_start3A_803 = tpu.memref_slice %arg19[%dma_start3A_802] : memref<262144xf32, #tpu.memory_space<vmem_shared>> -> memref<262144xf32, #tpu.memory_space<vmem_shared>>
        tpu.enqueue_indirect_dma source(%arg37 : memref<1024xf32, #tpu.memory_space<vmem>>) target(%dma_start3A_803 : memref<262144xf32, #tpu.memory_space<vmem_shared>>) offsets(%arg12 : memref<1024xi32, #tpu.memory_space<vmem>>) semaphore(%arg27 : memref<!tpu.dma_semaphore, #tpu.memory_space<semaphore_mem>>) {add = true}
        %dma_start3A_804 = arith.constant 0 : i32
        %dma_start3A_805 = tpu.memref_slice %arg20[%dma_start3A_804] : memref<262144xf32, #tpu.memory_space<vmem_shared>> -> memref<262144xf32, #tpu.memory_space<vmem_shared>>
        tpu.enqueue_indirect_dma source(%arg38 : memref<1024xf32, #tpu.memory_space<vmem>>) target(%dma_start3A_805 : memref<262144xf32, #tpu.memory_space<vmem_shared>>) offsets(%arg12 : memref<1024xi32, #tpu.memory_space<vmem>>) semaphore(%arg27 : memref<!tpu.dma_semaphore, #tpu.memory_space<semaphore_mem>>) {add = true}
        %dma_start3A_806 = arith.constant 0 : i32
        %dma_start3A_807 = tpu.memref_slice %arg21[%dma_start3A_806] : memref<262144xf32, #tpu.memory_space<vmem_shared>> -> memref<262144xf32, #tpu.memory_space<vmem_shared>>
        tpu.enqueue_indirect_dma source(%arg39 : memref<1024xf32, #tpu.memory_space<vmem>>) target(%dma_start3A_807 : memref<262144xf32, #tpu.memory_space<vmem_shared>>) offsets(%arg12 : memref<1024xi32, #tpu.memory_space<vmem>>) semaphore(%arg27 : memref<!tpu.dma_semaphore, #tpu.memory_space<semaphore_mem>>) {add = true}
        %dma_start3A_808 = arith.constant 0 : i32
        %dma_start3A_809 = tpu.memref_slice %arg22[%dma_start3A_808] : memref<262144xf32, #tpu.memory_space<vmem_shared>> -> memref<262144xf32, #tpu.memory_space<vmem_shared>>
        tpu.enqueue_indirect_dma source(%arg40 : memref<1024xf32, #tpu.memory_space<vmem>>) target(%dma_start3A_809 : memref<262144xf32, #tpu.memory_space<vmem_shared>>) offsets(%arg12 : memref<1024xi32, #tpu.memory_space<vmem>>) semaphore(%arg27 : memref<!tpu.dma_semaphore, #tpu.memory_space<semaphore_mem>>) {add = true}
        %dma_start3A_810 = arith.constant 0 : i32
        %dma_start3A_811 = tpu.memref_slice %arg19[%dma_start3A_810] : memref<262144xf32, #tpu.memory_space<vmem_shared>> -> memref<262144xf32, #tpu.memory_space<vmem_shared>>
        tpu.enqueue_indirect_dma source(%arg41 : memref<1024xf32, #tpu.memory_space<vmem>>) target(%dma_start3A_811 : memref<262144xf32, #tpu.memory_space<vmem_shared>>) offsets(%arg14 : memref<1024xi32, #tpu.memory_space<vmem>>) semaphore(%arg27 : memref<!tpu.dma_semaphore, #tpu.memory_space<semaphore_mem>>) {add = true}
        %dma_start3A_812 = arith.constant 0 : i32
        %dma_start3A_813 = tpu.memref_slice %arg20[%dma_start3A_812] : memref<262144xf32, #tpu.memory_space<vmem_shared>> -> memref<262144xf32, #tpu.memory_space<vmem_shared>>
        tpu.enqueue_indirect_dma source(%arg42 : memref<1024xf32, #tpu.memory_space<vmem>>) target(%dma_start3A_813 : memref<262144xf32, #tpu.memory_space<vmem_shared>>) offsets(%arg14 : memref<1024xi32, #tpu.memory_space<vmem>>) semaphore(%arg27 : memref<!tpu.dma_semaphore, #tpu.memory_space<semaphore_mem>>) {add = true}
        %dma_start3A_814 = arith.constant 0 : i32
        %dma_start3A_815 = tpu.memref_slice %arg21[%dma_start3A_814] : memref<262144xf32, #tpu.memory_space<vmem_shared>> -> memref<262144xf32, #tpu.memory_space<vmem_shared>>
        tpu.enqueue_indirect_dma source(%arg43 : memref<1024xf32, #tpu.memory_space<vmem>>) target(%dma_start3A_815 : memref<262144xf32, #tpu.memory_space<vmem_shared>>) offsets(%arg14 : memref<1024xi32, #tpu.memory_space<vmem>>) semaphore(%arg27 : memref<!tpu.dma_semaphore, #tpu.memory_space<semaphore_mem>>) {add = true}
        %dma_start3A_816 = arith.constant 0 : i32
        %dma_start3A_817 = tpu.memref_slice %arg22[%dma_start3A_816] : memref<262144xf32, #tpu.memory_space<vmem_shared>> -> memref<262144xf32, #tpu.memory_space<vmem_shared>>
        tpu.enqueue_indirect_dma source(%arg44 : memref<1024xf32, #tpu.memory_space<vmem>>) target(%dma_start3A_817 : memref<262144xf32, #tpu.memory_space<vmem_shared>>) offsets(%arg14 : memref<1024xi32, #tpu.memory_space<vmem>>) semaphore(%arg27 : memref<!tpu.dma_semaphore, #tpu.memory_space<semaphore_mem>>) {add = true}
        %dma_wait3A_818 = arith.constant 0 : i32
        %dma_wait3A_819 = tpu.memref_slice %arg19[%dma_wait3A_818] : memref<262144xf32, #tpu.memory_space<vmem_shared>> -> memref<262144xf32, #tpu.memory_space<vmem_shared>>
        tpu.wait_indirect_dma semaphore(%arg27 : memref<!tpu.dma_semaphore, #tpu.memory_space<semaphore_mem>>) src(%arg29 : memref<1024xf32, #tpu.memory_space<vmem>>) dst(%dma_wait3A_819 : memref<262144xf32, #tpu.memory_space<vmem_shared>>)
        %dma_wait3A_820 = arith.constant 0 : i32
        %dma_wait3A_821 = tpu.memref_slice %arg20[%dma_wait3A_820] : memref<262144xf32, #tpu.memory_space<vmem_shared>> -> memref<262144xf32, #tpu.memory_space<vmem_shared>>
        tpu.wait_indirect_dma semaphore(%arg27 : memref<!tpu.dma_semaphore, #tpu.memory_space<semaphore_mem>>) src(%arg30 : memref<1024xf32, #tpu.memory_space<vmem>>) dst(%dma_wait3A_821 : memref<262144xf32, #tpu.memory_space<vmem_shared>>)
        %dma_wait3A_822 = arith.constant 0 : i32
        %dma_wait3A_823 = tpu.memref_slice %arg21[%dma_wait3A_822] : memref<262144xf32, #tpu.memory_space<vmem_shared>> -> memref<262144xf32, #tpu.memory_space<vmem_shared>>
        tpu.wait_indirect_dma semaphore(%arg27 : memref<!tpu.dma_semaphore, #tpu.memory_space<semaphore_mem>>) src(%arg31 : memref<1024xf32, #tpu.memory_space<vmem>>) dst(%dma_wait3A_823 : memref<262144xf32, #tpu.memory_space<vmem_shared>>)
        %dma_wait3A_824 = arith.constant 0 : i32
        %dma_wait3A_825 = tpu.memref_slice %arg22[%dma_wait3A_824] : memref<262144xf32, #tpu.memory_space<vmem_shared>> -> memref<262144xf32, #tpu.memory_space<vmem_shared>>
        tpu.wait_indirect_dma semaphore(%arg27 : memref<!tpu.dma_semaphore, #tpu.memory_space<semaphore_mem>>) src(%arg32 : memref<1024xf32, #tpu.memory_space<vmem>>) dst(%dma_wait3A_825 : memref<262144xf32, #tpu.memory_space<vmem_shared>>)
        %dma_wait3A_826 = arith.constant 0 : i32
        %dma_wait3A_827 = tpu.memref_slice %arg19[%dma_wait3A_826] : memref<262144xf32, #tpu.memory_space<vmem_shared>> -> memref<262144xf32, #tpu.memory_space<vmem_shared>>
        tpu.wait_indirect_dma semaphore(%arg27 : memref<!tpu.dma_semaphore, #tpu.memory_space<semaphore_mem>>) src(%arg33 : memref<1024xf32, #tpu.memory_space<vmem>>) dst(%dma_wait3A_827 : memref<262144xf32, #tpu.memory_space<vmem_shared>>)
        %dma_wait3A_828 = arith.constant 0 : i32
        %dma_wait3A_829 = tpu.memref_slice %arg20[%dma_wait3A_828] : memref<262144xf32, #tpu.memory_space<vmem_shared>> -> memref<262144xf32, #tpu.memory_space<vmem_shared>>
        tpu.wait_indirect_dma semaphore(%arg27 : memref<!tpu.dma_semaphore, #tpu.memory_space<semaphore_mem>>) src(%arg34 : memref<1024xf32, #tpu.memory_space<vmem>>) dst(%dma_wait3A_829 : memref<262144xf32, #tpu.memory_space<vmem_shared>>)
        %dma_wait3A_830 = arith.constant 0 : i32
        %dma_wait3A_831 = tpu.memref_slice %arg21[%dma_wait3A_830] : memref<262144xf32, #tpu.memory_space<vmem_shared>> -> memref<262144xf32, #tpu.memory_space<vmem_shared>>
        tpu.wait_indirect_dma semaphore(%arg27 : memref<!tpu.dma_semaphore, #tpu.memory_space<semaphore_mem>>) src(%arg35 : memref<1024xf32, #tpu.memory_space<vmem>>) dst(%dma_wait3A_831 : memref<262144xf32, #tpu.memory_space<vmem_shared>>)
        %dma_wait3A_832 = arith.constant 0 : i32
        %dma_wait3A_833 = tpu.memref_slice %arg22[%dma_wait3A_832] : memref<262144xf32, #tpu.memory_space<vmem_shared>> -> memref<262144xf32, #tpu.memory_space<vmem_shared>>
        tpu.wait_indirect_dma semaphore(%arg27 : memref<!tpu.dma_semaphore, #tpu.memory_space<semaphore_mem>>) src(%arg36 : memref<1024xf32, #tpu.memory_space<vmem>>) dst(%dma_wait3A_833 : memref<262144xf32, #tpu.memory_space<vmem_shared>>)
        %dma_wait3A_834 = arith.constant 0 : i32
        %dma_wait3A_835 = tpu.memref_slice %arg19[%dma_wait3A_834] : memref<262144xf32, #tpu.memory_space<vmem_shared>> -> memref<262144xf32, #tpu.memory_space<vmem_shared>>
        tpu.wait_indirect_dma semaphore(%arg27 : memref<!tpu.dma_semaphore, #tpu.memory_space<semaphore_mem>>) src(%arg37 : memref<1024xf32, #tpu.memory_space<vmem>>) dst(%dma_wait3A_835 : memref<262144xf32, #tpu.memory_space<vmem_shared>>)
        %dma_wait3A_836 = arith.constant 0 : i32
        %dma_wait3A_837 = tpu.memref_slice %arg20[%dma_wait3A_836] : memref<262144xf32, #tpu.memory_space<vmem_shared>> -> memref<262144xf32, #tpu.memory_space<vmem_shared>>
        tpu.wait_indirect_dma semaphore(%arg27 : memref<!tpu.dma_semaphore, #tpu.memory_space<semaphore_mem>>) src(%arg38 : memref<1024xf32, #tpu.memory_space<vmem>>) dst(%dma_wait3A_837 : memref<262144xf32, #tpu.memory_space<vmem_shared>>)
        %dma_wait3A_838 = arith.constant 0 : i32
        %dma_wait3A_839 = tpu.memref_slice %arg21[%dma_wait3A_838] : memref<262144xf32, #tpu.memory_space<vmem_shared>> -> memref<262144xf32, #tpu.memory_space<vmem_shared>>
        tpu.wait_indirect_dma semaphore(%arg27 : memref<!tpu.dma_semaphore, #tpu.memory_space<semaphore_mem>>) src(%arg39 : memref<1024xf32, #tpu.memory_space<vmem>>) dst(%dma_wait3A_839 : memref<262144xf32, #tpu.memory_space<vmem_shared>>)
        %dma_wait3A_840 = arith.constant 0 : i32
        %dma_wait3A_841 = tpu.memref_slice %arg22[%dma_wait3A_840] : memref<262144xf32, #tpu.memory_space<vmem_shared>> -> memref<262144xf32, #tpu.memory_space<vmem_shared>>
        tpu.wait_indirect_dma semaphore(%arg27 : memref<!tpu.dma_semaphore, #tpu.memory_space<semaphore_mem>>) src(%arg40 : memref<1024xf32, #tpu.memory_space<vmem>>) dst(%dma_wait3A_841 : memref<262144xf32, #tpu.memory_space<vmem_shared>>)
        %dma_wait3A_842 = arith.constant 0 : i32
        %dma_wait3A_843 = tpu.memref_slice %arg19[%dma_wait3A_842] : memref<262144xf32, #tpu.memory_space<vmem_shared>> -> memref<262144xf32, #tpu.memory_space<vmem_shared>>
        tpu.wait_indirect_dma semaphore(%arg27 : memref<!tpu.dma_semaphore, #tpu.memory_space<semaphore_mem>>) src(%arg41 : memref<1024xf32, #tpu.memory_space<vmem>>) dst(%dma_wait3A_843 : memref<262144xf32, #tpu.memory_space<vmem_shared>>)
        %dma_wait3A_844 = arith.constant 0 : i32
        %dma_wait3A_845 = tpu.memref_slice %arg20[%dma_wait3A_844] : memref<262144xf32, #tpu.memory_space<vmem_shared>> -> memref<262144xf32, #tpu.memory_space<vmem_shared>>
        tpu.wait_indirect_dma semaphore(%arg27 : memref<!tpu.dma_semaphore, #tpu.memory_space<semaphore_mem>>) src(%arg42 : memref<1024xf32, #tpu.memory_space<vmem>>) dst(%dma_wait3A_845 : memref<262144xf32, #tpu.memory_space<vmem_shared>>)
        %dma_wait3A_846 = arith.constant 0 : i32
        %dma_wait3A_847 = tpu.memref_slice %arg21[%dma_wait3A_846] : memref<262144xf32, #tpu.memory_space<vmem_shared>> -> memref<262144xf32, #tpu.memory_space<vmem_shared>>
        tpu.wait_indirect_dma semaphore(%arg27 : memref<!tpu.dma_semaphore, #tpu.memory_space<semaphore_mem>>) src(%arg43 : memref<1024xf32, #tpu.memory_space<vmem>>) dst(%dma_wait3A_847 : memref<262144xf32, #tpu.memory_space<vmem_shared>>)
        %dma_wait3A_848 = arith.constant 0 : i32
        %dma_wait3A_849 = tpu.memref_slice %arg22[%dma_wait3A_848] : memref<262144xf32, #tpu.memory_space<vmem_shared>> -> memref<262144xf32, #tpu.memory_space<vmem_shared>>
        tpu.wait_indirect_dma semaphore(%arg27 : memref<!tpu.dma_semaphore, #tpu.memory_space<semaphore_mem>>) src(%arg44 : memref<1024xf32, #tpu.memory_space<vmem>>) dst(%dma_wait3A_849 : memref<262144xf32, #tpu.memory_space<vmem_shared>>)
      }
      %scan3A_226 = arith.constant 8 : i32
      %mul3A_227 = arith.constant 16384 : i32
      %mul3A_228 = arith.muli %arg1, %mul3A_227 : i32
      %add3A_229 = arith.constant 15360 : i32
      %add3A_230 = arith.addi %mul3A_228, %add3A_229 : i32
      %dma_wait3A_231 = arith.constant 0 : i32
      %dma_wait3A_232 = tpu.memref_slice %arg3[%arg0, %dma_wait3A_231, %add3A_230] : memref<2x4x262144xi32, #tpu.memory_space<hbm>> -> memref<1x1x1024xi32, #tpu.memory_space<hbm>>
      %dma_wait3A_233 = tpu.memref_squeeze %dma_wait3A_232 : memref<1x1x1024xi32, #tpu.memory_space<hbm>> -> memref<1024xi32, #tpu.memory_space<hbm>>
      %dma_wait3A_234 = tpu.memref_slice %arg3[%arg0, %dma_wait3A_231, %add3A_230] : memref<2x4x262144xi32, #tpu.memory_space<hbm>> -> memref<1x1x1024xi32, #tpu.memory_space<hbm>>
      %dma_wait3A_235 = tpu.memref_squeeze %dma_wait3A_234 : memref<1x1x1024xi32, #tpu.memory_space<hbm>> -> memref<1024xi32, #tpu.memory_space<hbm>>
      tpu.wait_dma2 semaphore(%arg24 : memref<!tpu.dma_semaphore, #tpu.memory_space<semaphore_mem>>) src(%dma_wait3A_235 : memref<1024xi32, #tpu.memory_space<hbm>>) dst(%arg7 : memref<1024xi32, #tpu.memory_space<vmem>>)
      %dma_wait3A_236 = arith.constant 0 : i32
      %dma_wait3A_237 = tpu.memref_slice %arg4[%arg0, %dma_wait3A_236, %add3A_230] : memref<2x4x262144xf32, #tpu.memory_space<hbm>> -> memref<1x1x1024xf32, #tpu.memory_space<hbm>>
      %dma_wait3A_238 = tpu.memref_squeeze %dma_wait3A_237 : memref<1x1x1024xf32, #tpu.memory_space<hbm>> -> memref<1024xf32, #tpu.memory_space<hbm>>
      %dma_wait3A_239 = tpu.memref_slice %arg4[%arg0, %dma_wait3A_236, %add3A_230] : memref<2x4x262144xf32, #tpu.memory_space<hbm>> -> memref<1x1x1024xf32, #tpu.memory_space<hbm>>
      %dma_wait3A_240 = tpu.memref_squeeze %dma_wait3A_239 : memref<1x1x1024xf32, #tpu.memory_space<hbm>> -> memref<1024xf32, #tpu.memory_space<hbm>>
      tpu.wait_dma2 semaphore(%arg24 : memref<!tpu.dma_semaphore, #tpu.memory_space<semaphore_mem>>) src(%dma_wait3A_240 : memref<1024xf32, #tpu.memory_space<hbm>>) dst(%arg47 : memref<1024xf32, #tpu.memory_space<vmem>>)
      %dma_wait3A_241 = arith.constant 1 : i32
      %dma_wait3A_242 = tpu.memref_slice %arg3[%arg0, %dma_wait3A_241, %add3A_230] : memref<2x4x262144xi32, #tpu.memory_space<hbm>> -> memref<1x1x1024xi32, #tpu.memory_space<hbm>>
      %dma_wait3A_243 = tpu.memref_squeeze %dma_wait3A_242 : memref<1x1x1024xi32, #tpu.memory_space<hbm>> -> memref<1024xi32, #tpu.memory_space<hbm>>
      %dma_wait3A_244 = tpu.memref_slice %arg3[%arg0, %dma_wait3A_241, %add3A_230] : memref<2x4x262144xi32, #tpu.memory_space<hbm>> -> memref<1x1x1024xi32, #tpu.memory_space<hbm>>
      %dma_wait3A_245 = tpu.memref_squeeze %dma_wait3A_244 : memref<1x1x1024xi32, #tpu.memory_space<hbm>> -> memref<1024xi32, #tpu.memory_space<hbm>>
      tpu.wait_dma2 semaphore(%arg24 : memref<!tpu.dma_semaphore, #tpu.memory_space<semaphore_mem>>) src(%dma_wait3A_245 : memref<1024xi32, #tpu.memory_space<hbm>>) dst(%arg9 : memref<1024xi32, #tpu.memory_space<vmem>>)
      %dma_wait3A_246 = arith.constant 1 : i32
      %dma_wait3A_247 = tpu.memref_slice %arg4[%arg0, %dma_wait3A_246, %add3A_230] : memref<2x4x262144xf32, #tpu.memory_space<hbm>> -> memref<1x1x1024xf32, #tpu.memory_space<hbm>>
      %dma_wait3A_248 = tpu.memref_squeeze %dma_wait3A_247 : memref<1x1x1024xf32, #tpu.memory_space<hbm>> -> memref<1024xf32, #tpu.memory_space<hbm>>
      %dma_wait3A_249 = tpu.memref_slice %arg4[%arg0, %dma_wait3A_246, %add3A_230] : memref<2x4x262144xf32, #tpu.memory_space<hbm>> -> memref<1x1x1024xf32, #tpu.memory_space<hbm>>
      %dma_wait3A_250 = tpu.memref_squeeze %dma_wait3A_249 : memref<1x1x1024xf32, #tpu.memory_space<hbm>> -> memref<1024xf32, #tpu.memory_space<hbm>>
      tpu.wait_dma2 semaphore(%arg24 : memref<!tpu.dma_semaphore, #tpu.memory_space<semaphore_mem>>) src(%dma_wait3A_250 : memref<1024xf32, #tpu.memory_space<hbm>>) dst(%arg49 : memref<1024xf32, #tpu.memory_space<vmem>>)
      %dma_wait3A_251 = arith.constant 2 : i32
      %dma_wait3A_252 = tpu.memref_slice %arg3[%arg0, %dma_wait3A_251, %add3A_230] : memref<2x4x262144xi32, #tpu.memory_space<hbm>> -> memref<1x1x1024xi32, #tpu.memory_space<hbm>>
      %dma_wait3A_253 = tpu.memref_squeeze %dma_wait3A_252 : memref<1x1x1024xi32, #tpu.memory_space<hbm>> -> memref<1024xi32, #tpu.memory_space<hbm>>
      %dma_wait3A_254 = tpu.memref_slice %arg3[%arg0, %dma_wait3A_251, %add3A_230] : memref<2x4x262144xi32, #tpu.memory_space<hbm>> -> memref<1x1x1024xi32, #tpu.memory_space<hbm>>
      %dma_wait3A_255 = tpu.memref_squeeze %dma_wait3A_254 : memref<1x1x1024xi32, #tpu.memory_space<hbm>> -> memref<1024xi32, #tpu.memory_space<hbm>>
      tpu.wait_dma2 semaphore(%arg24 : memref<!tpu.dma_semaphore, #tpu.memory_space<semaphore_mem>>) src(%dma_wait3A_255 : memref<1024xi32, #tpu.memory_space<hbm>>) dst(%arg11 : memref<1024xi32, #tpu.memory_space<vmem>>)
      %dma_wait3A_256 = arith.constant 2 : i32
      %dma_wait3A_257 = tpu.memref_slice %arg4[%arg0, %dma_wait3A_256, %add3A_230] : memref<2x4x262144xf32, #tpu.memory_space<hbm>> -> memref<1x1x1024xf32, #tpu.memory_space<hbm>>
      %dma_wait3A_258 = tpu.memref_squeeze %dma_wait3A_257 : memref<1x1x1024xf32, #tpu.memory_space<hbm>> -> memref<1024xf32, #tpu.memory_space<hbm>>
      %dma_wait3A_259 = tpu.memref_slice %arg4[%arg0, %dma_wait3A_256, %add3A_230] : memref<2x4x262144xf32, #tpu.memory_space<hbm>> -> memref<1x1x1024xf32, #tpu.memory_space<hbm>>
      %dma_wait3A_260 = tpu.memref_squeeze %dma_wait3A_259 : memref<1x1x1024xf32, #tpu.memory_space<hbm>> -> memref<1024xf32, #tpu.memory_space<hbm>>
      tpu.wait_dma2 semaphore(%arg24 : memref<!tpu.dma_semaphore, #tpu.memory_space<semaphore_mem>>) src(%dma_wait3A_260 : memref<1024xf32, #tpu.memory_space<hbm>>) dst(%arg51 : memref<1024xf32, #tpu.memory_space<vmem>>)
      %dma_wait3A_261 = arith.constant 3 : i32
      %dma_wait3A_262 = tpu.memref_slice %arg3[%arg0, %dma_wait3A_261, %add3A_230] : memref<2x4x262144xi32, #tpu.memory_space<hbm>> -> memref<1x1x1024xi32, #tpu.memory_space<hbm>>
      %dma_wait3A_263 = tpu.memref_squeeze %dma_wait3A_262 : memref<1x1x1024xi32, #tpu.memory_space<hbm>> -> memref<1024xi32, #tpu.memory_space<hbm>>
      %dma_wait3A_264 = tpu.memref_slice %arg3[%arg0, %dma_wait3A_261, %add3A_230] : memref<2x4x262144xi32, #tpu.memory_space<hbm>> -> memref<1x1x1024xi32, #tpu.memory_space<hbm>>
      %dma_wait3A_265 = tpu.memref_squeeze %dma_wait3A_264 : memref<1x1x1024xi32, #tpu.memory_space<hbm>> -> memref<1024xi32, #tpu.memory_space<hbm>>
      tpu.wait_dma2 semaphore(%arg24 : memref<!tpu.dma_semaphore, #tpu.memory_space<semaphore_mem>>) src(%dma_wait3A_265 : memref<1024xi32, #tpu.memory_space<hbm>>) dst(%arg13 : memref<1024xi32, #tpu.memory_space<vmem>>)
      %dma_wait3A_266 = arith.constant 3 : i32
      %dma_wait3A_267 = tpu.memref_slice %arg4[%arg0, %dma_wait3A_266, %add3A_230] : memref<2x4x262144xf32, #tpu.memory_space<hbm>> -> memref<1x1x1024xf32, #tpu.memory_space<hbm>>
      %dma_wait3A_268 = tpu.memref_squeeze %dma_wait3A_267 : memref<1x1x1024xf32, #tpu.memory_space<hbm>> -> memref<1024xf32, #tpu.memory_space<hbm>>
      %dma_wait3A_269 = tpu.memref_slice %arg4[%arg0, %dma_wait3A_266, %add3A_230] : memref<2x4x262144xf32, #tpu.memory_space<hbm>> -> memref<1x1x1024xf32, #tpu.memory_space<hbm>>
      %dma_wait3A_270 = tpu.memref_squeeze %dma_wait3A_269 : memref<1x1x1024xf32, #tpu.memory_space<hbm>> -> memref<1024xf32, #tpu.memory_space<hbm>>
      tpu.wait_dma2 semaphore(%arg24 : memref<!tpu.dma_semaphore, #tpu.memory_space<semaphore_mem>>) src(%dma_wait3A_270 : memref<1024xf32, #tpu.memory_space<hbm>>) dst(%arg53 : memref<1024xf32, #tpu.memory_space<vmem>>)
      %mul3A_271 = arith.constant 4 : i32
      %mul3A_272 = arith.muli %add3A_118, %mul3A_271 : i32
      %add3A_273 = arith.constant 0 : i32
      %add3A_274 = arith.addi %mul3A_272, %add3A_273 : i32
      %dma_wait3A_275 = arith.constant 0 : i32
      %dma_wait3A_276 = tpu.memref_slice %arg45[%dma_wait3A_275] : memref<4096xf32, #tpu.memory_space<vmem>> -> memref<1024xf32, #tpu.memory_space<vmem>>
      %dma_wait3A_277 = tpu.memref_slice %arg2[%arg0, %add3A_274, %add3A_230] : memref<2x96x262144xf32, #tpu.memory_space<hbm>> -> memref<1x1x1024xf32, #tpu.memory_space<hbm>>
      %dma_wait3A_278 = tpu.memref_squeeze %dma_wait3A_277 : memref<1x1x1024xf32, #tpu.memory_space<hbm>> -> memref<1024xf32, #tpu.memory_space<hbm>>
      %dma_wait3A_279 = arith.constant 0 : i32
      %dma_wait3A_280 = tpu.memref_slice %arg45[%dma_wait3A_279] : memref<4096xf32, #tpu.memory_space<vmem>> -> memref<1024xf32, #tpu.memory_space<vmem>>
      %dma_wait3A_281 = tpu.memref_slice %arg2[%arg0, %add3A_274, %add3A_230] : memref<2x96x262144xf32, #tpu.memory_space<hbm>> -> memref<1x1x1024xf32, #tpu.memory_space<hbm>>
      %dma_wait3A_282 = tpu.memref_squeeze %dma_wait3A_281 : memref<1x1x1024xf32, #tpu.memory_space<hbm>> -> memref<1024xf32, #tpu.memory_space<hbm>>
      tpu.wait_dma2 semaphore(%arg24 : memref<!tpu.dma_semaphore, #tpu.memory_space<semaphore_mem>>) src(%dma_wait3A_282 : memref<1024xf32, #tpu.memory_space<hbm>>) dst(%dma_wait3A_280 : memref<1024xf32, #tpu.memory_space<vmem>>)
      %mul3A_283 = arith.constant 4 : i32
      %mul3A_284 = arith.muli %add3A_118, %mul3A_283 : i32
      %add3A_285 = arith.constant 1 : i32
      %add3A_286 = arith.addi %mul3A_284, %add3A_285 : i32
      %dma_wait3A_287 = arith.constant 1024 : i32
      %dma_wait3A_288 = tpu.memref_slice %arg45[%dma_wait3A_287] : memref<4096xf32, #tpu.memory_space<vmem>> -> memref<1024xf32, #tpu.memory_space<vmem>>
      %dma_wait3A_289 = tpu.memref_slice %arg2[%arg0, %add3A_286, %add3A_230] : memref<2x96x262144xf32, #tpu.memory_space<hbm>> -> memref<1x1x1024xf32, #tpu.memory_space<hbm>>
      %dma_wait3A_290 = tpu.memref_squeeze %dma_wait3A_289 : memref<1x1x1024xf32, #tpu.memory_space<hbm>> -> memref<1024xf32, #tpu.memory_space<hbm>>
      %dma_wait3A_291 = arith.constant 1024 : i32
      %dma_wait3A_292 = tpu.memref_slice %arg45[%dma_wait3A_291] : memref<4096xf32, #tpu.memory_space<vmem>> -> memref<1024xf32, #tpu.memory_space<vmem>>
      %dma_wait3A_293 = tpu.memref_slice %arg2[%arg0, %add3A_286, %add3A_230] : memref<2x96x262144xf32, #tpu.memory_space<hbm>> -> memref<1x1x1024xf32, #tpu.memory_space<hbm>>
      %dma_wait3A_294 = tpu.memref_squeeze %dma_wait3A_293 : memref<1x1x1024xf32, #tpu.memory_space<hbm>> -> memref<1024xf32, #tpu.memory_space<hbm>>
      tpu.wait_dma2 semaphore(%arg24 : memref<!tpu.dma_semaphore, #tpu.memory_space<semaphore_mem>>) src(%dma_wait3A_294 : memref<1024xf32, #tpu.memory_space<hbm>>) dst(%dma_wait3A_292 : memref<1024xf32, #tpu.memory_space<vmem>>)
      %mul3A_295 = arith.constant 4 : i32
      %mul3A_296 = arith.muli %add3A_118, %mul3A_295 : i32
      %add3A_297 = arith.constant 2 : i32
      %add3A_298 = arith.addi %mul3A_296, %add3A_297 : i32
      %dma_wait3A_299 = arith.constant 2048 : i32
      %dma_wait3A_300 = tpu.memref_slice %arg45[%dma_wait3A_299] : memref<4096xf32, #tpu.memory_space<vmem>> -> memref<1024xf32, #tpu.memory_space<vmem>>
      %dma_wait3A_301 = tpu.memref_slice %arg2[%arg0, %add3A_298, %add3A_230] : memref<2x96x262144xf32, #tpu.memory_space<hbm>> -> memref<1x1x1024xf32, #tpu.memory_space<hbm>>
      %dma_wait3A_302 = tpu.memref_squeeze %dma_wait3A_301 : memref<1x1x1024xf32, #tpu.memory_space<hbm>> -> memref<1024xf32, #tpu.memory_space<hbm>>
      %dma_wait3A_303 = arith.constant 2048 : i32
      %dma_wait3A_304 = tpu.memref_slice %arg45[%dma_wait3A_303] : memref<4096xf32, #tpu.memory_space<vmem>> -> memref<1024xf32, #tpu.memory_space<vmem>>
      %dma_wait3A_305 = tpu.memref_slice %arg2[%arg0, %add3A_298, %add3A_230] : memref<2x96x262144xf32, #tpu.memory_space<hbm>> -> memref<1x1x1024xf32, #tpu.memory_space<hbm>>
      %dma_wait3A_306 = tpu.memref_squeeze %dma_wait3A_305 : memref<1x1x1024xf32, #tpu.memory_space<hbm>> -> memref<1024xf32, #tpu.memory_space<hbm>>
      tpu.wait_dma2 semaphore(%arg24 : memref<!tpu.dma_semaphore, #tpu.memory_space<semaphore_mem>>) src(%dma_wait3A_306 : memref<1024xf32, #tpu.memory_space<hbm>>) dst(%dma_wait3A_304 : memref<1024xf32, #tpu.memory_space<vmem>>)
      %mul3A_307 = arith.constant 4 : i32
      %mul3A_308 = arith.muli %add3A_118, %mul3A_307 : i32
      %add3A_309 = arith.constant 3 : i32
      %add3A_310 = arith.addi %mul3A_308, %add3A_309 : i32
      %dma_wait3A_311 = arith.constant 3072 : i32
      %dma_wait3A_312 = tpu.memref_slice %arg45[%dma_wait3A_311] : memref<4096xf32, #tpu.memory_space<vmem>> -> memref<1024xf32, #tpu.memory_space<vmem>>
      %dma_wait3A_313 = tpu.memref_slice %arg2[%arg0, %add3A_310, %add3A_230] : memref<2x96x262144xf32, #tpu.memory_space<hbm>> -> memref<1x1x1024xf32, #tpu.memory_space<hbm>>
      %dma_wait3A_314 = tpu.memref_squeeze %dma_wait3A_313 : memref<1x1x1024xf32, #tpu.memory_space<hbm>> -> memref<1024xf32, #tpu.memory_space<hbm>>
      %dma_wait3A_315 = arith.constant 3072 : i32
      %dma_wait3A_316 = tpu.memref_slice %arg45[%dma_wait3A_315] : memref<4096xf32, #tpu.memory_space<vmem>> -> memref<1024xf32, #tpu.memory_space<vmem>>
      %dma_wait3A_317 = tpu.memref_slice %arg2[%arg0, %add3A_310, %add3A_230] : memref<2x96x262144xf32, #tpu.memory_space<hbm>> -> memref<1x1x1024xf32, #tpu.memory_space<hbm>>
      %dma_wait3A_318 = tpu.memref_squeeze %dma_wait3A_317 : memref<1x1x1024xf32, #tpu.memory_space<hbm>> -> memref<1024xf32, #tpu.memory_space<hbm>>
      tpu.wait_dma2 semaphore(%arg24 : memref<!tpu.dma_semaphore, #tpu.memory_space<semaphore_mem>>) src(%dma_wait3A_318 : memref<1024xf32, #tpu.memory_space<hbm>>) dst(%dma_wait3A_316 : memref<1024xf32, #tpu.memory_space<vmem>>)
      %barrier3A_319 = arith.constant 0 : index
      tpu.barrier barrier_id(%barrier3A_319)
      %scan3A_320 = arith.constant 0 : i32
      %scan3A_321 = arith.constant 16 : i32
      %scan3A_322 = arith.addi %scan3A_320, %scan3A_321 : i32
      %scan3A_323 = arith.constant 1 : i32
      scf.for %scan3A_325 = %scan3A_320 to %scan3A_322 step %scan3A_323  : i32 {
        %mul3A_326 = arith.constant 1 : i32
        %mul3A_327 = arith.muli %scan3A_325, %mul3A_326 : i32
        %add3A_328 = arith.constant 0 : i32
        %add3A_329 = arith.addi %add3A_328, %mul3A_327 : i32
        %mul3A_330 = arith.constant 16384 : i32
        %mul3A_331 = arith.muli %arg1, %mul3A_330 : i32
        %mul3A_332 = arith.constant 1024 : i32
        %mul3A_333 = arith.muli %add3A_329, %mul3A_332 : i32
        %add3A_334 = arith.addi %mul3A_331, %mul3A_333 : i32
        %dma_start3A_335 = tpu.memref_slice %arg19[%add3A_334] : memref<262144xf32, #tpu.memory_space<vmem_shared>> -> memref<1024xf32, #tpu.memory_space<vmem_shared>>
        %dma_start3A_336 = tpu.memref_slice %arg19[%add3A_334] : memref<262144xf32, #tpu.memory_space<vmem_shared>> -> memref<1024xf32, #tpu.memory_space<vmem_shared>>
        tpu.enqueue_dma source(%dma_start3A_336 : memref<1024xf32, #tpu.memory_space<vmem_shared>>) target(%arg15 : memref<1024xf32, #tpu.memory_space<vmem>>) target_semaphore(%arg28 : memref<!tpu.dma_semaphore, #tpu.memory_space<semaphore_mem>>)
        %dma_start3A_337 = tpu.memref_slice %arg20[%add3A_334] : memref<262144xf32, #tpu.memory_space<vmem_shared>> -> memref<1024xf32, #tpu.memory_space<vmem_shared>>
        %dma_start3A_338 = tpu.memref_slice %arg20[%add3A_334] : memref<262144xf32, #tpu.memory_space<vmem_shared>> -> memref<1024xf32, #tpu.memory_space<vmem_shared>>
        tpu.enqueue_dma source(%dma_start3A_338 : memref<1024xf32, #tpu.memory_space<vmem_shared>>) target(%arg16 : memref<1024xf32, #tpu.memory_space<vmem>>) target_semaphore(%arg28 : memref<!tpu.dma_semaphore, #tpu.memory_space<semaphore_mem>>)
        %dma_start3A_339 = tpu.memref_slice %arg21[%add3A_334] : memref<262144xf32, #tpu.memory_space<vmem_shared>> -> memref<1024xf32, #tpu.memory_space<vmem_shared>>
        %dma_start3A_340 = tpu.memref_slice %arg21[%add3A_334] : memref<262144xf32, #tpu.memory_space<vmem_shared>> -> memref<1024xf32, #tpu.memory_space<vmem_shared>>
        tpu.enqueue_dma source(%dma_start3A_340 : memref<1024xf32, #tpu.memory_space<vmem_shared>>) target(%arg17 : memref<1024xf32, #tpu.memory_space<vmem>>) target_semaphore(%arg28 : memref<!tpu.dma_semaphore, #tpu.memory_space<semaphore_mem>>)
        %dma_start3A_341 = tpu.memref_slice %arg22[%add3A_334] : memref<262144xf32, #tpu.memory_space<vmem_shared>> -> memref<1024xf32, #tpu.memory_space<vmem_shared>>
        %dma_start3A_342 = tpu.memref_slice %arg22[%add3A_334] : memref<262144xf32, #tpu.memory_space<vmem_shared>> -> memref<1024xf32, #tpu.memory_space<vmem_shared>>
        tpu.enqueue_dma source(%dma_start3A_342 : memref<1024xf32, #tpu.memory_space<vmem_shared>>) target(%arg18 : memref<1024xf32, #tpu.memory_space<vmem>>) target_semaphore(%arg28 : memref<!tpu.dma_semaphore, #tpu.memory_space<semaphore_mem>>)
        %dma_wait3A_343 = tpu.memref_slice %arg19[%add3A_334] : memref<262144xf32, #tpu.memory_space<vmem_shared>> -> memref<1024xf32, #tpu.memory_space<vmem_shared>>
        %dma_wait3A_344 = tpu.memref_slice %arg19[%add3A_334] : memref<262144xf32, #tpu.memory_space<vmem_shared>> -> memref<1024xf32, #tpu.memory_space<vmem_shared>>
        tpu.wait_dma2 semaphore(%arg28 : memref<!tpu.dma_semaphore, #tpu.memory_space<semaphore_mem>>) src(%dma_wait3A_344 : memref<1024xf32, #tpu.memory_space<vmem_shared>>) dst(%arg15 : memref<1024xf32, #tpu.memory_space<vmem>>)
        %dma_wait3A_345 = tpu.memref_slice %arg20[%add3A_334] : memref<262144xf32, #tpu.memory_space<vmem_shared>> -> memref<1024xf32, #tpu.memory_space<vmem_shared>>
        %dma_wait3A_346 = tpu.memref_slice %arg20[%add3A_334] : memref<262144xf32, #tpu.memory_space<vmem_shared>> -> memref<1024xf32, #tpu.memory_space<vmem_shared>>
        tpu.wait_dma2 semaphore(%arg28 : memref<!tpu.dma_semaphore, #tpu.memory_space<semaphore_mem>>) src(%dma_wait3A_346 : memref<1024xf32, #tpu.memory_space<vmem_shared>>) dst(%arg16 : memref<1024xf32, #tpu.memory_space<vmem>>)
        %dma_wait3A_347 = tpu.memref_slice %arg21[%add3A_334] : memref<262144xf32, #tpu.memory_space<vmem_shared>> -> memref<1024xf32, #tpu.memory_space<vmem_shared>>
        %dma_wait3A_348 = tpu.memref_slice %arg21[%add3A_334] : memref<262144xf32, #tpu.memory_space<vmem_shared>> -> memref<1024xf32, #tpu.memory_space<vmem_shared>>
        tpu.wait_dma2 semaphore(%arg28 : memref<!tpu.dma_semaphore, #tpu.memory_space<semaphore_mem>>) src(%dma_wait3A_348 : memref<1024xf32, #tpu.memory_space<vmem_shared>>) dst(%arg17 : memref<1024xf32, #tpu.memory_space<vmem>>)
        %dma_wait3A_349 = tpu.memref_slice %arg22[%add3A_334] : memref<262144xf32, #tpu.memory_space<vmem_shared>> -> memref<1024xf32, #tpu.memory_space<vmem_shared>>
        %dma_wait3A_350 = tpu.memref_slice %arg22[%add3A_334] : memref<262144xf32, #tpu.memory_space<vmem_shared>> -> memref<1024xf32, #tpu.memory_space<vmem_shared>>
        tpu.wait_dma2 semaphore(%arg28 : memref<!tpu.dma_semaphore, #tpu.memory_space<semaphore_mem>>) src(%dma_wait3A_350 : memref<1024xf32, #tpu.memory_space<vmem_shared>>) dst(%arg18 : memref<1024xf32, #tpu.memory_space<vmem>>)
        %parallel_loop3A = arith.constant 0 : i32
        %parallel_loop3A_351 = arith.constant 64 : i32
        %parallel_loop3A_352 = arith.constant 1 : i32
        scf.for %parallel_loop3A_417 = %parallel_loop3A to %parallel_loop3A_351 step %parallel_loop3A_352  : i32 {
          %parallel_loop3A_418 = arith.constant 16 : i32
          %parallel_loop3A_419 = arith.muli %parallel_loop3A_417, %parallel_loop3A_418 : i32
          %parallel_loop3A_420 = arith.constant 1024 : i32
          %parallel_loop3A_421 = arith.muli %add3A_329, %parallel_loop3A_420 : i32
          %parallel_loop3A_422 = arith.constant 16 : i32
          %parallel_loop3A_423 = arith.muli %parallel_loop3A_417, %parallel_loop3A_422 : i32
          %parallel_loop3A_424 = arith.addi %parallel_loop3A_421, %parallel_loop3A_423 : i32
          %parallel_loop3A_425 = arith.index_cast %parallel_loop3A_424 : i32 to index
          %parallel_loop3A_426 = tpu.vector_load %arg23[%parallel_loop3A_425] {strides = array<i32>} : memref<16384xf32, #tpu.memory_space<vmem>>, vector<16xf32>,
          %parallel_loop3A_427 = vector.shape_cast %parallel_loop3A_426 : vector<16xf32> to vector<16xf32>
          %parallel_loop3A_428 = arith.index_cast %parallel_loop3A_419 : i32 to index
          %parallel_loop3A_429 = tpu.vector_load %arg15[%parallel_loop3A_428] {strides = array<i32>} : memref<1024xf32, #tpu.memory_space<vmem>>, vector<16xf32>,
          %parallel_loop3A_430 = vector.shape_cast %parallel_loop3A_429 : vector<16xf32> to vector<16xf32>
          %parallel_loop3A_431 = arith.mulf %parallel_loop3A_430, %parallel_loop3A_427 : vector<16xf32>
          %parallel_loop3A_432 = arith.index_cast %parallel_loop3A_419 : i32 to index
          %parallel_loop3A_433 = tpu.vector_load %arg15[%parallel_loop3A_432] {strides = array<i32>} : memref<1024xf32, #tpu.memory_space<vmem>>, vector<16xf32>,
          %parallel_loop3A_434 = vector.shape_cast %parallel_loop3A_433 : vector<16xf32> to vector<16xf32>
          %parallel_loop3A_435 = vector.shape_cast %parallel_loop3A_431 : vector<16xf32> to vector<16xf32>
          tpu.vector_store %arg15[%parallel_loop3A_432], %parallel_loop3A_435 {strides = array<i32>} : memref<1024xf32, #tpu.memory_space<vmem>>, vector<16xf32>,
          %parallel_loop3A_436 = arith.index_cast %parallel_loop3A_419 : i32 to index
          %parallel_loop3A_437 = tpu.vector_load %arg16[%parallel_loop3A_436] {strides = array<i32>} : memref<1024xf32, #tpu.memory_space<vmem>>, vector<16xf32>,
          %parallel_loop3A_438 = vector.shape_cast %parallel_loop3A_437 : vector<16xf32> to vector<16xf32>
          %parallel_loop3A_439 = arith.mulf %parallel_loop3A_438, %parallel_loop3A_427 : vector<16xf32>
          %parallel_loop3A_440 = arith.index_cast %parallel_loop3A_419 : i32 to index
          %parallel_loop3A_441 = tpu.vector_load %arg16[%parallel_loop3A_440] {strides = array<i32>} : memref<1024xf32, #tpu.memory_space<vmem>>, vector<16xf32>,
          %parallel_loop3A_442 = vector.shape_cast %parallel_loop3A_441 : vector<16xf32> to vector<16xf32>
          %parallel_loop3A_443 = vector.shape_cast %parallel_loop3A_439 : vector<16xf32> to vector<16xf32>
          tpu.vector_store %arg16[%parallel_loop3A_440], %parallel_loop3A_443 {strides = array<i32>} : memref<1024xf32, #tpu.memory_space<vmem>>, vector<16xf32>,
          %parallel_loop3A_444 = arith.index_cast %parallel_loop3A_419 : i32 to index
          %parallel_loop3A_445 = tpu.vector_load %arg17[%parallel_loop3A_444] {strides = array<i32>} : memref<1024xf32, #tpu.memory_space<vmem>>, vector<16xf32>,
          %parallel_loop3A_446 = vector.shape_cast %parallel_loop3A_445 : vector<16xf32> to vector<16xf32>
          %parallel_loop3A_447 = arith.mulf %parallel_loop3A_446, %parallel_loop3A_427 : vector<16xf32>
          %parallel_loop3A_448 = arith.index_cast %parallel_loop3A_419 : i32 to index
          %parallel_loop3A_449 = tpu.vector_load %arg17[%parallel_loop3A_448] {strides = array<i32>} : memref<1024xf32, #tpu.memory_space<vmem>>, vector<16xf32>,
          %parallel_loop3A_450 = vector.shape_cast %parallel_loop3A_449 : vector<16xf32> to vector<16xf32>
          %parallel_loop3A_451 = vector.shape_cast %parallel_loop3A_447 : vector<16xf32> to vector<16xf32>
          tpu.vector_store %arg17[%parallel_loop3A_448], %parallel_loop3A_451 {strides = array<i32>} : memref<1024xf32, #tpu.memory_space<vmem>>, vector<16xf32>,
          %parallel_loop3A_452 = arith.index_cast %parallel_loop3A_419 : i32 to index
          %parallel_loop3A_453 = tpu.vector_load %arg18[%parallel_loop3A_452] {strides = array<i32>} : memref<1024xf32, #tpu.memory_space<vmem>>, vector<16xf32>,
          %parallel_loop3A_454 = vector.shape_cast %parallel_loop3A_453 : vector<16xf32> to vector<16xf32>
          %parallel_loop3A_455 = arith.mulf %parallel_loop3A_454, %parallel_loop3A_427 : vector<16xf32>
          %parallel_loop3A_456 = arith.index_cast %parallel_loop3A_419 : i32 to index
          %parallel_loop3A_457 = tpu.vector_load %arg18[%parallel_loop3A_456] {strides = array<i32>} : memref<1024xf32, #tpu.memory_space<vmem>>, vector<16xf32>,
          %parallel_loop3A_458 = vector.shape_cast %parallel_loop3A_457 : vector<16xf32> to vector<16xf32>
          %parallel_loop3A_459 = vector.shape_cast %parallel_loop3A_455 : vector<16xf32> to vector<16xf32>
          tpu.vector_store %arg18[%parallel_loop3A_456], %parallel_loop3A_459 {strides = array<i32>} : memref<1024xf32, #tpu.memory_space<vmem>>, vector<16xf32>,
        } {sc.loop_unroll_factor = 4 : i64, sc.parallel_access}
        %mul3A_353 = arith.constant 4 : i32
        %mul3A_354 = arith.muli %add3A_118, %mul3A_353 : i32
        %add3A_355 = arith.constant 0 : i32
        %add3A_356 = arith.addi %mul3A_354, %add3A_355 : i32
        %dma_start3A_357 = tpu.memref_slice %arg5[%arg0, %add3A_356, %add3A_334] : memref<2x96x262144xf32, #tpu.memory_space<hbm>> -> memref<1x1x1024xf32, #tpu.memory_space<hbm>>
        %dma_start3A_358 = tpu.memref_squeeze %dma_start3A_357 : memref<1x1x1024xf32, #tpu.memory_space<hbm>> -> memref<1024xf32, #tpu.memory_space<hbm>>
        %dma_start3A_359 = tpu.memref_slice %arg5[%arg0, %add3A_356, %add3A_334] : memref<2x96x262144xf32, #tpu.memory_space<hbm>> -> memref<1x1x1024xf32, #tpu.memory_space<hbm>>
        %dma_start3A_360 = tpu.memref_squeeze %dma_start3A_359 : memref<1x1x1024xf32, #tpu.memory_space<hbm>> -> memref<1024xf32, #tpu.memory_space<hbm>>
        tpu.enqueue_dma source(%arg15 : memref<1024xf32, #tpu.memory_space<vmem>>) target(%dma_start3A_360 : memref<1024xf32, #tpu.memory_space<hbm>>) target_semaphore(%arg26 : memref<!tpu.dma_semaphore, #tpu.memory_space<semaphore_mem>>)
        %mul3A_361 = arith.constant 4 : i32
        %mul3A_362 = arith.muli %add3A_118, %mul3A_361 : i32
        %add3A_363 = arith.constant 1 : i32
        %add3A_364 = arith.addi %mul3A_362, %add3A_363 : i32
        %dma_start3A_365 = tpu.memref_slice %arg5[%arg0, %add3A_364, %add3A_334] : memref<2x96x262144xf32, #tpu.memory_space<hbm>> -> memref<1x1x1024xf32, #tpu.memory_space<hbm>>
        %dma_start3A_366 = tpu.memref_squeeze %dma_start3A_365 : memref<1x1x1024xf32, #tpu.memory_space<hbm>> -> memref<1024xf32, #tpu.memory_space<hbm>>
        %dma_start3A_367 = tpu.memref_slice %arg5[%arg0, %add3A_364, %add3A_334] : memref<2x96x262144xf32, #tpu.memory_space<hbm>> -> memref<1x1x1024xf32, #tpu.memory_space<hbm>>
        %dma_start3A_368 = tpu.memref_squeeze %dma_start3A_367 : memref<1x1x1024xf32, #tpu.memory_space<hbm>> -> memref<1024xf32, #tpu.memory_space<hbm>>
        tpu.enqueue_dma source(%arg16 : memref<1024xf32, #tpu.memory_space<vmem>>) target(%dma_start3A_368 : memref<1024xf32, #tpu.memory_space<hbm>>) target_semaphore(%arg26 : memref<!tpu.dma_semaphore, #tpu.memory_space<semaphore_mem>>)
        %mul3A_369 = arith.constant 4 : i32
        %mul3A_370 = arith.muli %add3A_118, %mul3A_369 : i32
        %add3A_371 = arith.constant 2 : i32
        %add3A_372 = arith.addi %mul3A_370, %add3A_371 : i32
        %dma_start3A_373 = tpu.memref_slice %arg5[%arg0, %add3A_372, %add3A_334] : memref<2x96x262144xf32, #tpu.memory_space<hbm>> -> memref<1x1x1024xf32, #tpu.memory_space<hbm>>
        %dma_start3A_374 = tpu.memref_squeeze %dma_start3A_373 : memref<1x1x1024xf32, #tpu.memory_space<hbm>> -> memref<1024xf32, #tpu.memory_space<hbm>>
        %dma_start3A_375 = tpu.memref_slice %arg5[%arg0, %add3A_372, %add3A_334] : memref<2x96x262144xf32, #tpu.memory_space<hbm>> -> memref<1x1x1024xf32, #tpu.memory_space<hbm>>
        %dma_start3A_376 = tpu.memref_squeeze %dma_start3A_375 : memref<1x1x1024xf32, #tpu.memory_space<hbm>> -> memref<1024xf32, #tpu.memory_space<hbm>>
        tpu.enqueue_dma source(%arg17 : memref<1024xf32, #tpu.memory_space<vmem>>) target(%dma_start3A_376 : memref<1024xf32, #tpu.memory_space<hbm>>) target_semaphore(%arg26 : memref<!tpu.dma_semaphore, #tpu.memory_space<semaphore_mem>>)
        %mul3A_377 = arith.constant 4 : i32
        %mul3A_378 = arith.muli %add3A_118, %mul3A_377 : i32
        %add3A_379 = arith.constant 3 : i32
        %add3A_380 = arith.addi %mul3A_378, %add3A_379 : i32
        %dma_start3A_381 = tpu.memref_slice %arg5[%arg0, %add3A_380, %add3A_334] : memref<2x96x262144xf32, #tpu.memory_space<hbm>> -> memref<1x1x1024xf32, #tpu.memory_space<hbm>>
        %dma_start3A_382 = tpu.memref_squeeze %dma_start3A_381 : memref<1x1x1024xf32, #tpu.memory_space<hbm>> -> memref<1024xf32, #tpu.memory_space<hbm>>
        %dma_start3A_383 = tpu.memref_slice %arg5[%arg0, %add3A_380, %add3A_334] : memref<2x96x262144xf32, #tpu.memory_space<hbm>> -> memref<1x1x1024xf32, #tpu.memory_space<hbm>>
        %dma_start3A_384 = tpu.memref_squeeze %dma_start3A_383 : memref<1x1x1024xf32, #tpu.memory_space<hbm>> -> memref<1024xf32, #tpu.memory_space<hbm>>
        tpu.enqueue_dma source(%arg18 : memref<1024xf32, #tpu.memory_space<vmem>>) target(%dma_start3A_384 : memref<1024xf32, #tpu.memory_space<hbm>>) target_semaphore(%arg26 : memref<!tpu.dma_semaphore, #tpu.memory_space<semaphore_mem>>)
        %mul3A_385 = arith.constant 4 : i32
        %mul3A_386 = arith.muli %add3A_118, %mul3A_385 : i32
        %add3A_387 = arith.constant 0 : i32
        %add3A_388 = arith.addi %mul3A_386, %add3A_387 : i32
        %dma_wait3A_389 = tpu.memref_slice %arg5[%arg0, %add3A_388, %add3A_334] : memref<2x96x262144xf32, #tpu.memory_space<hbm>> -> memref<1x1x1024xf32, #tpu.memory_space<hbm>>
        %dma_wait3A_390 = tpu.memref_squeeze %dma_wait3A_389 : memref<1x1x1024xf32, #tpu.memory_space<hbm>> -> memref<1024xf32, #tpu.memory_space<hbm>>
        %dma_wait3A_391 = tpu.memref_slice %arg5[%arg0, %add3A_388, %add3A_334] : memref<2x96x262144xf32, #tpu.memory_space<hbm>> -> memref<1x1x1024xf32, #tpu.memory_space<hbm>>
        %dma_wait3A_392 = tpu.memref_squeeze %dma_wait3A_391 : memref<1x1x1024xf32, #tpu.memory_space<hbm>> -> memref<1024xf32, #tpu.memory_space<hbm>>
        tpu.wait_dma2 semaphore(%arg26 : memref<!tpu.dma_semaphore, #tpu.memory_space<semaphore_mem>>) src(%arg15 : memref<1024xf32, #tpu.memory_space<vmem>>) dst(%dma_wait3A_392 : memref<1024xf32, #tpu.memory_space<hbm>>)
        %mul3A_393 = arith.constant 4 : i32
        %mul3A_394 = arith.muli %add3A_118, %mul3A_393 : i32
        %add3A_395 = arith.constant 1 : i32
        %add3A_396 = arith.addi %mul3A_394, %add3A_395 : i32
        %dma_wait3A_397 = tpu.memref_slice %arg5[%arg0, %add3A_396, %add3A_334] : memref<2x96x262144xf32, #tpu.memory_space<hbm>> -> memref<1x1x1024xf32, #tpu.memory_space<hbm>>
        %dma_wait3A_398 = tpu.memref_squeeze %dma_wait3A_397 : memref<1x1x1024xf32, #tpu.memory_space<hbm>> -> memref<1024xf32, #tpu.memory_space<hbm>>
        %dma_wait3A_399 = tpu.memref_slice %arg5[%arg0, %add3A_396, %add3A_334] : memref<2x96x262144xf32, #tpu.memory_space<hbm>> -> memref<1x1x1024xf32, #tpu.memory_space<hbm>>
        %dma_wait3A_400 = tpu.memref_squeeze %dma_wait3A_399 : memref<1x1x1024xf32, #tpu.memory_space<hbm>> -> memref<1024xf32, #tpu.memory_space<hbm>>
        tpu.wait_dma2 semaphore(%arg26 : memref<!tpu.dma_semaphore, #tpu.memory_space<semaphore_mem>>) src(%arg16 : memref<1024xf32, #tpu.memory_space<vmem>>) dst(%dma_wait3A_400 : memref<1024xf32, #tpu.memory_space<hbm>>)
        %mul3A_401 = arith.constant 4 : i32
        %mul3A_402 = arith.muli %add3A_118, %mul3A_401 : i32
        %add3A_403 = arith.constant 2 : i32
        %add3A_404 = arith.addi %mul3A_402, %add3A_403 : i32
        %dma_wait3A_405 = tpu.memref_slice %arg5[%arg0, %add3A_404, %add3A_334] : memref<2x96x262144xf32, #tpu.memory_space<hbm>> -> memref<1x1x1024xf32, #tpu.memory_space<hbm>>
        %dma_wait3A_406 = tpu.memref_squeeze %dma_wait3A_405 : memref<1x1x1024xf32, #tpu.memory_space<hbm>> -> memref<1024xf32, #tpu.memory_space<hbm>>
        %dma_wait3A_407 = tpu.memref_slice %arg5[%arg0, %add3A_404, %add3A_334] : memref<2x96x262144xf32, #tpu.memory_space<hbm>> -> memref<1x1x1024xf32, #tpu.memory_space<hbm>>
        %dma_wait3A_408 = tpu.memref_squeeze %dma_wait3A_407 : memref<1x1x1024xf32, #tpu.memory_space<hbm>> -> memref<1024xf32, #tpu.memory_space<hbm>>
        tpu.wait_dma2 semaphore(%arg26 : memref<!tpu.dma_semaphore, #tpu.memory_space<semaphore_mem>>) src(%arg17 : memref<1024xf32, #tpu.memory_space<vmem>>) dst(%dma_wait3A_408 : memref<1024xf32, #tpu.memory_space<hbm>>)
        %mul3A_409 = arith.constant 4 : i32
        %mul3A_410 = arith.muli %add3A_118, %mul3A_409 : i32
        %add3A_411 = arith.constant 3 : i32
        %add3A_412 = arith.addi %mul3A_410, %add3A_411 : i32
        %dma_wait3A_413 = tpu.memref_slice %arg5[%arg0, %add3A_412, %add3A_334] : memref<2x96x262144xf32, #tpu.memory_space<hbm>> -> memref<1x1x1024xf32, #tpu.memory_space<hbm>>
        %dma_wait3A_414 = tpu.memref_squeeze %dma_wait3A_413 : memref<1x1x1024xf32, #tpu.memory_space<hbm>> -> memref<1024xf32, #tpu.memory_space<hbm>>
        %dma_wait3A_415 = tpu.memref_slice %arg5[%arg0, %add3A_412, %add3A_334] : memref<2x96x262144xf32, #tpu.memory_space<hbm>> -> memref<1x1x1024xf32, #tpu.memory_space<hbm>>
        %dma_wait3A_416 = tpu.memref_squeeze %dma_wait3A_415 : memref<1x1x1024xf32, #tpu.memory_space<hbm>> -> memref<1024xf32, #tpu.memory_space<hbm>>
        tpu.wait_dma2 semaphore(%arg26 : memref<!tpu.dma_semaphore, #tpu.memory_space<semaphore_mem>>) src(%arg18 : memref<1024xf32, #tpu.memory_space<vmem>>) dst(%dma_wait3A_416 : memref<1024xf32, #tpu.memory_space<hbm>>)
      }
      %scan3A_324 = arith.constant 16 : i32
    }
    %scan3A_113 = arith.constant 24 : i32
    return
  }
}

module attributes {stable_mosaic.version = 14 : i64} {
  func.func @_precompute_body(%arg0: i32, %arg1: i32, %arg2: memref<1x2x64x512xf32, #tpu.memory_space<vmem>>, %arg3: memref<1x1x64x512xf32, #tpu.memory_space<vmem>>, %arg4: memref<1x4x64x512xi32, #tpu.memory_space<vmem>>, %arg5: memref<1x4x64x512xf32, #tpu.memory_space<vmem>>) attributes {dimension_semantics = [#tpu.dimension_semantics<arbitrary>, #tpu.dimension_semantics<arbitrary>], iteration_bounds = array<i64: 2, 8>, scalar_prefetch = 0 : i64, scratch_operands = 0 : i64, tpu.core_type = #tpu.core_type<tc>, window_params = [{transform_indices = @transform_0, window_bounds = array<i64: 1, 2, 64, 512>}, {transform_indices = @transform_1, window_bounds = array<i64: 1, 1, 64, 512>}, {transform_indices = @transform_2, window_bounds = array<i64: 1, 4, 64, 512>}, {transform_indices = @transform_3, window_bounds = array<i64: 1, 4, 64, 512>}]} {
    %mul3A = arith.constant 64 : i32
    %mul3A_0 = arith.muli %arg1, %mul3A : i32
    %get3A = arith.constant 0 : index
    %get3A_1 = arith.constant 0 : index
    %get3A_2 = arith.constant 0 : index
    %get3A_3 = arith.constant 0 : index
    %get3A_4 = vector.load %arg2[%get3A, %get3A_1, %get3A_2, %get3A_3] : memref<1x2x64x512xf32, #tpu.memory_space<vmem>>, vector<1x1x64x512xf32>
    %get3A_5 = vector.shape_cast %get3A_4 : vector<1x1x64x512xf32> to vector<64x512xf32>
    %get3A_6 = arith.constant 0 : index
    %get3A_7 = arith.constant 1 : index
    %get3A_8 = arith.constant 0 : index
    %get3A_9 = arith.constant 0 : index
    %get3A_10 = vector.load %arg2[%get3A_6, %get3A_7, %get3A_8, %get3A_9] : memref<1x2x64x512xf32, #tpu.memory_space<vmem>>, vector<1x1x64x512xf32>
    %get3A_11 = vector.shape_cast %get3A_10 : vector<1x1x64x512xf32> to vector<64x512xf32>
    %get3A_12 = arith.constant 0 : index
    %get3A_13 = arith.constant 0 : index
    %get3A_14 = arith.constant 0 : index
    %get3A_15 = arith.constant 0 : index
    %get3A_16 = vector.load %arg3[%get3A_12, %get3A_13, %get3A_14, %get3A_15] : memref<1x1x64x512xf32, #tpu.memory_space<vmem>>, vector<1x1x64x512xf32>
    %get3A_17 = vector.shape_cast %get3A_16 : vector<1x1x64x512xf32> to vector<64x512xf32>
    %exp3A = math.exp %get3A_17 : vector<64x512xf32>
    %iota3A = tpu.iota {dimensions = array<i32: 1>} : vector<64x512xi32>
    %iota3A_18 = tpu.iota {dimensions = array<i32: 0>} : vector<64x512xi32>
    %add3A = vector.broadcast %mul3A_0 : i32 to vector<64x512xi32>
    %add3A_19 = arith.addi %iota3A_18, %add3A : vector<64x512xi32>
    %convert_element_type3A = arith.sitofp %iota3A : vector<64x512xi32> to vector<64x512xf32>
    %convert_element_type3A_20 = arith.sitofp %add3A_19 : vector<64x512xi32> to vector<64x512xf32>
    %add3A_21 = arith.addf %convert_element_type3A, %get3A_5 : vector<64x512xf32>
    %add3A_22 = arith.addf %convert_element_type3A_20, %get3A_11 : vector<64x512xf32>
    %floor3A = math.floor %add3A_21 : vector<64x512xf32>
    %floor3A_23 = math.floor %add3A_22 : vector<64x512xf32>
    %sub3A = arith.subf %add3A_21, %floor3A : vector<64x512xf32>
    %sub3A_24 = arith.subf %add3A_22, %floor3A_23 : vector<64x512xf32>
    %convert_element_type3A_25 = arith.fptosi %floor3A : vector<64x512xf32> to vector<64x512xi32>
    %convert_element_type3A_26 = arith.fptosi %floor3A_23 : vector<64x512xf32> to vector<64x512xi32>
    %mul3A_27 = arith.constant 512 : i32
    %mul3A_28 = vector.broadcast %mul3A_27 : i32 to vector<64x512xi32>
    %mul3A_29 = arith.muli %add3A_19, %mul3A_28 : vector<64x512xi32>
    %add3A_30 = arith.addi %mul3A_29, %iota3A : vector<64x512xi32>
    %sub3A_31 = arith.constant 1.000000e+00 : f32
    %sub3A_32 = vector.broadcast %sub3A_31 : f32 to vector<64x512xf32>
    %sub3A_33 = arith.subf %sub3A_32, %sub3A : vector<64x512xf32>
    %sub3A_34 = arith.constant 1.000000e+00 : f32
    %sub3A_35 = vector.broadcast %sub3A_34 : f32 to vector<64x512xf32>
    %sub3A_36 = arith.subf %sub3A_35, %sub3A_24 : vector<64x512xf32>
    %mul3A_37 = arith.mulf %sub3A_33, %sub3A_36 : vector<64x512xf32>
    %add3A_38 = arith.constant 1 : i32
    %add3A_39 = vector.broadcast %add3A_38 : i32 to vector<64x512xi32>
    %add3A_40 = arith.addi %convert_element_type3A_25, %add3A_39 : vector<64x512xi32>
    %sub3A_41 = arith.constant 1.000000e+00 : f32
    %sub3A_42 = vector.broadcast %sub3A_41 : f32 to vector<64x512xf32>
    %sub3A_43 = arith.subf %sub3A_42, %sub3A_24 : vector<64x512xf32>
    %mul3A_44 = arith.mulf %sub3A, %sub3A_43 : vector<64x512xf32>
    %add3A_45 = arith.constant 1 : i32
    %add3A_46 = vector.broadcast %add3A_45 : i32 to vector<64x512xi32>
    %add3A_47 = arith.addi %convert_element_type3A_26, %add3A_46 : vector<64x512xi32>
    %sub3A_48 = arith.constant 1.000000e+00 : f32
    %sub3A_49 = vector.broadcast %sub3A_48 : f32 to vector<64x512xf32>
    %sub3A_50 = arith.subf %sub3A_49, %sub3A : vector<64x512xf32>
    %mul3A_51 = arith.mulf %sub3A_50, %sub3A_24 : vector<64x512xf32>
    %add3A_52 = arith.constant 1 : i32
    %add3A_53 = vector.broadcast %add3A_52 : i32 to vector<64x512xi32>
    %add3A_54 = arith.addi %convert_element_type3A_25, %add3A_53 : vector<64x512xi32>
    %add3A_55 = arith.constant 1 : i32
    %add3A_56 = vector.broadcast %add3A_55 : i32 to vector<64x512xi32>
    %add3A_57 = arith.addi %convert_element_type3A_26, %add3A_56 : vector<64x512xi32>
    %mul3A_58 = arith.mulf %sub3A, %sub3A_24 : vector<64x512xf32>
    %ge3A = arith.constant 0 : i32
    %ge3A_59 = vector.broadcast %ge3A : i32 to vector<64x512xi32>
    %ge3A_60 = arith.cmpi sge, %convert_element_type3A_25, %ge3A_59 : vector<64x512xi32>
    %lt3A = arith.constant 512 : i32
    %lt3A_61 = vector.broadcast %lt3A : i32 to vector<64x512xi32>
    %lt3A_62 = arith.cmpi slt, %convert_element_type3A_25, %lt3A_61 : vector<64x512xi32>
    %and3A = arith.andi %ge3A_60, %lt3A_62 : vector<64x512xi1>
    %ge3A_63 = arith.constant 0 : i32
    %ge3A_64 = vector.broadcast %ge3A_63 : i32 to vector<64x512xi32>
    %ge3A_65 = arith.cmpi sge, %convert_element_type3A_26, %ge3A_64 : vector<64x512xi32>
    %and3A_66 = arith.andi %and3A, %ge3A_65 : vector<64x512xi1>
    %lt3A_67 = arith.constant 512 : i32
    %lt3A_68 = vector.broadcast %lt3A_67 : i32 to vector<64x512xi32>
    %lt3A_69 = arith.cmpi slt, %convert_element_type3A_26, %lt3A_68 : vector<64x512xi32>
    %and3A_70 = arith.andi %and3A_66, %lt3A_69 : vector<64x512xi1>
    %mul3A_71 = arith.constant 512 : i32
    %mul3A_72 = vector.broadcast %mul3A_71 : i32 to vector<64x512xi32>
    %mul3A_73 = arith.muli %convert_element_type3A_26, %mul3A_72 : vector<64x512xi32>
    %add3A_74 = arith.addi %mul3A_73, %convert_element_type3A_25 : vector<64x512xi32>
    %select_n3A = arith.select %and3A_70, %add3A_74, %add3A_30 : vector<64x512xi1>, vector<64x512xi32>
    %swap3A = arith.constant 0 : index
    %swap3A_75 = arith.constant 0 : index
    %swap3A_76 = arith.constant 0 : index
    %swap3A_77 = arith.constant 0 : index
    %swap3A_78 = vector.load %arg4[%swap3A, %swap3A_75, %swap3A_76, %swap3A_77] : memref<1x4x64x512xi32, #tpu.memory_space<vmem>>, vector<1x1x64x512xi32>
    %swap3A_79 = vector.shape_cast %swap3A_78 : vector<1x1x64x512xi32> to vector<64x512xi32>
    %swap3A_80 = vector.shape_cast %select_n3A : vector<64x512xi32> to vector<1x1x64x512xi32>
    tpu.vector_store %arg4[%swap3A, %swap3A_75, %swap3A_76, %swap3A_77], %swap3A_80 {strides = array<i32>} : memref<1x4x64x512xi32, #tpu.memory_space<vmem>>, vector<1x1x64x512xi32>,
    %mul3A_81 = arith.mulf %mul3A_37, %exp3A : vector<64x512xf32>
    %jit3A = arith.constant 0.000000e+00 : f32
    %broadcast_in_dim3A = vector.broadcast %jit3A : f32 to vector<64x512xf32>
    %select_n3A_82 = arith.select %and3A_70, %mul3A_81, %broadcast_in_dim3A : vector<64x512xi1>, vector<64x512xf32>
    %swap3A_83 = arith.constant 0 : index
    %swap3A_84 = arith.constant 0 : index
    %swap3A_85 = arith.constant 0 : index
    %swap3A_86 = arith.constant 0 : index
    %swap3A_87 = vector.load %arg5[%swap3A_83, %swap3A_84, %swap3A_85, %swap3A_86] : memref<1x4x64x512xf32, #tpu.memory_space<vmem>>, vector<1x1x64x512xf32>
    %swap3A_88 = vector.shape_cast %swap3A_87 : vector<1x1x64x512xf32> to vector<64x512xf32>
    %swap3A_89 = vector.shape_cast %select_n3A_82 : vector<64x512xf32> to vector<1x1x64x512xf32>
    tpu.vector_store %arg5[%swap3A_83, %swap3A_84, %swap3A_85, %swap3A_86], %swap3A_89 {strides = array<i32>} : memref<1x4x64x512xf32, #tpu.memory_space<vmem>>, vector<1x1x64x512xf32>,
    %ge3A_90 = arith.constant 0 : i32
    %ge3A_91 = vector.broadcast %ge3A_90 : i32 to vector<64x512xi32>
    %ge3A_92 = arith.cmpi sge, %add3A_40, %ge3A_91 : vector<64x512xi32>
    %lt3A_93 = arith.constant 512 : i32
    %lt3A_94 = vector.broadcast %lt3A_93 : i32 to vector<64x512xi32>
    %lt3A_95 = arith.cmpi slt, %add3A_40, %lt3A_94 : vector<64x512xi32>
    %and3A_96 = arith.andi %ge3A_92, %lt3A_95 : vector<64x512xi1>
    %ge3A_97 = arith.constant 0 : i32
    %ge3A_98 = vector.broadcast %ge3A_97 : i32 to vector<64x512xi32>
    %ge3A_99 = arith.cmpi sge, %convert_element_type3A_26, %ge3A_98 : vector<64x512xi32>
    %and3A_100 = arith.andi %and3A_96, %ge3A_99 : vector<64x512xi1>
    %lt3A_101 = arith.constant 512 : i32
    %lt3A_102 = vector.broadcast %lt3A_101 : i32 to vector<64x512xi32>
    %lt3A_103 = arith.cmpi slt, %convert_element_type3A_26, %lt3A_102 : vector<64x512xi32>
    %and3A_104 = arith.andi %and3A_100, %lt3A_103 : vector<64x512xi1>
    %mul3A_105 = arith.constant 512 : i32
    %mul3A_106 = vector.broadcast %mul3A_105 : i32 to vector<64x512xi32>
    %mul3A_107 = arith.muli %convert_element_type3A_26, %mul3A_106 : vector<64x512xi32>
    %add3A_108 = arith.addi %mul3A_107, %add3A_40 : vector<64x512xi32>
    %select_n3A_109 = arith.select %and3A_104, %add3A_108, %add3A_30 : vector<64x512xi1>, vector<64x512xi32>
    %swap3A_110 = arith.constant 0 : index
    %swap3A_111 = arith.constant 1 : index
    %swap3A_112 = arith.constant 0 : index
    %swap3A_113 = arith.constant 0 : index
    %swap3A_114 = vector.load %arg4[%swap3A_110, %swap3A_111, %swap3A_112, %swap3A_113] : memref<1x4x64x512xi32, #tpu.memory_space<vmem>>, vector<1x1x64x512xi32>
    %swap3A_115 = vector.shape_cast %swap3A_114 : vector<1x1x64x512xi32> to vector<64x512xi32>
    %swap3A_116 = vector.shape_cast %select_n3A_109 : vector<64x512xi32> to vector<1x1x64x512xi32>
    tpu.vector_store %arg4[%swap3A_110, %swap3A_111, %swap3A_112, %swap3A_113], %swap3A_116 {strides = array<i32>} : memref<1x4x64x512xi32, #tpu.memory_space<vmem>>, vector<1x1x64x512xi32>,
    %mul3A_117 = arith.mulf %mul3A_44, %exp3A : vector<64x512xf32>
    %jit3A_118 = arith.constant 0.000000e+00 : f32
    %broadcast_in_dim3A_119 = vector.broadcast %jit3A_118 : f32 to vector<64x512xf32>
    %select_n3A_120 = arith.select %and3A_104, %mul3A_117, %broadcast_in_dim3A_119 : vector<64x512xi1>, vector<64x512xf32>
    %swap3A_121 = arith.constant 0 : index
    %swap3A_122 = arith.constant 1 : index
    %swap3A_123 = arith.constant 0 : index
    %swap3A_124 = arith.constant 0 : index
    %swap3A_125 = vector.load %arg5[%swap3A_121, %swap3A_122, %swap3A_123, %swap3A_124] : memref<1x4x64x512xf32, #tpu.memory_space<vmem>>, vector<1x1x64x512xf32>
    %swap3A_126 = vector.shape_cast %swap3A_125 : vector<1x1x64x512xf32> to vector<64x512xf32>
    %swap3A_127 = vector.shape_cast %select_n3A_120 : vector<64x512xf32> to vector<1x1x64x512xf32>
    tpu.vector_store %arg5[%swap3A_121, %swap3A_122, %swap3A_123, %swap3A_124], %swap3A_127 {strides = array<i32>} : memref<1x4x64x512xf32, #tpu.memory_space<vmem>>, vector<1x1x64x512xf32>,
    %ge3A_128 = arith.constant 0 : i32
    %ge3A_129 = vector.broadcast %ge3A_128 : i32 to vector<64x512xi32>
    %ge3A_130 = arith.cmpi sge, %convert_element_type3A_25, %ge3A_129 : vector<64x512xi32>
    %lt3A_131 = arith.constant 512 : i32
    %lt3A_132 = vector.broadcast %lt3A_131 : i32 to vector<64x512xi32>
    %lt3A_133 = arith.cmpi slt, %convert_element_type3A_25, %lt3A_132 : vector<64x512xi32>
    %and3A_134 = arith.andi %ge3A_130, %lt3A_133 : vector<64x512xi1>
    %ge3A_135 = arith.constant 0 : i32
    %ge3A_136 = vector.broadcast %ge3A_135 : i32 to vector<64x512xi32>
    %ge3A_137 = arith.cmpi sge, %add3A_47, %ge3A_136 : vector<64x512xi32>
    %and3A_138 = arith.andi %and3A_134, %ge3A_137 : vector<64x512xi1>
    %lt3A_139 = arith.constant 512 : i32
    %lt3A_140 = vector.broadcast %lt3A_139 : i32 to vector<64x512xi32>
    %lt3A_141 = arith.cmpi slt, %add3A_47, %lt3A_140 : vector<64x512xi32>
    %and3A_142 = arith.andi %and3A_138, %lt3A_141 : vector<64x512xi1>
    %mul3A_143 = arith.constant 512 : i32
    %mul3A_144 = vector.broadcast %mul3A_143 : i32 to vector<64x512xi32>
    %mul3A_145 = arith.muli %add3A_47, %mul3A_144 : vector<64x512xi32>
    %add3A_146 = arith.addi %mul3A_145, %convert_element_type3A_25 : vector<64x512xi32>
    %select_n3A_147 = arith.select %and3A_142, %add3A_146, %add3A_30 : vector<64x512xi1>, vector<64x512xi32>
    %swap3A_148 = arith.constant 0 : index
    %swap3A_149 = arith.constant 2 : index
    %swap3A_150 = arith.constant 0 : index
    %swap3A_151 = arith.constant 0 : index
    %swap3A_152 = vector.load %arg4[%swap3A_148, %swap3A_149, %swap3A_150, %swap3A_151] : memref<1x4x64x512xi32, #tpu.memory_space<vmem>>, vector<1x1x64x512xi32>
    %swap3A_153 = vector.shape_cast %swap3A_152 : vector<1x1x64x512xi32> to vector<64x512xi32>
    %swap3A_154 = vector.shape_cast %select_n3A_147 : vector<64x512xi32> to vector<1x1x64x512xi32>
    tpu.vector_store %arg4[%swap3A_148, %swap3A_149, %swap3A_150, %swap3A_151], %swap3A_154 {strides = array<i32>} : memref<1x4x64x512xi32, #tpu.memory_space<vmem>>, vector<1x1x64x512xi32>,
    %mul3A_155 = arith.mulf %mul3A_51, %exp3A : vector<64x512xf32>
    %jit3A_156 = arith.constant 0.000000e+00 : f32
    %broadcast_in_dim3A_157 = vector.broadcast %jit3A_156 : f32 to vector<64x512xf32>
    %select_n3A_158 = arith.select %and3A_142, %mul3A_155, %broadcast_in_dim3A_157 : vector<64x512xi1>, vector<64x512xf32>
    %swap3A_159 = arith.constant 0 : index
    %swap3A_160 = arith.constant 2 : index
    %swap3A_161 = arith.constant 0 : index
    %swap3A_162 = arith.constant 0 : index
    %swap3A_163 = vector.load %arg5[%swap3A_159, %swap3A_160, %swap3A_161, %swap3A_162] : memref<1x4x64x512xf32, #tpu.memory_space<vmem>>, vector<1x1x64x512xf32>
    %swap3A_164 = vector.shape_cast %swap3A_163 : vector<1x1x64x512xf32> to vector<64x512xf32>
    %swap3A_165 = vector.shape_cast %select_n3A_158 : vector<64x512xf32> to vector<1x1x64x512xf32>
    tpu.vector_store %arg5[%swap3A_159, %swap3A_160, %swap3A_161, %swap3A_162], %swap3A_165 {strides = array<i32>} : memref<1x4x64x512xf32, #tpu.memory_space<vmem>>, vector<1x1x64x512xf32>,
    %ge3A_166 = arith.constant 0 : i32
    %ge3A_167 = vector.broadcast %ge3A_166 : i32 to vector<64x512xi32>
    %ge3A_168 = arith.cmpi sge, %add3A_54, %ge3A_167 : vector<64x512xi32>
    %lt3A_169 = arith.constant 512 : i32
    %lt3A_170 = vector.broadcast %lt3A_169 : i32 to vector<64x512xi32>
    %lt3A_171 = arith.cmpi slt, %add3A_54, %lt3A_170 : vector<64x512xi32>
    %and3A_172 = arith.andi %ge3A_168, %lt3A_171 : vector<64x512xi1>
    %ge3A_173 = arith.constant 0 : i32
    %ge3A_174 = vector.broadcast %ge3A_173 : i32 to vector<64x512xi32>
    %ge3A_175 = arith.cmpi sge, %add3A_57, %ge3A_174 : vector<64x512xi32>
    %and3A_176 = arith.andi %and3A_172, %ge3A_175 : vector<64x512xi1>
    %lt3A_177 = arith.constant 512 : i32
    %lt3A_178 = vector.broadcast %lt3A_177 : i32 to vector<64x512xi32>
    %lt3A_179 = arith.cmpi slt, %add3A_57, %lt3A_178 : vector<64x512xi32>
    %and3A_180 = arith.andi %and3A_176, %lt3A_179 : vector<64x512xi1>
    %mul3A_181 = arith.constant 512 : i32
    %mul3A_182 = vector.broadcast %mul3A_181 : i32 to vector<64x512xi32>
    %mul3A_183 = arith.muli %add3A_57, %mul3A_182 : vector<64x512xi32>
    %add3A_184 = arith.addi %mul3A_183, %add3A_54 : vector<64x512xi32>
    %select_n3A_185 = arith.select %and3A_180, %add3A_184, %add3A_30 : vector<64x512xi1>, vector<64x512xi32>
    %swap3A_186 = arith.constant 0 : index
    %swap3A_187 = arith.constant 3 : index
    %swap3A_188 = arith.constant 0 : index
    %swap3A_189 = arith.constant 0 : index
    %swap3A_190 = vector.load %arg4[%swap3A_186, %swap3A_187, %swap3A_188, %swap3A_189] : memref<1x4x64x512xi32, #tpu.memory_space<vmem>>, vector<1x1x64x512xi32>
    %swap3A_191 = vector.shape_cast %swap3A_190 : vector<1x1x64x512xi32> to vector<64x512xi32>
    %swap3A_192 = vector.shape_cast %select_n3A_185 : vector<64x512xi32> to vector<1x1x64x512xi32>
    tpu.vector_store %arg4[%swap3A_186, %swap3A_187, %swap3A_188, %swap3A_189], %swap3A_192 {strides = array<i32>} : memref<1x4x64x512xi32, #tpu.memory_space<vmem>>, vector<1x1x64x512xi32>,
    %mul3A_193 = arith.mulf %mul3A_58, %exp3A : vector<64x512xf32>
    %jit3A_194 = arith.constant 0.000000e+00 : f32
    %broadcast_in_dim3A_195 = vector.broadcast %jit3A_194 : f32 to vector<64x512xf32>
    %select_n3A_196 = arith.select %and3A_180, %mul3A_193, %broadcast_in_dim3A_195 : vector<64x512xi1>, vector<64x512xf32>
    %swap3A_197 = arith.constant 0 : index
    %swap3A_198 = arith.constant 3 : index
    %swap3A_199 = arith.constant 0 : index
    %swap3A_200 = arith.constant 0 : index
    %swap3A_201 = vector.load %arg5[%swap3A_197, %swap3A_198, %swap3A_199, %swap3A_200] : memref<1x4x64x512xf32, #tpu.memory_space<vmem>>, vector<1x1x64x512xf32>
    %swap3A_202 = vector.shape_cast %swap3A_201 : vector<1x1x64x512xf32> to vector<64x512xf32>
    %swap3A_203 = vector.shape_cast %select_n3A_196 : vector<64x512xf32> to vector<1x1x64x512xf32>
    tpu.vector_store %arg5[%swap3A_197, %swap3A_198, %swap3A_199, %swap3A_200], %swap3A_203 {strides = array<i32>} : memref<1x4x64x512xf32, #tpu.memory_space<vmem>>, vector<1x1x64x512xf32>,
    return
  }
  func.func @transform_0(%arg0: i32, %arg1: i32) -> (i32, i32, i32, i32) {
    %c0_i32 = arith.constant 0 : i32
    %c0_i32_0 = arith.constant 0 : i32
    %c0_i32_1 = arith.constant 0 : i32
    return %arg0, %c0_i32, %arg1, %c0_i32_0 : i32, i32, i32, i32
  }
  func.func @transform_1(%arg0: i32, %arg1: i32) -> (i32, i32, i32, i32) {
    %c0_i32 = arith.constant 0 : i32
    %c0_i32_0 = arith.constant 0 : i32
    %c0_i32_1 = arith.constant 0 : i32
    return %arg0, %c0_i32, %arg1, %c0_i32_0 : i32, i32, i32, i32
  }
  func.func @transform_2(%arg0: i32, %arg1: i32) -> (i32, i32, i32, i32) {
    %c0_i32 = arith.constant 0 : i32
    %c0_i32_0 = arith.constant 0 : i32
    %c0_i32_1 = arith.constant 0 : i32
    return %arg0, %c0_i32, %arg1, %c0_i32_0 : i32, i32, i32, i32
  }
  func.func @transform_3(%arg0: i32, %arg1: i32) -> (i32, i32, i32, i32) {
    %c0_i32 = arith.constant 0 : i32
    %c0_i32_0 = arith.constant 0 : i32
    %c0_i32_1 = arith.constant 0 : i32
    return %arg0, %c0_i32, %arg1, %c0_i32_0 : i32, i32, i32, i32
  }
}

</mosaic_0001>

<sc_bundles>
// kernel: kernel.4.cloned.1.call-start
scs
__scs_entry_jumppad:
0x0: {  	(pc) =	sbr.rel $0x88, $3  }
0x1: {  	(tag) =	ssettag $0x0;
	lr =	simm.s32 $0x1  }
0x2: {  	[smem:$0x3F9E] =	sst lr;
	_ =	strace $0xD0000000  }
0x3: {  	_ = 	snop  }
0x4: {  	_ = 	snop  }
0x5: {  	_ = 	snop  }
0x6: {  	_ = 	snop  }
0x7: {  	_ = 	snop  }
__scs_overlays_trampoline_lowered:
0x8: {  	[smem:$0x3FAD] =	sst s0  }
0x9: {  	[smem:$0x3FAE] =	sst s1  }
0xa: {  	[smem:$0x3FAF] =	sst s2  }
0xb: {  	[smem:$0x3FB0] =	sst s3  }
0xc: {  	[smem:$0x3FB1] =	sst s4  }
0xd: {  	[smem:$0x3FB2] =	sst s5  }
0xe: {  	[smem:$0x3FB3] =	sst s6  }
0xf: {  	[smem:$0x3FB4] =	sst s7  }
0x10: {  	[smem:$0x3FB5] =	sst s8  }
0x11: {  	[smem:$0x3FB6] =	sst s9;
	s0 =	simm.s32 @!p0 $0x0  }
0x12: {  	s1 =	sld [smem:$0x3F9C];
	s0 =	simm.s32 @p0 $0x1  }
0x13: {  	[smem:$0x3FB7] =	sst s0;
	s0 =	simm.s32 @!p1 $0x0  }
0x14: {  	s2 =	sld [smem:$0x3F9B];
	s0 =	simm.s32 @p1 $0x1  }
0x15: {  	[smem:$0x3FB8] =	sst s0;
	s0 =	simm.s32 @!p2 $0x0  }
0x16: {  	s3 =	sld [smem:$0x3FDB];
	s0 =	simm.s32 @p2 $0x1  }
0x17: {  	s4 =	simm.s32 $0x1BF5;
	[smem:$0x3FBA] =	sst s0  }
0x18: {  	s0 =	sld [smem:$0x3F9D];
	_ =	swait.ge [sflag:s4], $0x0  }
0x19: {  	s7 =	sld [smem:$0x3F9E]  }
0x1a: {  	s8 =	sadd.s32 $0xFFFFE003, lr  }
0x1b: {  	s9 =	sadd.s32 $0xFFFFFEF7, lr;
	s5 =	simm.s32 $0xFFFFFFFF;
	p2 =	slt.u32 s8, $0xFFFFF086  }
0x1c: {  	p1 =	slt.u32 s9, $0xF7A;
	s5 =	simm.s32 @!p2 $0x0  }
0x1d: {  	s5 =	simm.s32 @p1 $0x1;
	p0 =	seq.s32 s7, s2  }
0x1e: {  	s7 =	smul.u32 @!p0 $0xF7A, s2;
	p2 =	seq.s32 @!p0 s5, $0x0  }
0x1f: {  	s9 =	smul.u32 $0xF7A, s1;
	s8 =	simm.s32 @!p0 $0x1BF5;
	p2 =	por !p2, p0  }
0x20: {  	[sflag:s8] =	ssyncset.s32 @!p0 $0xFFFFF086;
	s6 =	sadd.s32 @!p0 s3, s7;
	s7 =	simm.s32 @!p0 $0x108  }
0x21: {  	s3 =	sadd.s32 s3, s9;
	s6 =	sadd.s32 @!p0 $0x88, s6;
	s7 =	simm.s32 @p2 $0x1082  }
0x22: {  	[simem:s7], [sflag:s8] =	dma.local @!p0 [hbm:s6], $0xF7A  }
0x23: {  	s9 =	sor.u32 $0xD0000000, s2;
	s6 =	simm.s32 $0x108;
	_ =	swait.ge @!p0 [sflag:s8], $0x0  }
0x24: {  	s3 =	sadd.s32 $0x88, s3;
	s6 =	simm.s32 @!p1 $0x1082;
	[sflag:s4] =	ssyncset.s32 $0xFFFFF086  }
0x25: {  	[simem:s6], [sflag:s4] =	dma.local [hbm:s3], $0xF7A  }
0x26: {  	[smem:$0x3F9E] =	sst s1;
	(tag) =	ssettag s2;
	_ =	strace s9  }
0x27: {  	s1 =	sld [smem:$0x3FAE]  }
0x28: {  	s2 =	sld [smem:$0x3FAF]  }
0x29: {  	s4 =	sld [smem:$0x3FB1]  }
0x2a: {  	p0 =	seq.s32 s5, $0x0;
	s5 =	sld [smem:$0x3FB2]  }
0x2b: {  	s6 =	sld [smem:$0x3FB3]  }
0x2c: {  	s7 =	sld [smem:$0x3FB4]  }
0x2d: {  	s3 =	simm.s32 $0x108;
	s8 =	sld [smem:$0x3FB5]  }
0x2e: {  	s3 =	simm.s32 @!p0 $0x1082;
	s9 =	sld [smem:$0x3FB6]  }
0x2f: {  	lr =	sadd.s32 s0, s3;
	s0 =	sld [smem:$0x3FAD]  }
0x30: {  	s3 =	sld [smem:$0x3FB0]  }
0x31: {  	[smem:$0x3FB9] =	sst s10  }
0x32: {  	s10 =	sld [smem:$0x3FB7];
	_ =	sdelay $0x3  }
0x33: {  	p0 =	seq.s32 s10, $0x1;
	s10 =	sld [smem:$0x3FB9];
	_ =	sdelay $0x3  }
0x34: {  	[smem:$0x3FB9] =	sst s10  }
0x35: {  	s10 =	sld [smem:$0x3FB8];
	_ =	sdelay $0x3  }
0x36: {  	p1 =	seq.s32 s10, $0x1;
	s10 =	sld [smem:$0x3FB9];
	_ =	sdelay $0x3  }
0x37: {  	[smem:$0x3FB9] =	sst s10  }
0x38: {  	s10 =	sld [smem:$0x3FBA]  }
0x39: {  	_ = 	snop;
	(pc) =	sbr.ind lr, $3  }
0x3a: {  	_ = 	snop  }
0x3b: {  	_ = 	snop  }
0x3c: {  	p2 =	seq.s32 s10, $0x1;
	s10 =	sld [smem:$0x3FB9]  }
0x3d: {  	_ =	shalt  }
0x3e: {  	_ =	shalt  }
0x3f: {  	_ =	shalt  }
0x40: {  	_ =	shalt  }
0x41: {  	_ =	shalt  }
0x42: {  	_ =	shalt  }
0x43: {  	_ =	shalt  }
0x44: {  	_ =	shalt  }
0x45: {  	_ =	shalt  }
0x46: {  	_ =	shalt  }
0x47: {  	_ =	shalt  }
0x48: {  	_ =	shalt  }
0x49: {  	_ =	shalt  }
0x4a: {  	_ =	shalt  }
0x4b: {  	_ =	shalt  }
0x4c: {  	_ =	shalt  }
0x4d: {  	_ =	shalt  }
0x4e: {  	_ =	shalt  }
0x4f: {  	_ =	shalt  }
0x50: {  	_ =	shalt  }
0x51: {  	_ =	shalt  }
0x52: {  	_ =	shalt  }
0x53: {  	_ =	shalt  }
0x54: {  	_ =	shalt  }
0x55: {  	_ =	shalt  }
0x56: {  	_ =	shalt  }
0x57: {  	_ =	shalt  }
0x58: {  	_ =	shalt  }
0x59: {  	_ =	shalt  }
0x5a: {  	_ =	shalt  }
0x5b: {  	_ =	shalt  }
0x5c: {  	_ =	shalt  }
0x5d: {  	_ =	shalt  }
0x5e: {  	_ =	shalt  }
0x5f: {  	_ =	shalt  }
0x60: {  	_ =	shalt  }
0x61: {  	_ =	shalt  }
0x62: {  	_ =	shalt  }
0x63: {  	_ =	shalt  }
0x64: {  	_ =	shalt  }
0x65: {  	_ =	shalt  }
0x66: {  	_ =	shalt  }
0x67: {  	_ =	shalt  }
0x68: {  	_ =	shalt  }
0x69: {  	_ =	shalt  }
0x6a: {  	_ =	shalt  }
0x6b: {  	_ =	shalt  }
0x6c: {  	_ =	shalt  }
0x6d: {  	_ =	shalt  }
0x6e: {  	_ =	shalt  }
0x6f: {  	_ =	shalt  }
0x70: {  	_ =	shalt  }
0x71: {  	_ =	shalt  }
0x72: {  	_ =	shalt  }
0x73: {  	_ =	shalt  }
0x74: {  	_ =	shalt  }
0x75: {  	_ =	shalt  }
0x76: {  	_ =	shalt  }
0x77: {  	_ =	shalt  }
0x78: {  	_ =	shalt  }
0x79: {  	_ =	shalt  }
0x7a: {  	_ =	shalt  }
0x7b: {  	_ =	shalt  }
0x7c: {  	_ =	shalt  }
0x7d: {  	_ =	shalt  }
0x7e: {  	_ =	shalt  }
0x7f: {  	_ =	shalt  }
0x80: {  	_ =	shalt  }
0x81: {  	_ =	shalt  }
0x82: {  	_ =	shalt  }
0x83: {  	_ =	shalt  }
0x84: {  	_ =	shalt  }
0x85: {  	_ =	shalt  }
0x86: {  	_ =	shalt  }
0x87: {  	_ =	shalt  }
.Lfunc_end0:
.L_simem_size_0:
called_computation.1_lowered:
.L_overlay_start_0:
0x88: {  	s2 =	sld [smem:$0x3FD9]  }
0x89: {  	s3 =	sld [smem:$0x3FFE];
	_ =	sdelay $0x1  }
0x8a: {  	s1 =	srdreg.scid  }
0x8b: {  	s0 =	sand.u32 $0x1, s1  }
0x8c: {  	s17 =	sshll.u32 s0, $0xA;
	s2 =	sadd.s32 s3, s2  }
0x8d: {  	s2 =	sadd.s32 s2, s17  }
0x8e: {  	[smem:$0x3FC5] =	sst s2  }
0x8f: {  	_ = 	snop  }
0x90: {  	s2 =	sld [smem:$0x3FD0];
	(tm) =	ssettm $0x1  }
0x91: {  	s18 =	sld [smem:$0x3FFB];
	_ =	sdelay $0x3  }
0x92: {  	_ =	strace s18  }
0x93: {  	s3 =	sld [smem:$0x3FFC];
	_ =	sdelay $0x3  }
0x94: {  	_ =	strace s3  }
0x95: {  	s3 =	sld [smem:$0x3FFD];
	_ =	sdelay $0x3  }
0x96: {  	_ =	strace s3  }
0x97: {  	_ =	strace $0x8FFFFFFF  }
0x98: {  	s19 =	sld [smem:$0x3FDB];
	_ =	sdelay $0x1  }
0x99: {  	s4 =	simm.s32 $_scs_section_size  }
0x9a: {  	s5 =	simm.s32 $_size__tile_overlayer_lowered;
	s6 =	simm.s32 $_tile_overlayer_lowered  }
0x9b: {  	s22 =	simm.s32 $0x1BFF;
	s21 =	sshll.u32 s6, $0x1;
	s3 =	sadd.s32 s4, s19  }
0x9c: {  	s7 =	simm.s32 $0x0;
	s20 =	sshll.u32 s5, $0x1;
	s5 =	sadd.s32 s21, s3  }
0x9d: {  	[timem:s7], [sflag:s22] =	dma.local [hbm:s5], s20  }
0x9e: {  	_ =	swait.ge [sflag:s22], s20  }
0x9f: {  	s4 =	ssub.s32 $0x0, s20;
	[sflag:s22] =	ssyncset.done $0x0  }
0xa0: {  	[sflag:s22] =	ssyncadd.s32 s4;
	_ =	sdelay $0x1  }
0xa1: {  	s23 =	simm.s32 $0x1B8B  }
0xa2: {  	_ =	swait.ge [sflag:s23], $0x1  }
0xa3: {  	[sflag:s23] =	ssyncset.done $0x0  }
0xa4: {  	s25 =	simm.s32 $0x1B8E;
	s24 =	sld [smem:$0x3FFE];
	[sflag:s23] =	ssyncadd.s32 $0xFFFFFFFF  }
0xa5: {  	s26 =	simm.s32 $execute0_lowered;
	[smem:$0x3FD2] =	sst s25  }
0xa6: {  	s5 =	sshll.u32 s26, $0x1;
	_ =	strace $0x80000046;
	[dreg:$0x1] =	wrdreg $0xFFFFFFFF  }
0xa7: {  	s28 =	simm.s32 $_size_execute0_lowered;
	s3 =	sadd.s32 s3, s5;
	[dreg:$0x0] =	wrdreg $0x0  }
0xa8: {  	s5 =	sshll.u32 s28, $0x1;
	[dreg:$0x2] =	wrdreg s3  }
0xa9: {  	[dreg:$0x3] =	wrdreg s5  }
0xaa: {  	[dreg:$0x4] =	wrdreg $0xC0  }
0xab: {  	_ =	task [dreg:s7], $0x5FFFF  }
0xac: {  	[dreg:$0x1] =	wrdreg $0xFFFFFFFF  }
0xad: {  	[dreg:$0x0] =	wrdreg $0x60  }
0xae: {  	[dreg:$0x2] =	wrdreg s2  }
0xaf: {  	[dreg:$0x3] =	wrdreg s24  }
0xb0: {  	[dreg:$0x4] =	wrdreg $0x34000  }
0xb1: {  	[dreg:$0x5] =	wrdreg $0x74000  }
0xb2: {  	[dreg:$0x6] =	wrdreg $0xB4000  }
0xb3: {  	[dreg:$0x7] =	wrdreg $0xF4000  }
0xb4: {  	[dreg:$0x8] =	wrdreg $0x9  }
0xb5: {  	_ =	task.clear_ibuf [dreg:s7], $0x9FFFF;
	_ =	strace $0x90000046  }
0xb6: {  	s29 =	simm.s32 $0x9;
	_ =	strace $0x80000048  }
0xb7: {  	_ =	swait.ge [sflag:s29], $0x1  }
0xb8: {  	[sflag:s29] =	ssyncadd.s32 $0xFFFFFFFF  }
0xb9: {  	_ =	strace $0x90000048  }
0xba: {  	_ =	sfence  }
0xbb: {  	s30 =	sld [smem:$0x0];
	_ =	sdelay $0x2  }
0xbc: {  	s31 =	sshll.u32 s1, $0xD;
	s1 =	sshrl.u32 s1, $0x2  }
0xbd: {  	s3 =	sand.u32 $0x4000, s31;
	s1 =	sadd.s32 s1, s30  }
0xbe: {  	s0 =	sor.u32 s3, s0;
	s1 =	sshll.u32 s1, $0x11  }
0xbf: {  	s0 =	sor.u32 s1, s0  }
0xc0: {  	s0 =	sadd.s32 $0x8F2B, s0  }
0xc1: {  	[sflag:s0] =	ssyncadd.remote.s32 $0x1  }
0xc2: {  	_ =	sfence.sel $0xFFFF  }
0xc3: {  	[dreg:$0x0] =	wrdreg $0xFFFFFFFF;
	(pc) =	sbr.abs _section_cstart, $3  }
0xc4: {  	[dreg:$0x1] =	wrdreg $0xFFFFFFFF  }
0xc5: {  	_ =	task.clear_ibuf [dreg:s7], $0x2FFFF;
	_ =	strace $0x9FFFFFFF  }
0xc6: {  	(tm) =	ssettm $0x7FFFFFFF  }
0xc7: {  	_ =	shalt  }
tec
execute0_lowered:
.L_overlay_start_1:
0x0: {  	(tag) =	ssettag $0x1  }
0x1: {  	s0 =	rddreg [dreg:$0x1]  }
0x2: {  	s2 =	rddreg [dreg:$0x2]  }
0x3: {  	s5 =	rddreg [dreg:$0x3]  }
0x4: {  	s29 =	rddreg [dreg:$0x4]  }
0x5: {  	s31 =	rddreg [dreg:$0x5];
	s1 =	simm.s32 $0x0;
	s12 =	srdreg.scid  }
0x6: {  	s10 =	stileid.u32;
	[smem:$0x7FF] =	sst s1  }
0x7: {  	s8 =	sadd.s32 $0x1000, s0;
	s9 =	sadd.s32 $0x41000, s0;
	s1 =	sand.u32 $0x1, s12  }
0x8: {  	s0 =	sadd.s32 $0x81000, s0;
	s6 =	sshll.u32 s10, $0x10;
	s12 =	sshll.u32 s10, $0xE  }
0x9: {  	s10 =	sshll.u32 s10, $0x11;
	_ =	strace $0x80000047;
	[dreg:$0xa] =	wrdreg s0  }
0xa: {  	[smem:$0x7EB] =	sst s10  }
0xb: {  	s13 =	ssub.s32 $0x2, s1;
	[dreg:$0xd] =	wrdreg s12  }
0xc: {  	s7 =	sshll.u32 s1, $0x14;
	s1 =	smul.u32 $0x1800000, s1;
	[smem:$0x7FD] =	sst s9  }
0xd: {  	s25 =	sor.u32 $0x1000, s12;
	[dreg:$0xb] =	wrdreg s7  }
0xe: {  	s30 =	sadd.s32 s25, s2;
	[dreg:$0x16] =	wrdreg s1  }
0xf: {  	s14 =	sshrl.u32 s6, $0x2;
	s4 =	sadd.s32 s25, s29;
	[dreg:$0x18] =	wrdreg s30  }
0x10: {  	s6 =	sor.u32 s6, s7;
	s11 =	sadd.s32 s14, s2;
	[dreg:$0x1a] =	wrdreg s4  }
0x11: {  	s14 =	sor.u32 $0x2000, s12;
	s22 =	sor.u32 $0x2000, s6;
	[dreg:$0xc] =	wrdreg s11  }
0x12: {  	s15 =	sshrl.u32 s6, $0x3;
	s1 =	sadd.s32 s14, s31;
	[dreg:$0x7] =	wrdreg s22  }
0x13: {  	s3 =	sshrl.u32 s13, $0x1;
	s16 =	sadd.s32 s8, s15;
	[smem:$0x7DE] =	sst s1  }
0x14: {  	s0 =	ssub.s32 s13, s3;
	s17 =	sadd.s32 s9, s15;
	[dreg:$0xe] =	wrdreg s16  }
0x15: {  	s18 =	sor.u32 $0x10, s15;
	s0 =	smax.u32 s0, $0x1;
	[dreg:$0xf] =	wrdreg s17  }
0x16: {  	s13 =	sadd.s32 s8, s18;
	[dreg:$0x17] =	wrdreg s0  }
0x17: {  	s19 =	sor.u32 $0x20, s15;
	s7 =	sadd.s32 s9, s18;
	[dreg:$0x10] =	wrdreg s13  }
0x18: {  	s3 =	sor.u32 $0x30, s15;
	s20 =	sadd.s32 s8, s19;
	[dreg:$0x11] =	wrdreg s7  }
0x19: {  	s6 =	sor.u32 $0x1000, s6;
	s21 =	sadd.s32 s8, s3;
	[dreg:$0x12] =	wrdreg s20  }
0x1a: {  	s23 =	sshrl.u32 s6, $0x3;
	s3 =	sadd.s32 s9, s3;
	[dreg:$0x14] =	wrdreg s21  }
0x1b: {  	s24 =	sadd.s32 s23, s8;
	[dreg:$0x15] =	wrdreg s3  }
0x1c: {  	s26 =	sadd.s32 s23, s9;
	[dreg:$0x8] =	wrdreg s24  }
0x1d: {  	s6 =	sor.u32 $0x1800, s12;
	s0 =	sadd.s32 s25, s31;
	[dreg:$0x9] =	wrdreg s26  }
0x1e: {  	s15 =	sadd.s32 s6, s29;
	[dreg:$0x1b] =	wrdreg s0  }
0x1f: {  	s16 =	sadd.s32 s14, s2;
	[dreg:$0x1e] =	wrdreg s15  }
0x20: {  	s17 =	sadd.s32 s14, s5;
	[smem:$0x7DB] =	sst s16  }
0x21: {  	s18 =	sadd.s32 s14, s29;
	[smem:$0x7DC] =	sst s17  }
0x22: {  	s14 =	sor.u32 $0x800, s12;
	[smem:$0x7DD] =	sst s18  }
0x23: {  	s7 =	sadd.s32 s9, s19;
	[smem:$0x7FA] =	sst s14  }
0x24: {  	s3 =	sadd.s32 s25, s5;
	[dreg:$0x13] =	wrdreg s7  }
0x25: {  	s13 =	sadd.s32 s6, s5;
	[dreg:$0x19] =	wrdreg s3  }
0x26: {  	s23 =	sor.u32 $0x3000, s12;
	s0 =	sadd.s32 s6, s31;
	[dreg:$0x1d] =	wrdreg s13  }
0x27: {  	s24 =	sadd.s32 s23, s2;
	[dreg:$0x1f] =	wrdreg s0  }
0x28: {  	s25 =	sadd.s32 s23, s5;
	[smem:$0x7E3] =	sst s24  }
0x29: {  	s30 =	sadd.s32 s23, s29;
	[smem:$0x7E4] =	sst s25  }
0x2a: {  	s15 =	sadd.s32 $0x800, s11;
	[smem:$0x7E5] =	sst s30  }
0x2b: {  	s16 =	sadd.s32 $0x1000, s11;
	[smem:$0x7ED] =	sst s15  }
0x2c: {  	s17 =	sadd.s32 $0x1800, s11;
	[smem:$0x7EE] =	sst s16  }
0x2d: {  	s18 =	sadd.s32 $0x2000, s11;
	[smem:$0x7EF] =	sst s17  }
0x2e: {  	s19 =	sor.u32 $0x2800, s12;
	s7 =	sadd.s32 s6, s2;
	[smem:$0x7F0] =	sst s18  }
0x2f: {  	s20 =	sadd.s32 s19, s2;
	[dreg:$0x1c] =	wrdreg s7  }
0x30: {  	s21 =	sadd.s32 s19, s5;
	[smem:$0x7DF] =	sst s20  }
0x31: {  	s22 =	sadd.s32 s19, s29;
	[smem:$0x7E0] =	sst s21  }
0x32: {  	s26 =	sor.u32 $0x3800, s12;
	s0 =	sadd.s32 s19, s31;
	[smem:$0x7E1] =	sst s22  }
0x33: {  	s3 =	sadd.s32 s26, s2;
	[smem:$0x7E2] =	sst s0  }
0x34: {  	s4 =	sadd.s32 s26, s5;
	[smem:$0x7E7] =	sst s3  }
0x35: {  	s6 =	sadd.s32 s26, s29;
	[smem:$0x7E8] =	sst s4  }
0x36: {  	s13 =	sor.u32 $0x400, s12;
	[smem:$0x7E9] =	sst s6  }
0x37: {  	s28 =	simm.s32 $0x400;
	s19 =	sadd.s32 $0x2800, s11;
	[smem:$0x7EC] =	sst s13  }
0x38: {  	s1 =	simm.s32 $0x0;
	s24 =	sadd.s32 s12, s31;
	[smem:$0x7F1] =	sst s19  }
0x39: {  	s25 =	sadd.s32 s14, s2;
	s30 =	sadd.s32 s14, s29;
	[smem:$0x7F6] =	sst s24  }
0x3a: {  	s18 =	simm.s32 $0x1DC00;
	s16 =	simm.s32 $0x1400;
	[smem:$0x7F7] =	sst s25  }
0x3b: {  	s15 =	simm.s32 $0x1E800;
	s0 =	sadd.s32 s23, s31;
	[smem:$0x7F9] =	sst s30  }
0x3c: {  	s7 =	sadd.s32 s26, s31;
	s20 =	sadd.s32 $0x3000, s11;
	[smem:$0x7E6] =	sst s0  }
0x3d: {  	s21 =	sadd.s32 $0x3800, s11;
	s22 =	sadd.s32 s12, s5;
	[smem:$0x7EA] =	sst s7  }
0x3e: {  	s23 =	sadd.s32 s12, s29;
	s26 =	sadd.s32 s14, s5;
	[smem:$0x7F2] =	sst s20  }
0x3f: {  	s31 =	sadd.s32 s14, s31;
	s3 =	simm.s32 $0x1D400;
	[smem:$0x7F3] =	sst s21  }
0x40: {  	s14 =	simm.s32 $0xC00;
	s6 =	simm.s32 $0x1E400;
	[smem:$0x7F4] =	sst s22  }
0x41: {  	s4 =	simm.s32 $0x1C00;
	s11 =	simm.s32 $0x1EC00;
	[smem:$0x7F5] =	sst s23  }
0x42: {  	s13 =	simm.s32 $0x1;
	s24 =	simm.s32 $0x4;
	[smem:$0x7F8] =	sst s26  }
0x43: {  	s25 =	simm.s32 $0x2;
	s7 =	sadd.s32 s12, s2;
	[smem:$0x7FB] =	sst s31  }
0x44: {  	s12 =	simm.s32 $0x5;
	s22 =	simm.s32 $0x80;
	s26 =	simm.s32 $0x200  }
0x45: {  	v0 =	vimm.f32 $0.0e+00;
	s20 =	simm.s32 $0x1800;
	s23 =	simm.s32 $0x1F000;
	[smem:$0x7FC] =	sst s7  }
.LBB2_1:
0x46: {  	[smem:$0x7DA] =	sst s1;
	s0 =	simm.s32 $0x40;
	s1 =	simm.s32 $0x0  }
.LBB2_2:
0x47: {  	p0 =	sne.s32 s0, $0x1FC0;
	[tilespmem:s1+$0x1F400] =	vst v0;
	s1 =	smov.u32 s0;
	s0 =	sadd.s32 $0x40, s0  }
.Ltmp0:
0x48: {  	(pc) =	sbr.rel @p0 .LBB2_2-.Ltmp0, $2  }
0x49: {  	_ =	sdelay $0x2  }
0x4a: {  	s1 =	sshra.s32 s1, $0x2  }
0x4b: {  	s0 =	rddreg [dreg:$0xc]  }
0x4c: {  	[tilespmem:s1+$0x1F400] =	vst v0;
	s1 =	simm.s32 $0x1F400;
	s31 =	sld [smem:$0x7ED]  }
0x4d: {  	[spmem:s0] =	stream.linear.scatter [tilespmem:s1], [sflag:$0x5], $0x800, $0x38;
	[tilespmem:$0x1FC00] =	vst v63  }
0x4e: {  	s7 =	sld [smem:$0x7EE]  }
0x4f: {  	[spmem:s31] =	stream.linear.scatter [tilespmem:s1], [sflag:$0x5], $0x800, $0x38;
	[tilespmem:$0x1FC00] =	vst v63  }
0x50: {  	s10 =	sld [smem:$0x7EF]  }
0x51: {  	[spmem:s7] =	stream.linear.scatter [tilespmem:s1], [sflag:$0x5], $0x800, $0x38;
	[tilespmem:$0x1FC00] =	vst v63  }
0x52: {  	s17 =	sld [smem:$0x7F0]  }
0x53: {  	[spmem:s10] =	stream.linear.scatter [tilespmem:s1], [sflag:$0x5], $0x800, $0x38;
	[tilespmem:$0x1FC00] =	vst v63  }
0x54: {  	s19 =	sld [smem:$0x7F1]  }
0x55: {  	[spmem:s17] =	stream.linear.scatter [tilespmem:s1], [sflag:$0x5], $0x800, $0x38;
	[tilespmem:$0x1FC00] =	vst v63  }
0x56: {  	s21 =	sld [smem:$0x7F2]  }
0x57: {  	[spmem:s19] =	stream.linear.scatter [tilespmem:s1], [sflag:$0x5], $0x800, $0x38;
	[tilespmem:$0x1FC00] =	vst v63  }
0x58: {  	s29 =	sld [smem:$0x7F3]  }
0x59: {  	[spmem:s21] =	stream.linear.scatter [tilespmem:s1], [sflag:$0x5], $0x800, $0x38;
	[tilespmem:$0x1FC00] =	vst v63  }
0x5a: {  	_ = 	snop  }
0x5b: {  	[spmem:s29] =	stream.linear.scatter [tilespmem:s1], [sflag:$0x5], $0x800, $0x38;
	[tilespmem:$0x1FC00] =	vst v63  }
0x5c: {  	_ =	swait.ge [sflag:s12], $0x800  }
0x5d: {  	[sflag:s12] =	ssyncset.done $0x0  }
0x5e: {  	[sflag:s12] =	ssyncadd.s32 $0xFFFFF800  }
0x5f: {  	_ =	swait.ge [sflag:s12], $0x800  }
0x60: {  	[sflag:s12] =	ssyncset.done $0x0  }
0x61: {  	[sflag:s12] =	ssyncadd.s32 $0xFFFFF800  }
0x62: {  	_ =	swait.ge [sflag:s12], $0x800  }
0x63: {  	[sflag:s12] =	ssyncset.done $0x0  }
0x64: {  	[sflag:s12] =	ssyncadd.s32 $0xFFFFF800  }
0x65: {  	_ =	swait.ge [sflag:s12], $0x800  }
0x66: {  	[sflag:s12] =	ssyncset.done $0x0  }
0x67: {  	[sflag:s12] =	ssyncadd.s32 $0xFFFFF800  }
0x68: {  	_ =	swait.ge [sflag:s12], $0x800  }
0x69: {  	[sflag:s12] =	ssyncset.done $0x0  }
0x6a: {  	[sflag:s12] =	ssyncadd.s32 $0xFFFFF800  }
0x6b: {  	_ =	swait.ge [sflag:s12], $0x800  }
0x6c: {  	[sflag:s12] =	ssyncset.done $0x0  }
0x6d: {  	[sflag:s12] =	ssyncadd.s32 $0xFFFFF800  }
0x6e: {  	_ =	swait.ge [sflag:s12], $0x800  }
0x6f: {  	[sflag:s12] =	ssyncset.done $0x0  }
0x70: {  	[sflag:s12] =	ssyncadd.s32 $0xFFFFF800  }
0x71: {  	_ =	swait.ge [sflag:s12], $0x800  }
0x72: {  	[sflag:s12] =	ssyncset.done $0x0  }
0x73: {  	[sflag:s12] =	ssyncadd.s32 $0xFFFFF800  }
0x74: {  	[bflag:$0x0] =	sbarrier.arrive $0xFFFF  }
0x75: {  	s31 =	rddreg [dreg:$0xe]  }
0x76: {  	s1 =	rddreg [dreg:$0xf]  }
0x77: {  	[tilespmem:s28], [sflag:$0x1] =	stream.strided.gather [hbm4b:s31+s22], $0x400, s26, s22, $0x38;
	[tilespmem:$0x1FC00] =	vst v63  }
0x78: {  	s7 =	rddreg [dreg:$0x10]  }
0x79: {  	[tilespmem:s3], [sflag:$0x1] =	stream.strided.gather [hbm4b:s1+s22], $0x400, s26, s22, $0x38;
	[tilespmem:$0x1FC00] =	vst v63  }
0x7a: {  	s10 =	rddreg [dreg:$0x11]  }
0x7b: {  	[tilespmem:s14], [sflag:$0x1] =	stream.strided.gather [hbm4b:s7+s22], $0x400, s26, s22, $0x38;
	[tilespmem:$0x1FC00] =	vst v63  }
0x7c: {  	s12 =	rddreg [dreg:$0x12]  }
0x7d: {  	[tilespmem:s18], [sflag:$0x1] =	stream.strided.gather [hbm4b:s10+s22], $0x400, s26, s22, $0x38;
	[tilespmem:$0x1FC00] =	vst v63  }
0x7e: {  	s17 =	rddreg [dreg:$0x13]  }
0x7f: {  	[tilespmem:s16], [sflag:$0x1] =	stream.strided.gather [hbm4b:s12+s22], $0x400, s26, s22, $0x38;
	[tilespmem:$0x1FC00] =	vst v63  }
0x80: {  	s19 =	rddreg [dreg:$0x8]  }
0x81: {  	[tilespmem:s6], [sflag:$0x1] =	stream.strided.gather [hbm4b:s17+s22], $0x400, s26, s22, $0x38;
	[tilespmem:$0x1FC00] =	vst v63  }
0x82: {  	s18 =	rddreg [dreg:$0x14]  }
0x83: {  	[tilespmem:s4], [sflag:$0x1] =	stream.strided.gather [hbm4b:s18+s22], $0x400, s26, s22, $0x38;
	[tilespmem:$0x1FC00] =	vst v63  }
0x84: {  	s21 =	rddreg [dreg:$0x15]  }
0x85: {  	[tilespmem:s11], [sflag:$0x1] =	stream.strided.gather [hbm4b:s21+s22], $0x400, s26, s22, $0x38;
	[tilespmem:$0x1FC00] =	vst v63  }
0x86: {  	s29 =	rddreg [dreg:$0x9];
	s0 =	sadd.s32 $0x0, s19;
	s12 =	simm.s32 $0x800  }
0x87: {  	[tilespmem:s12], [sflag:$0x2] =	stream.strided.gather [hbm4b:s0+s22], $0x400, s26, s22, $0x38;
	[tilespmem:$0x1FC00] =	vst v63  }
0x88: {  	s19 =	simm.s32 $0x1D800;
	s1 =	sadd.s32 $0x0, s29  }
0x89: {  	[tilespmem:s19], [sflag:$0x2] =	stream.strided.gather [hbm4b:s1+s22], $0x400, s26, s22, $0x38;
	[tilespmem:$0x1FC00] =	vst v63  }
0x8a: {  	s31 =	sadd.s32 $0x10, s0;
	s29 =	simm.s32 $0x1000  }
0x8b: {  	[tilespmem:s29], [sflag:$0x2] =	stream.strided.gather [hbm4b:s31+s22], $0x400, s26, s22, $0x38;
	[tilespmem:$0x1FC00] =	vst v63  }
0x8c: {  	s7 =	sadd.s32 $0x10, s1;
	s31 =	simm.s32 $0x1E000  }
0x8d: {  	[tilespmem:s31], [sflag:$0x2] =	stream.strided.gather [hbm4b:s7+s22], $0x400, s26, s22, $0x38;
	[tilespmem:$0x1FC00] =	vst v63  }
0x8e: {  	s18 =	sadd.s32 $0x20, s0  }
0x8f: {  	[tilespmem:s20], [sflag:$0x2] =	stream.strided.gather [hbm4b:s18+s22], $0x400, s26, s22, $0x38;
	[tilespmem:$0x1FC00] =	vst v63  }
0x90: {  	s21 =	sadd.s32 $0x20, s1  }
0x91: {  	[tilespmem:s15], [sflag:$0x2] =	stream.strided.gather [hbm4b:s21+s22], $0x400, s26, s22, $0x38;
	[tilespmem:$0x1FC00] =	vst v63  }
0x92: {  	s0 =	sadd.s32 $0x30, s0;
	s18 =	simm.s32 $0x2000  }
0x93: {  	[tilespmem:s18], [sflag:$0x2] =	stream.strided.gather [hbm4b:s0+s22], $0x400, s26, s22, $0x38;
	[tilespmem:$0x1FC00] =	vst v63  }
0x94: {  	s1 =	sadd.s32 $0x30, s1  }
0x95: {  	[tilespmem:s23], [sflag:$0x2] =	stream.strided.gather [hbm4b:s1+s22], $0x400, s26, s22, $0x38;
	[tilespmem:$0x1FC00] =	vst v63  }
0x96: {  	_ =	swait.ge [sflag:s13], $0x400  }
0x97: {  	[sflag:s13] =	ssyncset.done $0x0  }
0x98: {  	[sflag:s13] =	ssyncadd.s32 $0xFFFFFC00  }
0x99: {  	_ =	swait.ge [sflag:s13], $0x400  }
0x9a: {  	[sflag:s13] =	ssyncset.done $0x0  }
0x9b: {  	[sflag:s13] =	ssyncadd.s32 $0xFFFFFC00  }
0x9c: {  	_ =	swait.ge [sflag:s13], $0x400  }
0x9d: {  	[sflag:s13] =	ssyncset.done $0x0  }
0x9e: {  	[sflag:s13] =	ssyncadd.s32 $0xFFFFFC00  }
0x9f: {  	_ =	swait.ge [sflag:s13], $0x400  }
0xa0: {  	[sflag:s13] =	ssyncset.done $0x0  }
0xa1: {  	[sflag:s13] =	ssyncadd.s32 $0xFFFFFC00  }
0xa2: {  	_ =	swait.ge [sflag:s13], $0x400  }
0xa3: {  	[sflag:s13] =	ssyncset.done $0x0  }
0xa4: {  	[sflag:s13] =	ssyncadd.s32 $0xFFFFFC00  }
0xa5: {  	_ =	swait.ge [sflag:s13], $0x400  }
0xa6: {  	[sflag:s13] =	ssyncset.done $0x0  }
0xa7: {  	[sflag:s13] =	ssyncadd.s32 $0xFFFFFC00  }
0xa8: {  	_ =	swait.ge [sflag:s13], $0x400  }
0xa9: {  	[sflag:s13] =	ssyncset.done $0x0  }
0xaa: {  	[sflag:s13] =	ssyncadd.s32 $0xFFFFFC00  }
0xab: {  	_ =	swait.ge [sflag:s13], $0x400  }
0xac: {  	[sflag:s13] =	ssyncset.done $0x0  }
0xad: {  	s10 =	simm.s32 $0x1D400;
	[sflag:s13] =	ssyncadd.s32 $0xFFFFFC00  }
0xae: {  	[spmem:s2] =	stream.indirect.scatter.add.f32 [tilespmem:s10], [sflag:$0x4], $0x1, s28, s28, $0xb8;
	[tilespmem:$0x1FC00] =	vst v63  }
0xaf: {  	s17 =	simm.s32 $0x1DC00  }
0xb0: {  	[spmem:s2] =	stream.indirect.scatter.add.f32 [tilespmem:s17], [sflag:$0x4], $0x1, s14, s28, $0xb8;
	[tilespmem:$0x1FC00] =	vst v63  }
0xb1: {  	_ = 	snop  }
0xb2: {  	[spmem:s2] =	stream.indirect.scatter.add.f32 [tilespmem:s6], [sflag:$0x4], $0x1, s16, s28, $0xb8;
	[tilespmem:$0x1FC00] =	vst v63  }
0xb3: {  	s4 =	simm.s32 $0x1C00  }
0xb4: {  	[spmem:s2] =	stream.indirect.scatter.add.f32 [tilespmem:s11], [sflag:$0x4], $0x1, s4, s28, $0xb8;
	[tilespmem:$0x1FC00] =	vst v63  }
0xb5: {  	_ =	swait.ge [sflag:s24], $0x400  }
0xb6: {  	[sflag:s24] =	ssyncset.done $0x0  }
0xb7: {  	[sflag:s24] =	ssyncadd.s32 $0xFFFFFC00  }
0xb8: {  	_ =	swait.ge [sflag:s24], $0x400  }
0xb9: {  	[sflag:s24] =	ssyncset.done $0x0  }
0xba: {  	[sflag:s24] =	ssyncadd.s32 $0xFFFFFC00  }
0xbb: {  	_ =	swait.ge [sflag:s24], $0x400  }
0xbc: {  	[sflag:s24] =	ssyncset.done $0x0  }
0xbd: {  	s7 =	simm.s32 $0x0;
	[sflag:s24] =	ssyncadd.s32 $0xFFFFFC00  }
0xbe: {  	s21 =	smin.u32 s7, $0xD;
	_ =	swait.ge [sflag:s24], $0x400  }
0xbf: {  	s1 =	sshll.u32 s21, $0xC;
	s3 =	rddreg [dreg:$0x7]  }
0xc0: {  	s0 =	sadd.s32 s1, s3  }
0xc1: {  	[sflag:s24] =	ssyncset.done $0x0;
	s0 =	sshrl.u32 s0, $0x3  }
0xc2: {  	[sflag:s24] =	ssyncadd.s32 $0xFFFFFC00;
	s3 =	sadd.s32 s8, s0  }
0xc3: {  	[tilespmem:s28], [sflag:$0x1] =	stream.strided.gather [hbm4b:s3+s22], $0x400, s26, s22, $0x38;
	[tilespmem:$0x1FC00] =	vst v63  }
0xc4: {  	s1 =	sor.u32 $0x10, s0;
	s21 =	sadd.s32 s9, s0  }
0xc5: {  	[tilespmem:s10], [sflag:$0x1] =	stream.strided.gather [hbm4b:s21+s22], $0x400, s26, s22, $0x38;
	[tilespmem:$0x1FC00] =	vst v63  }
0xc6: {  	s21 =	sadd.s32 s8, s1  }
0xc7: {  	[tilespmem:s14], [sflag:$0x1] =	stream.strided.gather [hbm4b:s21+s22], $0x400, s26, s22, $0x38;
	[tilespmem:$0x1FC00] =	vst v63  }
0xc8: {  	s10 =	sor.u32 $0x20, s0;
	s1 =	sadd.s32 s9, s1  }
0xc9: {  	[tilespmem:s17], [sflag:$0x1] =	stream.strided.gather [hbm4b:s1+s22], $0x400, s26, s22, $0x38;
	[tilespmem:$0x1FC00] =	vst v63  }
0xca: {  	s14 =	sadd.s32 s8, s10  }
0xcb: {  	[tilespmem:s16], [sflag:$0x1] =	stream.strided.gather [hbm4b:s14+s22], $0x400, s26, s22, $0x38;
	[tilespmem:$0x1FC00] =	vst v63  }
0xcc: {  	s0 =	sor.u32 $0x30, s0;
	s17 =	sadd.s32 s9, s10  }
0xcd: {  	[tilespmem:s6], [sflag:$0x1] =	stream.strided.gather [hbm4b:s17+s22], $0x400, s26, s22, $0x38;
	[tilespmem:$0x1FC00] =	vst v63  }
0xce: {  	s21 =	sadd.s32 s8, s0  }
0xcf: {  	[tilespmem:s4], [sflag:$0x1] =	stream.strided.gather [hbm4b:s21+s22], $0x400, s26, s22, $0x38;
	[tilespmem:$0x1FC00] =	vst v63  }
0xd0: {  	s0 =	sadd.s32 s9, s0  }
0xd1: {  	[tilespmem:s11], [sflag:$0x1] =	stream.strided.gather [hbm4b:s0+s22], $0x400, s26, s22, $0x38;
	[tilespmem:$0x1FC00] =	vst v63  }
0xd2: {  	_ =	swait.ge [sflag:s25], $0x400  }
0xd3: {  	[sflag:s25] =	ssyncset.done $0x0  }
0xd4: {  	[sflag:s25] =	ssyncadd.s32 $0xFFFFFC00  }
0xd5: {  	_ =	swait.ge [sflag:s25], $0x400  }
0xd6: {  	[sflag:s25] =	ssyncset.done $0x0  }
0xd7: {  	[sflag:s25] =	ssyncadd.s32 $0xFFFFFC00  }
0xd8: {  	_ =	swait.ge [sflag:s25], $0x400  }
0xd9: {  	[sflag:s25] =	ssyncset.done $0x0  }
0xda: {  	[sflag:s25] =	ssyncadd.s32 $0xFFFFFC00  }
0xdb: {  	_ =	swait.ge [sflag:s25], $0x400  }
0xdc: {  	[sflag:s25] =	ssyncset.done $0x0  }
0xdd: {  	[sflag:s25] =	ssyncadd.s32 $0xFFFFFC00  }
0xde: {  	_ =	swait.ge [sflag:s25], $0x400  }
0xdf: {  	[sflag:s25] =	ssyncset.done $0x0  }
0xe0: {  	[sflag:s25] =	ssyncadd.s32 $0xFFFFFC00  }
0xe1: {  	_ =	swait.ge [sflag:s25], $0x400  }
0xe2: {  	[sflag:s25] =	ssyncset.done $0x0  }
0xe3: {  	[sflag:s25] =	ssyncadd.s32 $0xFFFFFC00  }
0xe4: {  	_ =	swait.ge [sflag:s25], $0x400  }
0xe5: {  	[sflag:s25] =	ssyncset.done $0x0  }
0xe6: {  	[sflag:s25] =	ssyncadd.s32 $0xFFFFFC00  }
0xe7: {  	_ =	swait.ge [sflag:s25], $0x400  }
0xe8: {  	[sflag:s25] =	ssyncset.done $0x0  }
0xe9: {  	[sflag:s25] =	ssyncadd.s32 $0xFFFFFC00  }
0xea: {  	[spmem:s2] =	stream.indirect.scatter.add.f32 [tilespmem:s19], [sflag:$0x4], $0x1, s12, s28, $0xb8;
	[tilespmem:$0x1FC00] =	vst v63  }
0xeb: {  	_ = 	snop  }
0xec: {  	[spmem:s2] =	stream.indirect.scatter.add.f32 [tilespmem:s31], [sflag:$0x4], $0x1, s29, s28, $0xb8;
	[tilespmem:$0x1FC00] =	vst v63  }
0xed: {  	_ = 	snop  }
0xee: {  	[spmem:s2] =	stream.indirect.scatter.add.f32 [tilespmem:s15], [sflag:$0x4], $0x1, s20, s28, $0xb8;
	[tilespmem:$0x1FC00] =	vst v63  }
0xef: {  	_ = 	snop  }
0xf0: {  	[spmem:s2] =	stream.indirect.scatter.add.f32 [tilespmem:s23], [sflag:$0x4], $0x1, s18, s28, $0xb8;
	[tilespmem:$0x1FC00] =	vst v63  }
0xf1: {  	_ =	swait.ge [sflag:s24], $0x400  }
0xf2: {  	[sflag:s24] =	ssyncset.done $0x0  }
0xf3: {  	[sflag:s24] =	ssyncadd.s32 $0xFFFFFC00  }
0xf4: {  	_ =	swait.ge [sflag:s24], $0x400  }
0xf5: {  	[sflag:s24] =	ssyncset.done $0x0  }
0xf6: {  	[sflag:s24] =	ssyncadd.s32 $0xFFFFFC00  }
0xf7: {  	_ =	swait.ge [sflag:s24], $0x400  }
0xf8: {  	[sflag:s24] =	ssyncset.done $0x0  }
0xf9: {  	[sflag:s24] =	ssyncadd.s32 $0xFFFFFC00  }
0xfa: {  	s30 =	smov.u32 s8;
	s11 =	simm.s32 $0x400;
	_ =	swait.ge [sflag:s24], $0x400  }
0xfb: {  	s15 =	simm.s32 $0x800;
	s0 =	rddreg [dreg:$0x8];
	[sflag:s24] =	ssyncset.done $0x0  }
.LBB2_4:
0xfc: {  	[sflag:s24] =	ssyncadd.s32 $0xFFFFFC00  }
0xfd: {  	s1 =	rddreg [dreg:$0x9];
	s0 =	sadd.s32 s11, s0;
	s18 =	simm.s32 $0x800  }
0xfe: {  	[tilespmem:s18], [sflag:$0x2] =	stream.strided.gather [hbm4b:s0+s22], $0x400, s26, s22, $0x38;
	[tilespmem:$0x1FC00] =	vst v63  }
0xff: {  	s17 =	simm.s32 $0x1D800;
	s1 =	sadd.s32 s11, s1  }
0x100: {  	[tilespmem:s17], [sflag:$0x2] =	stream.strided.gather [hbm4b:s1+s22], $0x400, s26, s22, $0x38;
	[tilespmem:$0x1FC00] =	vst v63  }
0x101: {  	s31 =	simm.s32 $0x1000;
	s19 =	sadd.s32 $0x10, s0  }
0x102: {  	[tilespmem:s31], [sflag:$0x2] =	stream.strided.gather [hbm4b:s19+s22], $0x400, s26, s22, $0x38;
	[tilespmem:$0x1FC00] =	vst v63  }
0x103: {  	s29 =	simm.s32 $0x1E000;
	s20 =	sadd.s32 $0x10, s1  }
0x104: {  	[tilespmem:s29], [sflag:$0x2] =	stream.strided.gather [hbm4b:s20+s22], $0x400, s26, s22, $0x38;
	[tilespmem:$0x1FC00] =	vst v63  }
0x105: {  	s12 =	simm.s32 $0x1800;
	s21 =	sadd.s32 $0x20, s0  }
0x106: {  	[tilespmem:s12], [sflag:$0x2] =	stream.strided.gather [hbm4b:s21+s22], $0x400, s26, s22, $0x38;
	[tilespmem:$0x1FC00] =	vst v63  }
0x107: {  	s14 =	simm.s32 $0x1E800;
	s23 =	sadd.s32 $0x20, s1  }
0x108: {  	[tilespmem:s14], [sflag:$0x2] =	stream.strided.gather [hbm4b:s23+s22], $0x400, s26, s22, $0x38;
	[tilespmem:$0x1FC00] =	vst v63  }
0x109: {  	s0 =	sadd.s32 $0x30, s0;
	s23 =	simm.s32 $0x2000  }
0x10a: {  	[tilespmem:s23], [sflag:$0x2] =	stream.strided.gather [hbm4b:s0+s22], $0x400, s26, s22, $0x38;
	[tilespmem:$0x1FC00] =	vst v63  }
0x10b: {  	s16 =	simm.s32 $0x1F000;
	s4 =	sadd.s32 $0x30, s1  }
0x10c: {  	[tilespmem:s16], [sflag:$0x2] =	stream.strided.gather [hbm4b:s4+s22], $0x400, s26, s22, $0x38;
	[tilespmem:$0x1FC00] =	vst v63  }
0x10d: {  	_ =	swait.ge [sflag:s13], $0x400  }
0x10e: {  	[sflag:s13] =	ssyncset.done $0x0  }
0x10f: {  	[sflag:s13] =	ssyncadd.s32 $0xFFFFFC00  }
0x110: {  	_ =	swait.ge [sflag:s13], $0x400  }
0x111: {  	[sflag:s13] =	ssyncset.done $0x0  }
0x112: {  	[sflag:s13] =	ssyncadd.s32 $0xFFFFFC00  }
0x113: {  	_ =	swait.ge [sflag:s13], $0x400  }
0x114: {  	[sflag:s13] =	ssyncset.done $0x0  }
0x115: {  	[sflag:s13] =	ssyncadd.s32 $0xFFFFFC00  }
0x116: {  	_ =	swait.ge [sflag:s13], $0x400  }
0x117: {  	[sflag:s13] =	ssyncset.done $0x0  }
0x118: {  	[sflag:s13] =	ssyncadd.s32 $0xFFFFFC00  }
0x119: {  	_ =	swait.ge [sflag:s13], $0x400  }
0x11a: {  	[sflag:s13] =	ssyncset.done $0x0  }
0x11b: {  	[sflag:s13] =	ssyncadd.s32 $0xFFFFFC00  }
0x11c: {  	_ =	swait.ge [sflag:s13], $0x400  }
0x11d: {  	[sflag:s13] =	ssyncset.done $0x0  }
0x11e: {  	[sflag:s13] =	ssyncadd.s32 $0xFFFFFC00  }
0x11f: {  	_ =	swait.ge [sflag:s13], $0x400  }
0x120: {  	[sflag:s13] =	ssyncset.done $0x0  }
0x121: {  	[sflag:s13] =	ssyncadd.s32 $0xFFFFFC00  }
0x122: {  	_ =	swait.ge [sflag:s13], $0x400  }
0x123: {  	[sflag:s13] =	ssyncset.done $0x0  }
0x124: {  	s4 =	simm.s32 $0x1D400;
	[sflag:s13] =	ssyncadd.s32 $0xFFFFFC00  }
0x125: {  	[spmem:s2] =	stream.indirect.scatter.add.f32 [tilespmem:s4], [sflag:$0x4], $0x1, s28, s28, $0xb8;
	[tilespmem:$0x1FC00] =	vst v63  }
0x126: {  	s19 =	simm.s32 $0xC00;
	s20 =	simm.s32 $0x1DC00  }
0x127: {  	[spmem:s2] =	stream.indirect.scatter.add.f32 [tilespmem:s20], [sflag:$0x4], $0x1, s19, s28, $0xb8;
	[tilespmem:$0x1FC00] =	vst v63  }
0x128: {  	s21 =	simm.s32 $0x1400  }
0x129: {  	[spmem:s2] =	stream.indirect.scatter.add.f32 [tilespmem:s6], [sflag:$0x4], $0x1, s21, s28, $0xb8;
	[tilespmem:$0x1FC00] =	vst v63  }
0x12a: {  	s10 =	simm.s32 $0x1EC00;
	s8 =	simm.s32 $0x1C00  }
0x12b: {  	[spmem:s2] =	stream.indirect.scatter.add.f32 [tilespmem:s10], [sflag:$0x4], $0x1, s8, s28, $0xb8;
	[tilespmem:$0x1FC00] =	vst v63  }
0x12c: {  	_ =	swait.ge [sflag:s24], $0x400  }
0x12d: {  	[sflag:s24] =	ssyncset.done $0x0  }
0x12e: {  	[sflag:s24] =	ssyncadd.s32 $0xFFFFFC00  }
0x12f: {  	_ =	swait.ge [sflag:s24], $0x400  }
0x130: {  	[sflag:s24] =	ssyncset.done $0x0  }
0x131: {  	[sflag:s24] =	ssyncadd.s32 $0xFFFFFC00  }
0x132: {  	_ =	swait.ge [sflag:s24], $0x400  }
0x133: {  	[sflag:s24] =	ssyncset.done $0x0  }
0x134: {  	s7 =	sadd.s32 $0x2, s7;
	s3 =	smov.u32 s15;
	[sflag:s24] =	ssyncadd.s32 $0xFFFFFC00  }
0x135: {  	s11 =	smov.u32 s3;
	s3 =	smin.u32 s7, $0xD;
	_ =	swait.ge [sflag:s24], $0x400  }
0x136: {  	s1 =	sshll.u32 s3, $0xC;
	s6 =	rddreg [dreg:$0x7]  }
0x137: {  	s0 =	sadd.s32 s1, s6  }
0x138: {  	[sflag:s24] =	ssyncset.done $0x0;
	s0 =	sshrl.u32 s0, $0x3  }
0x139: {  	[sflag:s24] =	ssyncadd.s32 $0xFFFFFC00;
	s6 =	sadd.s32 s30, s0  }
0x13a: {  	[tilespmem:s28], [sflag:$0x1] =	stream.strided.gather [hbm4b:s6+s22], $0x400, s26, s22, $0x38;
	[tilespmem:$0x1FC00] =	vst v63  }
0x13b: {  	s3 =	sor.u32 $0x10, s0;
	s1 =	sadd.s32 s9, s0  }
0x13c: {  	[tilespmem:s4], [sflag:$0x1] =	stream.strided.gather [hbm4b:s1+s22], $0x400, s26, s22, $0x38;
	[tilespmem:$0x1FC00] =	vst v63  }
0x13d: {  	s4 =	sadd.s32 s30, s3  }
0x13e: {  	[tilespmem:s19], [sflag:$0x1] =	stream.strided.gather [hbm4b:s4+s22], $0x400, s26, s22, $0x38;
	[tilespmem:$0x1FC00] =	vst v63  }
0x13f: {  	s6 =	sor.u32 $0x20, s0;
	s3 =	sadd.s32 s9, s3  }
0x140: {  	[tilespmem:s20], [sflag:$0x1] =	stream.strided.gather [hbm4b:s3+s22], $0x400, s26, s22, $0x38;
	[tilespmem:$0x1FC00] =	vst v63  }
0x141: {  	s4 =	sadd.s32 s30, s6  }
0x142: {  	[tilespmem:s21], [sflag:$0x1] =	stream.strided.gather [hbm4b:s4+s22], $0x400, s26, s22, $0x38;
	[tilespmem:$0x1FC00] =	vst v63  }
0x143: {  	s0 =	sor.u32 $0x30, s0;
	s19 =	sadd.s32 s9, s6;
	s6 =	simm.s32 $0x1E400  }
0x144: {  	[tilespmem:s6], [sflag:$0x1] =	stream.strided.gather [hbm4b:s19+s22], $0x400, s26, s22, $0x38;
	[tilespmem:$0x1FC00] =	vst v63  }
0x145: {  	s20 =	sadd.s32 s30, s0  }
0x146: {  	[tilespmem:s8], [sflag:$0x1] =	stream.strided.gather [hbm4b:s20+s22], $0x400, s26, s22, $0x38;
	[tilespmem:$0x1FC00] =	vst v63  }
0x147: {  	s0 =	sadd.s32 s9, s0  }
0x148: {  	[tilespmem:s10], [sflag:$0x1] =	stream.strided.gather [hbm4b:s0+s22], $0x400, s26, s22, $0x38;
	[tilespmem:$0x1FC00] =	vst v63  }
0x149: {  	_ =	swait.ge [sflag:s25], $0x400  }
0x14a: {  	[sflag:s25] =	ssyncset.done $0x0  }
0x14b: {  	[sflag:s25] =	ssyncadd.s32 $0xFFFFFC00  }
0x14c: {  	_ =	swait.ge [sflag:s25], $0x400  }
0x14d: {  	[sflag:s25] =	ssyncset.done $0x0  }
0x14e: {  	[sflag:s25] =	ssyncadd.s32 $0xFFFFFC00  }
0x14f: {  	_ =	swait.ge [sflag:s25], $0x400  }
0x150: {  	[sflag:s25] =	ssyncset.done $0x0  }
0x151: {  	[sflag:s25] =	ssyncadd.s32 $0xFFFFFC00  }
0x152: {  	_ =	swait.ge [sflag:s25], $0x400  }
0x153: {  	[sflag:s25] =	ssyncset.done $0x0  }
0x154: {  	[sflag:s25] =	ssyncadd.s32 $0xFFFFFC00  }
0x155: {  	_ =	swait.ge [sflag:s25], $0x400  }
0x156: {  	[sflag:s25] =	ssyncset.done $0x0  }
0x157: {  	[sflag:s25] =	ssyncadd.s32 $0xFFFFFC00  }
0x158: {  	_ =	swait.ge [sflag:s25], $0x400  }
0x159: {  	[sflag:s25] =	ssyncset.done $0x0  }
0x15a: {  	[sflag:s25] =	ssyncadd.s32 $0xFFFFFC00  }
0x15b: {  	_ =	swait.ge [sflag:s25], $0x400  }
0x15c: {  	[sflag:s25] =	ssyncset.done $0x0  }
0x15d: {  	[sflag:s25] =	ssyncadd.s32 $0xFFFFFC00  }
0x15e: {  	_ =	swait.ge [sflag:s25], $0x400  }
0x15f: {  	[sflag:s25] =	ssyncset.done $0x0  }
0x160: {  	[sflag:s25] =	ssyncadd.s32 $0xFFFFFC00  }
0x161: {  	[spmem:s2] =	stream.indirect.scatter.add.f32 [tilespmem:s17], [sflag:$0x4], $0x1, s18, s28, $0xb8;
	[tilespmem:$0x1FC00] =	vst v63  }
0x162: {  	_ = 	snop  }
0x163: {  	[spmem:s2] =	stream.indirect.scatter.add.f32 [tilespmem:s29], [sflag:$0x4], $0x1, s31, s28, $0xb8;
	[tilespmem:$0x1FC00] =	vst v63  }
0x164: {  	_ = 	snop  }
0x165: {  	[spmem:s2] =	stream.indirect.scatter.add.f32 [tilespmem:s14], [sflag:$0x4], $0x1, s12, s28, $0xb8;
	[tilespmem:$0x1FC00] =	vst v63  }
0x166: {  	_ = 	snop  }
0x167: {  	[spmem:s2] =	stream.indirect.scatter.add.f32 [tilespmem:s16], [sflag:$0x4], $0x1, s23, s28, $0xb8;
	[tilespmem:$0x1FC00] =	vst v63  }
0x168: {  	_ =	swait.ge [sflag:s24], $0x400  }
0x169: {  	[sflag:s24] =	ssyncset.done $0x0  }
0x16a: {  	[sflag:s24] =	ssyncadd.s32 $0xFFFFFC00  }
0x16b: {  	_ =	swait.ge [sflag:s24], $0x400  }
0x16c: {  	[sflag:s24] =	ssyncset.done $0x0  }
0x16d: {  	p0 =	sne.s32 s15, $0x1C00;
	[sflag:s24] =	ssyncadd.s32 $0xFFFFFC00  }
.Ltmp1:
0x16e: {  	_ =	swait.ge [sflag:s24], $0x400;
	(pc) =	sbr.rel @p0 .LBB2_4-.Ltmp1, $4  }
0x16f: {  	[sflag:s24] =	ssyncset.done $0x0  }
0x170: {  	[sflag:s24] =	ssyncadd.s32 $0xFFFFFC00  }
0x171: {  	s15 =	sadd.s32 $0x400, s15;
	_ =	swait.ge [sflag:s24], $0x400  }
0x172: {  	s21 =	simm.s32 $0x1C00;
	s0 =	rddreg [dreg:$0x8];
	[sflag:s24] =	ssyncset.done $0x0  }
0x173: {  	s1 =	rddreg [dreg:$0x9]  }
0x174: {  	[sflag:s24] =	ssyncadd.s32 $0xFFFFFC00;
	s0 =	sadd.s32 s11, s0;
	s15 =	simm.s32 $0x800  }
0x175: {  	[tilespmem:s15], [sflag:$0x2] =	stream.strided.gather [hbm4b:s0+s22], $0x400, s26, s22, $0x38;
	[tilespmem:$0x1FC00] =	vst v63  }
0x176: {  	s1 =	sadd.s32 s11, s1;
	s11 =	simm.s32 $0x1D800  }
0x177: {  	[tilespmem:s11], [sflag:$0x2] =	stream.strided.gather [hbm4b:s1+s22], $0x400, s26, s22, $0x38;
	[tilespmem:$0x1FC00] =	vst v63  }
0x178: {  	s17 =	simm.s32 $0x1000;
	s3 =	sadd.s32 $0x10, s0  }
0x179: {  	[tilespmem:s17], [sflag:$0x2] =	stream.strided.gather [hbm4b:s3+s22], $0x400, s26, s22, $0x38;
	[tilespmem:$0x1FC00] =	vst v63  }
0x17a: {  	s18 =	simm.s32 $0x1E000;
	s19 =	sadd.s32 $0x10, s1  }
0x17b: {  	[tilespmem:s18], [sflag:$0x2] =	stream.strided.gather [hbm4b:s19+s22], $0x400, s26, s22, $0x38;
	[tilespmem:$0x1FC00] =	vst v63  }
0x17c: {  	s12 =	simm.s32 $0x1800;
	s20 =	sadd.s32 $0x20, s0  }
0x17d: {  	[tilespmem:s12], [sflag:$0x2] =	stream.strided.gather [hbm4b:s20+s22], $0x400, s26, s22, $0x38;
	[tilespmem:$0x1FC00] =	vst v63  }
0x17e: {  	s14 =	simm.s32 $0x1E800;
	s23 =	sadd.s32 $0x20, s1  }
0x17f: {  	[tilespmem:s14], [sflag:$0x2] =	stream.strided.gather [hbm4b:s23+s22], $0x400, s26, s22, $0x38;
	[tilespmem:$0x1FC00] =	vst v63  }
0x180: {  	s0 =	sadd.s32 $0x30, s0;
	s23 =	simm.s32 $0x2000  }
0x181: {  	[tilespmem:s23], [sflag:$0x2] =	stream.strided.gather [hbm4b:s0+s22], $0x400, s26, s22, $0x38;
	[tilespmem:$0x1FC00] =	vst v63  }
0x182: {  	s16 =	simm.s32 $0x1F000;
	s4 =	sadd.s32 $0x30, s1  }
0x183: {  	[tilespmem:s16], [sflag:$0x2] =	stream.strided.gather [hbm4b:s4+s22], $0x400, s26, s22, $0x38;
	[tilespmem:$0x1FC00] =	vst v63  }
0x184: {  	_ =	swait.ge [sflag:s13], $0x400  }
0x185: {  	[sflag:s13] =	ssyncset.done $0x0  }
0x186: {  	[sflag:s13] =	ssyncadd.s32 $0xFFFFFC00  }
0x187: {  	_ =	swait.ge [sflag:s13], $0x400  }
0x188: {  	[sflag:s13] =	ssyncset.done $0x0  }
0x189: {  	[sflag:s13] =	ssyncadd.s32 $0xFFFFFC00  }
0x18a: {  	_ =	swait.ge [sflag:s13], $0x400  }
0x18b: {  	[sflag:s13] =	ssyncset.done $0x0  }
0x18c: {  	[sflag:s13] =	ssyncadd.s32 $0xFFFFFC00  }
0x18d: {  	_ =	swait.ge [sflag:s13], $0x400  }
0x18e: {  	[sflag:s13] =	ssyncset.done $0x0  }
0x18f: {  	[sflag:s13] =	ssyncadd.s32 $0xFFFFFC00  }
0x190: {  	_ =	swait.ge [sflag:s13], $0x400  }
0x191: {  	[sflag:s13] =	ssyncset.done $0x0  }
0x192: {  	[sflag:s13] =	ssyncadd.s32 $0xFFFFFC00  }
0x193: {  	_ =	swait.ge [sflag:s13], $0x400  }
0x194: {  	[sflag:s13] =	ssyncset.done $0x0  }
0x195: {  	[sflag:s13] =	ssyncadd.s32 $0xFFFFFC00  }
0x196: {  	_ =	swait.ge [sflag:s13], $0x400  }
0x197: {  	[sflag:s13] =	ssyncset.done $0x0  }
0x198: {  	[sflag:s13] =	ssyncadd.s32 $0xFFFFFC00  }
0x199: {  	_ =	swait.ge [sflag:s13], $0x400  }
0x19a: {  	[sflag:s13] =	ssyncset.done $0x0  }
0x19b: {  	s4 =	simm.s32 $0x1D400;
	[sflag:s13] =	ssyncadd.s32 $0xFFFFFC00  }
0x19c: {  	[spmem:s2] =	stream.indirect.scatter.add.f32 [tilespmem:s4], [sflag:$0x4], $0x1, s28, s28, $0xb8;
	[tilespmem:$0x1FC00] =	vst v63  }
0x19d: {  	s19 =	simm.s32 $0xC00;
	s20 =	simm.s32 $0x1DC00  }
0x19e: {  	[spmem:s2] =	stream.indirect.scatter.add.f32 [tilespmem:s20], [sflag:$0x4], $0x1, s19, s28, $0xb8;
	[tilespmem:$0x1FC00] =	vst v63  }
0x19f: {  	s8 =	simm.s32 $0x1400  }
0x1a0: {  	[spmem:s2] =	stream.indirect.scatter.add.f32 [tilespmem:s6], [sflag:$0x4], $0x1, s8, s28, $0xb8;
	[tilespmem:$0x1FC00] =	vst v63  }
0x1a1: {  	s10 =	simm.s32 $0x1EC00  }
0x1a2: {  	[spmem:s2] =	stream.indirect.scatter.add.f32 [tilespmem:s10], [sflag:$0x4], $0x1, s21, s28, $0xb8;
	[tilespmem:$0x1FC00] =	vst v63  }
0x1a3: {  	_ =	swait.ge [sflag:s24], $0x400  }
0x1a4: {  	[sflag:s24] =	ssyncset.done $0x0  }
0x1a5: {  	[sflag:s24] =	ssyncadd.s32 $0xFFFFFC00  }
0x1a6: {  	_ =	swait.ge [sflag:s24], $0x400  }
0x1a7: {  	[sflag:s24] =	ssyncset.done $0x0  }
0x1a8: {  	[sflag:s24] =	ssyncadd.s32 $0xFFFFFC00  }
0x1a9: {  	_ =	swait.ge [sflag:s24], $0x400  }
0x1aa: {  	[sflag:s24] =	ssyncset.done $0x0  }
0x1ab: {  	s7 =	sadd.s32 $0x2, s7;
	[sflag:s24] =	ssyncadd.s32 $0xFFFFFC00  }
0x1ac: {  	s0 =	smin.u32 s7, $0xD;
	_ =	swait.ge [sflag:s24], $0x400  }
0x1ad: {  	s0 =	sshll.u32 s0, $0xC;
	s21 =	rddreg [dreg:$0x7]  }
0x1ae: {  	s0 =	sadd.s32 s0, s21  }
0x1af: {  	[sflag:s24] =	ssyncset.done $0x0;
	s0 =	sshrl.u32 s0, $0x3  }
0x1b0: {  	[sflag:s24] =	ssyncadd.s32 $0xFFFFFC00;
	s3 =	sadd.s32 s30, s0  }
0x1b1: {  	[tilespmem:s28], [sflag:$0x1] =	stream.strided.gather [hbm4b:s3+s22], $0x400, s26, s22, $0x38;
	[tilespmem:$0x1FC00] =	vst v63  }
0x1b2: {  	s1 =	sor.u32 $0x10, s0;
	s7 =	sadd.s32 s9, s0  }
0x1b3: {  	[tilespmem:s4], [sflag:$0x1] =	stream.strided.gather [hbm4b:s7+s22], $0x400, s26, s22, $0x38;
	[tilespmem:$0x1FC00] =	vst v63  }
0x1b4: {  	s21 =	sadd.s32 s30, s1  }
0x1b5: {  	[tilespmem:s19], [sflag:$0x1] =	stream.strided.gather [hbm4b:s21+s22], $0x400, s26, s22, $0x38;
	[tilespmem:$0x1FC00] =	vst v63  }
0x1b6: {  	s1 =	sadd.s32 s9, s1;
	s4 =	sor.u32 $0x20, s0  }
0x1b7: {  	[tilespmem:s20], [sflag:$0x1] =	stream.strided.gather [hbm4b:s1+s22], $0x400, s26, s22, $0x38;
	[tilespmem:$0x1FC00] =	vst v63  }
0x1b8: {  	s7 =	sadd.s32 s30, s4  }
0x1b9: {  	[tilespmem:s8], [sflag:$0x1] =	stream.strided.gather [hbm4b:s7+s22], $0x400, s26, s22, $0x38;
	[tilespmem:$0x1FC00] =	vst v63  }
0x1ba: {  	s0 =	sor.u32 $0x30, s0;
	s8 =	sadd.s32 s9, s4  }
0x1bb: {  	[tilespmem:s6], [sflag:$0x1] =	stream.strided.gather [hbm4b:s8+s22], $0x400, s26, s22, $0x38;
	[tilespmem:$0x1FC00] =	vst v63  }
0x1bc: {  	s19 =	simm.s32 $0x1C00;
	s20 =	sadd.s32 s30, s0  }
0x1bd: {  	[tilespmem:s19], [sflag:$0x1] =	stream.strided.gather [hbm4b:s20+s22], $0x400, s26, s22, $0x38;
	[tilespmem:$0x1FC00] =	vst v63  }
0x1be: {  	s0 =	sadd.s32 s9, s0  }
0x1bf: {  	[tilespmem:s10], [sflag:$0x1] =	stream.strided.gather [hbm4b:s0+s22], $0x400, s26, s22, $0x38;
	[tilespmem:$0x1FC00] =	vst v63  }
0x1c0: {  	_ =	swait.ge [sflag:s25], $0x400  }
0x1c1: {  	[sflag:s25] =	ssyncset.done $0x0  }
0x1c2: {  	[sflag:s25] =	ssyncadd.s32 $0xFFFFFC00  }
0x1c3: {  	_ =	swait.ge [sflag:s25], $0x400  }
0x1c4: {  	[sflag:s25] =	ssyncset.done $0x0  }
0x1c5: {  	[sflag:s25] =	ssyncadd.s32 $0xFFFFFC00  }
0x1c6: {  	_ =	swait.ge [sflag:s25], $0x400  }
0x1c7: {  	[sflag:s25] =	ssyncset.done $0x0  }
0x1c8: {  	[sflag:s25] =	ssyncadd.s32 $0xFFFFFC00  }
0x1c9: {  	_ =	swait.ge [sflag:s25], $0x400  }
0x1ca: {  	[sflag:s25] =	ssyncset.done $0x0  }
0x1cb: {  	[sflag:s25] =	ssyncadd.s32 $0xFFFFFC00  }
0x1cc: {  	_ =	swait.ge [sflag:s25], $0x400  }
0x1cd: {  	[sflag:s25] =	ssyncset.done $0x0  }
0x1ce: {  	[sflag:s25] =	ssyncadd.s32 $0xFFFFFC00  }
0x1cf: {  	_ =	swait.ge [sflag:s25], $0x400  }
0x1d0: {  	[sflag:s25] =	ssyncset.done $0x0  }
0x1d1: {  	[sflag:s25] =	ssyncadd.s32 $0xFFFFFC00  }
0x1d2: {  	_ =	swait.ge [sflag:s25], $0x400  }
0x1d3: {  	[sflag:s25] =	ssyncset.done $0x0  }
0x1d4: {  	[sflag:s25] =	ssyncadd.s32 $0xFFFFFC00  }
0x1d5: {  	_ =	swait.ge [sflag:s25], $0x400  }
0x1d6: {  	[sflag:s25] =	ssyncset.done $0x0  }
0x1d7: {  	[sflag:s25] =	ssyncadd.s32 $0xFFFFFC00  }
0x1d8: {  	[spmem:s2] =	stream.indirect.scatter.add.f32 [tilespmem:s11], [sflag:$0x4], $0x1, s15, s28, $0xb8;
	[tilespmem:$0x1FC00] =	vst v63  }
0x1d9: {  	_ = 	snop  }
0x1da: {  	[spmem:s2] =	stream.indirect.scatter.add.f32 [tilespmem:s18], [sflag:$0x4], $0x1, s17, s28, $0xb8;
	[tilespmem:$0x1FC00] =	vst v63  }
0x1db: {  	_ = 	snop  }
0x1dc: {  	[spmem:s2] =	stream.indirect.scatter.add.f32 [tilespmem:s14], [sflag:$0x4], $0x1, s12, s28, $0xb8;
	[tilespmem:$0x1FC00] =	vst v63  }
0x1dd: {  	_ = 	snop  }
0x1de: {  	[spmem:s2] =	stream.indirect.scatter.add.f32 [tilespmem:s16], [sflag:$0x4], $0x1, s23, s28, $0xb8;
	[tilespmem:$0x1FC00] =	vst v63  }
0x1df: {  	_ =	swait.ge [sflag:s24], $0x400  }
0x1e0: {  	[sflag:s24] =	ssyncset.done $0x0  }
0x1e1: {  	[sflag:s24] =	ssyncadd.s32 $0xFFFFFC00  }
0x1e2: {  	_ =	swait.ge [sflag:s24], $0x400  }
0x1e3: {  	[sflag:s24] =	ssyncset.done $0x0  }
0x1e4: {  	[sflag:s24] =	ssyncadd.s32 $0xFFFFFC00  }
0x1e5: {  	_ =	swait.ge [sflag:s24], $0x400  }
0x1e6: {  	[sflag:s24] =	ssyncset.done $0x0  }
0x1e7: {  	[sflag:s24] =	ssyncadd.s32 $0xFFFFFC00  }
0x1e8: {  	_ =	swait.ge [sflag:s24], $0x400  }
0x1e9: {  	[sflag:s24] =	ssyncset.done $0x0  }
0x1ea: {  	[sflag:s24] =	ssyncadd.s32 $0xFFFFFC00  }
0x1eb: {  	_ =	swait.ge [sflag:s13], $0x400  }
0x1ec: {  	[sflag:s13] =	ssyncset.done $0x0  }
0x1ed: {  	[sflag:s13] =	ssyncadd.s32 $0xFFFFFC00  }
0x1ee: {  	_ =	swait.ge [sflag:s13], $0x400  }
0x1ef: {  	[sflag:s13] =	ssyncset.done $0x0  }
0x1f0: {  	[sflag:s13] =	ssyncadd.s32 $0xFFFFFC00  }
0x1f1: {  	_ =	swait.ge [sflag:s13], $0x400  }
0x1f2: {  	[sflag:s13] =	ssyncset.done $0x0  }
0x1f3: {  	[sflag:s13] =	ssyncadd.s32 $0xFFFFFC00  }
0x1f4: {  	_ =	swait.ge [sflag:s13], $0x400  }
0x1f5: {  	[sflag:s13] =	ssyncset.done $0x0  }
0x1f6: {  	[sflag:s13] =	ssyncadd.s32 $0xFFFFFC00  }
0x1f7: {  	_ =	swait.ge [sflag:s13], $0x400  }
0x1f8: {  	[sflag:s13] =	ssyncset.done $0x0  }
0x1f9: {  	[sflag:s13] =	ssyncadd.s32 $0xFFFFFC00  }
0x1fa: {  	_ =	swait.ge [sflag:s13], $0x400  }
0x1fb: {  	[sflag:s13] =	ssyncset.done $0x0  }
0x1fc: {  	[sflag:s13] =	ssyncadd.s32 $0xFFFFFC00  }
0x1fd: {  	_ =	swait.ge [sflag:s13], $0x400  }
0x1fe: {  	[sflag:s13] =	ssyncset.done $0x0  }
0x1ff: {  	[sflag:s13] =	ssyncadd.s32 $0xFFFFFC00  }
0x200: {  	_ =	swait.ge [sflag:s13], $0x400  }
0x201: {  	[sflag:s13] =	ssyncset.done $0x0  }
0x202: {  	s29 =	simm.s32 $0x1D800;
	[sflag:s13] =	ssyncadd.s32 $0xFFFFFC00  }
0x203: {  	s31 =	simm.s32 $0x1000;
	s21 =	simm.s32 $0x1E400;
	[bflag:$0x0] =	sbarrier.arrive $0xFFFF  }
0x204: {  	s7 =	simm.s32 $0x0;
	s8 =	smov.u32 s30;
	s4 =	rddreg [dreg:$0x0]  }
0x205: {  	s20 =	simm.s32 $0x1800;
	s18 =	simm.s32 $0x1DC00;
	s30 =	rddreg [dreg:$0x5]  }
0x206: {  	s17 =	simm.s32 $0x3;
	s23 =	simm.s32 $0x1E000;
	s19 =	rddreg [dreg:$0x4]  }
.LBB2_6:
0x207: {  	s1 =	sld [smem:$0x7FC];
	_ =	sdelay $0x1  }
0x208: {  	s0 =	sshll.u32 s7, $0xA  }
0x209: {  	s3 =	simm.s32 $0x0;
	s12 =	simm.s32 $0x6;
	s1 =	sadd.s32 s0, s1  }
0x20a: {  	[tilespmem:s3], [sflag:$0x6] =	stream.linear.gather [spmem:s1], $0x400, $0x38;
	[tilespmem:$0x1FC00] =	vst v63  }
0x20b: {  	_ =	swait.ge [sflag:s12], $0x400  }
0x20c: {  	[sflag:s12] =	ssyncset.done $0x0  }
0x20d: {  	s14 =	simm.s32 $0x20;
	[sflag:s12] =	ssyncadd.s32 $0xFFFFFC00  }
0x20e: {  	v1 =	vld [tilespmem:s14+$0xFFFFFFF0];
	_ =	sdelay $0x1  }
0x20f: {  	v2 =	vld [tilespmem:s14+$0x10];
	_ =	sdelay $0x1  }
0x210: {  	v3 =	vld [tilespmem:s14+$0xFFFFFFE0]  }
0x211: {  	s15 =	simm.s32 $0x60;
	v4 =	vld [tilespmem:s14+$0x0];
	vm0 =	veq.f32 v1, $0.0e+00  }
0x212: {  	v5 =	vld [tilespmem:s15+$0xFFFFFFF0];
	v1 =	vsel vm0, $0x3F800000, v1  }
0x213: {  	v6 =	vld [tilespmem:s15+$0x10];
	vm0 =	veq.f32 v2, $0.0e+00;
	(erf) = vrcp.f32 v1  }
0x214: {  	v7 =	vld [tilespmem:s15+$0xFFFFFFE0];
	v2 =	vsel vm0, $0x3F800000, v2  }
0x215: {  	v8 =	vld [tilespmem:s15+$0x0];
	vm0 =	veq.f32 v3, $0.0e+00;
	(erf) = vrcp.f32 v2  }
0x216: {  	v1 =	vsel vm0, $0x3F800000, v3;
	vm0 =	veq.f32 v4, $0.0e+00  }
0x217: {  	v2 =	vsel vm0, $0x3F800000, v4;
	(erf) = vrcp.f32 v1;
	vm0 =	veq.f32 v5, $0.0e+00  }
0x218: {  	s11 =	simm.s32 $0xA0;
	(erf) = vrcp.f32 v2;
	v2 =	vsel vm0, $0x3F800000, v5;
	vm0 =	veq.f32 v6, $0.0e+00  }
0x219: {  	s16 =	simm.s32 $0x0;
	vm1 =	veq.f32 v7, $0.0e+00;
	v1 =	vld [tilespmem:s11+$0xFFFFFFF0];
	v3 =	vsel vm0, $0x3F800000, v6;
	(erf) = vrcp.f32 v2  }
0x21a: {  	s6 =	sadd.s32 $0x13400, s0;
	s10 =	sand.u32 $0x380, s16;
	v4 =	vsel vm1, $0x3F800000, v7;
	vm0 =	veq.f32 v8, $0.0e+00;
	(erf) = vrcp.f32 v3  }
0x21b: {  	s10 =	sadd.s32 s10, s6;
	s0 =	simm.s32 $0x30;
	s14 =	simm.s32 $0x10;
	v2 =	vld [tilespmem:s11+$0x10];
	v5 =	vsel vm0, $0x3F800000, v8;
	(erf) = vrcp.f32 v4  }
0x21c: {  	s1 =	simm.s32 $0x8;
	s3 =	sand.u32 $0x40, s16;
	s14 =	sand.u32 $0x50, s14;
	v3 =	vld [tilespmem:s11+$0xFFFFFFE0];
	v6 =	vpop (erf);
	(erf) = vrcp.f32 v5  }
0x21d: {  	s16 =	sand.u32 $0x70, s0;
	s3 =	sadd.s32 s3, s10;
	s14 =	sadd.s32 s14, s10;
	v4 =	vld [tilespmem:s11+$0x0]  }
0x21e: {  	s15 =	simm.s32 $0x20;
	s11 =	simm.s32 $0xE0;
	vm0 =	veq.f32 v1, $0.0e+00;
	[tilespmem:s14+$0x0] =	vst v6;
	s14 =	sadd.s32 s16, s10;
	v5 =	vpop (erf)  }
.LBB2_7:
0x21f: {  	s1 =	sadd.s32 $0x4, s1  }
0x220: {  	v6 =	vsel vm0, $0x3F800000, v1;
	v1 =	vld [tilespmem:s11+$0xFFFFFFF0];
	vm0 =	veq.f32 v2, $0.0e+00;
	s15 =	sand.u32 $0x60, s15;
	[tilespmem:s14+$0x0] =	vst v5;
	s0 =	sadd.s32 $0x40, s0;
	v5 =	vpop (erf);
	p0 =	slt.u32 s1, $0x3C  }
.Ltmp2:
0x221: {  	vm1 =	veq.f32 v3, $0.0e+00;
	v7 =	vsel vm0, $0x3F800000, v2;
	v2 =	vld [tilespmem:s11+$0x10];
	(erf) = vrcp.f32 v6;
	s14 =	sadd.s32 $0xFFFFFFD0, s0;
	[tilespmem:s3+$0x0] =	vst v5;
	s3 =	sadd.s32 s15, s10;
	v5 =	vpop (erf);
	(pc) =	sbr.rel @p0 .LBB2_7-.Ltmp2, $4  }
0x222: {  	s15 =	sadd.s32 $0xFFFFFFE0, s0;
	v6 =	vsel vm1, $0x3F800000, v3;
	v3 =	vld [tilespmem:s11+$0xFFFFFFE0];
	vm0 =	veq.f32 v4, $0.0e+00;
	(erf) = vrcp.f32 v7;
	s10 =	sand.u32 $0x380, s14;
	s14 =	sand.u32 $0x40, s14;
	[tilespmem:s3+$0x0] =	vst v5  }
0x223: {  	s15 =	sand.u32 $0x50, s15;
	v7 =	vsel vm0, $0x3F800000, v4;
	v4 =	vld [tilespmem:s11+$0x0];
	(erf) = vrcp.f32 v6;
	s10 =	sadd.s32 s10, s6  }
0x224: {  	s16 =	sand.u32 $0x70, s0;
	(erf) = vrcp.f32 v7;
	s3 =	sadd.s32 s14, s10;
	s14 =	sadd.s32 s15, s10;
	v5 =	vpop (erf)  }
0x225: {  	s11 =	sadd.s32 $0x40, s11;
	s15 =	sadd.s32 $0xFFFFFFF0, s0;
	vm0 =	veq.f32 v1, $0.0e+00;
	[tilespmem:s14+$0x0] =	vst v5;
	s14 =	sadd.s32 s16, s10;
	v5 =	vpop (erf)  }
0x226: {  	vm14 =	veq.f32 v2, $0.0e+00  }
0x227: {  	v1 =	vsel vm0, $0x3F800000, v1;
	vm1 =	veq.f32 v3, $0.0e+00;
	v2 =	vsel vm14, $0x3F800000, v2  }
0x228: {  	(erf) = vrcp.f32 v1;
	v1 =	vsel vm1, $0x3F800000, v3;
	vm15 =	veq.f32 v4, $0.0e+00  }
0x229: {  	s0 =	sadd.s32 $0x40, s0;
	s11 =	sand.u32 $0x60, s15;
	s7 =	sadd.s32 $0x1, s7;
	(erf) = vrcp.f32 v2;
	v2 =	vsel vm15, $0x3F800000, v4  }
0x22a: {  	s1 =	sadd.s32 $0xFFFFFFD0, s0;
	s9 =	sadd.s32 $0xFFFFFFE0, s0;
	s12 =	sadd.s32 s11, s10;
	(erf) = vrcp.f32 v1  }
0x22b: {  	[tilespmem:s14+$0x0] =	vst v5;
	s11 =	sadd.s32 $0x40, s0;
	p0 =	sne.s32 s7, $0x10;
	s16 =	sand.u32 $0x380, s1;
	v1 =	vpop (erf);
	(erf) = vrcp.f32 v2  }
0x22c: {  	s1 =	sand.u32 $0x40, s1;
	s14 =	sand.u32 $0x50, s9;
	s15 =	sadd.s32 s16, s6;
	v2 =	vpop (erf);
	[tilespmem:s3+$0x0] =	vst v1  }
0x22d: {  	s9 =	sand.u32 $0x70, s0;
	s0 =	sadd.s32 $0xFFFFFFF0, s0;
	s16 =	sadd.s32 s14, s15;
	[tilespmem:s12+$0x0] =	vst v2;
	v1 =	vpop (erf)  }
0x22e: {  	s10 =	sadd.s32 $0xFFFFFFD0, s11;
	s0 =	sand.u32 $0x60, s0;
	s12 =	sadd.s32 s9, s15;
	[tilespmem:s16+$0x0] =	vst v1;
	v1 =	vpop (erf)  }
0x22f: {  	s1 =	sadd.s32 s1, s15;
	s14 =	sand.u32 $0x380, s10;
	s16 =	sadd.s32 $0xFFFFFFE0, s11;
	[tilespmem:s12+$0x0] =	vst v1;
	v1 =	vpop (erf)  }
0x230: {  	s0 =	sadd.s32 s0, s15;
	s9 =	sand.u32 $0x50, s16;
	[tilespmem:s1+$0x0] =	vst v1;
	v1 =	vpop (erf);
	s1 =	sadd.s32 s14, s6  }
.Ltmp3:
0x231: {  	s14 =	sand.u32 $0x70, s11;
	[tilespmem:s0+$0x0] =	vst v1;
	s12 =	sadd.s32 s9, s1;
	v1 =	vpop (erf);
	(pc) =	sbr.rel @p0 .LBB2_6-.Ltmp3, $4  }
0x232: {  	s15 =	sand.u32 $0x40, s10;
	s16 =	sadd.s32 $0xFFFFFFF0, s11;
	s3 =	sadd.s32 s14, s1;
	[tilespmem:s12+$0x0] =	vst v1;
	v1 =	vpop (erf)  }
0x233: {  	s6 =	sadd.s32 s15, s1;
	s0 =	sand.u32 $0x60, s16;
	[tilespmem:s3+$0x0] =	vst v1;
	v1 =	vpop (erf)  }
0x234: {  	s0 =	sadd.s32 s0, s1;
	[tilespmem:s6+$0x0] =	vst v1;
	v1 =	vpop (erf)  }
0x235: {  	s3 =	simm.s32 $0x0;
	[tilespmem:s0+$0x0] =	vst v1  }
0x236: {  	s7 =	sld [smem:$0x7FC]  }
0x237: {  	s11 =	simm.s32 $0x1EC00;
	s12 =	simm.s32 $0x5;
	s9 =	sld [smem:$0x7FD]  }
.LBB2_10:
0x238: {  	s1 =	simm.s32 $0x1F400;
	s0 =	sld [smem:$0x7F4]  }
0x239: {  	[spmem:s7] =	stream.linear.scatter [tilespmem:s1], [sflag:$0x5], $0x800, $0x38;
	[tilespmem:$0x1FC00] =	vst v63  }
0x23a: {  	s16 =	sld [smem:$0x7F5]  }
0x23b: {  	[spmem:s0] =	stream.linear.scatter [tilespmem:s1], [sflag:$0x5], $0x800, $0x38;
	[tilespmem:$0x1FC00] =	vst v63  }
0x23c: {  	s6 =	sld [smem:$0x7F6]  }
0x23d: {  	[spmem:s16] =	stream.linear.scatter [tilespmem:s1], [sflag:$0x5], $0x800, $0x38;
	[tilespmem:$0x1FC00] =	vst v63  }
0x23e: {  	s7 =	sld [smem:$0x7F7]  }
0x23f: {  	[spmem:s6] =	stream.linear.scatter [tilespmem:s1], [sflag:$0x5], $0x800, $0x38;
	[tilespmem:$0x1FC00] =	vst v63  }
0x240: {  	s10 =	sld [smem:$0x7F8]  }
0x241: {  	[spmem:s7] =	stream.linear.scatter [tilespmem:s1], [sflag:$0x5], $0x800, $0x38;
	[tilespmem:$0x1FC00] =	vst v63  }
0x242: {  	s14 =	sld [smem:$0x7F9]  }
0x243: {  	[spmem:s10] =	stream.linear.scatter [tilespmem:s1], [sflag:$0x5], $0x800, $0x38;
	[tilespmem:$0x1FC00] =	vst v63  }
0x244: {  	s15 =	sld [smem:$0x7FB]  }
0x245: {  	[spmem:s14] =	stream.linear.scatter [tilespmem:s1], [sflag:$0x5], $0x800, $0x38;
	[tilespmem:$0x1FC00] =	vst v63  }
0x246: {  	s16 =	rddreg [dreg:$0x18]  }
0x247: {  	[spmem:s15] =	stream.linear.scatter [tilespmem:s1], [sflag:$0x5], $0x800, $0x38;
	[tilespmem:$0x1FC00] =	vst v63  }
0x248: {  	s6 =	rddreg [dreg:$0x19]  }
0x249: {  	[spmem:s16] =	stream.linear.scatter [tilespmem:s1], [sflag:$0x5], $0x800, $0x38;
	[tilespmem:$0x1FC00] =	vst v63  }
0x24a: {  	s7 =	rddreg [dreg:$0x1a]  }
0x24b: {  	[spmem:s6] =	stream.linear.scatter [tilespmem:s1], [sflag:$0x5], $0x800, $0x38;
	[tilespmem:$0x1FC00] =	vst v63  }
0x24c: {  	s10 =	rddreg [dreg:$0x1b]  }
0x24d: {  	[spmem:s7] =	stream.linear.scatter [tilespmem:s1], [sflag:$0x5], $0x800, $0x38;
	[tilespmem:$0x1FC00] =	vst v63  }
0x24e: {  	s14 =	rddreg [dreg:$0x1c]  }
0x24f: {  	[spmem:s10] =	stream.linear.scatter [tilespmem:s1], [sflag:$0x5], $0x800, $0x38;
	[tilespmem:$0x1FC00] =	vst v63  }
0x250: {  	s15 =	rddreg [dreg:$0x1d]  }
0x251: {  	[spmem:s14] =	stream.linear.scatter [tilespmem:s1], [sflag:$0x5], $0x800, $0x38;
	[tilespmem:$0x1FC00] =	vst v63  }
0x252: {  	s16 =	rddreg [dreg:$0x1e]  }
0x253: {  	[spmem:s15] =	stream.linear.scatter [tilespmem:s1], [sflag:$0x5], $0x800, $0x38;
	[tilespmem:$0x1FC00] =	vst v63  }
0x254: {  	s6 =	rddreg [dreg:$0x1f]  }
0x255: {  	[spmem:s16] =	stream.linear.scatter [tilespmem:s1], [sflag:$0x5], $0x800, $0x38;
	[tilespmem:$0x1FC00] =	vst v63  }
0x256: {  	s7 =	sld [smem:$0x7DB]  }
0x257: {  	[spmem:s6] =	stream.linear.scatter [tilespmem:s1], [sflag:$0x5], $0x800, $0x38;
	[tilespmem:$0x1FC00] =	vst v63  }
0x258: {  	s10 =	sld [smem:$0x7DC]  }
0x259: {  	[spmem:s7] =	stream.linear.scatter [tilespmem:s1], [sflag:$0x5], $0x800, $0x38;
	[tilespmem:$0x1FC00] =	vst v63  }
0x25a: {  	s14 =	sld [smem:$0x7DD]  }
0x25b: {  	[spmem:s10] =	stream.linear.scatter [tilespmem:s1], [sflag:$0x5], $0x800, $0x38;
	[tilespmem:$0x1FC00] =	vst v63  }
0x25c: {  	s15 =	sld [smem:$0x7DE]  }
0x25d: {  	[spmem:s14] =	stream.linear.scatter [tilespmem:s1], [sflag:$0x5], $0x800, $0x38;
	[tilespmem:$0x1FC00] =	vst v63  }
0x25e: {  	s16 =	sld [smem:$0x7DF]  }
0x25f: {  	[spmem:s15] =	stream.linear.scatter [tilespmem:s1], [sflag:$0x5], $0x800, $0x38;
	[tilespmem:$0x1FC00] =	vst v63  }
0x260: {  	s6 =	sld [smem:$0x7E0]  }
0x261: {  	[spmem:s16] =	stream.linear.scatter [tilespmem:s1], [sflag:$0x5], $0x800, $0x38;
	[tilespmem:$0x1FC00] =	vst v63  }
0x262: {  	s7 =	sld [smem:$0x7E1]  }
0x263: {  	[spmem:s6] =	stream.linear.scatter [tilespmem:s1], [sflag:$0x5], $0x800, $0x38;
	[tilespmem:$0x1FC00] =	vst v63  }
0x264: {  	s10 =	sld [smem:$0x7E2]  }
0x265: {  	[spmem:s7] =	stream.linear.scatter [tilespmem:s1], [sflag:$0x5], $0x800, $0x38;
	[tilespmem:$0x1FC00] =	vst v63  }
0x266: {  	s14 =	sld [smem:$0x7E3]  }
0x267: {  	[spmem:s10] =	stream.linear.scatter [tilespmem:s1], [sflag:$0x5], $0x800, $0x38;
	[tilespmem:$0x1FC00] =	vst v63  }
0x268: {  	s15 =	sld [smem:$0x7E4]  }
0x269: {  	[spmem:s14] =	stream.linear.scatter [tilespmem:s1], [sflag:$0x5], $0x800, $0x38;
	[tilespmem:$0x1FC00] =	vst v63  }
0x26a: {  	s16 =	sld [smem:$0x7E5]  }
0x26b: {  	[spmem:s15] =	stream.linear.scatter [tilespmem:s1], [sflag:$0x5], $0x800, $0x38;
	[tilespmem:$0x1FC00] =	vst v63  }
0x26c: {  	s6 =	sld [smem:$0x7E6]  }
0x26d: {  	[spmem:s16] =	stream.linear.scatter [tilespmem:s1], [sflag:$0x5], $0x800, $0x38;
	[tilespmem:$0x1FC00] =	vst v63  }
0x26e: {  	s7 =	sld [smem:$0x7E7]  }
0x26f: {  	[spmem:s6] =	stream.linear.scatter [tilespmem:s1], [sflag:$0x5], $0x800, $0x38;
	[tilespmem:$0x1FC00] =	vst v63  }
0x270: {  	s10 =	sld [smem:$0x7E8]  }
0x271: {  	[spmem:s7] =	stream.linear.scatter [tilespmem:s1], [sflag:$0x5], $0x800, $0x38;
	[tilespmem:$0x1FC00] =	vst v63  }
0x272: {  	s14 =	sld [smem:$0x7E9]  }
0x273: {  	[spmem:s10] =	stream.linear.scatter [tilespmem:s1], [sflag:$0x5], $0x800, $0x38;
	[tilespmem:$0x1FC00] =	vst v63  }
0x274: {  	s15 =	sld [smem:$0x7EA]  }
0x275: {  	[spmem:s14] =	stream.linear.scatter [tilespmem:s1], [sflag:$0x5], $0x800, $0x38;
	[tilespmem:$0x1FC00] =	vst v63  }
0x276: {  	_ = 	snop  }
0x277: {  	[spmem:s15] =	stream.linear.scatter [tilespmem:s1], [sflag:$0x5], $0x800, $0x38;
	[tilespmem:$0x1FC00] =	vst v63  }
0x278: {  	_ =	swait.ge [sflag:s12], $0x800  }
0x279: {  	[sflag:s12] =	ssyncset.done $0x0  }
0x27a: {  	[sflag:s12] =	ssyncadd.s32 $0xFFFFF800  }
0x27b: {  	_ =	swait.ge [sflag:s12], $0x800  }
0x27c: {  	[sflag:s12] =	ssyncset.done $0x0  }
0x27d: {  	[sflag:s12] =	ssyncadd.s32 $0xFFFFF800  }
0x27e: {  	_ =	swait.ge [sflag:s12], $0x800  }
0x27f: {  	[sflag:s12] =	ssyncset.done $0x0  }
0x280: {  	[sflag:s12] =	ssyncadd.s32 $0xFFFFF800  }
0x281: {  	_ =	swait.ge [sflag:s12], $0x800  }
0x282: {  	[sflag:s12] =	ssyncset.done $0x0  }
0x283: {  	[sflag:s12] =	ssyncadd.s32 $0xFFFFF800  }
0x284: {  	_ =	swait.ge [sflag:s12], $0x800  }
0x285: {  	[sflag:s12] =	ssyncset.done $0x0  }
0x286: {  	[sflag:s12] =	ssyncadd.s32 $0xFFFFF800  }
0x287: {  	_ =	swait.ge [sflag:s12], $0x800  }
0x288: {  	[sflag:s12] =	ssyncset.done $0x0  }
0x289: {  	[sflag:s12] =	ssyncadd.s32 $0xFFFFF800  }
0x28a: {  	_ =	swait.ge [sflag:s12], $0x800  }
0x28b: {  	[sflag:s12] =	ssyncset.done $0x0  }
0x28c: {  	[sflag:s12] =	ssyncadd.s32 $0xFFFFF800  }
0x28d: {  	_ =	swait.ge [sflag:s12], $0x800  }
0x28e: {  	[sflag:s12] =	ssyncset.done $0x0  }
0x28f: {  	[sflag:s12] =	ssyncadd.s32 $0xFFFFF800  }
0x290: {  	_ =	swait.ge [sflag:s12], $0x800  }
0x291: {  	[sflag:s12] =	ssyncset.done $0x0  }
0x292: {  	[sflag:s12] =	ssyncadd.s32 $0xFFFFF800  }
0x293: {  	_ =	swait.ge [sflag:s12], $0x800  }
0x294: {  	[sflag:s12] =	ssyncset.done $0x0  }
0x295: {  	[sflag:s12] =	ssyncadd.s32 $0xFFFFF800  }
0x296: {  	_ =	swait.ge [sflag:s12], $0x800  }
0x297: {  	[sflag:s12] =	ssyncset.done $0x0  }
0x298: {  	[sflag:s12] =	ssyncadd.s32 $0xFFFFF800  }
0x299: {  	_ =	swait.ge [sflag:s12], $0x800  }
0x29a: {  	[sflag:s12] =	ssyncset.done $0x0  }
0x29b: {  	[sflag:s12] =	ssyncadd.s32 $0xFFFFF800  }
0x29c: {  	_ =	swait.ge [sflag:s12], $0x800  }
0x29d: {  	[sflag:s12] =	ssyncset.done $0x0  }
0x29e: {  	[sflag:s12] =	ssyncadd.s32 $0xFFFFF800  }
0x29f: {  	_ =	swait.ge [sflag:s12], $0x800  }
0x2a0: {  	[sflag:s12] =	ssyncset.done $0x0  }
0x2a1: {  	[sflag:s12] =	ssyncadd.s32 $0xFFFFF800  }
0x2a2: {  	_ =	swait.ge [sflag:s12], $0x800  }
0x2a3: {  	[sflag:s12] =	ssyncset.done $0x0  }
0x2a4: {  	[sflag:s12] =	ssyncadd.s32 $0xFFFFF800  }
0x2a5: {  	_ =	swait.ge [sflag:s12], $0x800  }
0x2a6: {  	[sflag:s12] =	ssyncset.done $0x0  }
0x2a7: {  	[sflag:s12] =	ssyncadd.s32 $0xFFFFF800  }
0x2a8: {  	_ =	swait.ge [sflag:s12], $0x800  }
0x2a9: {  	[sflag:s12] =	ssyncset.done $0x0  }
0x2aa: {  	[sflag:s12] =	ssyncadd.s32 $0xFFFFF800  }
0x2ab: {  	_ =	swait.ge [sflag:s12], $0x800  }
0x2ac: {  	[sflag:s12] =	ssyncset.done $0x0  }
0x2ad: {  	[sflag:s12] =	ssyncadd.s32 $0xFFFFF800  }
0x2ae: {  	_ =	swait.ge [sflag:s12], $0x800  }
0x2af: {  	[sflag:s12] =	ssyncset.done $0x0  }
0x2b0: {  	[sflag:s12] =	ssyncadd.s32 $0xFFFFF800  }
0x2b1: {  	_ =	swait.ge [sflag:s12], $0x800  }
0x2b2: {  	[sflag:s12] =	ssyncset.done $0x0  }
0x2b3: {  	[sflag:s12] =	ssyncadd.s32 $0xFFFFF800  }
0x2b4: {  	_ =	swait.ge [sflag:s12], $0x800  }
0x2b5: {  	[sflag:s12] =	ssyncset.done $0x0  }
0x2b6: {  	[sflag:s12] =	ssyncadd.s32 $0xFFFFF800  }
0x2b7: {  	_ =	swait.ge [sflag:s12], $0x800  }
0x2b8: {  	[sflag:s12] =	ssyncset.done $0x0  }
0x2b9: {  	[sflag:s12] =	ssyncadd.s32 $0xFFFFF800  }
0x2ba: {  	_ =	swait.ge [sflag:s12], $0x800  }
0x2bb: {  	[sflag:s12] =	ssyncset.done $0x0  }
0x2bc: {  	[sflag:s12] =	ssyncadd.s32 $0xFFFFF800  }
0x2bd: {  	_ =	swait.ge [sflag:s12], $0x800  }
0x2be: {  	[sflag:s12] =	ssyncset.done $0x0  }
0x2bf: {  	[sflag:s12] =	ssyncadd.s32 $0xFFFFF800  }
0x2c0: {  	_ =	swait.ge [sflag:s12], $0x800  }
0x2c1: {  	[sflag:s12] =	ssyncset.done $0x0  }
0x2c2: {  	[sflag:s12] =	ssyncadd.s32 $0xFFFFF800  }
0x2c3: {  	_ =	swait.ge [sflag:s12], $0x800  }
0x2c4: {  	[sflag:s12] =	ssyncset.done $0x0  }
0x2c5: {  	[sflag:s12] =	ssyncadd.s32 $0xFFFFF800  }
0x2c6: {  	_ =	swait.ge [sflag:s12], $0x800  }
0x2c7: {  	[sflag:s12] =	ssyncset.done $0x0  }
0x2c8: {  	[sflag:s12] =	ssyncadd.s32 $0xFFFFF800  }
0x2c9: {  	_ =	swait.ge [sflag:s12], $0x800  }
0x2ca: {  	[sflag:s12] =	ssyncset.done $0x0  }
0x2cb: {  	[sflag:s12] =	ssyncadd.s32 $0xFFFFF800  }
0x2cc: {  	_ =	swait.ge [sflag:s12], $0x800  }
0x2cd: {  	[sflag:s12] =	ssyncset.done $0x0  }
0x2ce: {  	[sflag:s12] =	ssyncadd.s32 $0xFFFFF800  }
0x2cf: {  	_ =	swait.ge [sflag:s12], $0x800  }
0x2d0: {  	[sflag:s12] =	ssyncset.done $0x0  }
0x2d1: {  	[sflag:s12] =	ssyncadd.s32 $0xFFFFF800  }
0x2d2: {  	_ =	swait.ge [sflag:s12], $0x800  }
0x2d3: {  	[sflag:s12] =	ssyncset.done $0x0  }
0x2d4: {  	[sflag:s12] =	ssyncadd.s32 $0xFFFFF800  }
0x2d5: {  	_ =	swait.ge [sflag:s12], $0x800  }
0x2d6: {  	[sflag:s12] =	ssyncset.done $0x0  }
0x2d7: {  	[sflag:s12] =	ssyncadd.s32 $0xFFFFF800  }
0x2d8: {  	[bflag:$0x0] =	sbarrier.arrive $0xFFFF  }
0x2d9: {  	s16 =	rddreg [dreg:$0xe]  }
0x2da: {  	[tilespmem:s28], [sflag:$0x1] =	stream.strided.gather [hbm4b:s16+s22], $0x400, s26, s22, $0x38;
	[tilespmem:$0x1FC00] =	vst v63  }
0x2db: {  	s10 =	simm.s32 $0x1D400;
	s1 =	rddreg [dreg:$0xf]  }
0x2dc: {  	[tilespmem:s10], [sflag:$0x1] =	stream.strided.gather [hbm4b:s1+s22], $0x400, s26, s22, $0x38;
	[tilespmem:$0x1FC00] =	vst v63  }
0x2dd: {  	s14 =	simm.s32 $0xC00;
	s6 =	rddreg [dreg:$0x10]  }
0x2de: {  	[tilespmem:s14], [sflag:$0x1] =	stream.strided.gather [hbm4b:s6+s22], $0x400, s26, s22, $0x38;
	[tilespmem:$0x1FC00] =	vst v63  }
0x2df: {  	s7 =	rddreg [dreg:$0x11]  }
0x2e0: {  	[tilespmem:s18], [sflag:$0x1] =	stream.strided.gather [hbm4b:s7+s22], $0x400, s26, s22, $0x38;
	[tilespmem:$0x1FC00] =	vst v63  }
0x2e1: {  	s15 =	rddreg [dreg:$0x12];
	s16 =	simm.s32 $0x1400  }
0x2e2: {  	[tilespmem:s16], [sflag:$0x1] =	stream.strided.gather [hbm4b:s15+s22], $0x400, s26, s22, $0x38;
	[tilespmem:$0x1FC00] =	vst v63  }
0x2e3: {  	s18 =	rddreg [dreg:$0x13]  }
0x2e4: {  	[tilespmem:s21], [sflag:$0x1] =	stream.strided.gather [hbm4b:s18+s22], $0x400, s26, s22, $0x38;
	[tilespmem:$0x1FC00] =	vst v63  }
0x2e5: {  	s1 =	rddreg [dreg:$0x14];
	s6 =	simm.s32 $0x1C00  }
0x2e6: {  	[tilespmem:s6], [sflag:$0x1] =	stream.strided.gather [hbm4b:s1+s22], $0x400, s26, s22, $0x38;
	[tilespmem:$0x1FC00] =	vst v63  }
0x2e7: {  	s7 =	rddreg [dreg:$0x15]  }
0x2e8: {  	[tilespmem:s11], [sflag:$0x1] =	stream.strided.gather [hbm4b:s7+s22], $0x400, s26, s22, $0x38;
	[tilespmem:$0x1FC00] =	vst v63  }
0x2e9: {  	s18 =	sld [smem:$0x7EB];
	s11 =	sshll.u32 s3, $0x14  }
0x2ea: {  	s16 =	rddreg [dreg:$0x16];
	s0 =	sand.u32 $0x1E00000, s11  }
0x2eb: {  	[smem:$0x7D4] =	sst s3;
	s15 =	sshll.u32 s3, $0x9;
	s3 =	sadd.s32 s16, s0  }
0x2ec: {  	s6 =	sand.u32 $0x200, s15;
	s0 =	sor.u32 s18, s3  }
0x2ed: {  	s1 =	sor.u32 s6, s0  }
0x2ee: {  	s21 =	simm.s32 $0x1B400;
	s15 =	sor.u32 $0x100, s6;
	s1 =	sshrl.u32 s1, $0x3  }
0x2ef: {  	[smem:$0x7D8] =	sst s6;
	s7 =	sor.u32 $0x80, s6;
	s1 =	sadd.s32 s4, s1  }
0x2f0: {  	[tilespmem:s21], [sflag:$0x1] =	stream.strided.gather [hbm4b:s1+s22], $0x400, s28, s22, $0x38;
	[tilespmem:$0x1FC00] =	vst v63  }
0x2f1: {  	[smem:$0x7D7] =	sst s15;
	s1 =	sor.u32 s7, s0  }
0x2f2: {  	[smem:$0x7D6] =	sst s7;
	s11 =	simm.s32 $0x1B800;
	s1 =	sshrl.u32 s1, $0x3  }
0x2f3: {  	[smem:$0x7D5] =	sst s3;
	s18 =	sor.u32 $0x180, s6;
	s1 =	sadd.s32 s4, s1  }
0x2f4: {  	[tilespmem:s11], [sflag:$0x1] =	stream.strided.gather [hbm4b:s1+s22], $0x400, s28, s22, $0x38;
	[tilespmem:$0x1FC00] =	vst v63  }
0x2f5: {  	s16 =	simm.s32 $0x1BC00;
	[smem:$0x7D9] =	sst s18;
	s1 =	sor.u32 s15, s0  }
0x2f6: {  	s6 =	simm.s32 $0x800;
	s0 =	sor.u32 s18, s0;
	s1 =	sshrl.u32 s1, $0x3  }
0x2f7: {  	s21 =	simm.s32 $0x1C000;
	s0 =	sshrl.u32 s0, $0x3;
	s1 =	sadd.s32 s4, s1  }
0x2f8: {  	[tilespmem:s16], [sflag:$0x1] =	stream.strided.gather [hbm4b:s1+s22], $0x400, s28, s22, $0x38;
	[tilespmem:$0x1FC00] =	vst v63  }
0x2f9: {  	s7 =	simm.s32 $0x0;
	s11 =	simm.s32 $0x2000;
	s0 =	sadd.s32 s4, s0  }
0x2fa: {  	[tilespmem:s21], [sflag:$0x1] =	stream.strided.gather [hbm4b:s0+s22], $0x400, s28, s22, $0x38;
	[tilespmem:$0x1FC00] =	vst v63  }
.LBB2_11:
0x2fb: {  	s1 =	sld [smem:$0x7EC];
	_ =	sdelay $0x1  }
0x2fc: {  	s0 =	sshll.u32 s7, $0xB  }
0x2fd: {  	s0 =	sadd.s32 s1, s0  }
0x2fe: {  	s3 =	rddreg [dreg:$0xb];
	s1 =	sshll.u32 s0, $0x2  }
0x2ff: {  	s1 =	sadd.s32 s3, s1  }
0x300: {  	s1 =	sshrl.u32 s1, $0x3  }
0x301: {  	s21 =	sadd.s32 s8, s1  }
0x302: {  	[tilespmem:s6], [sflag:$0x2] =	stream.strided.gather [hbm4b:s21+s22], $0x400, s26, s22, $0x38;
	[tilespmem:$0x1FC00] =	vst v63  }
0x303: {  	s15 =	sadd.s32 s9, s1;
	s16 =	sor.u32 $0x10, s1  }
0x304: {  	[tilespmem:s29], [sflag:$0x2] =	stream.strided.gather [hbm4b:s15+s22], $0x400, s26, s22, $0x38;
	[tilespmem:$0x1FC00] =	vst v63  }
0x305: {  	s18 =	sadd.s32 s8, s16  }
0x306: {  	[tilespmem:s31], [sflag:$0x2] =	stream.strided.gather [hbm4b:s18+s22], $0x400, s26, s22, $0x38;
	[tilespmem:$0x1FC00] =	vst v63  }
0x307: {  	s3 =	sadd.s32 s9, s16;
	s21 =	sor.u32 $0x20, s1  }
0x308: {  	[tilespmem:s23], [sflag:$0x2] =	stream.strided.gather [hbm4b:s3+s22], $0x400, s26, s22, $0x38;
	[tilespmem:$0x1FC00] =	vst v63  }
0x309: {  	s16 =	simm.s32 $0x1E800;
	s15 =	sadd.s32 s8, s21  }
0x30a: {  	[tilespmem:s20], [sflag:$0x2] =	stream.strided.gather [hbm4b:s15+s22], $0x400, s26, s22, $0x38;
	[tilespmem:$0x1FC00] =	vst v63  }
0x30b: {  	s1 =	sor.u32 $0x30, s1;
	s3 =	sadd.s32 s9, s21;
	s21 =	sld [smem:$0x7D5]  }
0x30c: {  	[tilespmem:s16], [sflag:$0x2] =	stream.strided.gather [hbm4b:s3+s22], $0x400, s26, s22, $0x38;
	[tilespmem:$0x1FC00] =	vst v63  }
0x30d: {  	s0 =	sshll.u32 s0, $0x3;
	s18 =	sadd.s32 s8, s1;
	s3 =	sld [smem:$0x7D8]  }
0x30e: {  	[tilespmem:s11], [sflag:$0x2] =	stream.strided.gather [hbm4b:s18+s22], $0x400, s26, s22, $0x38;
	[tilespmem:$0x1FC00] =	vst v63  }
0x30f: {  	s1 =	sadd.s32 s9, s1;
	s20 =	simm.s32 $0x1F000;
	s0 =	sadd.s32 s21, s0  }
0x310: {  	[tilespmem:s20], [sflag:$0x2] =	stream.strided.gather [hbm4b:s1+s22], $0x400, s26, s22, $0x38;
	[tilespmem:$0x1FC00] =	vst v63  }
0x311: {  	s1 =	sor.u32 s3, s0  }
0x312: {  	s11 =	sld [smem:$0x7D6];
	s1 =	sshrl.u32 s1, $0x3  }
0x313: {  	s6 =	simm.s32 $0x1C400;
	s1 =	sadd.s32 s4, s1  }
0x314: {  	[tilespmem:s6], [sflag:$0x2] =	stream.strided.gather [hbm4b:s1+s22], $0x400, s28, s22, $0x38;
	[tilespmem:$0x1FC00] =	vst v63  }
0x315: {  	s1 =	sor.u32 s11, s0  }
0x316: {  	s16 =	sld [smem:$0x7D7];
	s1 =	sshrl.u32 s1, $0x3  }
0x317: {  	s15 =	simm.s32 $0x1C800;
	s20 =	sld [smem:$0x7D9];
	s1 =	sadd.s32 s4, s1  }
0x318: {  	[tilespmem:s15], [sflag:$0x2] =	stream.strided.gather [hbm4b:s1+s22], $0x400, s28, s22, $0x38;
	[tilespmem:$0x1FC00] =	vst v63  }
0x319: {  	s1 =	sor.u32 s16, s0  }
0x31a: {  	s0 =	sor.u32 s20, s0;
	s1 =	sshrl.u32 s1, $0x3  }
0x31b: {  	s18 =	simm.s32 $0x1CC00;
	s0 =	sshrl.u32 s0, $0x3;
	s1 =	sadd.s32 s4, s1  }
0x31c: {  	[tilespmem:s18], [sflag:$0x2] =	stream.strided.gather [hbm4b:s1+s22], $0x400, s28, s22, $0x38;
	[tilespmem:$0x1FC00] =	vst v63  }
0x31d: {  	s21 =	simm.s32 $0x1D000;
	s0 =	sadd.s32 s4, s0  }
0x31e: {  	[tilespmem:s21], [sflag:$0x2] =	stream.strided.gather [hbm4b:s0+s22], $0x400, s28, s22, $0x38;
	[tilespmem:$0x1FC00] =	vst v63  }
0x31f: {  	_ =	swait.ge [sflag:s13], $0x400  }
0x320: {  	[sflag:s13] =	ssyncset.done $0x0  }
0x321: {  	[sflag:s13] =	ssyncadd.s32 $0xFFFFFC00  }
0x322: {  	_ =	swait.ge [sflag:s13], $0x400  }
0x323: {  	[sflag:s13] =	ssyncset.done $0x0  }
0x324: {  	[sflag:s13] =	ssyncadd.s32 $0xFFFFFC00  }
0x325: {  	_ =	swait.ge [sflag:s13], $0x400  }
0x326: {  	[sflag:s13] =	ssyncset.done $0x0  }
0x327: {  	[sflag:s13] =	ssyncadd.s32 $0xFFFFFC00  }
0x328: {  	_ =	swait.ge [sflag:s13], $0x400  }
0x329: {  	[sflag:s13] =	ssyncset.done $0x0  }
0x32a: {  	[sflag:s13] =	ssyncadd.s32 $0xFFFFFC00  }
0x32b: {  	_ =	swait.ge [sflag:s13], $0x400  }
0x32c: {  	[sflag:s13] =	ssyncset.done $0x0  }
0x32d: {  	[sflag:s13] =	ssyncadd.s32 $0xFFFFFC00  }
0x32e: {  	_ =	swait.ge [sflag:s13], $0x400  }
0x32f: {  	[sflag:s13] =	ssyncset.done $0x0  }
0x330: {  	[sflag:s13] =	ssyncadd.s32 $0xFFFFFC00  }
0x331: {  	_ =	swait.ge [sflag:s13], $0x400  }
0x332: {  	[sflag:s13] =	ssyncset.done $0x0  }
0x333: {  	[sflag:s13] =	ssyncadd.s32 $0xFFFFFC00  }
0x334: {  	_ =	swait.ge [sflag:s13], $0x400  }
0x335: {  	[sflag:s13] =	ssyncset.done $0x0  }
0x336: {  	[sflag:s13] =	ssyncadd.s32 $0xFFFFFC00  }
0x337: {  	_ =	swait.ge [sflag:s13], $0x400  }
0x338: {  	[sflag:s13] =	ssyncset.done $0x0  }
0x339: {  	[sflag:s13] =	ssyncadd.s32 $0xFFFFFC00  }
0x33a: {  	_ =	swait.ge [sflag:s13], $0x400  }
0x33b: {  	[sflag:s13] =	ssyncset.done $0x0  }
0x33c: {  	[sflag:s13] =	ssyncadd.s32 $0xFFFFFC00  }
0x33d: {  	_ =	swait.ge [sflag:s13], $0x400  }
0x33e: {  	[sflag:s13] =	ssyncset.done $0x0  }
0x33f: {  	[sflag:s13] =	ssyncadd.s32 $0xFFFFFC00  }
0x340: {  	_ =	swait.ge [sflag:s13], $0x400  }
0x341: {  	[sflag:s13] =	ssyncset.done $0x0  }
0x342: {  	s11 =	simm.s32 $0x0;
	[sflag:s13] =	ssyncadd.s32 $0xFFFFFC00  }
0x343: {  	v3 =	vld [tilespmem:s11+$0x1D400]  }
0x344: {  	v4 =	vld [tilespmem:s11+$0x1B400];
	_ =	sdelay $0x2  }
0x345: {  	v1 =	vld [tilespmem:s11+$0x1D410]  }
0x346: {  	v5 =	vld [tilespmem:s11+$0x1B810]  }
0x347: {  	v2 =	vld [tilespmem:s11+$0x1B410];
	v7 =	vmul.f32 v4, v3  }
0x348: {  	s16 =	simm.s32 $0x0;
	v6 =	vld [tilespmem:s11+$0x1BC10]  }
0x349: {  	s15 =	sand.u32 $0x3C0, s16;
	v8 =	vld [tilespmem:s11+$0x1C010];
	[tilespmem:s11+$0x17400] =	vst v7  }
0x34a: {  	v9 =	vld [tilespmem:s15+$0x1B800]  }
0x34b: {  	v10 =	vld [tilespmem:s11+$0x1C010];
	v5 =	vmul.f32 v5, v1  }
0x34c: {  	v2 =	vmul.f32 v2, v1;
	v7 =	vld [tilespmem:s11+$0x1DC10]  }
0x34d: {  	[tilespmem:s11+$0x17810] =	vst v5;
	v5 =	vld [tilespmem:s11+$0x1B810]  }
0x34e: {  	v6 =	vmul.f32 v6, v1;
	[tilespmem:s11+$0x17410] =	vst v2;
	v2 =	vld [tilespmem:s11+$0x1B410]  }
0x34f: {  	v11 =	vld [tilespmem:s11+$0x1D420];
	v9 =	vmul.f32 v9, v3  }
0x350: {  	v1 =	vmul.f32 v8, v1;
	[tilespmem:s11+$0x17C10] =	vst v6;
	v6 =	vld [tilespmem:s11+$0x1BC10]  }
0x351: {  	[tilespmem:s11+$0x17800] =	vst v9;
	v9 =	vld [tilespmem:s11+$0x1B420]  }
0x352: {  	[tilespmem:s11+$0x18010] =	vst v1;
	v1 =	vmul.f32 v5, v7;
	v8 =	vld [tilespmem:s15+$0x1BC00]  }
0x353: {  	v2 =	vmul.f32 v2, v7;
	v5 =	vld [tilespmem:s11+$0x1B820]  }
0x354: {  	[tilespmem:s11+$0x18810] =	vst v1;
	v1 =	vmul.f32 v10, v7;
	v10 =	vld [tilespmem:s11+$0x1DC20]  }
0x355: {  	[tilespmem:s11+$0x18410] =	vst v2;
	v2 =	vmul.f32 v6, v7;
	v6 =	vld [tilespmem:s11+$0x1BC20]  }
0x356: {  	v7 =	vld [tilespmem:s11+$0x1C020];
	[tilespmem:s11+$0x19010] =	vst v1;
	v1 =	vmul.f32 v9, v11  }
0x357: {  	v62 =	vld [tilespmem:s11+$0x1BC30];
	[tilespmem:s11+$0x18C10] =	vst v2;
	v8 =	vmul.f32 v8, v3  }
0x358: {  	v12 =	vmul.f32 v5, v11;
	v9 =	vld [tilespmem:s11+$0x1B420];
	[tilespmem:s11+$0x17420] =	vst v1  }
0x359: {  	v5 =	vmul.f32 v5, v10;
	v1 =	vld [tilespmem:s11+$0x1DC00];
	[tilespmem:s11+$0x17C00] =	vst v8  }
0x35a: {  	[tilespmem:s11+$0x17820] =	vst v12;
	v8 =	vmul.f32 v6, v11;
	v13 =	vld [tilespmem:s15+$0x1C000]  }
0x35b: {  	v2 =	vld [tilespmem:s11+$0x1D430];
	[tilespmem:s11+$0x18820] =	vst v5;
	v11 =	vmul.f32 v7, v11  }
0x35c: {  	v6 =	vmul.f32 v6, v10;
	[tilespmem:s11+$0x17C20] =	vst v8;
	v8 =	vld [tilespmem:s11+$0x1B430]  }
0x35d: {  	[tilespmem:s11+$0x18020] =	vst v11;
	v9 =	vmul.f32 v9, v10;
	v11 =	vld [tilespmem:s11+$0x1B830]  }
0x35e: {  	[tilespmem:s11+$0x18C20] =	vst v6;
	v5 =	vmul.f32 v4, v1;
	v4 =	vld [tilespmem:s11+$0x1C030]  }
0x35f: {  	[tilespmem:s11+$0x18420] =	vst v9;
	v9 =	vmul.f32 v13, v3;
	v3 =	vld [tilespmem:s11+$0x1DC30]  }
0x360: {  	v63 =	vmul.f32 v7, v10;
	[tilespmem:s11+$0x18400] =	vst v5;
	v5 =	vld [tilespmem:s11+$0x1B430]  }
0x361: {  	v6 =	vld [tilespmem:s11+$0x1B830];
	v10 =	vmul.f32 v8, v2;
	[tilespmem:s11+$0x18000] =	vst v9  }
0x362: {  	s20 =	simm.s32 $0x100;
	s18 =	simm.s32 $0x0;
	[tilespmem:s11+$0x19020] =	vst v63;
	v8 =	vmul.f32 v11, v2;
	v9 =	vmul.f32 v62, v2;
	v7 =	vld [tilespmem:s15+$0x1B800]  }
.LBB2_12:
0x363: {  	s0 =	sshra.s32 s20, $0x2;
	[tilespmem:s11+$0x17430] =	vst v10;
	v2 =	vmul.f32 v4, v2;
	v10 =	vld [tilespmem:s11+$0x1BC30]  }
0x364: {  	s18 =	sadd.s32 $0x4, s18;
	v11 =	vld [tilespmem:s0+$0x1D400];
	[tilespmem:s11+$0x17830] =	vst v8;
	v4 =	vmul.f32 v4, v3  }
0x365: {  	p0 =	slt.u32 s18, $0x3C;
	v8 =	vld [tilespmem:s0+$0x1B400];
	[tilespmem:s11+$0x17C30] =	vst v9;
	v5 =	vmul.f32 v5, v3  }
0x366: {  	v9 =	vld [tilespmem:s0+$0x1D410];
	[tilespmem:s11+$0x18030] =	vst v2;
	v2 =	vmul.f32 v6, v3  }
0x367: {  	v6 =	vld [tilespmem:s0+$0x1B410];
	v7 =	vmul.f32 v7, v1;
	[tilespmem:s11+$0x18430] =	vst v5  }
0x368: {  	v5 =	vld [tilespmem:s0+$0x1B810];
	[tilespmem:s11+$0x18830] =	vst v2;
	v2 =	vmul.f32 v10, v3  }
0x369: {  	v3 =	vld [tilespmem:s0+$0x1BC10];
	[tilespmem:s11+$0x18800] =	vst v7  }
0x36a: {  	v7 =	vmul.f32 v8, v11;
	v10 =	vld [tilespmem:s15+$0x1BC00];
	[tilespmem:s11+$0x18C30] =	vst v2  }
0x36b: {  	s16 =	sadd.s32 $0x40, s16;
	v2 =	vld [tilespmem:s0+$0x1C010];
	[tilespmem:s11+$0x19030] =	vst v4  }
0x36c: {  	s1 =	sand.u32 $0x3C0, s16;
	[tilespmem:s0+$0x17400] =	vst v7;
	v4 =	vmul.f32 v6, v9;
	v6 =	vld [tilespmem:s0+$0x1DC10]  }
0x36d: {  	v7 =	vld [tilespmem:s1+$0x1B800];
	v5 =	vmul.f32 v5, v9  }
0x36e: {  	[tilespmem:s0+$0x17410] =	vst v4;
	v3 =	vmul.f32 v3, v9;
	v4 =	vld [tilespmem:s0+$0x1B410]  }
0x36f: {  	[tilespmem:s0+$0x17810] =	vst v5;
	v5 =	vld [tilespmem:s0+$0x1B810];
	v10 =	vmul.f32 v10, v1  }
0x370: {  	[tilespmem:s0+$0x17C10] =	vst v3;
	v2 =	vmul.f32 v2, v9;
	v3 =	vld [tilespmem:s0+$0x1BC10]  }
0x371: {  	v9 =	vld [tilespmem:s0+$0x1C010];
	[tilespmem:s11+$0x18C00] =	vst v10  }
0x372: {  	v7 =	vmul.f32 v7, v11;
	[tilespmem:s0+$0x18010] =	vst v2;
	v2 =	vld [tilespmem:s15+$0x1C000];
	s15 =	smov.u32 s1  }
0x373: {  	v4 =	vmul.f32 v4, v6;
	v10 =	vld [tilespmem:s0+$0x1D420]  }
0x374: {  	[tilespmem:s0+$0x17800] =	vst v7;
	v5 =	vmul.f32 v5, v6;
	v7 =	vld [tilespmem:s0+$0x1B420]  }
0x375: {  	v12 =	vld [tilespmem:s15+$0x1BC00];
	[tilespmem:s0+$0x18410] =	vst v4;
	v3 =	vmul.f32 v3, v6  }
0x376: {  	[tilespmem:s0+$0x18810] =	vst v5;
	v4 =	vmul.f32 v9, v6;
	v5 =	vld [tilespmem:s0+$0x1B820]  }
0x377: {  	[tilespmem:s0+$0x18C10] =	vst v3;
	v3 =	vld [tilespmem:s0+$0x1BC20];
	v1 =	vmul.f32 v2, v1  }
0x378: {  	[tilespmem:s0+$0x19010] =	vst v4;
	v4 =	vld [tilespmem:s0+$0x1C020]  }
0x379: {  	v2 =	vmul.f32 v7, v10;
	v6 =	vld [tilespmem:s0+$0x1DC20];
	[tilespmem:s11+$0x19000] =	vst v1;
	s11 =	smov.u32 s0  }
0x37a: {  	v1 =	vmul.f32 v12, v11;
	v7 =	vld [tilespmem:s11+$0x1B420]  }
0x37b: {  	[tilespmem:s11+$0x17420] =	vst v2;
	v9 =	vmul.f32 v5, v10;
	v2 =	vld [tilespmem:s11+$0x1D430]  }
0x37c: {  	[tilespmem:s11+$0x17C00] =	vst v1;
	v1 =	vld [tilespmem:s11+$0x1DC00];
	v12 =	vmul.f32 v3, v10  }
0x37d: {  	v13 =	vld [tilespmem:s15+$0x1C000];
	[tilespmem:s11+$0x17820] =	vst v9;
	v9 =	vmul.f32 v4, v10  }
0x37e: {  	[tilespmem:s11+$0x17C20] =	vst v12;
	v5 =	vmul.f32 v5, v6;
	v3 =	vmul.f32 v3, v6;
	v10 =	vld [tilespmem:s11+$0x1B430]  }
0x37f: {  	[tilespmem:s11+$0x18020] =	vst v9;
	v7 =	vmul.f32 v7, v6;
	v9 =	vmul.f32 v4, v6;
	v6 =	vld [tilespmem:s11+$0x1B830]  }
0x380: {  	[tilespmem:s11+$0x18820] =	vst v5;
	v12 =	vld [tilespmem:s11+$0x1BC30]  }
.Ltmp4:
0x381: {  	v5 =	vmul.f32 v8, v1;
	[tilespmem:s11+$0x18420] =	vst v7;
	v4 =	vld [tilespmem:s11+$0x1C030];
	(pc) =	sbr.rel @p0 .LBB2_12-.Ltmp4, $4  }
0x382: {  	v7 =	vmul.f32 v13, v11;
	[tilespmem:s11+$0x18C20] =	vst v3;
	v3 =	vld [tilespmem:s11+$0x1DC30]  }
0x383: {  	[tilespmem:s11+$0x18400] =	vst v5;
	v10 =	vmul.f32 v10, v2;
	v5 =	vld [tilespmem:s11+$0x1B430]  }
0x384: {  	[tilespmem:s11+$0x18000] =	vst v7;
	v8 =	vmul.f32 v6, v2;
	v6 =	vld [tilespmem:s11+$0x1B830]  }
0x385: {  	s20 =	sadd.s32 $0x100, s20;
	v7 =	vld [tilespmem:s15+$0x1B800];
	[tilespmem:s11+$0x19020] =	vst v9;
	v9 =	vmul.f32 v12, v2  }
0x386: {  	_ =	sdelay $0x3  }
0x387: {  	v7 =	vmul.f32 v7, v1;
	_ =	sdelay $0x1  }
0x388: {  	[tilespmem:s11+$0x18800] =	vst v7  }
0x389: {  	v7 =	vld [tilespmem:s15+$0x1BC00];
	_ =	sdelay $0x4  }
0x38a: {  	v7 =	vmul.f32 v7, v1  }
0x38b: {  	[tilespmem:s11+$0x17430] =	vst v10;
	v10 =	vld [tilespmem:s11+$0x1BC30]  }
0x38c: {  	[tilespmem:s11+$0x18C00] =	vst v7  }
0x38d: {  	v2 =	vmul.f32 v4, v2;
	[tilespmem:s11+$0x17830] =	vst v8;
	v7 =	vld [tilespmem:s15+$0x1C000]  }
0x38e: {  	[tilespmem:s11+$0x17C30] =	vst v9;
	v5 =	vmul.f32 v5, v3  }
0x38f: {  	[tilespmem:s11+$0x18030] =	vst v2;
	v2 =	vmul.f32 v6, v3  }
0x390: {  	[tilespmem:s11+$0x18430] =	vst v5;
	v5 =	vmul.f32 v10, v3  }
0x391: {  	v3 =	vmul.f32 v4, v3;
	[tilespmem:s11+$0x18830] =	vst v2  }
0x392: {  	[tilespmem:s11+$0x18C30] =	vst v5;
	v1 =	vmul.f32 v7, v1  }
0x393: {  	[tilespmem:s11+$0x19030] =	vst v3  }
0x394: {  	s0 =	simm.s32 $0x17400;
	[tilespmem:s11+$0x19000] =	vst v1  }
0x395: {  	[spmem:s2] =	stream.indirect.scatter.add.f32 [tilespmem:s0], [sflag:$0x4], $0x1, s28, s28, $0xb8;
	[tilespmem:$0x1FC00] =	vst v63  }
0x396: {  	s6 =	simm.s32 $0x17800  }
0x397: {  	[spmem:s5] =	stream.indirect.scatter.add.f32 [tilespmem:s6], [sflag:$0x4], $0x1, s28, s28, $0xb8;
	[tilespmem:$0x1FC00] =	vst v63  }
0x398: {  	s11 =	simm.s32 $0x17C00  }
0x399: {  	[spmem:s19] =	stream.indirect.scatter.add.f32 [tilespmem:s11], [sflag:$0x4], $0x1, s28, s28, $0xb8;
	[tilespmem:$0x1FC00] =	vst v63  }
0x39a: {  	s15 =	simm.s32 $0x18000  }
0x39b: {  	[spmem:s30] =	stream.indirect.scatter.add.f32 [tilespmem:s15], [sflag:$0x4], $0x1, s28, s28, $0xb8;
	[tilespmem:$0x1FC00] =	vst v63  }
0x39c: {  	s16 =	simm.s32 $0x18400  }
0x39d: {  	[spmem:s2] =	stream.indirect.scatter.add.f32 [tilespmem:s16], [sflag:$0x4], $0x1, s14, s28, $0xb8;
	[tilespmem:$0x1FC00] =	vst v63  }
0x39e: {  	s18 =	simm.s32 $0x18800  }
0x39f: {  	[spmem:s5] =	stream.indirect.scatter.add.f32 [tilespmem:s18], [sflag:$0x4], $0x1, s14, s28, $0xb8;
	[tilespmem:$0x1FC00] =	vst v63  }
0x3a0: {  	s20 =	simm.s32 $0x18C00  }
0x3a1: {  	[spmem:s19] =	stream.indirect.scatter.add.f32 [tilespmem:s20], [sflag:$0x4], $0x1, s14, s28, $0xb8;
	[tilespmem:$0x1FC00] =	vst v63  }
0x3a2: {  	s21 =	simm.s32 $0x19000;
	s11 =	simm.s32 $0x0  }
0x3a3: {  	[spmem:s30] =	stream.indirect.scatter.add.f32 [tilespmem:s21], [sflag:$0x4], $0x1, s14, s28, $0xb8;
	[tilespmem:$0x1FC00] =	vst v63  }
0x3a4: {  	v3 =	vld [tilespmem:s11+$0x1E400]  }
0x3a5: {  	v4 =	vld [tilespmem:s11+$0x1B400];
	_ =	sdelay $0x2  }
0x3a6: {  	v1 =	vld [tilespmem:s11+$0x1E410]  }
0x3a7: {  	v5 =	vld [tilespmem:s11+$0x1B810]  }
0x3a8: {  	v2 =	vld [tilespmem:s11+$0x1B410];
	v7 =	vmul.f32 v4, v3  }
0x3a9: {  	s16 =	simm.s32 $0x0;
	v6 =	vld [tilespmem:s11+$0x1BC10]  }
0x3aa: {  	s15 =	sand.u32 $0x3C0, s16;
	v8 =	vld [tilespmem:s11+$0x1C010];
	[tilespmem:s11+$0x19400] =	vst v7  }
0x3ab: {  	v9 =	vld [tilespmem:s15+$0x1B800]  }
0x3ac: {  	v10 =	vld [tilespmem:s11+$0x1C010];
	v5 =	vmul.f32 v5, v1  }
0x3ad: {  	v2 =	vmul.f32 v2, v1;
	v7 =	vld [tilespmem:s11+$0x1EC10]  }
0x3ae: {  	[tilespmem:s11+$0x19810] =	vst v5;
	v5 =	vld [tilespmem:s11+$0x1B810]  }
0x3af: {  	v6 =	vmul.f32 v6, v1;
	[tilespmem:s11+$0x19410] =	vst v2;
	v2 =	vld [tilespmem:s11+$0x1B410]  }
0x3b0: {  	v11 =	vld [tilespmem:s11+$0x1E420];
	v9 =	vmul.f32 v9, v3  }
0x3b1: {  	v1 =	vmul.f32 v8, v1;
	[tilespmem:s11+$0x19C10] =	vst v6;
	v6 =	vld [tilespmem:s11+$0x1BC10]  }
0x3b2: {  	[tilespmem:s11+$0x19800] =	vst v9;
	v9 =	vld [tilespmem:s11+$0x1B420]  }
0x3b3: {  	[tilespmem:s11+$0x1A010] =	vst v1;
	v1 =	vmul.f32 v5, v7;
	v8 =	vld [tilespmem:s15+$0x1BC00]  }
0x3b4: {  	v2 =	vmul.f32 v2, v7;
	v5 =	vld [tilespmem:s11+$0x1B820]  }
0x3b5: {  	[tilespmem:s11+$0x1A810] =	vst v1;
	v1 =	vmul.f32 v10, v7;
	v10 =	vld [tilespmem:s11+$0x1EC20]  }
0x3b6: {  	[tilespmem:s11+$0x1A410] =	vst v2;
	v2 =	vmul.f32 v6, v7;
	v6 =	vld [tilespmem:s11+$0x1BC20]  }
0x3b7: {  	v7 =	vld [tilespmem:s11+$0x1C020];
	[tilespmem:s11+$0x1B010] =	vst v1;
	v1 =	vmul.f32 v9, v11  }
0x3b8: {  	v62 =	vld [tilespmem:s11+$0x1BC30];
	[tilespmem:s11+$0x1AC10] =	vst v2;
	v8 =	vmul.f32 v8, v3  }
0x3b9: {  	v12 =	vmul.f32 v5, v11;
	v9 =	vld [tilespmem:s11+$0x1B420];
	[tilespmem:s11+$0x19420] =	vst v1  }
0x3ba: {  	v5 =	vmul.f32 v5, v10;
	v1 =	vld [tilespmem:s11+$0x1EC00];
	[tilespmem:s11+$0x19C00] =	vst v8  }
0x3bb: {  	[tilespmem:s11+$0x19820] =	vst v12;
	v8 =	vmul.f32 v6, v11;
	v13 =	vld [tilespmem:s15+$0x1C000]  }
0x3bc: {  	v2 =	vld [tilespmem:s11+$0x1E430];
	[tilespmem:s11+$0x1A820] =	vst v5;
	v11 =	vmul.f32 v7, v11  }
0x3bd: {  	v6 =	vmul.f32 v6, v10;
	[tilespmem:s11+$0x19C20] =	vst v8;
	v8 =	vld [tilespmem:s11+$0x1B430]  }
0x3be: {  	[tilespmem:s11+$0x1A020] =	vst v11;
	v9 =	vmul.f32 v9, v10;
	v11 =	vld [tilespmem:s11+$0x1B830]  }
0x3bf: {  	[tilespmem:s11+$0x1AC20] =	vst v6;
	v5 =	vmul.f32 v4, v1;
	v4 =	vld [tilespmem:s11+$0x1C030]  }
0x3c0: {  	[tilespmem:s11+$0x1A420] =	vst v9;
	v9 =	vmul.f32 v13, v3;
	v3 =	vld [tilespmem:s11+$0x1EC30]  }
0x3c1: {  	v63 =	vmul.f32 v7, v10;
	[tilespmem:s11+$0x1A400] =	vst v5;
	v5 =	vld [tilespmem:s11+$0x1B430]  }
0x3c2: {  	v6 =	vld [tilespmem:s11+$0x1B830];
	v10 =	vmul.f32 v8, v2;
	[tilespmem:s11+$0x1A000] =	vst v9  }
0x3c3: {  	s18 =	simm.s32 $0x0;
	s20 =	simm.s32 $0x100;
	s21 =	simm.s32 $0x1C00;
	[tilespmem:s11+$0x1B020] =	vst v63;
	v8 =	vmul.f32 v11, v2;
	v9 =	vmul.f32 v62, v2;
	v7 =	vld [tilespmem:s15+$0x1B800]  }
.LBB2_14:
0x3c4: {  	s0 =	sshra.s32 s20, $0x2;
	[tilespmem:s11+$0x19430] =	vst v10;
	v2 =	vmul.f32 v4, v2;
	v10 =	vld [tilespmem:s11+$0x1BC30]  }
0x3c5: {  	s18 =	sadd.s32 $0x4, s18;
	v11 =	vld [tilespmem:s0+$0x1E400];
	[tilespmem:s11+$0x19830] =	vst v8;
	v4 =	vmul.f32 v4, v3  }
0x3c6: {  	p0 =	slt.u32 s18, $0x3C;
	v8 =	vld [tilespmem:s0+$0x1B400];
	[tilespmem:s11+$0x19C30] =	vst v9;
	v5 =	vmul.f32 v5, v3  }
0x3c7: {  	v9 =	vld [tilespmem:s0+$0x1E410];
	[tilespmem:s11+$0x1A030] =	vst v2;
	v2 =	vmul.f32 v6, v3  }
0x3c8: {  	v6 =	vld [tilespmem:s0+$0x1B410];
	v7 =	vmul.f32 v7, v1;
	[tilespmem:s11+$0x1A430] =	vst v5  }
0x3c9: {  	v5 =	vld [tilespmem:s0+$0x1B810];
	[tilespmem:s11+$0x1A830] =	vst v2;
	v2 =	vmul.f32 v10, v3  }
0x3ca: {  	v3 =	vld [tilespmem:s0+$0x1BC10];
	[tilespmem:s11+$0x1A800] =	vst v7  }
0x3cb: {  	v7 =	vmul.f32 v8, v11;
	v10 =	vld [tilespmem:s15+$0x1BC00];
	[tilespmem:s11+$0x1AC30] =	vst v2  }
0x3cc: {  	s16 =	sadd.s32 $0x40, s16;
	v2 =	vld [tilespmem:s0+$0x1C010];
	[tilespmem:s11+$0x1B030] =	vst v4  }
0x3cd: {  	s1 =	sand.u32 $0x3C0, s16;
	[tilespmem:s0+$0x19400] =	vst v7;
	v4 =	vmul.f32 v6, v9;
	v6 =	vld [tilespmem:s0+$0x1EC10]  }
0x3ce: {  	v7 =	vld [tilespmem:s1+$0x1B800];
	v5 =	vmul.f32 v5, v9  }
0x3cf: {  	[tilespmem:s0+$0x19410] =	vst v4;
	v3 =	vmul.f32 v3, v9;
	v4 =	vld [tilespmem:s0+$0x1B410]  }
0x3d0: {  	[tilespmem:s0+$0x19810] =	vst v5;
	v5 =	vld [tilespmem:s0+$0x1B810];
	v10 =	vmul.f32 v10, v1  }
0x3d1: {  	[tilespmem:s0+$0x19C10] =	vst v3;
	v2 =	vmul.f32 v2, v9;
	v3 =	vld [tilespmem:s0+$0x1BC10]  }
0x3d2: {  	v9 =	vld [tilespmem:s0+$0x1C010];
	[tilespmem:s11+$0x1AC00] =	vst v10  }
0x3d3: {  	v7 =	vmul.f32 v7, v11;
	[tilespmem:s0+$0x1A010] =	vst v2;
	v2 =	vld [tilespmem:s15+$0x1C000];
	s15 =	smov.u32 s1  }
0x3d4: {  	v4 =	vmul.f32 v4, v6;
	v10 =	vld [tilespmem:s0+$0x1E420]  }
0x3d5: {  	[tilespmem:s0+$0x19800] =	vst v7;
	v5 =	vmul.f32 v5, v6;
	v7 =	vld [tilespmem:s0+$0x1B420]  }
0x3d6: {  	v12 =	vld [tilespmem:s15+$0x1BC00];
	[tilespmem:s0+$0x1A410] =	vst v4;
	v3 =	vmul.f32 v3, v6  }
0x3d7: {  	[tilespmem:s0+$0x1A810] =	vst v5;
	v4 =	vmul.f32 v9, v6;
	v5 =	vld [tilespmem:s0+$0x1B820]  }
0x3d8: {  	[tilespmem:s0+$0x1AC10] =	vst v3;
	v3 =	vld [tilespmem:s0+$0x1BC20];
	v1 =	vmul.f32 v2, v1  }
0x3d9: {  	[tilespmem:s0+$0x1B010] =	vst v4;
	v4 =	vld [tilespmem:s0+$0x1C020]  }
0x3da: {  	v2 =	vmul.f32 v7, v10;
	v6 =	vld [tilespmem:s0+$0x1EC20];
	[tilespmem:s11+$0x1B000] =	vst v1;
	s11 =	smov.u32 s0  }
0x3db: {  	v1 =	vmul.f32 v12, v11;
	v7 =	vld [tilespmem:s11+$0x1B420]  }
0x3dc: {  	[tilespmem:s11+$0x19420] =	vst v2;
	v9 =	vmul.f32 v5, v10;
	v2 =	vld [tilespmem:s11+$0x1E430]  }
0x3dd: {  	[tilespmem:s11+$0x19C00] =	vst v1;
	v1 =	vld [tilespmem:s11+$0x1EC00];
	v12 =	vmul.f32 v3, v10  }
0x3de: {  	v13 =	vld [tilespmem:s15+$0x1C000];
	[tilespmem:s11+$0x19820] =	vst v9;
	v9 =	vmul.f32 v4, v10  }
0x3df: {  	[tilespmem:s11+$0x19C20] =	vst v12;
	v5 =	vmul.f32 v5, v6;
	v3 =	vmul.f32 v3, v6;
	v10 =	vld [tilespmem:s11+$0x1B430]  }
0x3e0: {  	[tilespmem:s11+$0x1A020] =	vst v9;
	v7 =	vmul.f32 v7, v6;
	v9 =	vmul.f32 v4, v6;
	v6 =	vld [tilespmem:s11+$0x1B830]  }
0x3e1: {  	[tilespmem:s11+$0x1A820] =	vst v5;
	v12 =	vld [tilespmem:s11+$0x1BC30]  }
.Ltmp5:
0x3e2: {  	v5 =	vmul.f32 v8, v1;
	[tilespmem:s11+$0x1A420] =	vst v7;
	v4 =	vld [tilespmem:s11+$0x1C030];
	(pc) =	sbr.rel @p0 .LBB2_14-.Ltmp5, $4  }
0x3e3: {  	v7 =	vmul.f32 v13, v11;
	[tilespmem:s11+$0x1AC20] =	vst v3;
	v3 =	vld [tilespmem:s11+$0x1EC30]  }
0x3e4: {  	[tilespmem:s11+$0x1A400] =	vst v5;
	v10 =	vmul.f32 v10, v2;
	v5 =	vld [tilespmem:s11+$0x1B430]  }
0x3e5: {  	[tilespmem:s11+$0x1A000] =	vst v7;
	v8 =	vmul.f32 v6, v2;
	v6 =	vld [tilespmem:s11+$0x1B830]  }
0x3e6: {  	s20 =	sadd.s32 $0x100, s20;
	v7 =	vld [tilespmem:s15+$0x1B800];
	[tilespmem:s11+$0x1B020] =	vst v9;
	v9 =	vmul.f32 v12, v2  }
0x3e7: {  	_ =	sdelay $0x3  }
0x3e8: {  	v7 =	vmul.f32 v7, v1;
	_ =	sdelay $0x1  }
0x3e9: {  	[tilespmem:s11+$0x1A800] =	vst v7  }
0x3ea: {  	v7 =	vld [tilespmem:s15+$0x1BC00];
	_ =	sdelay $0x4  }
0x3eb: {  	v7 =	vmul.f32 v7, v1  }
0x3ec: {  	[tilespmem:s11+$0x19430] =	vst v10;
	v10 =	vld [tilespmem:s11+$0x1BC30]  }
0x3ed: {  	[tilespmem:s11+$0x1AC00] =	vst v7  }
0x3ee: {  	v2 =	vmul.f32 v4, v2;
	[tilespmem:s11+$0x19830] =	vst v8;
	v7 =	vld [tilespmem:s15+$0x1C000]  }
0x3ef: {  	[tilespmem:s11+$0x19C30] =	vst v9;
	v5 =	vmul.f32 v5, v3  }
0x3f0: {  	[tilespmem:s11+$0x1A030] =	vst v2;
	v2 =	vmul.f32 v6, v3  }
0x3f1: {  	[tilespmem:s11+$0x1A430] =	vst v5;
	v5 =	vmul.f32 v10, v3  }
0x3f2: {  	v3 =	vmul.f32 v4, v3;
	[tilespmem:s11+$0x1A830] =	vst v2  }
0x3f3: {  	[tilespmem:s11+$0x1AC30] =	vst v5;
	v1 =	vmul.f32 v7, v1  }
0x3f4: {  	[tilespmem:s11+$0x1B030] =	vst v3  }
0x3f5: {  	s0 =	simm.s32 $0x19400;
	[tilespmem:s11+$0x1B000] =	vst v1;
	s11 =	simm.s32 $0x1400  }
0x3f6: {  	[spmem:s2] =	stream.indirect.scatter.add.f32 [tilespmem:s0], [sflag:$0x4], $0x1, s11, s28, $0xb8;
	[tilespmem:$0x1FC00] =	vst v63  }
0x3f7: {  	s3 =	simm.s32 $0x19800  }
0x3f8: {  	[spmem:s5] =	stream.indirect.scatter.add.f32 [tilespmem:s3], [sflag:$0x4], $0x1, s11, s28, $0xb8;
	[tilespmem:$0x1FC00] =	vst v63  }
0x3f9: {  	s6 =	simm.s32 $0x19C00  }
0x3fa: {  	[spmem:s19] =	stream.indirect.scatter.add.f32 [tilespmem:s6], [sflag:$0x4], $0x1, s11, s28, $0xb8;
	[tilespmem:$0x1FC00] =	vst v63  }
0x3fb: {  	s15 =	simm.s32 $0x1A000  }
0x3fc: {  	[spmem:s30] =	stream.indirect.scatter.add.f32 [tilespmem:s15], [sflag:$0x4], $0x1, s11, s28, $0xb8;
	[tilespmem:$0x1FC00] =	vst v63  }
0x3fd: {  	s16 =	simm.s32 $0x1A400  }
0x3fe: {  	[spmem:s2] =	stream.indirect.scatter.add.f32 [tilespmem:s16], [sflag:$0x4], $0x1, s21, s28, $0xb8;
	[tilespmem:$0x1FC00] =	vst v63  }
0x3ff: {  	s18 =	simm.s32 $0x1A800  }
0x400: {  	[spmem:s5] =	stream.indirect.scatter.add.f32 [tilespmem:s18], [sflag:$0x4], $0x1, s21, s28, $0xb8;
	[tilespmem:$0x1FC00] =	vst v63  }
0x401: {  	s20 =	simm.s32 $0x1AC00  }
0x402: {  	[spmem:s19] =	stream.indirect.scatter.add.f32 [tilespmem:s20], [sflag:$0x4], $0x1, s21, s28, $0xb8;
	[tilespmem:$0x1FC00] =	vst v63  }
0x403: {  	s1 =	simm.s32 $0x1B000  }
0x404: {  	[spmem:s30] =	stream.indirect.scatter.add.f32 [tilespmem:s1], [sflag:$0x4], $0x1, s21, s28, $0xb8;
	[tilespmem:$0x1FC00] =	vst v63  }
0x405: {  	_ =	swait.ge [sflag:s24], $0x400  }
0x406: {  	[sflag:s24] =	ssyncset.done $0x0  }
0x407: {  	[sflag:s24] =	ssyncadd.s32 $0xFFFFFC00  }
0x408: {  	_ =	swait.ge [sflag:s24], $0x400  }
0x409: {  	[sflag:s24] =	ssyncset.done $0x0  }
0x40a: {  	[sflag:s24] =	ssyncadd.s32 $0xFFFFFC00  }
0x40b: {  	_ =	swait.ge [sflag:s24], $0x400  }
0x40c: {  	[sflag:s24] =	ssyncset.done $0x0  }
0x40d: {  	[sflag:s24] =	ssyncadd.s32 $0xFFFFFC00  }
0x40e: {  	_ =	swait.ge [sflag:s24], $0x400  }
0x40f: {  	[sflag:s24] =	ssyncset.done $0x0  }
0x410: {  	[sflag:s24] =	ssyncadd.s32 $0xFFFFFC00  }
0x411: {  	_ =	swait.ge [sflag:s24], $0x400  }
0x412: {  	[sflag:s24] =	ssyncset.done $0x0  }
0x413: {  	[sflag:s24] =	ssyncadd.s32 $0xFFFFFC00  }
0x414: {  	_ =	swait.ge [sflag:s24], $0x400  }
0x415: {  	[sflag:s24] =	ssyncset.done $0x0  }
0x416: {  	[sflag:s24] =	ssyncadd.s32 $0xFFFFFC00  }
0x417: {  	_ =	swait.ge [sflag:s24], $0x400  }
0x418: {  	[sflag:s24] =	ssyncset.done $0x0  }
0x419: {  	[sflag:s24] =	ssyncadd.s32 $0xFFFFFC00  }
0x41a: {  	_ =	swait.ge [sflag:s24], $0x400  }
0x41b: {  	[sflag:s24] =	ssyncset.done $0x0  }
0x41c: {  	[sflag:s24] =	ssyncadd.s32 $0xFFFFFC00  }
0x41d: {  	_ =	swait.ge [sflag:s24], $0x400  }
0x41e: {  	[sflag:s24] =	ssyncset.done $0x0  }
0x41f: {  	[sflag:s24] =	ssyncadd.s32 $0xFFFFFC00  }
0x420: {  	_ =	swait.ge [sflag:s24], $0x400  }
0x421: {  	[sflag:s24] =	ssyncset.done $0x0  }
0x422: {  	[sflag:s24] =	ssyncadd.s32 $0xFFFFFC00  }
0x423: {  	_ =	swait.ge [sflag:s24], $0x400  }
0x424: {  	[sflag:s24] =	ssyncset.done $0x0  }
0x425: {  	[sflag:s24] =	ssyncadd.s32 $0xFFFFFC00  }
0x426: {  	_ =	swait.ge [sflag:s24], $0x400  }
0x427: {  	[sflag:s24] =	ssyncset.done $0x0  }
0x428: {  	[sflag:s24] =	ssyncadd.s32 $0xFFFFFC00  }
0x429: {  	_ =	swait.ge [sflag:s24], $0x400  }
0x42a: {  	[sflag:s24] =	ssyncset.done $0x0  }
0x42b: {  	[sflag:s24] =	ssyncadd.s32 $0xFFFFFC00  }
0x42c: {  	_ =	swait.ge [sflag:s24], $0x400  }
0x42d: {  	[sflag:s24] =	ssyncset.done $0x0  }
0x42e: {  	[sflag:s24] =	ssyncadd.s32 $0xFFFFFC00  }
0x42f: {  	_ =	swait.ge [sflag:s24], $0x400  }
0x430: {  	s3 =	sshll.u32 s7, $0x1;
	s1 =	sld [smem:$0x7FA]  }
0x431: {  	s0 =	smin.u32 s3, $0xD;
	[sflag:s24] =	ssyncset.done $0x0  }
0x432: {  	s0 =	sshll.u32 s0, $0xA;
	[sflag:s24] =	ssyncadd.s32 $0xFFFFFC00  }
0x433: {  	_ =	swait.ge [sflag:s24], $0x400;
	s0 =	sadd.s32 s0, s1  }
0x434: {  	s3 =	rddreg [dreg:$0xb];
	s1 =	sshll.u32 s0, $0x2  }
0x435: {  	s1 =	sadd.s32 s3, s1  }
0x436: {  	[sflag:s24] =	ssyncset.done $0x0;
	s1 =	sshrl.u32 s1, $0x3  }
0x437: {  	[sflag:s24] =	ssyncadd.s32 $0xFFFFFC00;
	s6 =	sadd.s32 s8, s1  }
0x438: {  	[tilespmem:s28], [sflag:$0x1] =	stream.strided.gather [hbm4b:s6+s22], $0x400, s26, s22, $0x38;
	[tilespmem:$0x1FC00] =	vst v63  }
0x439: {  	s15 =	sadd.s32 s9, s1;
	s16 =	sor.u32 $0x10, s1  }
0x43a: {  	[tilespmem:s10], [sflag:$0x1] =	stream.strided.gather [hbm4b:s15+s22], $0x400, s26, s22, $0x38;
	[tilespmem:$0x1FC00] =	vst v63  }
0x43b: {  	s6 =	sadd.s32 s8, s16  }
0x43c: {  	[tilespmem:s14], [sflag:$0x1] =	stream.strided.gather [hbm4b:s6+s22], $0x400, s26, s22, $0x38;
	[tilespmem:$0x1FC00] =	vst v63  }
0x43d: {  	s18 =	simm.s32 $0x1DC00;
	s20 =	sor.u32 $0x20, s1;
	s3 =	sadd.s32 s9, s16  }
0x43e: {  	[tilespmem:s18], [sflag:$0x1] =	stream.strided.gather [hbm4b:s3+s22], $0x400, s26, s22, $0x38;
	[tilespmem:$0x1FC00] =	vst v63  }
0x43f: {  	s15 =	sadd.s32 s8, s20  }
0x440: {  	[tilespmem:s11], [sflag:$0x1] =	stream.strided.gather [hbm4b:s15+s22], $0x400, s26, s22, $0x38;
	[tilespmem:$0x1FC00] =	vst v63  }
0x441: {  	s1 =	sor.u32 $0x30, s1;
	s16 =	simm.s32 $0x1E400;
	s3 =	sadd.s32 s9, s20  }
0x442: {  	[tilespmem:s16], [sflag:$0x1] =	stream.strided.gather [hbm4b:s3+s22], $0x400, s26, s22, $0x38;
	[tilespmem:$0x1FC00] =	vst v63  }
0x443: {  	s18 =	sadd.s32 s8, s1  }
0x444: {  	[tilespmem:s21], [sflag:$0x1] =	stream.strided.gather [hbm4b:s18+s22], $0x400, s26, s22, $0x38;
	[tilespmem:$0x1FC00] =	vst v63  }
0x445: {  	s0 =	sshll.u32 s0, $0x3;
	s21 =	sld [smem:$0x7D5]  }
0x446: {  	s1 =	sadd.s32 s9, s1;
	s20 =	simm.s32 $0x1EC00;
	s3 =	sld [smem:$0x7D8]  }
0x447: {  	[tilespmem:s20], [sflag:$0x1] =	stream.strided.gather [hbm4b:s1+s22], $0x400, s26, s22, $0x38;
	[tilespmem:$0x1FC00] =	vst v63  }
0x448: {  	s0 =	sadd.s32 s21, s0  }
0x449: {  	s1 =	sor.u32 s3, s0  }
0x44a: {  	s11 =	sld [smem:$0x7D6];
	s1 =	sshrl.u32 s1, $0x3  }
0x44b: {  	s6 =	simm.s32 $0x1B400;
	s1 =	sadd.s32 s4, s1  }
0x44c: {  	[tilespmem:s6], [sflag:$0x1] =	stream.strided.gather [hbm4b:s1+s22], $0x400, s28, s22, $0x38;
	[tilespmem:$0x1FC00] =	vst v63  }
0x44d: {  	s1 =	sor.u32 s11, s0  }
0x44e: {  	s16 =	sld [smem:$0x7D7];
	s1 =	sshrl.u32 s1, $0x3  }
0x44f: {  	s15 =	simm.s32 $0x1B800;
	s20 =	sld [smem:$0x7D9];
	s1 =	sadd.s32 s4, s1  }
0x450: {  	[tilespmem:s15], [sflag:$0x1] =	stream.strided.gather [hbm4b:s1+s22], $0x400, s28, s22, $0x38;
	[tilespmem:$0x1FC00] =	vst v63  }
0x451: {  	s1 =	sor.u32 s16, s0  }
0x452: {  	s0 =	sor.u32 s20, s0;
	s1 =	sshrl.u32 s1, $0x3  }
0x453: {  	s18 =	simm.s32 $0x1BC00;
	s0 =	sshrl.u32 s0, $0x3;
	s1 =	sadd.s32 s4, s1  }
0x454: {  	[tilespmem:s18], [sflag:$0x1] =	stream.strided.gather [hbm4b:s1+s22], $0x400, s28, s22, $0x38;
	[tilespmem:$0x1FC00] =	vst v63  }
0x455: {  	s21 =	simm.s32 $0x1C000;
	s0 =	sadd.s32 s4, s0  }
0x456: {  	[tilespmem:s21], [sflag:$0x1] =	stream.strided.gather [hbm4b:s0+s22], $0x400, s28, s22, $0x38;
	[tilespmem:$0x1FC00] =	vst v63  }
0x457: {  	_ =	swait.ge [sflag:s25], $0x400  }
0x458: {  	[sflag:s25] =	ssyncset.done $0x0  }
0x459: {  	[sflag:s25] =	ssyncadd.s32 $0xFFFFFC00  }
0x45a: {  	_ =	swait.ge [sflag:s25], $0x400  }
0x45b: {  	[sflag:s25] =	ssyncset.done $0x0  }
0x45c: {  	[sflag:s25] =	ssyncadd.s32 $0xFFFFFC00  }
0x45d: {  	_ =	swait.ge [sflag:s25], $0x400  }
0x45e: {  	[sflag:s25] =	ssyncset.done $0x0  }
0x45f: {  	[sflag:s25] =	ssyncadd.s32 $0xFFFFFC00  }
0x460: {  	_ =	swait.ge [sflag:s25], $0x400  }
0x461: {  	[sflag:s25] =	ssyncset.done $0x0  }
0x462: {  	[sflag:s25] =	ssyncadd.s32 $0xFFFFFC00  }
0x463: {  	_ =	swait.ge [sflag:s25], $0x400  }
0x464: {  	[sflag:s25] =	ssyncset.done $0x0  }
0x465: {  	[sflag:s25] =	ssyncadd.s32 $0xFFFFFC00  }
0x466: {  	_ =	swait.ge [sflag:s25], $0x400  }
0x467: {  	[sflag:s25] =	ssyncset.done $0x0  }
0x468: {  	[sflag:s25] =	ssyncadd.s32 $0xFFFFFC00  }
0x469: {  	_ =	swait.ge [sflag:s25], $0x400  }
0x46a: {  	[sflag:s25] =	ssyncset.done $0x0  }
0x46b: {  	[sflag:s25] =	ssyncadd.s32 $0xFFFFFC00  }
0x46c: {  	_ =	swait.ge [sflag:s25], $0x400  }
0x46d: {  	[sflag:s25] =	ssyncset.done $0x0  }
0x46e: {  	[sflag:s25] =	ssyncadd.s32 $0xFFFFFC00  }
0x46f: {  	_ =	swait.ge [sflag:s25], $0x400  }
0x470: {  	[sflag:s25] =	ssyncset.done $0x0  }
0x471: {  	[sflag:s25] =	ssyncadd.s32 $0xFFFFFC00  }
0x472: {  	_ =	swait.ge [sflag:s25], $0x400  }
0x473: {  	[sflag:s25] =	ssyncset.done $0x0  }
0x474: {  	[sflag:s25] =	ssyncadd.s32 $0xFFFFFC00  }
0x475: {  	_ =	swait.ge [sflag:s25], $0x400  }
0x476: {  	[sflag:s25] =	ssyncset.done $0x0  }
0x477: {  	[sflag:s25] =	ssyncadd.s32 $0xFFFFFC00  }
0x478: {  	_ =	swait.ge [sflag:s25], $0x400  }
0x479: {  	[sflag:s25] =	ssyncset.done $0x0  }
0x47a: {  	s11 =	simm.s32 $0x0;
	[sflag:s25] =	ssyncadd.s32 $0xFFFFFC00  }
0x47b: {  	v3 =	vld [tilespmem:s11+$0x1D800]  }
0x47c: {  	v4 =	vld [tilespmem:s11+$0x1C400];
	_ =	sdelay $0x2  }
0x47d: {  	v1 =	vld [tilespmem:s11+$0x1D810]  }
0x47e: {  	v5 =	vld [tilespmem:s11+$0x1C810]  }
0x47f: {  	v2 =	vld [tilespmem:s11+$0x1C410];
	v7 =	vmul.f32 v4, v3  }
0x480: {  	s16 =	simm.s32 $0x0;
	v6 =	vld [tilespmem:s11+$0x1CC10]  }
0x481: {  	s15 =	sand.u32 $0x3C0, s16;
	v8 =	vld [tilespmem:s11+$0x1D010];
	[tilespmem:s11+$0x17400] =	vst v7  }
0x482: {  	v9 =	vld [tilespmem:s15+$0x1C800]  }
0x483: {  	v10 =	vld [tilespmem:s11+$0x1D010];
	v5 =	vmul.f32 v5, v1  }
0x484: {  	v2 =	vmul.f32 v2, v1;
	v7 =	vld [tilespmem:s11+$0x1E010]  }
0x485: {  	[tilespmem:s11+$0x17810] =	vst v5;
	v5 =	vld [tilespmem:s11+$0x1C810]  }
0x486: {  	v6 =	vmul.f32 v6, v1;
	[tilespmem:s11+$0x17410] =	vst v2;
	v2 =	vld [tilespmem:s11+$0x1C410]  }
0x487: {  	v11 =	vld [tilespmem:s11+$0x1D820];
	v9 =	vmul.f32 v9, v3  }
0x488: {  	v1 =	vmul.f32 v8, v1;
	[tilespmem:s11+$0x17C10] =	vst v6;
	v6 =	vld [tilespmem:s11+$0x1CC10]  }
0x489: {  	[tilespmem:s11+$0x17800] =	vst v9;
	v9 =	vld [tilespmem:s11+$0x1C420]  }
0x48a: {  	[tilespmem:s11+$0x18010] =	vst v1;
	v1 =	vmul.f32 v5, v7;
	v8 =	vld [tilespmem:s15+$0x1CC00]  }
0x48b: {  	v2 =	vmul.f32 v2, v7;
	v5 =	vld [tilespmem:s11+$0x1C820]  }
0x48c: {  	[tilespmem:s11+$0x18810] =	vst v1;
	v1 =	vmul.f32 v10, v7;
	v10 =	vld [tilespmem:s11+$0x1E020]  }
0x48d: {  	[tilespmem:s11+$0x18410] =	vst v2;
	v2 =	vmul.f32 v6, v7;
	v6 =	vld [tilespmem:s11+$0x1CC20]  }
0x48e: {  	v7 =	vld [tilespmem:s11+$0x1D020];
	[tilespmem:s11+$0x19010] =	vst v1;
	v1 =	vmul.f32 v9, v11  }
0x48f: {  	v62 =	vld [tilespmem:s11+$0x1CC30];
	[tilespmem:s11+$0x18C10] =	vst v2;
	v8 =	vmul.f32 v8, v3  }
0x490: {  	v12 =	vmul.f32 v5, v11;
	v9 =	vld [tilespmem:s11+$0x1C420];
	[tilespmem:s11+$0x17420] =	vst v1  }
0x491: {  	v5 =	vmul.f32 v5, v10;
	v1 =	vld [tilespmem:s11+$0x1E000];
	[tilespmem:s11+$0x17C00] =	vst v8  }
0x492: {  	[tilespmem:s11+$0x17820] =	vst v12;
	v8 =	vmul.f32 v6, v11;
	v13 =	vld [tilespmem:s15+$0x1D000]  }
0x493: {  	v2 =	vld [tilespmem:s11+$0x1D830];
	[tilespmem:s11+$0x18820] =	vst v5;
	v11 =	vmul.f32 v7, v11  }
0x494: {  	v6 =	vmul.f32 v6, v10;
	[tilespmem:s11+$0x17C20] =	vst v8;
	v8 =	vld [tilespmem:s11+$0x1C430]  }
0x495: {  	[tilespmem:s11+$0x18020] =	vst v11;
	v9 =	vmul.f32 v9, v10;
	v11 =	vld [tilespmem:s11+$0x1C830]  }
0x496: {  	[tilespmem:s11+$0x18C20] =	vst v6;
	v5 =	vmul.f32 v4, v1;
	v4 =	vld [tilespmem:s11+$0x1D030]  }
0x497: {  	[tilespmem:s11+$0x18420] =	vst v9;
	v9 =	vmul.f32 v13, v3;
	v3 =	vld [tilespmem:s11+$0x1E030]  }
0x498: {  	v63 =	vmul.f32 v7, v10;
	[tilespmem:s11+$0x18400] =	vst v5;
	v5 =	vld [tilespmem:s11+$0x1C430]  }
0x499: {  	v6 =	vld [tilespmem:s11+$0x1C830];
	v10 =	vmul.f32 v8, v2;
	[tilespmem:s11+$0x18000] =	vst v9  }
0x49a: {  	s20 =	simm.s32 $0x100;
	s18 =	simm.s32 $0x0;
	[tilespmem:s11+$0x19020] =	vst v63;
	v8 =	vmul.f32 v11, v2;
	v9 =	vmul.f32 v62, v2;
	v7 =	vld [tilespmem:s15+$0x1C800]  }
.LBB2_16:
0x49b: {  	s0 =	sshra.s32 s20, $0x2;
	[tilespmem:s11+$0x17430] =	vst v10;
	v2 =	vmul.f32 v4, v2;
	v10 =	vld [tilespmem:s11+$0x1CC30]  }
0x49c: {  	s18 =	sadd.s32 $0x4, s18;
	v11 =	vld [tilespmem:s0+$0x1D800];
	[tilespmem:s11+$0x17830] =	vst v8;
	v4 =	vmul.f32 v4, v3  }
0x49d: {  	p0 =	slt.u32 s18, $0x3C;
	v8 =	vld [tilespmem:s0+$0x1C400];
	[tilespmem:s11+$0x17C30] =	vst v9;
	v5 =	vmul.f32 v5, v3  }
0x49e: {  	v9 =	vld [tilespmem:s0+$0x1D810];
	[tilespmem:s11+$0x18030] =	vst v2;
	v2 =	vmul.f32 v6, v3  }
0x49f: {  	v6 =	vld [tilespmem:s0+$0x1C410];
	v7 =	vmul.f32 v7, v1;
	[tilespmem:s11+$0x18430] =	vst v5  }
0x4a0: {  	v5 =	vld [tilespmem:s0+$0x1C810];
	[tilespmem:s11+$0x18830] =	vst v2;
	v2 =	vmul.f32 v10, v3  }
0x4a1: {  	v3 =	vld [tilespmem:s0+$0x1CC10];
	[tilespmem:s11+$0x18800] =	vst v7  }
0x4a2: {  	v7 =	vmul.f32 v8, v11;
	v10 =	vld [tilespmem:s15+$0x1CC00];
	[tilespmem:s11+$0x18C30] =	vst v2  }
0x4a3: {  	s16 =	sadd.s32 $0x40, s16;
	v2 =	vld [tilespmem:s0+$0x1D010];
	[tilespmem:s11+$0x19030] =	vst v4  }
0x4a4: {  	s1 =	sand.u32 $0x3C0, s16;
	[tilespmem:s0+$0x17400] =	vst v7;
	v4 =	vmul.f32 v6, v9;
	v6 =	vld [tilespmem:s0+$0x1E010]  }
0x4a5: {  	v7 =	vld [tilespmem:s1+$0x1C800];
	v5 =	vmul.f32 v5, v9  }
0x4a6: {  	[tilespmem:s0+$0x17410] =	vst v4;
	v3 =	vmul.f32 v3, v9;
	v4 =	vld [tilespmem:s0+$0x1C410]  }
0x4a7: {  	[tilespmem:s0+$0x17810] =	vst v5;
	v5 =	vld [tilespmem:s0+$0x1C810];
	v10 =	vmul.f32 v10, v1  }
0x4a8: {  	[tilespmem:s0+$0x17C10] =	vst v3;
	v2 =	vmul.f32 v2, v9;
	v3 =	vld [tilespmem:s0+$0x1CC10]  }
0x4a9: {  	v9 =	vld [tilespmem:s0+$0x1D010];
	[tilespmem:s11+$0x18C00] =	vst v10  }
0x4aa: {  	v7 =	vmul.f32 v7, v11;
	[tilespmem:s0+$0x18010] =	vst v2;
	v2 =	vld [tilespmem:s15+$0x1D000];
	s15 =	smov.u32 s1  }
0x4ab: {  	v4 =	vmul.f32 v4, v6;
	v10 =	vld [tilespmem:s0+$0x1D820]  }
0x4ac: {  	[tilespmem:s0+$0x17800] =	vst v7;
	v5 =	vmul.f32 v5, v6;
	v7 =	vld [tilespmem:s0+$0x1C420]  }
0x4ad: {  	v12 =	vld [tilespmem:s15+$0x1CC00];
	[tilespmem:s0+$0x18410] =	vst v4;
	v3 =	vmul.f32 v3, v6  }
0x4ae: {  	[tilespmem:s0+$0x18810] =	vst v5;
	v4 =	vmul.f32 v9, v6;
	v5 =	vld [tilespmem:s0+$0x1C820]  }
0x4af: {  	[tilespmem:s0+$0x18C10] =	vst v3;
	v3 =	vld [tilespmem:s0+$0x1CC20];
	v1 =	vmul.f32 v2, v1  }
0x4b0: {  	[tilespmem:s0+$0x19010] =	vst v4;
	v4 =	vld [tilespmem:s0+$0x1D020]  }
0x4b1: {  	v2 =	vmul.f32 v7, v10;
	v6 =	vld [tilespmem:s0+$0x1E020];
	[tilespmem:s11+$0x19000] =	vst v1;
	s11 =	smov.u32 s0  }
0x4b2: {  	v1 =	vmul.f32 v12, v11;
	v7 =	vld [tilespmem:s11+$0x1C420]  }
0x4b3: {  	[tilespmem:s11+$0x17420] =	vst v2;
	v9 =	vmul.f32 v5, v10;
	v2 =	vld [tilespmem:s11+$0x1D830]  }
0x4b4: {  	[tilespmem:s11+$0x17C00] =	vst v1;
	v1 =	vld [tilespmem:s11+$0x1E000];
	v12 =	vmul.f32 v3, v10  }
0x4b5: {  	v13 =	vld [tilespmem:s15+$0x1D000];
	[tilespmem:s11+$0x17820] =	vst v9;
	v9 =	vmul.f32 v4, v10  }
0x4b6: {  	[tilespmem:s11+$0x17C20] =	vst v12;
	v5 =	vmul.f32 v5, v6;
	v3 =	vmul.f32 v3, v6;
	v10 =	vld [tilespmem:s11+$0x1C430]  }
0x4b7: {  	[tilespmem:s11+$0x18020] =	vst v9;
	v7 =	vmul.f32 v7, v6;
	v9 =	vmul.f32 v4, v6;
	v6 =	vld [tilespmem:s11+$0x1C830]  }
0x4b8: {  	[tilespmem:s11+$0x18820] =	vst v5;
	v12 =	vld [tilespmem:s11+$0x1CC30]  }
.Ltmp6:
0x4b9: {  	v5 =	vmul.f32 v8, v1;
	[tilespmem:s11+$0x18420] =	vst v7;
	v4 =	vld [tilespmem:s11+$0x1D030];
	(pc) =	sbr.rel @p0 .LBB2_16-.Ltmp6, $4  }
0x4ba: {  	v7 =	vmul.f32 v13, v11;
	[tilespmem:s11+$0x18C20] =	vst v3;
	v3 =	vld [tilespmem:s11+$0x1E030]  }
0x4bb: {  	[tilespmem:s11+$0x18400] =	vst v5;
	v10 =	vmul.f32 v10, v2;
	v5 =	vld [tilespmem:s11+$0x1C430]  }
0x4bc: {  	[tilespmem:s11+$0x18000] =	vst v7;
	v8 =	vmul.f32 v6, v2;
	v6 =	vld [tilespmem:s11+$0x1C830]  }
0x4bd: {  	s20 =	sadd.s32 $0x100, s20;
	v7 =	vld [tilespmem:s15+$0x1C800];
	[tilespmem:s11+$0x19020] =	vst v9;
	v9 =	vmul.f32 v12, v2  }
0x4be: {  	_ =	sdelay $0x3  }
0x4bf: {  	v7 =	vmul.f32 v7, v1;
	_ =	sdelay $0x1  }
0x4c0: {  	[tilespmem:s11+$0x18800] =	vst v7  }
0x4c1: {  	v7 =	vld [tilespmem:s15+$0x1CC00];
	_ =	sdelay $0x4  }
0x4c2: {  	v7 =	vmul.f32 v7, v1  }
0x4c3: {  	[tilespmem:s11+$0x17430] =	vst v10;
	v10 =	vld [tilespmem:s11+$0x1CC30]  }
0x4c4: {  	[tilespmem:s11+$0x18C00] =	vst v7  }
0x4c5: {  	v2 =	vmul.f32 v4, v2;
	[tilespmem:s11+$0x17830] =	vst v8;
	v7 =	vld [tilespmem:s15+$0x1D000]  }
0x4c6: {  	[tilespmem:s11+$0x17C30] =	vst v9;
	v5 =	vmul.f32 v5, v3  }
0x4c7: {  	[tilespmem:s11+$0x18030] =	vst v2;
	v2 =	vmul.f32 v6, v3  }
0x4c8: {  	[tilespmem:s11+$0x18430] =	vst v5;
	v5 =	vmul.f32 v10, v3  }
0x4c9: {  	v3 =	vmul.f32 v4, v3;
	[tilespmem:s11+$0x18830] =	vst v2  }
0x4ca: {  	[tilespmem:s11+$0x18C30] =	vst v5;
	v1 =	vmul.f32 v7, v1  }
0x4cb: {  	[tilespmem:s11+$0x19030] =	vst v3  }
0x4cc: {  	s6 =	simm.s32 $0x800;
	s0 =	simm.s32 $0x17400;
	[tilespmem:s11+$0x19000] =	vst v1  }
0x4cd: {  	[spmem:s2] =	stream.indirect.scatter.add.f32 [tilespmem:s0], [sflag:$0x4], $0x1, s6, s28, $0xb8;
	[tilespmem:$0x1FC00] =	vst v63  }
0x4ce: {  	s3 =	simm.s32 $0x17800  }
0x4cf: {  	[spmem:s5] =	stream.indirect.scatter.add.f32 [tilespmem:s3], [sflag:$0x4], $0x1, s6, s28, $0xb8;
	[tilespmem:$0x1FC00] =	vst v63  }
0x4d0: {  	s11 =	simm.s32 $0x17C00  }
0x4d1: {  	[spmem:s19] =	stream.indirect.scatter.add.f32 [tilespmem:s11], [sflag:$0x4], $0x1, s6, s28, $0xb8;
	[tilespmem:$0x1FC00] =	vst v63  }
0x4d2: {  	s15 =	simm.s32 $0x18000  }
0x4d3: {  	[spmem:s30] =	stream.indirect.scatter.add.f32 [tilespmem:s15], [sflag:$0x4], $0x1, s6, s28, $0xb8;
	[tilespmem:$0x1FC00] =	vst v63  }
0x4d4: {  	s16 =	simm.s32 $0x18400  }
0x4d5: {  	[spmem:s2] =	stream.indirect.scatter.add.f32 [tilespmem:s16], [sflag:$0x4], $0x1, s31, s28, $0xb8;
	[tilespmem:$0x1FC00] =	vst v63  }
0x4d6: {  	s18 =	simm.s32 $0x18800  }
0x4d7: {  	[spmem:s5] =	stream.indirect.scatter.add.f32 [tilespmem:s18], [sflag:$0x4], $0x1, s31, s28, $0xb8;
	[tilespmem:$0x1FC00] =	vst v63  }
0x4d8: {  	s20 =	simm.s32 $0x18C00  }
0x4d9: {  	[spmem:s19] =	stream.indirect.scatter.add.f32 [tilespmem:s20], [sflag:$0x4], $0x1, s31, s28, $0xb8;
	[tilespmem:$0x1FC00] =	vst v63  }
0x4da: {  	s21 =	simm.s32 $0x19000;
	s11 =	simm.s32 $0x0  }
0x4db: {  	[spmem:s30] =	stream.indirect.scatter.add.f32 [tilespmem:s21], [sflag:$0x4], $0x1, s31, s28, $0xb8;
	[tilespmem:$0x1FC00] =	vst v63  }
0x4dc: {  	v3 =	vld [tilespmem:s11+$0x1E800]  }
0x4dd: {  	v4 =	vld [tilespmem:s11+$0x1C400];
	_ =	sdelay $0x2  }
0x4de: {  	v1 =	vld [tilespmem:s11+$0x1E810]  }
0x4df: {  	v5 =	vld [tilespmem:s11+$0x1C810]  }
0x4e0: {  	v2 =	vld [tilespmem:s11+$0x1C410];
	v7 =	vmul.f32 v4, v3  }
0x4e1: {  	s16 =	simm.s32 $0x0;
	v6 =	vld [tilespmem:s11+$0x1CC10]  }
0x4e2: {  	s15 =	sand.u32 $0x3C0, s16;
	v8 =	vld [tilespmem:s11+$0x1D010];
	[tilespmem:s11+$0x19400] =	vst v7  }
0x4e3: {  	v9 =	vld [tilespmem:s15+$0x1C800]  }
0x4e4: {  	v10 =	vld [tilespmem:s11+$0x1D010];
	v5 =	vmul.f32 v5, v1  }
0x4e5: {  	v2 =	vmul.f32 v2, v1;
	v7 =	vld [tilespmem:s11+$0x1F010]  }
0x4e6: {  	[tilespmem:s11+$0x19810] =	vst v5;
	v5 =	vld [tilespmem:s11+$0x1C810]  }
0x4e7: {  	v6 =	vmul.f32 v6, v1;
	[tilespmem:s11+$0x19410] =	vst v2;
	v2 =	vld [tilespmem:s11+$0x1C410]  }
0x4e8: {  	v11 =	vld [tilespmem:s11+$0x1E820];
	v9 =	vmul.f32 v9, v3  }
0x4e9: {  	v1 =	vmul.f32 v8, v1;
	[tilespmem:s11+$0x19C10] =	vst v6;
	v6 =	vld [tilespmem:s11+$0x1CC10]  }
0x4ea: {  	[tilespmem:s11+$0x19800] =	vst v9;
	v9 =	vld [tilespmem:s11+$0x1C420]  }
0x4eb: {  	[tilespmem:s11+$0x1A010] =	vst v1;
	v1 =	vmul.f32 v5, v7;
	v8 =	vld [tilespmem:s15+$0x1CC00]  }
0x4ec: {  	v2 =	vmul.f32 v2, v7;
	v5 =	vld [tilespmem:s11+$0x1C820]  }
0x4ed: {  	[tilespmem:s11+$0x1A810] =	vst v1;
	v1 =	vmul.f32 v10, v7;
	v10 =	vld [tilespmem:s11+$0x1F020]  }
0x4ee: {  	[tilespmem:s11+$0x1A410] =	vst v2;
	v2 =	vmul.f32 v6, v7;
	v6 =	vld [tilespmem:s11+$0x1CC20]  }
0x4ef: {  	v7 =	vld [tilespmem:s11+$0x1D020];
	[tilespmem:s11+$0x1B010] =	vst v1;
	v1 =	vmul.f32 v9, v11  }
0x4f0: {  	v62 =	vld [tilespmem:s11+$0x1CC30];
	[tilespmem:s11+$0x1AC10] =	vst v2;
	v8 =	vmul.f32 v8, v3  }
0x4f1: {  	v12 =	vmul.f32 v5, v11;
	v9 =	vld [tilespmem:s11+$0x1C420];
	[tilespmem:s11+$0x19420] =	vst v1  }
0x4f2: {  	v5 =	vmul.f32 v5, v10;
	v1 =	vld [tilespmem:s11+$0x1F000];
	[tilespmem:s11+$0x19C00] =	vst v8  }
0x4f3: {  	[tilespmem:s11+$0x19820] =	vst v12;
	v8 =	vmul.f32 v6, v11;
	v13 =	vld [tilespmem:s15+$0x1D000]  }
0x4f4: {  	v2 =	vld [tilespmem:s11+$0x1E830];
	[tilespmem:s11+$0x1A820] =	vst v5;
	v11 =	vmul.f32 v7, v11  }
0x4f5: {  	v6 =	vmul.f32 v6, v10;
	[tilespmem:s11+$0x19C20] =	vst v8;
	v8 =	vld [tilespmem:s11+$0x1C430]  }
0x4f6: {  	[tilespmem:s11+$0x1A020] =	vst v11;
	v9 =	vmul.f32 v9, v10;
	v11 =	vld [tilespmem:s11+$0x1C830]  }
0x4f7: {  	[tilespmem:s11+$0x1AC20] =	vst v6;
	v5 =	vmul.f32 v4, v1;
	v4 =	vld [tilespmem:s11+$0x1D030]  }
0x4f8: {  	[tilespmem:s11+$0x1A420] =	vst v9;
	v9 =	vmul.f32 v13, v3;
	v3 =	vld [tilespmem:s11+$0x1F030]  }
0x4f9: {  	v63 =	vmul.f32 v7, v10;
	[tilespmem:s11+$0x1A400] =	vst v5;
	v5 =	vld [tilespmem:s11+$0x1C430]  }
0x4fa: {  	v6 =	vld [tilespmem:s11+$0x1C830];
	v10 =	vmul.f32 v8, v2;
	[tilespmem:s11+$0x1A000] =	vst v9  }
0x4fb: {  	s18 =	simm.s32 $0x0;
	s20 =	simm.s32 $0x100;
	[tilespmem:s11+$0x1B020] =	vst v63;
	v8 =	vmul.f32 v11, v2;
	v9 =	vmul.f32 v62, v2;
	v7 =	vld [tilespmem:s15+$0x1C800]  }
.LBB2_18:
0x4fc: {  	s0 =	sshra.s32 s20, $0x2;
	[tilespmem:s11+$0x19430] =	vst v10;
	v2 =	vmul.f32 v4, v2;
	v10 =	vld [tilespmem:s11+$0x1CC30]  }
0x4fd: {  	s18 =	sadd.s32 $0x4, s18;
	v11 =	vld [tilespmem:s0+$0x1E800];
	[tilespmem:s11+$0x19830] =	vst v8;
	v4 =	vmul.f32 v4, v3  }
0x4fe: {  	p0 =	slt.u32 s18, $0x3C;
	v8 =	vld [tilespmem:s0+$0x1C400];
	[tilespmem:s11+$0x19C30] =	vst v9;
	v5 =	vmul.f32 v5, v3  }
0x4ff: {  	v9 =	vld [tilespmem:s0+$0x1E810];
	[tilespmem:s11+$0x1A030] =	vst v2;
	v2 =	vmul.f32 v6, v3  }
0x500: {  	v6 =	vld [tilespmem:s0+$0x1C410];
	v7 =	vmul.f32 v7, v1;
	[tilespmem:s11+$0x1A430] =	vst v5  }
0x501: {  	v5 =	vld [tilespmem:s0+$0x1C810];
	[tilespmem:s11+$0x1A830] =	vst v2;
	v2 =	vmul.f32 v10, v3  }
0x502: {  	v3 =	vld [tilespmem:s0+$0x1CC10];
	[tilespmem:s11+$0x1A800] =	vst v7  }
0x503: {  	v7 =	vmul.f32 v8, v11;
	v10 =	vld [tilespmem:s15+$0x1CC00];
	[tilespmem:s11+$0x1AC30] =	vst v2  }
0x504: {  	s16 =	sadd.s32 $0x40, s16;
	v2 =	vld [tilespmem:s0+$0x1D010];
	[tilespmem:s11+$0x1B030] =	vst v4  }
0x505: {  	s1 =	sand.u32 $0x3C0, s16;
	[tilespmem:s0+$0x19400] =	vst v7;
	v4 =	vmul.f32 v6, v9;
	v6 =	vld [tilespmem:s0+$0x1F010]  }
0x506: {  	v7 =	vld [tilespmem:s1+$0x1C800];
	v5 =	vmul.f32 v5, v9  }
0x507: {  	[tilespmem:s0+$0x19410] =	vst v4;
	v3 =	vmul.f32 v3, v9;
	v4 =	vld [tilespmem:s0+$0x1C410]  }
0x508: {  	[tilespmem:s0+$0x19810] =	vst v5;
	v5 =	vld [tilespmem:s0+$0x1C810];
	v10 =	vmul.f32 v10, v1  }
0x509: {  	[tilespmem:s0+$0x19C10] =	vst v3;
	v2 =	vmul.f32 v2, v9;
	v3 =	vld [tilespmem:s0+$0x1CC10]  }
0x50a: {  	v9 =	vld [tilespmem:s0+$0x1D010];
	[tilespmem:s11+$0x1AC00] =	vst v10  }
0x50b: {  	v7 =	vmul.f32 v7, v11;
	[tilespmem:s0+$0x1A010] =	vst v2;
	v2 =	vld [tilespmem:s15+$0x1D000];
	s15 =	smov.u32 s1  }
0x50c: {  	v4 =	vmul.f32 v4, v6;
	v10 =	vld [tilespmem:s0+$0x1E820]  }
0x50d: {  	[tilespmem:s0+$0x19800] =	vst v7;
	v5 =	vmul.f32 v5, v6;
	v7 =	vld [tilespmem:s0+$0x1C420]  }
0x50e: {  	v12 =	vld [tilespmem:s15+$0x1CC00];
	[tilespmem:s0+$0x1A410] =	vst v4;
	v3 =	vmul.f32 v3, v6  }
0x50f: {  	[tilespmem:s0+$0x1A810] =	vst v5;
	v4 =	vmul.f32 v9, v6;
	v5 =	vld [tilespmem:s0+$0x1C820]  }
0x510: {  	[tilespmem:s0+$0x1AC10] =	vst v3;
	v3 =	vld [tilespmem:s0+$0x1CC20];
	v1 =	vmul.f32 v2, v1  }
0x511: {  	[tilespmem:s0+$0x1B010] =	vst v4;
	v4 =	vld [tilespmem:s0+$0x1D020]  }
0x512: {  	v2 =	vmul.f32 v7, v10;
	v6 =	vld [tilespmem:s0+$0x1F020];
	[tilespmem:s11+$0x1B000] =	vst v1;
	s11 =	smov.u32 s0  }
0x513: {  	v1 =	vmul.f32 v12, v11;
	v7 =	vld [tilespmem:s11+$0x1C420]  }
0x514: {  	[tilespmem:s11+$0x19420] =	vst v2;
	v9 =	vmul.f32 v5, v10;
	v2 =	vld [tilespmem:s11+$0x1E830]  }
0x515: {  	[tilespmem:s11+$0x19C00] =	vst v1;
	v1 =	vld [tilespmem:s11+$0x1F000];
	v12 =	vmul.f32 v3, v10  }
0x516: {  	v13 =	vld [tilespmem:s15+$0x1D000];
	[tilespmem:s11+$0x19820] =	vst v9;
	v9 =	vmul.f32 v4, v10  }
0x517: {  	[tilespmem:s11+$0x19C20] =	vst v12;
	v5 =	vmul.f32 v5, v6;
	v3 =	vmul.f32 v3, v6;
	v10 =	vld [tilespmem:s11+$0x1C430]  }
0x518: {  	[tilespmem:s11+$0x1A020] =	vst v9;
	v7 =	vmul.f32 v7, v6;
	v9 =	vmul.f32 v4, v6;
	v6 =	vld [tilespmem:s11+$0x1C830]  }
0x519: {  	[tilespmem:s11+$0x1A820] =	vst v5;
	v12 =	vld [tilespmem:s11+$0x1CC30]  }
.Ltmp7:
0x51a: {  	v5 =	vmul.f32 v8, v1;
	[tilespmem:s11+$0x1A420] =	vst v7;
	v4 =	vld [tilespmem:s11+$0x1D030];
	(pc) =	sbr.rel @p0 .LBB2_18-.Ltmp7, $4  }
0x51b: {  	v7 =	vmul.f32 v13, v11;
	[tilespmem:s11+$0x1AC20] =	vst v3;
	v3 =	vld [tilespmem:s11+$0x1F030]  }
0x51c: {  	[tilespmem:s11+$0x1A400] =	vst v5;
	v10 =	vmul.f32 v10, v2;
	v5 =	vld [tilespmem:s11+$0x1C430]  }
0x51d: {  	[tilespmem:s11+$0x1A000] =	vst v7;
	v8 =	vmul.f32 v6, v2;
	v6 =	vld [tilespmem:s11+$0x1C830]  }
0x51e: {  	s20 =	sadd.s32 $0x100, s20;
	v7 =	vld [tilespmem:s15+$0x1C800];
	[tilespmem:s11+$0x1B020] =	vst v9;
	v9 =	vmul.f32 v12, v2  }
0x51f: {  	_ =	sdelay $0x3  }
0x520: {  	v7 =	vmul.f32 v7, v1;
	_ =	sdelay $0x1  }
0x521: {  	[tilespmem:s11+$0x1A800] =	vst v7  }
0x522: {  	v7 =	vld [tilespmem:s15+$0x1CC00];
	_ =	sdelay $0x4  }
0x523: {  	v7 =	vmul.f32 v7, v1  }
0x524: {  	[tilespmem:s11+$0x19430] =	vst v10;
	v62 =	vld [tilespmem:s11+$0x1CC30]  }
0x525: {  	[tilespmem:s11+$0x1AC00] =	vst v7  }
0x526: {  	v2 =	vmul.f32 v4, v2;
	[tilespmem:s11+$0x19830] =	vst v8;
	v7 =	vld [tilespmem:s15+$0x1D000]  }
0x527: {  	[tilespmem:s11+$0x19C30] =	vst v9;
	v5 =	vmul.f32 v5, v3  }
0x528: {  	[tilespmem:s11+$0x1A030] =	vst v2;
	v2 =	vmul.f32 v6, v3  }
0x529: {  	[tilespmem:s11+$0x1A430] =	vst v5;
	v63 =	vmul.f32 v62, v3  }
0x52a: {  	v3 =	vmul.f32 v4, v3;
	[tilespmem:s11+$0x1A830] =	vst v2  }
0x52b: {  	[tilespmem:s11+$0x1AC30] =	vst v63;
	v1 =	vmul.f32 v7, v1  }
0x52c: {  	[tilespmem:s11+$0x1B030] =	vst v3  }
0x52d: {  	s20 =	simm.s32 $0x1800;
	s0 =	simm.s32 $0x19400;
	[tilespmem:s11+$0x1B000] =	vst v1  }
0x52e: {  	[spmem:s2] =	stream.indirect.scatter.add.f32 [tilespmem:s0], [sflag:$0x4], $0x1, s20, s28, $0xb8;
	[tilespmem:$0x1FC00] =	vst v63  }
0x52f: {  	s16 =	simm.s32 $0x19800  }
0x530: {  	[spmem:s5] =	stream.indirect.scatter.add.f32 [tilespmem:s16], [sflag:$0x4], $0x1, s20, s28, $0xb8;
	[tilespmem:$0x1FC00] =	vst v63  }
0x531: {  	s18 =	simm.s32 $0x19C00  }
0x532: {  	[spmem:s19] =	stream.indirect.scatter.add.f32 [tilespmem:s18], [sflag:$0x4], $0x1, s20, s28, $0xb8;
	[tilespmem:$0x1FC00] =	vst v63  }
0x533: {  	s1 =	simm.s32 $0x1A000  }
0x534: {  	[spmem:s30] =	stream.indirect.scatter.add.f32 [tilespmem:s1], [sflag:$0x4], $0x1, s20, s28, $0xb8;
	[tilespmem:$0x1FC00] =	vst v63  }
0x535: {  	s3 =	simm.s32 $0x1A400;
	s11 =	simm.s32 $0x2000  }
0x536: {  	[spmem:s2] =	stream.indirect.scatter.add.f32 [tilespmem:s3], [sflag:$0x4], $0x1, s11, s28, $0xb8;
	[tilespmem:$0x1FC00] =	vst v63  }
0x537: {  	s15 =	simm.s32 $0x1A800  }
0x538: {  	[spmem:s5] =	stream.indirect.scatter.add.f32 [tilespmem:s15], [sflag:$0x4], $0x1, s11, s28, $0xb8;
	[tilespmem:$0x1FC00] =	vst v63  }
0x539: {  	s16 =	simm.s32 $0x1AC00  }
0x53a: {  	[spmem:s19] =	stream.indirect.scatter.add.f32 [tilespmem:s16], [sflag:$0x4], $0x1, s11, s28, $0xb8;
	[tilespmem:$0x1FC00] =	vst v63  }
0x53b: {  	s18 =	simm.s32 $0x1B000  }
0x53c: {  	[spmem:s30] =	stream.indirect.scatter.add.f32 [tilespmem:s18], [sflag:$0x4], $0x1, s11, s28, $0xb8;
	[tilespmem:$0x1FC00] =	vst v63  }
0x53d: {  	_ =	swait.ge [sflag:s24], $0x400  }
0x53e: {  	[sflag:s24] =	ssyncset.done $0x0  }
0x53f: {  	[sflag:s24] =	ssyncadd.s32 $0xFFFFFC00  }
0x540: {  	_ =	swait.ge [sflag:s24], $0x400  }
0x541: {  	[sflag:s24] =	ssyncset.done $0x0  }
0x542: {  	[sflag:s24] =	ssyncadd.s32 $0xFFFFFC00  }
0x543: {  	_ =	swait.ge [sflag:s24], $0x400  }
0x544: {  	[sflag:s24] =	ssyncset.done $0x0  }
0x545: {  	[sflag:s24] =	ssyncadd.s32 $0xFFFFFC00  }
0x546: {  	_ =	swait.ge [sflag:s24], $0x400  }
0x547: {  	[sflag:s24] =	ssyncset.done $0x0  }
0x548: {  	[sflag:s24] =	ssyncadd.s32 $0xFFFFFC00  }
0x549: {  	_ =	swait.ge [sflag:s24], $0x400  }
0x54a: {  	[sflag:s24] =	ssyncset.done $0x0  }
0x54b: {  	[sflag:s24] =	ssyncadd.s32 $0xFFFFFC00  }
0x54c: {  	_ =	swait.ge [sflag:s24], $0x400  }
0x54d: {  	[sflag:s24] =	ssyncset.done $0x0  }
0x54e: {  	[sflag:s24] =	ssyncadd.s32 $0xFFFFFC00  }
0x54f: {  	_ =	swait.ge [sflag:s24], $0x400  }
0x550: {  	[sflag:s24] =	ssyncset.done $0x0  }
0x551: {  	[sflag:s24] =	ssyncadd.s32 $0xFFFFFC00  }
0x552: {  	_ =	swait.ge [sflag:s24], $0x400  }
0x553: {  	[sflag:s24] =	ssyncset.done $0x0  }
0x554: {  	[sflag:s24] =	ssyncadd.s32 $0xFFFFFC00  }
0x555: {  	_ =	swait.ge [sflag:s24], $0x400  }
0x556: {  	[sflag:s24] =	ssyncset.done $0x0  }
0x557: {  	[sflag:s24] =	ssyncadd.s32 $0xFFFFFC00  }
0x558: {  	_ =	swait.ge [sflag:s24], $0x400  }
0x559: {  	[sflag:s24] =	ssyncset.done $0x0  }
0x55a: {  	[sflag:s24] =	ssyncadd.s32 $0xFFFFFC00  }
0x55b: {  	_ =	swait.ge [sflag:s24], $0x400  }
0x55c: {  	[sflag:s24] =	ssyncset.done $0x0  }
0x55d: {  	[sflag:s24] =	ssyncadd.s32 $0xFFFFFC00  }
0x55e: {  	_ =	swait.ge [sflag:s24], $0x400  }
0x55f: {  	[sflag:s24] =	ssyncset.done $0x0  }
0x560: {  	[sflag:s24] =	ssyncadd.s32 $0xFFFFFC00  }
0x561: {  	_ =	swait.ge [sflag:s24], $0x400  }
0x562: {  	[sflag:s24] =	ssyncset.done $0x0  }
0x563: {  	[sflag:s24] =	ssyncadd.s32 $0xFFFFFC00  }
0x564: {  	_ =	swait.ge [sflag:s24], $0x400  }
0x565: {  	[sflag:s24] =	ssyncset.done $0x0  }
0x566: {  	s7 =	sadd.s32 $0x1, s7;
	[sflag:s24] =	ssyncadd.s32 $0xFFFFFC00  }
0x567: {  	p0 =	sne.s32 s7, $0x8;
	_ =	swait.ge [sflag:s24], $0x400  }
.Ltmp8:
0x568: {  	[sflag:s24] =	ssyncset.done $0x0;
	(pc) =	sbr.rel @p0 .LBB2_11-.Ltmp8, $4  }
0x569: {  	[sflag:s24] =	ssyncadd.s32 $0xFFFFFC00  }
0x56a: {  	_ =	swait.ge [sflag:s24], $0x400  }
0x56b: {  	[sflag:s24] =	ssyncset.done $0x0  }
0x56c: {  	s21 =	simm.s32 $0x1E400;
	[sflag:s24] =	ssyncadd.s32 $0xFFFFFC00  }
0x56d: {  	_ =	swait.ge [sflag:s13], $0x400  }
0x56e: {  	[sflag:s13] =	ssyncset.done $0x0  }
0x56f: {  	[sflag:s13] =	ssyncadd.s32 $0xFFFFFC00  }
0x570: {  	_ =	swait.ge [sflag:s13], $0x400  }
0x571: {  	[sflag:s13] =	ssyncset.done $0x0  }
0x572: {  	[sflag:s13] =	ssyncadd.s32 $0xFFFFFC00  }
0x573: {  	_ =	swait.ge [sflag:s13], $0x400  }
0x574: {  	[sflag:s13] =	ssyncset.done $0x0  }
0x575: {  	[sflag:s13] =	ssyncadd.s32 $0xFFFFFC00  }
0x576: {  	_ =	swait.ge [sflag:s13], $0x400  }
0x577: {  	[sflag:s13] =	ssyncset.done $0x0  }
0x578: {  	[sflag:s13] =	ssyncadd.s32 $0xFFFFFC00  }
0x579: {  	_ =	swait.ge [sflag:s13], $0x400  }
0x57a: {  	[sflag:s13] =	ssyncset.done $0x0  }
0x57b: {  	[sflag:s13] =	ssyncadd.s32 $0xFFFFFC00  }
0x57c: {  	_ =	swait.ge [sflag:s13], $0x400  }
0x57d: {  	[sflag:s13] =	ssyncset.done $0x0  }
0x57e: {  	[sflag:s13] =	ssyncadd.s32 $0xFFFFFC00  }
0x57f: {  	_ =	swait.ge [sflag:s13], $0x400  }
0x580: {  	[sflag:s13] =	ssyncset.done $0x0  }
0x581: {  	[sflag:s13] =	ssyncadd.s32 $0xFFFFFC00  }
0x582: {  	_ =	swait.ge [sflag:s13], $0x400  }
0x583: {  	[sflag:s13] =	ssyncset.done $0x0  }
0x584: {  	[sflag:s13] =	ssyncadd.s32 $0xFFFFFC00  }
0x585: {  	_ =	swait.ge [sflag:s13], $0x400  }
0x586: {  	[sflag:s13] =	ssyncset.done $0x0  }
0x587: {  	[sflag:s13] =	ssyncadd.s32 $0xFFFFFC00  }
0x588: {  	_ =	swait.ge [sflag:s13], $0x400  }
0x589: {  	[sflag:s13] =	ssyncset.done $0x0  }
0x58a: {  	[sflag:s13] =	ssyncadd.s32 $0xFFFFFC00  }
0x58b: {  	_ =	swait.ge [sflag:s13], $0x400  }
0x58c: {  	[sflag:s13] =	ssyncset.done $0x0  }
0x58d: {  	[sflag:s13] =	ssyncadd.s32 $0xFFFFFC00  }
0x58e: {  	_ =	swait.ge [sflag:s13], $0x400  }
0x58f: {  	s7 =	simm.s32 $0x0;
	s15 =	simm.s32 $0x0;
	[sflag:s13] =	ssyncset.done $0x0  }
0x590: {  	s3 =	simm.s32 $0x2400;
	s6 =	simm.s32 $0x2800;
	[sflag:s13] =	ssyncadd.s32 $0xFFFFFC00  }
0x591: {  	s10 =	simm.s32 $0x2C00;
	s4 =	simm.s32 $0x3000;
	[bflag:$0x0] =	sbarrier.arrive $0xFFFF  }
.LBB2_21:
0x592: {  	s0 =	sshll.u32 s15, $0xA;
	s1 =	rddreg [dreg:$0xd]  }
0x593: {  	s11 =	sor.u32 s1, s0  }
0x594: {  	s1 =	sadd.s32 s11, s2  }
0x595: {  	[tilespmem:s3], [sflag:$0x5] =	stream.linear.gather [spmem:s1], $0x400, $0x38;
	[tilespmem:$0x1FC00] =	vst v63  }
0x596: {  	s23 =	smov.u32 s5;
	s5 =	sadd.s32 s11, s5  }
0x597: {  	[tilespmem:s6], [sflag:$0x5] =	stream.linear.gather [spmem:s5], $0x400, $0x38;
	[tilespmem:$0x1FC00] =	vst v63  }
0x598: {  	s6 =	sadd.s32 s11, s19  }
0x599: {  	[tilespmem:s10], [sflag:$0x5] =	stream.linear.gather [spmem:s6], $0x400, $0x38;
	[tilespmem:$0x1FC00] =	vst v63  }
0x59a: {  	s10 =	sadd.s32 s11, s30  }
0x59b: {  	[tilespmem:s4], [sflag:$0x5] =	stream.linear.gather [spmem:s10], $0x400, $0x38;
	[tilespmem:$0x1FC00] =	vst v63  }
0x59c: {  	_ =	swait.ge [sflag:s12], $0x400  }
0x59d: {  	[sflag:s12] =	ssyncset.done $0x0  }
0x59e: {  	[sflag:s12] =	ssyncadd.s32 $0xFFFFFC00  }
0x59f: {  	_ =	swait.ge [sflag:s12], $0x400  }
0x5a0: {  	[sflag:s12] =	ssyncset.done $0x0  }
0x5a1: {  	[sflag:s12] =	ssyncadd.s32 $0xFFFFFC00  }
0x5a2: {  	_ =	swait.ge [sflag:s12], $0x400  }
0x5a3: {  	[sflag:s12] =	ssyncset.done $0x0  }
0x5a4: {  	s29 =	smov.u32 s19;
	[sflag:s12] =	ssyncadd.s32 $0xFFFFFC00  }
0x5a5: {  	s14 =	sand.u32 $0x380, s7;
	s16 =	sadd.s32 $0x13400, s0;
	_ =	swait.ge [sflag:s12], $0x400  }
0x5a6: {  	s18 =	simm.s32 $0x30;
	s0 =	sadd.s32 s14, s16;
	[sflag:s12] =	ssyncset.done $0x0  }
0x5a7: {  	s1 =	sand.u32 $0x70, s18;
	s19 =	simm.s32 $0x2420;
	[sflag:s12] =	ssyncadd.s32 $0xFFFFFC00  }
0x5a8: {  	s1 =	sadd.s32 s1, s0;
	v1 =	vld [tilespmem:s19+$0x10]  }
0x5a9: {  	v5 =	vld [tilespmem:s1+$0x0]  }
0x5aa: {  	v2 =	vld [tilespmem:s19+$0xFFFFFFE0]  }
0x5ab: {  	s20 =	simm.s32 $0x10;
	s4 =	sand.u32 $0x40, s7;
	v3 =	vld [tilespmem:s19+$0xFFFFFFF0]  }
0x5ac: {  	s5 =	simm.s32 $0x20;
	s6 =	sadd.s32 s4, s0;
	s1 =	sand.u32 $0x50, s20;
	v4 =	vld [tilespmem:s19+$0x0]  }
0x5ad: {  	s10 =	sand.u32 $0x60, s5;
	v8 =	vld [tilespmem:s6+$0x0];
	s1 =	sadd.s32 s1, s0  }
0x5ae: {  	s0 =	sadd.s32 s10, s0;
	v9 =	vld [tilespmem:s1+$0x0]  }
0x5af: {  	v6 =	vmul.f32 v1, v5;
	v1 =	vld [tilespmem:s0+$0x0];
	_ =	sdelay $0x1  }
0x5b0: {  	s6 =	simm.s32 $0x2820;
	[tilespmem:s19+$0x10] =	vst v6  }
0x5b1: {  	s5 =	simm.s32 $0x2460;
	v2 =	vmul.f32 v2, v8;
	v6 =	vld [tilespmem:s6+$0x10]  }
0x5b2: {  	v11 =	vld [tilespmem:s5+$0xFFFFFFE0];
	v3 =	vmul.f32 v3, v9  }
0x5b3: {  	v12 =	vld [tilespmem:s5+$0x10];
	[tilespmem:s19+$0xFFFFFFE0] =	vst v2;
	v2 =	vmul.f32 v4, v1  }
0x5b4: {  	s4 =	simm.s32 $0x40;
	v14 =	vld [tilespmem:s5+$0xFFFFFFF0];
	[tilespmem:s19+$0xFFFFFFF0] =	vst v3  }
0x5b5: {  	s14 =	simm.s32 $0x70;
	v15 =	vld [tilespmem:s5+$0x0];
	[tilespmem:s19+$0x0] =	vst v2;
	s19 =	sand.u32 $0x380, s4  }
0x5b6: {  	s14 =	sand.u32 $0x70, s14;
	v4 =	vld [tilespmem:s6+$0xFFFFFFE0];
	v3 =	vmul.f32 v6, v5;
	s10 =	sadd.s32 s19, s16  }
0x5b7: {  	v6 =	vld [tilespmem:s6+$0xFFFFFFF0];
	s14 =	sadd.s32 s14, s10  }
0x5b8: {  	s0 =	simm.s32 $0x2C20;
	[tilespmem:s6+$0x10] =	vst v3;
	v13 =	vld [tilespmem:s14+$0x0]  }
0x5b9: {  	s3 =	sand.u32 $0x40, s4;
	s20 =	simm.s32 $0x50;
	v10 =	vld [tilespmem:s0+$0x10]  }
0x5ba: {  	s18 =	simm.s32 $0x60;
	v7 =	vld [tilespmem:s6+$0x0];
	s3 =	sadd.s32 s3, s10;
	s14 =	sand.u32 $0x50, s20  }
0x5bb: {  	s18 =	sand.u32 $0x60, s18;
	v2 =	vmul.f32 v4, v8;
	v4 =	vld [tilespmem:s3+$0x0];
	s14 =	sadd.s32 s14, s10  }
0x5bc: {  	s4 =	sadd.s32 s18, s10;
	v3 =	vld [tilespmem:s14+$0x0];
	v6 =	vmul.f32 v6, v9  }
0x5bd: {  	[tilespmem:s6+$0xFFFFFFE0] =	vst v2;
	v2 =	vld [tilespmem:s4+$0x0];
	s14 =	simm.s32 $0x24A0;
	v12 =	vmul.f32 v12, v13  }
0x5be: {  	v17 =	vld [tilespmem:s14+$0xFFFFFFE0];
	[tilespmem:s6+$0xFFFFFFF0] =	vst v6;
	v6 =	vmul.f32 v10, v5  }
0x5bf: {  	s10 =	simm.s32 $0x2860;
	v18 =	vld [tilespmem:s14+$0xFFFFFFF0];
	[tilespmem:s5+$0x10] =	vst v12  }
0x5c0: {  	[tilespmem:s0+$0x10] =	vst v6;
	v6 =	vmul.f32 v11, v4;
	v11 =	vld [tilespmem:s10+$0x10]  }
0x5c1: {  	v7 =	vmul.f32 v7, v1;
	v12 =	vld [tilespmem:s0+$0xFFFFFFF0]  }
0x5c2: {  	v10 =	vld [tilespmem:s0+$0xFFFFFFE0];
	v14 =	vmul.f32 v14, v3  }
0x5c3: {  	s18 =	simm.s32 $0x3020;
	v19 =	vld [tilespmem:s14+$0x10];
	[tilespmem:s6+$0x0] =	vst v7  }
0x5c4: {  	v15 =	vmul.f32 v15, v2;
	v7 =	vld [tilespmem:s18+$0x10];
	[tilespmem:s5+$0xFFFFFFF0] =	vst v14  }
0x5c5: {  	[tilespmem:s5+$0xFFFFFFE0] =	vst v6;
	v6 =	vld [tilespmem:s0+$0x0];
	v11 =	vmul.f32 v11, v13  }
0x5c6: {  	[tilespmem:s5+$0x0] =	vst v15;
	v14 =	vld [tilespmem:s10+$0xFFFFFFF0];
	v12 =	vmul.f32 v12, v9  }
0x5c7: {  	s3 =	simm.s32 $0x2C60;
	v16 =	vld [tilespmem:s10+$0xFFFFFFE0];
	v10 =	vmul.f32 v10, v8;
	[tilespmem:s10+$0x10] =	vst v11  }
0x5c8: {  	s5 =	simm.s32 $0x80;
	[tilespmem:s0+$0xFFFFFFF0] =	vst v12;
	v12 =	vld [tilespmem:s3+$0x10]  }
0x5c9: {  	s20 =	simm.s32 $0xB0;
	v15 =	vld [tilespmem:s10+$0x0];
	s19 =	sand.u32 $0x380, s5;
	[tilespmem:s0+$0xFFFFFFE0] =	vst v10  }
0x5ca: {  	s20 =	sand.u32 $0x70, s20;
	s6 =	sadd.s32 s19, s16;
	v10 =	vld [tilespmem:s18+$0xFFFFFFE0];
	v5 =	vmul.f32 v7, v5  }
0x5cb: {  	s20 =	sadd.s32 s20, s6;
	v11 =	vld [tilespmem:s18+$0xFFFFFFF0];
	v6 =	vmul.f32 v6, v1  }
0x5cc: {  	s31 =	smov.u32 s30;
	s30 =	simm.s32 $0x90;
	s1 =	sand.u32 $0x40, s5;
	[tilespmem:s18+$0x10] =	vst v5;
	v7 =	vmul.f32 v16, v4;
	v5 =	vld [tilespmem:s20+$0x0]  }
0x5cd: {  	s1 =	sadd.s32 s1, s6;
	s20 =	sand.u32 $0x50, s30;
	v16 =	vld [tilespmem:s14+$0x0];
	[tilespmem:s0+$0x0] =	vst v6;
	v6 =	vmul.f32 v12, v13  }
0x5ce: {  	s4 =	simm.s32 $0xA0;
	s0 =	sadd.s32 s20, s6;
	[tilespmem:s10+$0xFFFFFFE0] =	vst v7;
	v7 =	vld [tilespmem:s1+$0x0];
	v12 =	vmul.f32 v14, v3  }
0x5cf: {  	s5 =	sand.u32 $0x60, s4;
	s20 =	simm.s32 $0x3060;
	v14 =	vmul.f32 v15, v2;
	[tilespmem:s3+$0x10] =	vst v6;
	v6 =	vld [tilespmem:s0+$0x0]  }
0x5d0: {  	s19 =	sadd.s32 s5, s6;
	v10 =	vmul.f32 v10, v8;
	[tilespmem:s10+$0xFFFFFFF0] =	vst v12;
	v12 =	vld [tilespmem:s20+$0x10]  }
0x5d1: {  	v8 =	vld [tilespmem:s19+$0x0];
	[tilespmem:s10+$0x0] =	vst v14;
	v14 =	vmul.f32 v19, v5  }
0x5d2: {  	v9 =	vmul.f32 v11, v9;
	[tilespmem:s18+$0xFFFFFFE0] =	vst v10;
	v10 =	vld [tilespmem:s3+$0xFFFFFFE0]  }
0x5d3: {  	s6 =	simm.s32 $0x28A0;
	v11 =	vmul.f32 v17, v7;
	[tilespmem:s14+$0x10] =	vst v14;
	v14 =	vld [tilespmem:s3+$0xFFFFFFF0]  }
0x5d4: {  	[tilespmem:s18+$0xFFFFFFF0] =	vst v9;
	v15 =	vld [tilespmem:s6+$0x10];
	v9 =	vmul.f32 v18, v6  }
0x5d5: {  	v17 =	vld [tilespmem:s3+$0x0];
	[tilespmem:s14+$0xFFFFFFE0] =	vst v11;
	v11 =	vmul.f32 v12, v13  }
0x5d6: {  	v12 =	vld [tilespmem:s6+$0xFFFFFFE0];
	[tilespmem:s14+$0xFFFFFFF0] =	vst v9;
	v9 =	vmul.f32 v16, v8  }
0x5d7: {  	v10 =	vmul.f32 v10, v4;
	v16 =	vld [tilespmem:s6+$0xFFFFFFF0];
	[tilespmem:s20+$0x10] =	vst v11  }
0x5d8: {  	v11 =	vld [tilespmem:s18+$0x0];
	[tilespmem:s14+$0x0] =	vst v9;
	v9 =	vmul.f32 v14, v3  }
0x5d9: {  	[tilespmem:s3+$0xFFFFFFE0] =	vst v10;
	v14 =	vmul.f32 v15, v5;
	v13 =	vld [tilespmem:s6+$0x0]  }
0x5da: {  	v10 =	vld [tilespmem:s20+$0xFFFFFFE0];
	v17 =	vmul.f32 v17, v2;
	[tilespmem:s3+$0xFFFFFFF0] =	vst v9  }
0x5db: {  	s30 =	simm.s32 $0x2CA0;
	s1 =	simm.s32 $0x24E0;
	[tilespmem:s6+$0x10] =	vst v14;
	v15 =	vmul.f32 v12, v7;
	v9 =	vld [tilespmem:s20+$0xFFFFFFF0]  }
0x5dc: {  	s10 =	simm.s32 $0xC0;
	s0 =	simm.s32 $0x2CA0;
	[tilespmem:s3+$0x0] =	vst v17;
	s14 =	simm.s32 $0x8;
	v12 =	vld [tilespmem:s30+$0x10];
	v14 =	vmul.f32 v16, v6  }
.LBB2_22:
0x5dd: {  	s3 =	sand.u32 $0x380, s10;
	v16 =	vld [tilespmem:s1+$0xFFFFFFE0];
	s4 =	sadd.s32 $0x30, s10;
	s14 =	sadd.s32 $0x4, s14;
	[tilespmem:s6+$0xFFFFFFE0] =	vst v15;
	v11 =	vmul.f32 v11, v1;
	v1 =	vmov v2;
	v2 =	vmov v8  }
0x5de: {  	s3 =	sadd.s32 s3, s16;
	v15 =	vld [tilespmem:s1+$0xFFFFFFF0];
	s4 =	sand.u32 $0x70, s4;
	p0 =	slt.u32 s14, $0x3C;
	[tilespmem:s6+$0xFFFFFFF0] =	vst v14;
	v8 =	vmul.f32 v13, v2  }
0x5df: {  	s5 =	sadd.s32 $0x10, s10;
	s19 =	sadd.s32 $0x20, s10;
	s4 =	sadd.s32 s4, s3;
	v13 =	vld [tilespmem:s1+$0x10];
	v10 =	vmul.f32 v10, v4;
	[tilespmem:s18+$0x0] =	vst v11;
	v4 =	vmov v7  }
0x5e0: {  	s5 =	sand.u32 $0x50, s5;
	s19 =	sand.u32 $0x60, s19;
	s18 =	sand.u32 $0x40, s10;
	v11 =	vld [tilespmem:s4+$0x0];
	[tilespmem:s6+$0x0] =	vst v8;
	v8 =	vmul.f32 v9, v3;
	v3 =	vmov v6  }
0x5e1: {  	s5 =	sadd.s32 s5, s3;
	s4 =	sadd.s32 s18, s3;
	s3 =	sadd.s32 s19, s3;
	v9 =	vld [tilespmem:s1+$0x0];
	v12 =	vmul.f32 v12, v5;
	[tilespmem:s20+$0xFFFFFFE0] =	vst v10  }
0x5e2: {  	s18 =	smov.u32 s20;
	v7 =	vld [tilespmem:s4+$0x0];
	[tilespmem:s20+$0xFFFFFFF0] =	vst v8  }
0x5e3: {  	s20 =	sadd.s32 $0x40, s20;
	v6 =	vld [tilespmem:s5+$0x0];
	[tilespmem:s30+$0x10] =	vst v12  }
0x5e4: {  	v10 =	vld [tilespmem:s20+$0x10]  }
0x5e5: {  	v8 =	vld [tilespmem:s3+$0x0];
	v12 =	vmul.f32 v13, v11  }
0x5e6: {  	v13 =	vld [tilespmem:s30+$0xFFFFFFE0]  }
0x5e7: {  	s6 =	sadd.s32 $0x40, s6;
	v14 =	vmul.f32 v16, v7;
	[tilespmem:s1+$0x10] =	vst v12;
	v12 =	vld [tilespmem:s30+$0xFFFFFFF0]  }
0x5e8: {  	v15 =	vmul.f32 v15, v6;
	v16 =	vld [tilespmem:s6+$0x10]  }
0x5e9: {  	[tilespmem:s1+$0xFFFFFFE0] =	vst v14;
	v14 =	vld [tilespmem:s30+$0x0];
	v10 =	vmul.f32 v10, v5;
	v5 =	vmov v11  }
0x5ea: {  	v17 =	vld [tilespmem:s6+$0xFFFFFFE0];
	[tilespmem:s1+$0xFFFFFFF0] =	vst v15;
	v9 =	vmul.f32 v9, v8  }
0x5eb: {  	v18 =	vld [tilespmem:s6+$0xFFFFFFF0];
	v15 =	vmul.f32 v13, v4;
	[tilespmem:s20+$0x10] =	vst v10  }
.Ltmp9:
0x5ec: {  	[tilespmem:s1+$0x0] =	vst v9;
	v9 =	vmul.f32 v12, v3;
	v11 =	vld [tilespmem:s18+$0x0];
	(pc) =	sbr.rel @p0 .LBB2_22-.Ltmp9, $4  }
0x5ed: {  	v13 =	vld [tilespmem:s6+$0x0];
	v12 =	vmul.f32 v16, v5;
	[tilespmem:s30+$0xFFFFFFE0] =	vst v15  }
0x5ee: {  	v10 =	vld [tilespmem:s20+$0xFFFFFFE0];
	[tilespmem:s30+$0xFFFFFFF0] =	vst v9;
	v16 =	vmul.f32 v14, v2  }
0x5ef: {  	s30 =	sadd.s32 $0x40, s30;
	v15 =	vmul.f32 v17, v7;
	[tilespmem:s6+$0x10] =	vst v12;
	v9 =	vld [tilespmem:s20+$0xFFFFFFF0]  }
0x5f0: {  	s10 =	sadd.s32 $0x40, s10;
	s1 =	sadd.s32 $0x40, s1;
	v14 =	vmul.f32 v18, v6;
	v12 =	vld [tilespmem:s30+$0x10];
	[tilespmem:s0+$0x0] =	vst v16;
	s0 =	smov.u32 s30  }
0x5f1: {  	[tilespmem:s6+$0xFFFFFFE0] =	vst v15  }
0x5f2: {  	v13 =	vmul.f32 v13, v8;
	v55 =	vld [tilespmem:s30+$0xFFFFFFE0]  }
0x5f3: {  	[tilespmem:s6+$0xFFFFFFF0] =	vst v14  }
0x5f4: {  	v56 =	vld [tilespmem:s30+$0xFFFFFFF0];
	[tilespmem:s6+$0x0] =	vst v13  }
0x5f5: {  	v57 =	vld [tilespmem:s30+$0x0]  }
0x5f6: {  	v12 =	vmul.f32 v12, v5  }
0x5f7: {  	v58 =	vmul.f32 v55, v7  }
0x5f8: {  	s1 =	sadd.s32 $0x40, s20;
	v60 =	vld [tilespmem:s20+$0x0];
	v1 =	vmul.f32 v11, v1;
	[tilespmem:s30+$0x10] =	vst v12  }
0x5f9: {  	v59 =	vld [tilespmem:s1+$0x10];
	v13 =	vmul.f32 v56, v6;
	[tilespmem:s30+$0xFFFFFFE0] =	vst v58  }
0x5fa: {  	[tilespmem:s18+$0x0] =	vst v1;
	v15 =	vmul.f32 v57, v8;
	v61 =	vld [tilespmem:s1+$0xFFFFFFE0]  }
0x5fb: {  	v1 =	vmul.f32 v9, v3;
	[tilespmem:s30+$0xFFFFFFF0] =	vst v13  }
0x5fc: {  	v4 =	vmul.f32 v10, v4;
	v62 =	vld [tilespmem:s1+$0xFFFFFFF0];
	[tilespmem:s0+$0x0] =	vst v15  }
0x5fd: {  	[tilespmem:s20+$0xFFFFFFF0] =	vst v1;
	v1 =	vmul.f32 v60, v2;
	v3 =	vld [tilespmem:s1+$0x0]  }
0x5fe: {  	[tilespmem:s20+$0xFFFFFFE0] =	vst v4;
	v63 =	vmul.f32 v59, v5  }
0x5ff: {  	[tilespmem:s20+$0x0] =	vst v1;
	v2 =	vmul.f32 v61, v7  }
0x600: {  	[tilespmem:s1+$0x10] =	vst v63  }
0x601: {  	v1 =	vmul.f32 v62, v6;
	s3 =	sld [smem:$0x7D5];
	[tilespmem:s1+$0xFFFFFFE0] =	vst v2  }
0x602: {  	v2 =	vmul.f32 v3, v8;
	s14 =	sld [smem:$0x7D8]  }
0x603: {  	s11 =	sshll.u32 s11, $0x3;
	[tilespmem:s1+$0xFFFFFFF0] =	vst v1  }
0x604: {  	s0 =	sadd.s32 s3, s11;
	[tilespmem:s1+$0x0] =	vst v2  }
0x605: {  	s3 =	sor.u32 s14, s0;
	s4 =	rddreg [dreg:$0xa]  }
0x606: {  	s18 =	sld [smem:$0x7D6];
	s3 =	sshrl.u32 s3, $0x3  }
0x607: {  	s16 =	sadd.s32 s4, s3;
	s3 =	simm.s32 $0x2400  }
0x608: {  	[hbm4b:s16+s22] =	stream.strided.scatter [tilespmem:s3], [sflag:$0x3], $0x400, s28, s22, $0x38;
	[tilespmem:$0x1FC00] =	vst v63  }
0x609: {  	s1 =	sor.u32 s18, s0  }
0x60a: {  	s19 =	sld [smem:$0x7D7];
	s1 =	sshrl.u32 s1, $0x3  }
0x60b: {  	s6 =	simm.s32 $0x2800;
	s20 =	sld [smem:$0x7D9];
	s1 =	sadd.s32 s4, s1  }
0x60c: {  	[hbm4b:s1+s22] =	stream.strided.scatter [tilespmem:s6], [sflag:$0x3], $0x400, s28, s22, $0x38;
	[tilespmem:$0x1FC00] =	vst v63  }
0x60d: {  	s1 =	sor.u32 s19, s0  }
0x60e: {  	s0 =	sor.u32 s20, s0;
	s1 =	sshrl.u32 s1, $0x3  }
0x60f: {  	s10 =	simm.s32 $0x2C00;
	s0 =	sshrl.u32 s0, $0x3;
	s1 =	sadd.s32 s4, s1  }
0x610: {  	[hbm4b:s1+s22] =	stream.strided.scatter [tilespmem:s10], [sflag:$0x3], $0x400, s28, s22, $0x38;
	[tilespmem:$0x1FC00] =	vst v63  }
0x611: {  	s0 =	sadd.s32 s4, s0;
	s4 =	simm.s32 $0x3000  }
0x612: {  	[hbm4b:s0+s22] =	stream.strided.scatter [tilespmem:s4], [sflag:$0x3], $0x400, s28, s22, $0x38;
	[tilespmem:$0x1FC00] =	vst v63  }
0x613: {  	_ =	swait.ge [sflag:s17], $0x400  }
0x614: {  	[sflag:s17] =	ssyncset.done $0x0  }
0x615: {  	[sflag:s17] =	ssyncadd.s32 $0xFFFFFC00  }
0x616: {  	_ =	swait.ge [sflag:s17], $0x400  }
0x617: {  	[sflag:s17] =	ssyncset.done $0x0  }
0x618: {  	s15 =	sadd.s32 $0x1, s15;
	[sflag:s17] =	ssyncadd.s32 $0xFFFFFC00  }
0x619: {  	p0 =	sne.s32 s15, $0x10;
	_ =	swait.ge [sflag:s17], $0x400  }
.Ltmp10:
0x61a: {  	[sflag:s17] =	ssyncset.done $0x0;
	(pc) =	sbr.rel @p0 .LBB2_21-.Ltmp10, $4  }
0x61b: {  	[sflag:s17] =	ssyncadd.s32 $0xFFFFFC00  }
0x61c: {  	_ =	swait.ge [sflag:s17], $0x400  }
0x61d: {  	s5 =	smov.u32 s23;
	[sflag:s17] =	ssyncset.done $0x0  }
0x61e: {  	s30 =	smov.u32 s31;
	s19 =	smov.u32 s29;
	[sflag:s17] =	ssyncadd.s32 $0xFFFFFC00  }
0x61f: {  	s3 =	sld [smem:$0x7D4];
	_ =	sdelay $0x2  }
0x620: {  	s3 =	sadd.s32 $0x1, s3  }
0x621: {  	p0 =	sne.s32 s3, $0x18  }
.Ltmp11:
0x622: {  	_ = 	snop;
	(pc) =	sbr.rel @p0 .LBB2_10-.Ltmp11, $4  }
0x623: {  	s4 =	rddreg [dreg:$0x0]  }
0x624: {  	s7 =	sld [smem:$0x7FC]  }
0x625: {  	s18 =	simm.s32 $0x1DC00;
	s11 =	simm.s32 $0x1EC00;
	s29 =	simm.s32 $0x1D800  }
0x626: {  	s31 =	simm.s32 $0x1000;
	s23 =	simm.s32 $0x1E000;
	s20 =	simm.s32 $0x1800  }
0x627: {  	s1 =	sld [smem:$0x7DA];
	_ =	sdelay $0x2  }
0x628: {  	s0 =	rddreg [dreg:$0x17];
	s1 =	sadd.s32 $0x1, s1  }
0x629: {  	p0 =	sne.s32 s1, s0  }
.Ltmp12:
0x62a: {  	_ = 	snop;
	(pc) =	sbr.rel @p0 .LBB2_1-.Ltmp12, $4  }
0x62b: {  	_ = 	snop  }
0x62c: {  	s3 =	simm.s32 $0x1D400  }
0x62d: {  	s14 =	simm.s32 $0xC00;
	s16 =	simm.s32 $0x1400;
	s6 =	simm.s32 $0x1E400  }
0x62e: {  	s4 =	simm.s32 $0x1C00;
	s15 =	simm.s32 $0x1E800;
	s23 =	simm.s32 $0x1F000  }
0x62f: {  	_ =	sfence.sel $0x180000  }
0x630: {  	[bflag:$0x0] =	sbarrier.arrive $0xFFFF  }
0x631: {  	_ =	strace $0x90000047  }
0x632: {  	s0 =	stileid.u32;
	[bflag:$0x2] =	sbarrier.arrive $0xFFFF  }
0x633: {  	p0 =	sne.s32 s0, $0x0;
	s0 =	rddreg [dreg:$0x6]  }
0x634: {  	s0 =	sadd.s32 @!p0 $0x100000, s0  }
0x635: {  	[sflag:s0] =	ssyncadd.tile.s32 @!p0 $0x1;
	_ =	shalt  }
.Lfunc_end2:
_tile_overlayer_lowered:
.L_overlay_start_2:
0x636: {  	(tag) =	ssettag $0x2  }
0x637: {  	s0 =	rddreg [dreg:$0x0];
	s2 =	stileid.u32  }
0x638: {  	s1 =	rddreg [dreg:$0x1];
	p0 =	sne.s32 s2, $0x0  }
0x639: {  	s3 =	rddreg [dreg:$0x2];
	[bflag:$0x3] =	sbarrier.arrive $0xFFFF;
	s2 =	simm.s32 @!p0 $0x1C06  }
0x63a: {  	[timem:s3], [sflag:s2] =	dma.local @!p0 [hbm:s0], s1  }
0x63b: {  	s0 =	simm.s32 @!p0 $0x6  }
0x63c: {  	_ =	swait.ge @!p0 [sflag:s0], s1  }
0x63d: {  	s1 =	ssub.s32 @!p0 $0x0, s1;
	[sflag:s0] =	ssyncset.done @!p0 $0x0  }
0x63e: {  	[sflag:s0] =	ssyncadd.s32 @!p0 s1  }
0x63f: {  	[bflag:$0x3] =	sbarrier.arrive $0xFFFF  }
0x640: {  	_ =	shalt  }

// kernel: sparse-core-data-format-call.cloned.1.call-start
scs
called_computation_lowered:
.L_overlay_start_0:
0x0: {  	s2 =	sld [smem:$0x3FD9]  }
0x1: {  	s3 =	sld [smem:$0x3FFE];
	_ =	sdelay $0x1  }
0x2: {  	s1 =	srdreg.scid  }
0x3: {  	s0 =	sand.u32 $0x1, s1  }
0x4: {  	s18 =	sshll.u32 s0, $0xA;
	s2 =	sadd.s32 s3, s2  }
0x5: {  	s2 =	sadd.s32 s2, s18  }
0x6: {  	[smem:$0x3FC5] =	sst s2  }
0x7: {  	_ = 	snop  }
0x8: {  	s2 =	sld [smem:$0x3FD0];
	(tm) =	ssettm $0x1  }
0x9: {  	s19 =	sld [smem:$0x3FFB];
	_ =	sdelay $0x3  }
0xa: {  	_ =	strace s19  }
0xb: {  	s3 =	sld [smem:$0x3FFC];
	_ =	sdelay $0x3  }
0xc: {  	_ =	strace s3  }
0xd: {  	s3 =	sld [smem:$0x3FFD];
	_ =	sdelay $0x3  }
0xe: {  	_ =	strace s3  }
0xf: {  	_ =	strace $0x8FFFFFFF  }
0x10: {  	s20 =	sld [smem:$0x3FDB];
	_ =	sdelay $0x1  }
0x11: {  	s4 =	simm.s32 $_scs_section_size  }
0x12: {  	s5 =	simm.s32 $_size__tile_overlayer_lowered;
	s6 =	simm.s32 $_tile_overlayer_lowered  }
0x13: {  	s23 =	simm.s32 $0x1BFF;
	s22 =	sshll.u32 s6, $0x1;
	s3 =	sadd.s32 s4, s20  }
0x14: {  	s7 =	simm.s32 $0x0;
	s21 =	sshll.u32 s5, $0x1;
	s5 =	sadd.s32 s22, s3  }
0x15: {  	[timem:s7], [sflag:s23] =	dma.local [hbm:s5], s21  }
0x16: {  	_ =	swait.ge [sflag:s23], s21  }
0x17: {  	s4 =	ssub.s32 $0x0, s21;
	[sflag:s23] =	ssyncset.done $0x0  }
0x18: {  	[sflag:s23] =	ssyncadd.s32 s4;
	_ =	sdelay $0x1  }
0x19: {  	s24 =	simm.s32 $0x1B8B  }
0x1a: {  	_ =	swait.ge [sflag:s24], $0x1  }
0x1b: {  	[sflag:s24] =	ssyncset.done $0x0  }
0x1c: {  	s26 =	simm.s32 $0x1B8E;
	s25 =	sld [smem:$0x3FFE];
	[sflag:s24] =	ssyncadd.s32 $0xFFFFFFFF  }
0x1d: {  	s27 =	simm.s32 $execute0_lowered;
	[smem:$0x3FD2] =	sst s26  }
0x1e: {  	s5 =	sshll.u32 s27, $0x1;
	_ =	strace $0x80000049;
	[dreg:$0x1] =	wrdreg $0xFFFFFFFF  }
0x1f: {  	s28 =	simm.s32 $_size_execute0_lowered;
	s3 =	sadd.s32 s3, s5;
	[dreg:$0x0] =	wrdreg $0x0  }
0x20: {  	s5 =	sshll.u32 s28, $0x1;
	[dreg:$0x2] =	wrdreg s3  }
0x21: {  	[dreg:$0x3] =	wrdreg s5  }
0x22: {  	[dreg:$0x4] =	wrdreg $0xC0  }
0x23: {  	_ =	task [dreg:s7], $0x5FFFF  }
0x24: {  	[dreg:$0x1] =	wrdreg $0xFFFFFFFF  }
0x25: {  	[dreg:$0x0] =	wrdreg $0x60  }
0x26: {  	[dreg:$0x2] =	wrdreg s25  }
0x27: {  	[dreg:$0x3] =	wrdreg s2  }
0x28: {  	[dreg:$0x4] =	wrdreg $0x9  }
0x29: {  	_ =	task.clear_ibuf [dreg:s7], $0x5FFFF;
	_ =	strace $0x90000049  }
0x2a: {  	s29 =	simm.s32 $0x9;
	_ =	strace $0x8000004B  }
0x2b: {  	_ =	swait.ge [sflag:s29], $0x1  }
0x2c: {  	[sflag:s29] =	ssyncadd.s32 $0xFFFFFFFF  }
0x2d: {  	_ =	strace $0x9000004B  }
0x2e: {  	_ =	sfence  }
0x2f: {  	s30 =	sld [smem:$0x0];
	_ =	sdelay $0x2  }
0x30: {  	s31 =	sshll.u32 s1, $0xD;
	s1 =	sshrl.u32 s1, $0x2  }
0x31: {  	s3 =	sand.u32 $0x4000, s31;
	s1 =	sadd.s32 s1, s30  }
0x32: {  	s0 =	sor.u32 s3, s0;
	s1 =	sshll.u32 s1, $0x11  }
0x33: {  	s0 =	sor.u32 s1, s0  }
0x34: {  	s0 =	sadd.s32 $0x8F2B, s0  }
0x35: {  	[sflag:s0] =	ssyncadd.remote.s32 $0x1  }
0x36: {  	_ =	sfence.sel $0xFFFF  }
0x37: {  	[dreg:$0x0] =	wrdreg $0xFFFFFFFF;
	(pc) =	sbr.abs _section_cstart, $3  }
0x38: {  	[dreg:$0x1] =	wrdreg $0xFFFFFFFF  }
0x39: {  	_ =	task.clear_ibuf [dreg:s7], $0x2FFFF;
	_ =	strace $0x9FFFFFFF  }
0x3a: {  	(tm) =	ssettm $0x7FFFFFFF  }
0x3b: {  	_ =	shalt  }
tec
execute0_lowered:
.L_overlay_start_1:
0x0: {  	(tag) =	ssettag $0x1  }
0x1: {  	s0 =	srdreg.scid  }
0x2: {  	s6 =	rddreg [dreg:$0x0];
	s1 =	sshll.u32 s0, $0x4  }
0x3: {  	s4 =	simm.s32 $0x1;
	s0 =	stileid.u32;
	s1 =	sand.u32 $0x10, s1  }
0x4: {  	s31 =	simm.s32 $0x2;
	s15 =	simm.s32 $0x0;
	s1 =	sor.u32 s0, s1  }
0x5: {  	s8 =	simm.s32 $0x40000;
	s9 =	simm.s32 $0x0;
	s2 =	sshll.u32 s1, $0x3  }
0x6: {  	s16 =	simm.s32 $0x0;
	s18 =	simm.s32 $0x0;
	s1 =	ssub.s32 $0x200, s2  }
0x7: {  	s17 =	simm.s32 $0x0;
	s10 =	simm.s32 $0x0;
	s3 =	sand.u32 $0xF8, s1  }
0x8: {  	s11 =	simm.s32 $0x0;
	s13 =	simm.s32 $0x0;
	p0 =	sne.s32 s3, $0x0  }
.Ltmp0:
0x9: {  	s1 =	sshrl.u32 s1, $0x8;
	s4 =	simm.s32 @!p0 $0x0;
	(pc) =	sbr.rel .LBB1_1-.Ltmp0, $4  }
0xa: {  	s14 =	simm.s32 $0x0;
	s3 =	rddreg [dreg:$0x1];
	s1 =	sadd.s32 s4, s1  }
0xb: {  	_ =	strace $0x8000004A;
	s4 =	simm.s32 $0x1;
	s5 =	smul.u32 $0x30, s1  }
0xc: {  	s24 =	simm.s32 $0x0;
	s6 =	sadd.s32 $0x81000, s6;
	[sflag:s4] =	ssyncpa.u1 $0x0  }
0xd: {  	s12 =	smov.u32 s2;
	[sflag:s31] =	ssyncpa.u1 $0x0;
	s7 =	sor.u32 $0x1, s5  }
.LBB1_7:
0xe: {  	s1 =	sadd.s32 $0x100, s10  }
0xf: {  	s15 =	sadd.s32 $0x8, s11;
	s19 =	smov.u32 s11;
	p1 =	sgt.s32 s1, $0x1FF  }
0x10: {  	s19 =	smov.u32 @p1 s15  }
0x11: {  	s20 =	smov.u32 s12;
	s15 =	sadd.s32 $0x100, s12;
	p2 =	sgt.s32 s19, $0x7  }
0x12: {  	s20 =	smov.u32 @p2 s15  }
0x13: {  	s15 =	simm.s32 $0x1;
	p3 =	sgt.s32 s20, $0x1FF  }
0x14: {  	s15 =	simm.s32 @!p3 $0x0  }
0x15: {  	p0 =	slt.u32 s14, $0x2;
	s22 =	sadd.s32 s15, s13  }
0x16: {  	s16 =	smov.u32 s11;
	s1 =	simm.s32 @p1 $0x0;
	p1 =	sgt.s32 s22, $0x17  }
0x17: {  	s21 =	simm.s32 @!p0 $0x2;
	s22 =	simm.s32 @p1 $0x0;
	p1 =	sne.s32 s14, s7  }
.Ltmp1:
0x18: {  	s18 =	smov.u32 s12;
	_ =	swait.ge @!p0 [sflag:s21], $0x4000;
	(pc) =	sbr.rel @!p1 .LBB1_8-.Ltmp1, $4  }
0x19: {  	s17 =	smov.u32 s13;
	[sflag:s21] =	ssyncset.done @!p0 $0x0;
	s19 =	simm.s32 @p2 $0x0  }
0x1a: {  	s9 =	sadd.s32 $0x4000, s9;
	[sflag:s21] =	ssyncadd.s32 @!p0 $0xFFFFC000;
	s11 =	smov.u32 s19  }
0x1b: {  	s20 =	smov.u32 @p3 s2;
	s15 =	smov.u32 s10;
	s10 =	smov.u32 s1  }
0x1c: {  	s12 =	smov.u32 s20;
	s14 =	sadd.s32 $0x1, s14;
	s13 =	smov.u32 s22  }
.LBB1_1:
0x1d: {  	p0 =	sge.u32 s14, s5  }
0x1e: {  	s31 =	sadd.s32 $0xFFFFFFFF, s14;
	s1 =	sxor.u32 @!p0 $0xFFFFFFFF, s14;
	s19 =	sshll.u32 @!p0 s10, $0x3  }
0x1f: {  	s20 =	sshll.u32 @!p0 s11, $0x7;
	s21 =	sand.u32 @!p0 $0x78, s10;
	s22 =	sshll.u32 @!p0 s13, $0x12  }
0x20: {  	s23 =	sshll.u32 @!p0 s12, $0x9;
	s1 =	sshll.u32 @!p0 s1, $0xE;
	s20 =	sand.u32 @!p0 $0x380, s20  }
0x21: {  	s19 =	sand.u32 @!p0 $0xC00, s19;
	s1 =	sand.u32 @!p0 $0x4000, s1;
	s20 =	sor.u32 @!p0 s21, s20  }
0x22: {  	s21 =	sand.u32 @!p0 $0x7, s10;
	s19 =	sor.u32 @!p0 s19, s20;
	s20 =	sadd.s32 @!p0 s6, s22  }
0x23: {  	s21 =	sshll.u32 @!p0 s21, $0x12;
	s19 =	sshrl.u32 @!p0 s19, $0x3;
	s20 =	sadd.s32 @!p0 s23, s20  }
0x24: {  	s19 =	sadd.s32 @!p0 s19, s20;
	s20 =	sor.u32 @!p0 $0x800, s21;
	s21 =	simm.s32 @!p0 $0x1000  }
0x25: {  	[tilespmem:s1], [sflag:$0x1] =	stream.strided.gather @!p0 [hbm4b:s19+s20], $0x4000, s21, s20, $0x38;
	[tilespmem:$0x10000] =	vst v63  }
0x26: {  	p0 =	sge.u32 s31, s5  }
.Ltmp2:
0x27: {  	_ = 	snop;
	(pc) =	sbr.rel @p0 .LBB1_7-.Ltmp2, $1  }
0x28: {  	_ =	sdelay $0x3  }
0x29: {  	s1 =	sshll.u32 s9, $0x2;
	_ =	swait.ge [sflag:s4], $0x4000;
	s19 =	sshll.u32 s14, $0xE  }
0x2a: {  	p0 =	por $0x0, $0x0;
	s25 =	simm.s32 $0x0;
	s26 =	simm.s32 $0x0  }
0x2b: {  	s1 =	sand.u32 $0x10000, s1;
	[sflag:s4] =	ssyncset.done $0x0;
	s22 =	sand.u32 $0x4000, s19  }
0x2c: {  	s1 =	sshrl.u32 s1, $0x2;
	[sflag:s4] =	ssyncadd.s32 $0xFFFFC000;
	s19 =	sor.u32 $0x8000, s22  }
0x2d: {  	s20 =	sor.u32 $0x40, s1;
	s21 =	sor.u32 $0x8410, s1;
	s23 =	sadd.s32 $0x8400, s1  }
.LBB1_3:
0x2e: {  	v1 =	vld [tilespmem:s20+$0xFFFFFFD0]  }
0x2f: {  	v2 =	vld [tilespmem:s20+$0x430]  }
0x30: {  	s1 =	sshll.u32 s26, $0xB;
	v4 =	vld [tilespmem:s20+$0xFFFFFFE0]  }
0x31: {  	v7 =	vld [tilespmem:s20+$0xFFFFFFF0];
	v0 =	vmov s1  }
0x32: {  	v8 =	vld [tilespmem:s20+$0x0]  }
0x33: {  	v9 =	vld [tilespmem:s20+$0x10];
	s1 =	sand.u32 $0x300, s24  }
0x34: {  	s27 =	sand.u32 $0x80, s24;
	v10 =	vld [tilespmem:s20+$0x20];
	s1 =	sadd.s32 s1, s22  }
0x35: {  	v11 =	vld [tilespmem:s20+$0x30];
	s1 =	sadd.s32 s27, s1;
	s27 =	simm.s32 $0x1;
	[tilespmem:s21+$0x60] =	vst v2  }
0x36: {  	s27 =	simm.s32 @!p0 $0x0;
	[tilespmem:s21+$0xFFFFFC00] =	vst v1;
	v3 =	vld.idx.msk [tilespmem:v0+s1+$0x400 ss:$0x1], $0xffff;
	s1 =	sshll.u32 s25, $0x2  }
0x37: {  	v6 =	vld [tilespmem:s20+$0x3D0];
	s27 =	sshll.u32 s27, $0x9;
	[tilespmem:s21+$0xFFFFFC10] =	vst v4;
	s1 =	sand.u32 $0xFFFFFC00, s1  }
0x38: {  	v5 =	vld [tilespmem:s20+$0x3E0];
	[tilespmem:s21+$0xFFFFFC20] =	vst v7;
	s1 =	sor.u32 s27, s1  }
0x39: {  	[tilespmem:s21+$0xFFFFFC30] =	vst v8;
	v4 =	vld [tilespmem:s20+$0x400];
	s1 =	sshrl.u32 s1, $0x2  }
0x3a: {  	[tilespmem:s21+$0xFFFFFC40] =	vst v9;
	v1 =	vld [tilespmem:s20+$0x410];
	s27 =	sadd.s32 s1, s23  }
0x3b: {  	[tilespmem:s27+$0x0] =	vst v3;
	v3 =	vld [tilespmem:s20+$0x3F0]  }
0x3c: {  	s31 =	simm.s32 $0x80;
	s30 =	simm.s32 $0x100;
	[tilespmem:s21+$0xFFFFFC50] =	vst v10;
	v2 =	vld [tilespmem:s20+$0x420]  }
0x3d: {  	s28 =	sadd.s32 $0x80, s20;
	s29 =	smov.u32 s21;
	v7 =	vld [tilespmem:s20+$0xFFFFFFC0];
	[tilespmem:s21+$0xFFFFFC60] =	vst v11;
	s1 =	sand.u32 $0x300, s31  }
.LBB1_4:
0x3e: {  	p1 =	sne.s32 s30, $0x380;
	v8 =	vld [tilespmem:s28+$0xFFFFFFD0];
	s31 =	sand.u32 $0x80, s31;
	s1 =	sadd.s32 s1, s22;
	[tilespmem:s29+$0x0] =	vst v6  }
0x3f: {  	s1 =	sadd.s32 s31, s1;
	v6 =	vld [tilespmem:s28+$0x430];
	[tilespmem:s29+$0x10] =	vst v5;
	s31 =	smov.u32 s30  }
0x40: {  	v5 =	vld.idx.msk [tilespmem:v0+s1+$0x400 ss:$0x1], $0xffff;
	[tilespmem:s29+$0x20] =	vst v3  }
0x41: {  	v3 =	vld [tilespmem:s28+$0xFFFFFFE0];
	[tilespmem:s29+$0x30] =	vst v4  }
0x42: {  	v4 =	vld [tilespmem:s28+$0xFFFFFFF0];
	[tilespmem:s29+$0xFFFFFBF0] =	vst v7  }
0x43: {  	v7 =	vld [tilespmem:s28+$0x0];
	[tilespmem:s29+$0x40] =	vst v1  }
0x44: {  	v1 =	vld [tilespmem:s28+$0x10];
	[tilespmem:s29+$0x50] =	vst v2;
	s29 =	sadd.s32 $0x800, s29  }
0x45: {  	s27 =	sadd.s32 $0x800, s27;
	v2 =	vld [tilespmem:s28+$0x20];
	[tilespmem:s29+$0x60] =	vst v6  }
0x46: {  	v9 =	vld [tilespmem:s28+$0x30];
	[tilespmem:s27+$0x0] =	vst v5  }
0x47: {  	[tilespmem:s29+$0xFFFFFC00] =	vst v8;
	v6 =	vld [tilespmem:s28+$0x3D0]  }
0x48: {  	[tilespmem:s29+$0xFFFFFC10] =	vst v3;
	v5 =	vld [tilespmem:s28+$0x3E0]  }
.Ltmp3:
0x49: {  	[tilespmem:s29+$0xFFFFFC20] =	vst v4;
	v3 =	vld [tilespmem:s28+$0x3F0];
	(pc) =	sbr.rel @p1 .LBB1_4-.Ltmp3, $4  }
0x4a: {  	[tilespmem:s29+$0xFFFFFC30] =	vst v7;
	v4 =	vld [tilespmem:s28+$0x400]  }
0x4b: {  	[tilespmem:s29+$0xFFFFFC40] =	vst v1;
	v1 =	vld [tilespmem:s28+$0x410]  }
0x4c: {  	[tilespmem:s29+$0xFFFFFC50] =	vst v2;
	v2 =	vld [tilespmem:s28+$0x420]  }
0x4d: {  	s30 =	sadd.s32 $0x80, s30;
	s1 =	sand.u32 $0x300, s31;
	v7 =	vld [tilespmem:s28+$0xFFFFFFC0];
	[tilespmem:s29+$0xFFFFFC60] =	vst v9;
	s28 =	sadd.s32 $0x80, s28  }
0x4e: {  	[tilespmem:s29+$0x0] =	vst v6  }
0x4f: {  	[tilespmem:s29+$0x10] =	vst v5  }
0x50: {  	v49 =	vld [tilespmem:s28+$0x430];
	[tilespmem:s29+$0x20] =	vst v3  }
0x51: {  	v50 =	vld [tilespmem:s28+$0xFFFFFFD0];
	[tilespmem:s29+$0x30] =	vst v4  }
0x52: {  	v51 =	vld [tilespmem:s28+$0xFFFFFFE0];
	[tilespmem:s29+$0x40] =	vst v1  }
0x53: {  	v52 =	vld [tilespmem:s28+$0xFFFFFFF0];
	[tilespmem:s29+$0x50] =	vst v2  }
0x54: {  	s30 =	sand.u32 $0x80, s31;
	s31 =	sadd.s32 $0x800, s29;
	v53 =	vld [tilespmem:s28+$0x0];
	[tilespmem:s29+$0xFFFFFBF0] =	vst v7  }
0x55: {  	v54 =	vld [tilespmem:s28+$0x10];
	[tilespmem:s31+$0x60] =	vst v49  }
0x56: {  	v55 =	vld [tilespmem:s28+$0x20];
	[tilespmem:s31+$0xFFFFFC00] =	vst v50  }
0x57: {  	v56 =	vld [tilespmem:s28+$0x30];
	[tilespmem:s31+$0xFFFFFC10] =	vst v51  }
0x58: {  	v57 =	vld [tilespmem:s28+$0x3D0];
	[tilespmem:s31+$0xFFFFFC20] =	vst v52  }
0x59: {  	v58 =	vld [tilespmem:s28+$0x3E0];
	[tilespmem:s31+$0xFFFFFC30] =	vst v53  }
0x5a: {  	v59 =	vld [tilespmem:s28+$0x3F0];
	[tilespmem:s31+$0xFFFFFC40] =	vst v54  }
0x5b: {  	v60 =	vld [tilespmem:s28+$0x400];
	[tilespmem:s31+$0xFFFFFC50] =	vst v55  }
0x5c: {  	v61 =	vld [tilespmem:s28+$0xFFFFFFC0];
	[tilespmem:s31+$0xFFFFFC60] =	vst v56  }
0x5d: {  	s1 =	sadd.s32 s1, s22;
	v62 =	vld [tilespmem:s28+$0x410];
	[tilespmem:s31+$0x0] =	vst v57  }
0x5e: {  	v63 =	vld [tilespmem:s28+$0x420];
	s26 =	sadd.s32 $0x1, s26;
	s1 =	sadd.s32 s30, s1;
	[tilespmem:s31+$0x10] =	vst v58  }
0x5f: {  	p1 =	sne.s32 s26, $0x8;
	v0 =	vld.idx.msk [tilespmem:v0+s1+$0x400 ss:$0x1], $0xffff;
	[tilespmem:s31+$0x20] =	vst v59  }
.Ltmp4:
0x60: {  	[tilespmem:s31+$0x30] =	vst v60;
	(pc) =	sbr.rel @p1 .LBB1_3-.Ltmp4, $4  }
0x61: {  	[tilespmem:s31+$0xFFFFFBF0] =	vst v61  }
0x62: {  	[tilespmem:s31+$0x40] =	vst v62  }
0x63: {  	s27 =	sadd.s32 $0x800, s27;
	s20 =	sadd.s32 $0x800, s20;
	[tilespmem:s31+$0x50] =	vst v63  }
0x64: {  	s25 =	sadd.s32 $0x80, s25;
	p0 =	por !p0, !p0;
	s21 =	sadd.s32 $0x80, s21;
	[tilespmem:s27+$0x0] =	vst v0  }
0x65: {  	s1 =	sand.u32 $0x78, s15  }
0x66: {  	s20 =	sshll.u32 s18, $0x9;
	s21 =	sshll.u32 s15, $0x3;
	s27 =	sshll.u32 s18, $0x7  }
0x67: {  	s17 =	sshll.u32 s17, $0x12;
	s16 =	sshll.u32 s16, $0xF;
	s30 =	sand.u32 $0x7, s15  }
0x68: {  	s20 =	sand.u32 $0x3F000, s20;
	s21 =	sand.u32 $0x3FC00, s21;
	s28 =	sand.u32 $0x200, s27  }
0x69: {  	s18 =	sand.u32 $0x180, s27;
	s17 =	sadd.s32 s3, s17;
	s20 =	sadd.s32 s20, s21  }
.Ltmp5:
0x6a: {  	s1 =	sor.u32 s18, s1;
	s20 =	sor.u32 s28, s20;
	(pc) =	sbr.rel .LBB1_7-.Ltmp5, $4  }
0x6b: {  	s16 =	sadd.s32 s16, s17;
	s1 =	sshrl.u32 s1, $0x3;
	s29 =	sshrl.u32 s20, $0x3  }
0x6c: {  	s15 =	sshll.u32 s30, $0x12;
	s1 =	sadd.s32 s1, s16;
	s31 =	sand.u32 $0x7FC0, s29  }
0x6d: {  	s15 =	sor.u32 $0x800, s15;
	s1 =	sadd.s32 s31, s1  }
0x6e: {  	[hbm4b:s1+s15] =	stream.strided.scatter [tilespmem:s19], [sflag:$0x2], $0x4000, s8, s15, $0x38;
	[tilespmem:$0x10000] =	vst v63  }
.LBB1_8:
0x6f: {  	_ =	sfence.sel $0x180000  }
0x70: {  	s1 =	simm.s32 $0x1;
	[bflag:$0x0] =	sbarrier.arrive $0xFFFF  }
0x71: {  	s31 =	simm.s32 $0x2;
	[sflag:s1] =	ssyncpa.u1 $0x1  }
0x72: {  	[sflag:s31] =	ssyncpa.u1 $0x1  }
0x73: {  	_ =	strace $0x9000004A  }
0x74: {  	[bflag:$0x2] =	sbarrier.arrive $0xFFFF  }
0x75: {  	p0 =	sne.s32 s0, $0x0;
	s0 =	rddreg [dreg:$0x2]  }
0x76: {  	s0 =	sadd.s32 @!p0 $0x100000, s0  }
0x77: {  	[sflag:s0] =	ssyncadd.tile.s32 @!p0 $0x1;
	_ =	shalt  }
.Lfunc_end1:
_tile_overlayer_lowered:
.L_overlay_start_2:
0x78: {  	(tag) =	ssettag $0x2  }
0x79: {  	s0 =	rddreg [dreg:$0x0];
	s2 =	stileid.u32  }
0x7a: {  	s1 =	rddreg [dreg:$0x1];
	p0 =	sne.s32 s2, $0x0  }
0x7b: {  	s3 =	rddreg [dreg:$0x2];
	[bflag:$0x3] =	sbarrier.arrive $0xFFFF;
	s2 =	simm.s32 @!p0 $0x1C01  }
0x7c: {  	[timem:s3], [sflag:s2] =	dma.local @!p0 [hbm:s0], s1  }
0x7d: {  	s0 =	simm.s32 @!p0 $0x1  }
0x7e: {  	_ =	swait.ge @!p0 [sflag:s0], s1  }
0x7f: {  	s1 =	ssub.s32 @!p0 $0x0, s1;
	[sflag:s0] =	ssyncset.done @!p0 $0x0  }
0x80: {  	[sflag:s0] =	ssyncadd.s32 @!p0 s1  }
0x81: {  	[bflag:$0x3] =	sbarrier.arrive $0xFFFF  }
0x82: {  	_ =	shalt  }

</sc_bundles>
